<compile_context>
chip_gen: v7x
topology: tpu7x:2x2x1
jax: 0.10.2.dev20260603
libtpu: 0.0.44.dev20260713+nightly
codegen_flags: <defaults>
</compile_context>

<pallas_src>
import jax
import jax.numpy as jnp
from jax import lax
from jax.experimental import pallas as pl
from jax.experimental.pallas import tpu as pltpu
from jax.experimental.pallas import tpu_sc as plsc

B_TOTAL = 16384
D = 128

_SECTIONS = (
    ("species",   1025, 1,    0, 2824, True),
    ("moves",      920, 2, 1032, 2832, False),
    ("abilities",  310, 1, 1952, 2840, True),
    ("items",      560, 1, 2264, 2848, True),
)
TABLE_ROWS = 2856


def _build_table_body(*refs):
    (s_unk, s_dat, m_unk, m_dat, a_unk, a_dat, i_unk, i_dat,
     sw1, sb1, sw2, sb2, sw3, sb3,
     mw1, mb1, mw2, mb2, mw3, mb3,
     aw1, ab1, aw2, ab2, aw3, ab3,
     iw1, ib1, iw2, ib2, iw3, ib3, out_ref) = refs
    comp = {
        "species": (s_unk, s_dat, sw1, sb1, sw2, sb2, sw3, sb3),
        "moves": (m_unk, m_dat, mw1, mb1, mw2, mb2, mw3, mb3),
        "abilities": (a_unk, a_dat, aw1, ab1, aw2, ab2, aw3, ab3),
        "items": (i_unk, i_dat, iw1, ib1, iw2, ib2, iw3, ib3),
    }

    def _norm(o):
        n = jnp.sqrt(jnp.sum(o * o, axis=1, keepdims=True))
        return o / jnp.maximum(n, 1e-12)

    dn = (((1,), (1,)), ((), ()))
    for name, n_rows, nu, off, uoff, norm in _SECTIONS:
        unk, dat, w1, b1, w2, b2, w3, b3 = comp[name]
        x = dat[...]
        h = jax.nn.relu(
            lax.dot_general(x, w1[...], dn, preferred_element_type=jnp.float32) + b1[...])
        h = jax.nn.relu(
            lax.dot_general(h, w2[...], dn, preferred_element_type=jnp.float32) + b2[...])
        h = lax.dot_general(h, w3[...], dn, preferred_element_type=jnp.float32) + b3[...]
        u = unk[...]
        if norm:
            h = _norm(h)
            u = _norm(u)
        out_ref[off:off + n_rows, :] = h
        out_ref[uoff:uoff + nu, :] = u


def _build_table(unk_dat, weight_list):
    return pl.pallas_call(
        _build_table_body,
        out_shape=jax.ShapeDtypeStruct((TABLE_ROWS, D), jnp.float32),
    )(*unk_dat, *weight_list)


_CHUNK = 32
_RPT = 7


def _make_gather_kernel():
    mesh = plsc.VectorSubcoreMesh(core_axis_name="c", subcore_axis_name="s")
    nw = mesh.num_cores * mesh.num_subcores
    per_w = B_TOTAL // nw
    n_chunks = per_w // _CHUNK

    def body(table, s_i, m0_i, m1_i, m2_i, m3_i, a_i, i_i, out,
             iv0, iv1, iv2, iv3, iv4, iv5, iv6, rows0, rows1, ab0, mb0,
             ab1, mb1, nbuf, nbuf2, sbuf, gsem0, gsem1, ssem0, ssem1):
        sid = lax.axis_index("s")
        wid = sid * mesh.num_cores + lax.axis_index("c")
        wbase = wid * per_w
        idxv = (iv0, iv1, iv2, iv3, iv4, iv5, iv6)
        for j, src in enumerate((s_i, m0_i, m1_i, m2_i, m3_i, a_i, i_i)):
            pltpu.sync_copy(src.at[pl.ds(wbase, per_w)], idxv[j])
        rows = (rows0, rows1)
        ab = (ab0, ab1)
        mb = (mb0, mb1)
        gsem = (gsem0, gsem1)
        ssem = (ssem0, ssem1)
        lane16 = lax.iota(jnp.int32, 16)

        mbuf = mb0
        del mb1

        def fire_gather(g, buf):
            sl = pl.ds(g * _CHUNK, _CHUNK)
            for j in range(_RPT):
                pltpu.async_copy(table.at[idxv[j].at[sl]],
                                 rows[buf].at[j * _CHUNK:(j + 1) * _CHUNK],
                                 gsem[buf])

        def wait_gather(buf):
            for j in range(_RPT):
                pltpu.make_async_copy(
                    table.at[idxv[j].at[pl.ds(0, _CHUNK)]],
                    rows[buf].at[j * _CHUNK:(j + 1) * _CHUNK],
                    gsem[buf]).wait()

        def wait_store(buf):
            pltpu.make_async_copy(ab[buf], out.at[pl.ds(0, _CHUNK)],
                                  ssem[buf]).wait()

        fire_gather(0, 0)
        fire_gather(1, 1)

        def pair(p, carry):
            for cur in range(2):
                g = p * 2 + cur
                wait_gather(cur)

                @pl.when(g >= 2)
                def _():
                    wait_store(cur)
                rbuf = rows[cur]
                abuf = ab[cur]

                _chunk_compute(g, rbuf, abuf, mbuf, nbuf, nbuf2, sbuf, lane16)
                base = wbase + g * _CHUNK
                pltpu.async_copy(abuf, out.at[pl.ds(base, _CHUNK)], ssem[cur])

                @pl.when(g + 2 < n_chunks)
                def _():
                    fire_gather(g + 2, cur)
            return carry

        lax.fori_loop(0, n_chunks // 2, pair, 0)
        wait_store(0)
        wait_store(1)

    def _chunk_compute(g, rbuf, abuf, mbuf, nbuf, nbuf2, sbuf, lane16):
            @plsc.parallel_loop(0, _CHUNK, unroll=4)
            def accum(t):
                svec = None
                for k in range(D // 16):
                    sl = pl.ds(k * 16, 16)
                    m = ((rbuf[_CHUNK + t, sl] + rbuf[2 * _CHUNK + t, sl])
                         + (rbuf[3 * _CHUNK + t, sl] + rbuf[4 * _CHUNK + t, sl]))
                    mbuf[t, sl] = m
                    abuf[t, sl] = ((rbuf[t, sl] + rbuf[5 * _CHUNK + t, sl])
                                   + rbuf[6 * _CHUNK + t, sl])
                    sq = m * m
                    svec = sq if svec is None else svec + sq
                t16 = t * 16
                nbuf[pl.ds(t16, 16)] = svec
                nbuf2[pl.ds(t16, 16)] = nbuf[pl.ds(t16, 16)] + nbuf[pl.ds(t16 + 8, 16)]
                nbuf[pl.ds(t16, 16)] = nbuf2[pl.ds(t16, 16)] + nbuf2[pl.ds(t16 + 4, 16)]
                nbuf2[pl.ds(t16, 16)] = nbuf[pl.ds(t16, 16)] + nbuf[pl.ds(t16 + 2, 16)]
                nbuf[pl.ds(t16, 16)] = nbuf2[pl.ds(t16, 16)] + nbuf2[pl.ds(t16 + 1, 16)]


            for h in range(_CHUNK // 16):
                hs = pl.ds(h * 16, 16)
                ss = None
                for l in range(16):
                    v = nbuf[pl.ds((h * 16 + l) * 16, 16)]
                    tot = lax.broadcast_in_dim(v[0], (16,), ())
                    ss = tot if ss is None else jnp.where(lane16 == l, tot, ss)
                seed = jnp.int32(0x5F3759DF) - (
                    lax.bitcast_convert_type(ss, jnp.int32) >> 1)
                y = lax.bitcast_convert_type(seed, jnp.float32)
                hh = ss * 0.5
                for _ in range(3):
                    y = y * (1.5 - hh * y * y)
                sbuf[hs] = jnp.minimum(y, 1e12)

            @plsc.parallel_loop(0, _CHUNK, unroll=4)
            def scale_out(t):
                sc = lax.broadcast_in_dim(sbuf[pl.ds(t, 16)][0], (16,), ())
                for k in range(D // 16):
                    sl = pl.ds(k * 16, 16)
                    abuf[t, sl] = abuf[t, sl] + mbuf[t, sl] * sc

    return pl.kernel(
        body,
        out_type=jax.ShapeDtypeStruct((B_TOTAL, D), jnp.float32),
        mesh=mesh,
        scratch_types=(
            pltpu.VMEM((per_w,), jnp.int32),
            pltpu.VMEM((per_w,), jnp.int32),
            pltpu.VMEM((per_w,), jnp.int32),
            pltpu.VMEM((per_w,), jnp.int32),
            pltpu.VMEM((per_w,), jnp.int32),
            pltpu.VMEM((per_w,), jnp.int32),
            pltpu.VMEM((per_w,), jnp.int32),
            pltpu.VMEM((_RPT * _CHUNK, D), jnp.float32),
            pltpu.VMEM((_RPT * _CHUNK, D), jnp.float32),
            pltpu.VMEM((_CHUNK, D), jnp.float32),
            pltpu.VMEM((_CHUNK, D), jnp.float32),
            pltpu.VMEM((_CHUNK, D), jnp.float32),
            pltpu.VMEM((_CHUNK, D), jnp.float32),
            pltpu.VMEM((16 * _CHUNK + 16,), jnp.float32),
            pltpu.VMEM((16 * _CHUNK + 16,), jnp.float32),
            pltpu.VMEM((_CHUNK + 16,), jnp.float32),
            pltpu.SemaphoreType.DMA,
            pltpu.SemaphoreType.DMA,
            pltpu.SemaphoreType.DMA,
            pltpu.SemaphoreType.DMA,
        ),
    )


def kernel(species_indices, moves_indices, abilities_indices, items_indices, species_unknown, species_data, species_W1, species_b1, species_W2, species_b2, species_W3, species_b3, moves_unknown, moves_data, moves_W1, moves_b1, moves_W2, moves_b2, moves_W3, moves_b3, abilities_unknown, abilities_data, abilities_W1, abilities_b1, abilities_W2, abilities_b2, abilities_W3, abilities_b3, items_unknown, items_data, items_W1, items_b1, items_W2, items_b2, items_W3, items_b3):
    f32 = jnp.float32
    unk_dat = [a.astype(f32) for a in (
        species_unknown, species_data, moves_unknown, moves_data,
        abilities_unknown, abilities_data, items_unknown, items_data)]
    weight_list = [w.astype(f32) for w in (
        species_W1, species_b1, species_W2, species_b2, species_W3, species_b3,
        moves_W1, moves_b1, moves_W2, moves_b2, moves_W3, moves_b3,
        abilities_W1, abilities_b1, abilities_W2, abilities_b2, abilities_W3, abilities_b3,
        items_W1, items_b1, items_W2, items_b2, items_W3, items_b3)]
    table = _build_table(unk_dat, weight_list)

    i32 = jnp.int32

    def row_idx(idx, n, nu, off, uoff):
        idx = idx.astype(i32)
        return jnp.where(idx < nu,
                         uoff + jnp.clip(idx, 0, nu - 1),
                         off + jnp.clip(idx - nu, 0, n - 1)).astype(i32)

    s_i = row_idx(species_indices, 1025, 1, 0, 2824)
    a_i = row_idx(abilities_indices, 310, 1, 1952, 2840)
    i_i = row_idx(items_indices, 560, 1, 2264, 2848)
    m = row_idx(moves_indices, 920, 2, 1032, 2832)

    gather = _make_gather_kernel()
    return gather(table, s_i, m[:, 0], m[:, 1], m[:, 2], m[:, 3], a_i, i_i)

# --- scband reference (transcript-rebuilt; emitter-appended) ---
"""Pipeline reference for scband-pok-emb-71339406787030 (READ-ONLY COPY).

The authoritative reference and input builder live on the scoring server;
editing this copy changes nothing except your own understanding.
"""

import jax, jax.numpy as jnp
import numpy as np

B = 16384
D = 128
COMPONENTS = [("species", 1025, 1), ("moves", 920, 2), ("abilities", 310, 1), ("items", 560, 1)]


def setup_inputs(seed: int = 0) -> dict:
    key = jax.random.key(seed)
    keys = jax.random.split(key, 40)
    inp = {}
    inp["species_indices"] = jax.random.randint(keys[0], (B,), 0, 1026)
    inp["moves_indices"] = jax.random.randint(keys[1], (B, 4), 0, 922)
    inp["abilities_indices"] = jax.random.randint(keys[2], (B,), 0, 311)
    inp["items_indices"] = jax.random.randint(keys[3], (B,), 0, 561)
    ki = 4
    for name, N, nu in COMPONENTS:
        inp[f"{name}_unknown"] = jax.random.normal(keys[ki], (nu, D), dtype=jnp.float32) * 0.02; ki += 1
        inp[f"{name}_data"] = jax.random.normal(keys[ki], (N, D), dtype=jnp.float32) * 0.02; ki += 1
        for l in (1, 2, 3):
            inp[f"{name}_W{l}"] = jax.random.normal(keys[ki], (D, D), dtype=jnp.float32) * 0.02; ki += 1
            inp[f"{name}_b{l}"] = jnp.zeros((D,), dtype=jnp.float32)
    return inp


def _component(idx, nu, unknown, data, W1, b1, W2, b2, W3, b3):
    # unknown branch: clamp indices into [0, nu-1] and gather from unknown table
    unk = unknown[jnp.clip(idx, 0, nu - 1)]
    # known branch: shift by num_unknown, clamp min at 0, gather from pretrained table, then 3-layer MLP
    x = data[jnp.maximum(idx - nu, 0)]
    h = jax.nn.relu(x @ W1.T + b1)
    h = jax.nn.relu(h @ W2.T + b2)
    h = h @ W3.T + b3
    return jnp.where((idx < nu)[..., None], unk, h)


def _normalize(x):
    # matches torch F.normalize(p=2, dim=-1, eps=1e-12)
    n = jnp.linalg.norm(x, axis=-1, keepdims=True)
    return x / jnp.maximum(n, 1e-12)


def reference(species_indices, moves_indices, abilities_indices, items_indices,
              species_unknown, species_data, species_W1, species_b1, species_W2, species_b2, species_W3, species_b3,
              moves_unknown, moves_data, moves_W1, moves_b1, moves_W2, moves_b2, moves_W3, moves_b3,
              abilities_unknown, abilities_data, abilities_W1, abilities_b1, abilities_W2, abilities_b2, abilities_W3, abilities_b3,
              items_unknown, items_data, items_W1, items_b1, items_W2, items_b2, items_W3, items_b3):
    s = _normalize(_component(species_indices, 1, species_unknown, species_data, species_W1, species_b1, species_W2, species_b2, species_W3, species_b3))
    m = _normalize(_component(moves_indices, 2, moves_unknown, moves_data, moves_W1, moves_b1, moves_W2, moves_b2, moves_W3, moves_b3).sum(-2))
    a = _normalize(_component(abilities_indices, 1, abilities_unknown, abilities_data, abilities_W1, abilities_b1, abilities_W2, abilities_b2, abilities_W3, abilities_b3))
    i = _normalize(_component(items_indices, 1, items_unknown, items_data, items_W1, items_b1, items_W2, items_b2, items_W3, items_b3))
    return s + m + a + i

if __name__ == "__main__":
    import jax
    _d = setup_inputs()
    print(jax.jit(kernel)(*tuple(_d.values())))

</pallas_src>

<mosaic_0001>
#map = affine_map<(d0, d1) -> (0, 0)>
#map1 = affine_map<(d0, d1) -> (0)>
module attributes {stable_mosaic.version = 14 : i64} {
  func.func @body(%arg0: i32, %arg1: i32, %arg2: memref<2856x128xf32, #tpu.memory_space<hbm>>, %arg3: memref<16384xi32, #tpu.memory_space<hbm>>, %arg4: memref<16384xi32, #tpu.memory_space<hbm>>, %arg5: memref<16384xi32, #tpu.memory_space<hbm>>, %arg6: memref<16384xi32, #tpu.memory_space<hbm>>, %arg7: memref<16384xi32, #tpu.memory_space<hbm>>, %arg8: memref<16384xi32, #tpu.memory_space<hbm>>, %arg9: memref<16384xi32, #tpu.memory_space<hbm>>, %arg10: memref<16384x128xf32, #tpu.memory_space<hbm>>, %arg11: memref<512xi32, #tpu.memory_space<vmem>>, %arg12: memref<512xi32, #tpu.memory_space<vmem>>, %arg13: memref<512xi32, #tpu.memory_space<vmem>>, %arg14: memref<512xi32, #tpu.memory_space<vmem>>, %arg15: memref<512xi32, #tpu.memory_space<vmem>>, %arg16: memref<512xi32, #tpu.memory_space<vmem>>, %arg17: memref<512xi32, #tpu.memory_space<vmem>>, %arg18: memref<224x128xf32, #tpu.memory_space<vmem>>, %arg19: memref<224x128xf32, #tpu.memory_space<vmem>>, %arg20: memref<32x128xf32, #tpu.memory_space<vmem>>, %arg21: memref<32x128xf32, #tpu.memory_space<vmem>>, %arg22: memref<32x128xf32, #tpu.memory_space<vmem>>, %arg23: memref<32x128xf32, #tpu.memory_space<vmem>>, %arg24: memref<528xf32, #tpu.memory_space<vmem>>, %arg25: memref<528xf32, #tpu.memory_space<vmem>>, %arg26: memref<48xf32, #tpu.memory_space<vmem>>, %arg27: memref<!tpu.dma_semaphore, #tpu.memory_space<semaphore_mem>>, %arg28: memref<!tpu.dma_semaphore, #tpu.memory_space<semaphore_mem>>, %arg29: memref<!tpu.dma_semaphore, #tpu.memory_space<semaphore_mem>>, %arg30: memref<!tpu.dma_semaphore, #tpu.memory_space<semaphore_mem>>) attributes {dimension_semantics = [#tpu.dimension_semantics<core_parallel>, #tpu.dimension_semantics<subcore_parallel>], iteration_bounds = array<i64: 2, 16>, scalar_prefetch = 0 : i64, scratch_operands = 20 : i64, tpu.core_type = #tpu.core_type<sc_vector_subcore>, window_params = [{transform_indices = #map}, {transform_indices = #map1}, {transform_indices = #map1}, {transform_indices = #map1}, {transform_indices = #map1}, {transform_indices = #map1}, {transform_indices = #map1}, {transform_indices = #map1}, {transform_indices = #map}]} {
    %mul3A = arith.constant 2 : i32
    %mul3A_0 = arith.muli %arg1, %mul3A : i32
    %add3A = arith.addi %mul3A_0, %arg0 : i32
    %mul3A_1 = arith.constant 512 : i32
    %mul3A_2 = arith.muli %add3A, %mul3A_1 : i32
    "tpu.region"() ({
      %run_scoped3A = tpu.sem_alloc : memref<!tpu.dma_semaphore, #tpu.memory_space<semaphore_mem>>
      %dma_start3A_130 = tpu.memref_slice %arg3[%mul3A_2] : memref<16384xi32, #tpu.memory_space<hbm>> -> memref<512xi32, #tpu.memory_space<hbm>>
      %dma_start3A_131 = tpu.memref_slice %arg3[%mul3A_2] : memref<16384xi32, #tpu.memory_space<hbm>> -> memref<512xi32, #tpu.memory_space<hbm>>
      tpu.enqueue_dma source(%dma_start3A_131 : memref<512xi32, #tpu.memory_space<hbm>>) target(%arg11 : memref<512xi32, #tpu.memory_space<vmem>>) target_semaphore(%run_scoped3A : memref<!tpu.dma_semaphore, #tpu.memory_space<semaphore_mem>>)
      %dma_wait3A_132 = tpu.memref_slice %arg3[%mul3A_2] : memref<16384xi32, #tpu.memory_space<hbm>> -> memref<512xi32, #tpu.memory_space<hbm>>
      %dma_wait3A_133 = tpu.memref_slice %arg3[%mul3A_2] : memref<16384xi32, #tpu.memory_space<hbm>> -> memref<512xi32, #tpu.memory_space<hbm>>
      tpu.wait_dma2 semaphore(%run_scoped3A : memref<!tpu.dma_semaphore, #tpu.memory_space<semaphore_mem>>) src(%dma_wait3A_133 : memref<512xi32, #tpu.memory_space<hbm>>) dst(%arg11 : memref<512xi32, #tpu.memory_space<vmem>>)
      tpu.yield
    }) : () -> ()
    "tpu.region"() ({
      %run_scoped3A = tpu.sem_alloc : memref<!tpu.dma_semaphore, #tpu.memory_space<semaphore_mem>>
      %dma_start3A_130 = tpu.memref_slice %arg4[%mul3A_2] : memref<16384xi32, #tpu.memory_space<hbm>> -> memref<512xi32, #tpu.memory_space<hbm>>
      %dma_start3A_131 = tpu.memref_slice %arg4[%mul3A_2] : memref<16384xi32, #tpu.memory_space<hbm>> -> memref<512xi32, #tpu.memory_space<hbm>>
      tpu.enqueue_dma source(%dma_start3A_131 : memref<512xi32, #tpu.memory_space<hbm>>) target(%arg12 : memref<512xi32, #tpu.memory_space<vmem>>) target_semaphore(%run_scoped3A : memref<!tpu.dma_semaphore, #tpu.memory_space<semaphore_mem>>)
      %dma_wait3A_132 = tpu.memref_slice %arg4[%mul3A_2] : memref<16384xi32, #tpu.memory_space<hbm>> -> memref<512xi32, #tpu.memory_space<hbm>>
      %dma_wait3A_133 = tpu.memref_slice %arg4[%mul3A_2] : memref<16384xi32, #tpu.memory_space<hbm>> -> memref<512xi32, #tpu.memory_space<hbm>>
      tpu.wait_dma2 semaphore(%run_scoped3A : memref<!tpu.dma_semaphore, #tpu.memory_space<semaphore_mem>>) src(%dma_wait3A_133 : memref<512xi32, #tpu.memory_space<hbm>>) dst(%arg12 : memref<512xi32, #tpu.memory_space<vmem>>)
      tpu.yield
    }) : () -> ()
    "tpu.region"() ({
      %run_scoped3A = tpu.sem_alloc : memref<!tpu.dma_semaphore, #tpu.memory_space<semaphore_mem>>
      %dma_start3A_130 = tpu.memref_slice %arg5[%mul3A_2] : memref<16384xi32, #tpu.memory_space<hbm>> -> memref<512xi32, #tpu.memory_space<hbm>>
      %dma_start3A_131 = tpu.memref_slice %arg5[%mul3A_2] : memref<16384xi32, #tpu.memory_space<hbm>> -> memref<512xi32, #tpu.memory_space<hbm>>
      tpu.enqueue_dma source(%dma_start3A_131 : memref<512xi32, #tpu.memory_space<hbm>>) target(%arg13 : memref<512xi32, #tpu.memory_space<vmem>>) target_semaphore(%run_scoped3A : memref<!tpu.dma_semaphore, #tpu.memory_space<semaphore_mem>>)
      %dma_wait3A_132 = tpu.memref_slice %arg5[%mul3A_2] : memref<16384xi32, #tpu.memory_space<hbm>> -> memref<512xi32, #tpu.memory_space<hbm>>
      %dma_wait3A_133 = tpu.memref_slice %arg5[%mul3A_2] : memref<16384xi32, #tpu.memory_space<hbm>> -> memref<512xi32, #tpu.memory_space<hbm>>
      tpu.wait_dma2 semaphore(%run_scoped3A : memref<!tpu.dma_semaphore, #tpu.memory_space<semaphore_mem>>) src(%dma_wait3A_133 : memref<512xi32, #tpu.memory_space<hbm>>) dst(%arg13 : memref<512xi32, #tpu.memory_space<vmem>>)
      tpu.yield
    }) : () -> ()
    "tpu.region"() ({
      %run_scoped3A = tpu.sem_alloc : memref<!tpu.dma_semaphore, #tpu.memory_space<semaphore_mem>>
      %dma_start3A_130 = tpu.memref_slice %arg6[%mul3A_2] : memref<16384xi32, #tpu.memory_space<hbm>> -> memref<512xi32, #tpu.memory_space<hbm>>
      %dma_start3A_131 = tpu.memref_slice %arg6[%mul3A_2] : memref<16384xi32, #tpu.memory_space<hbm>> -> memref<512xi32, #tpu.memory_space<hbm>>
      tpu.enqueue_dma source(%dma_start3A_131 : memref<512xi32, #tpu.memory_space<hbm>>) target(%arg14 : memref<512xi32, #tpu.memory_space<vmem>>) target_semaphore(%run_scoped3A : memref<!tpu.dma_semaphore, #tpu.memory_space<semaphore_mem>>)
      %dma_wait3A_132 = tpu.memref_slice %arg6[%mul3A_2] : memref<16384xi32, #tpu.memory_space<hbm>> -> memref<512xi32, #tpu.memory_space<hbm>>
      %dma_wait3A_133 = tpu.memref_slice %arg6[%mul3A_2] : memref<16384xi32, #tpu.memory_space<hbm>> -> memref<512xi32, #tpu.memory_space<hbm>>
      tpu.wait_dma2 semaphore(%run_scoped3A : memref<!tpu.dma_semaphore, #tpu.memory_space<semaphore_mem>>) src(%dma_wait3A_133 : memref<512xi32, #tpu.memory_space<hbm>>) dst(%arg14 : memref<512xi32, #tpu.memory_space<vmem>>)
      tpu.yield
    }) : () -> ()
    "tpu.region"() ({
      %run_scoped3A = tpu.sem_alloc : memref<!tpu.dma_semaphore, #tpu.memory_space<semaphore_mem>>
      %dma_start3A_130 = tpu.memref_slice %arg7[%mul3A_2] : memref<16384xi32, #tpu.memory_space<hbm>> -> memref<512xi32, #tpu.memory_space<hbm>>
      %dma_start3A_131 = tpu.memref_slice %arg7[%mul3A_2] : memref<16384xi32, #tpu.memory_space<hbm>> -> memref<512xi32, #tpu.memory_space<hbm>>
      tpu.enqueue_dma source(%dma_start3A_131 : memref<512xi32, #tpu.memory_space<hbm>>) target(%arg15 : memref<512xi32, #tpu.memory_space<vmem>>) target_semaphore(%run_scoped3A : memref<!tpu.dma_semaphore, #tpu.memory_space<semaphore_mem>>)
      %dma_wait3A_132 = tpu.memref_slice %arg7[%mul3A_2] : memref<16384xi32, #tpu.memory_space<hbm>> -> memref<512xi32, #tpu.memory_space<hbm>>
      %dma_wait3A_133 = tpu.memref_slice %arg7[%mul3A_2] : memref<16384xi32, #tpu.memory_space<hbm>> -> memref<512xi32, #tpu.memory_space<hbm>>
      tpu.wait_dma2 semaphore(%run_scoped3A : memref<!tpu.dma_semaphore, #tpu.memory_space<semaphore_mem>>) src(%dma_wait3A_133 : memref<512xi32, #tpu.memory_space<hbm>>) dst(%arg15 : memref<512xi32, #tpu.memory_space<vmem>>)
      tpu.yield
    }) : () -> ()
    "tpu.region"() ({
      %run_scoped3A = tpu.sem_alloc : memref<!tpu.dma_semaphore, #tpu.memory_space<semaphore_mem>>
      %dma_start3A_130 = tpu.memref_slice %arg8[%mul3A_2] : memref<16384xi32, #tpu.memory_space<hbm>> -> memref<512xi32, #tpu.memory_space<hbm>>
      %dma_start3A_131 = tpu.memref_slice %arg8[%mul3A_2] : memref<16384xi32, #tpu.memory_space<hbm>> -> memref<512xi32, #tpu.memory_space<hbm>>
      tpu.enqueue_dma source(%dma_start3A_131 : memref<512xi32, #tpu.memory_space<hbm>>) target(%arg16 : memref<512xi32, #tpu.memory_space<vmem>>) target_semaphore(%run_scoped3A : memref<!tpu.dma_semaphore, #tpu.memory_space<semaphore_mem>>)
      %dma_wait3A_132 = tpu.memref_slice %arg8[%mul3A_2] : memref<16384xi32, #tpu.memory_space<hbm>> -> memref<512xi32, #tpu.memory_space<hbm>>
      %dma_wait3A_133 = tpu.memref_slice %arg8[%mul3A_2] : memref<16384xi32, #tpu.memory_space<hbm>> -> memref<512xi32, #tpu.memory_space<hbm>>
      tpu.wait_dma2 semaphore(%run_scoped3A : memref<!tpu.dma_semaphore, #tpu.memory_space<semaphore_mem>>) src(%dma_wait3A_133 : memref<512xi32, #tpu.memory_space<hbm>>) dst(%arg16 : memref<512xi32, #tpu.memory_space<vmem>>)
      tpu.yield
    }) : () -> ()
    "tpu.region"() ({
      %run_scoped3A = tpu.sem_alloc : memref<!tpu.dma_semaphore, #tpu.memory_space<semaphore_mem>>
      %dma_start3A_130 = tpu.memref_slice %arg9[%mul3A_2] : memref<16384xi32, #tpu.memory_space<hbm>> -> memref<512xi32, #tpu.memory_space<hbm>>
      %dma_start3A_131 = tpu.memref_slice %arg9[%mul3A_2] : memref<16384xi32, #tpu.memory_space<hbm>> -> memref<512xi32, #tpu.memory_space<hbm>>
      tpu.enqueue_dma source(%dma_start3A_131 : memref<512xi32, #tpu.memory_space<hbm>>) target(%arg17 : memref<512xi32, #tpu.memory_space<vmem>>) target_semaphore(%run_scoped3A : memref<!tpu.dma_semaphore, #tpu.memory_space<semaphore_mem>>)
      %dma_wait3A_132 = tpu.memref_slice %arg9[%mul3A_2] : memref<16384xi32, #tpu.memory_space<hbm>> -> memref<512xi32, #tpu.memory_space<hbm>>
      %dma_wait3A_133 = tpu.memref_slice %arg9[%mul3A_2] : memref<16384xi32, #tpu.memory_space<hbm>> -> memref<512xi32, #tpu.memory_space<hbm>>
      tpu.wait_dma2 semaphore(%run_scoped3A : memref<!tpu.dma_semaphore, #tpu.memory_space<semaphore_mem>>) src(%dma_wait3A_133 : memref<512xi32, #tpu.memory_space<hbm>>) dst(%arg17 : memref<512xi32, #tpu.memory_space<vmem>>)
      tpu.yield
    }) : () -> ()
    %iota3A = tpu.iota {dimensions = array<i32: 0>} : vector<16xi32>
    %dma_start3A = arith.constant 0 : i32
    %dma_start3A_3 = arith.constant 0 : i32
    %dma_start3A_4 = tpu.memref_slice %arg18[%dma_start3A, %dma_start3A_3] : memref<224x128xf32, #tpu.memory_space<vmem>> -> memref<32x128xf32, #tpu.memory_space<vmem>>
    %dma_start3A_5 = arith.constant 0 : i32
    %dma_start3A_6 = tpu.memref_slice %arg11[%dma_start3A_5] : memref<512xi32, #tpu.memory_space<vmem>> -> memref<32xi32, #tpu.memory_space<vmem>>
    %dma_start3A_7 = arith.constant 0 : i32
    %dma_start3A_8 = arith.constant 0 : i32
    %dma_start3A_9 = tpu.memref_slice %arg2[%dma_start3A_7, %dma_start3A_8] : memref<2856x128xf32, #tpu.memory_space<hbm>> -> memref<2856x128xf32, #tpu.memory_space<hbm>>
    tpu.enqueue_indirect_dma source(%dma_start3A_9 : memref<2856x128xf32, #tpu.memory_space<hbm>>) target(%dma_start3A_4 : memref<32x128xf32, #tpu.memory_space<vmem>>) offsets(%dma_start3A_6 : memref<32xi32, #tpu.memory_space<vmem>>) semaphore(%arg27 : memref<!tpu.dma_semaphore, #tpu.memory_space<semaphore_mem>>)
    %dma_start3A_10 = arith.constant 32 : i32
    %dma_start3A_11 = arith.constant 0 : i32
    %dma_start3A_12 = tpu.memref_slice %arg18[%dma_start3A_10, %dma_start3A_11] : memref<224x128xf32, #tpu.memory_space<vmem>> -> memref<32x128xf32, #tpu.memory_space<vmem>>
    %dma_start3A_13 = arith.constant 0 : i32
    %dma_start3A_14 = tpu.memref_slice %arg12[%dma_start3A_13] : memref<512xi32, #tpu.memory_space<vmem>> -> memref<32xi32, #tpu.memory_space<vmem>>
    %dma_start3A_15 = arith.constant 0 : i32
    %dma_start3A_16 = arith.constant 0 : i32
    %dma_start3A_17 = tpu.memref_slice %arg2[%dma_start3A_15, %dma_start3A_16] : memref<2856x128xf32, #tpu.memory_space<hbm>> -> memref<2856x128xf32, #tpu.memory_space<hbm>>
    tpu.enqueue_indirect_dma source(%dma_start3A_17 : memref<2856x128xf32, #tpu.memory_space<hbm>>) target(%dma_start3A_12 : memref<32x128xf32, #tpu.memory_space<vmem>>) offsets(%dma_start3A_14 : memref<32xi32, #tpu.memory_space<vmem>>) semaphore(%arg27 : memref<!tpu.dma_semaphore, #tpu.memory_space<semaphore_mem>>)
    %dma_start3A_18 = arith.constant 64 : i32
    %dma_start3A_19 = arith.constant 0 : i32
    %dma_start3A_20 = tpu.memref_slice %arg18[%dma_start3A_18, %dma_start3A_19] : memref<224x128xf32, #tpu.memory_space<vmem>> -> memref<32x128xf32, #tpu.memory_space<vmem>>
    %dma_start3A_21 = arith.constant 0 : i32
    %dma_start3A_22 = tpu.memref_slice %arg13[%dma_start3A_21] : memref<512xi32, #tpu.memory_space<vmem>> -> memref<32xi32, #tpu.memory_space<vmem>>
    %dma_start3A_23 = arith.constant 0 : i32
    %dma_start3A_24 = arith.constant 0 : i32
    %dma_start3A_25 = tpu.memref_slice %arg2[%dma_start3A_23, %dma_start3A_24] : memref<2856x128xf32, #tpu.memory_space<hbm>> -> memref<2856x128xf32, #tpu.memory_space<hbm>>
    tpu.enqueue_indirect_dma source(%dma_start3A_25 : memref<2856x128xf32, #tpu.memory_space<hbm>>) target(%dma_start3A_20 : memref<32x128xf32, #tpu.memory_space<vmem>>) offsets(%dma_start3A_22 : memref<32xi32, #tpu.memory_space<vmem>>) semaphore(%arg27 : memref<!tpu.dma_semaphore, #tpu.memory_space<semaphore_mem>>)
    %dma_start3A_26 = arith.constant 96 : i32
    %dma_start3A_27 = arith.constant 0 : i32
    %dma_start3A_28 = tpu.memref_slice %arg18[%dma_start3A_26, %dma_start3A_27] : memref<224x128xf32, #tpu.memory_space<vmem>> -> memref<32x128xf32, #tpu.memory_space<vmem>>
    %dma_start3A_29 = arith.constant 0 : i32
    %dma_start3A_30 = tpu.memref_slice %arg14[%dma_start3A_29] : memref<512xi32, #tpu.memory_space<vmem>> -> memref<32xi32, #tpu.memory_space<vmem>>
    %dma_start3A_31 = arith.constant 0 : i32
    %dma_start3A_32 = arith.constant 0 : i32
    %dma_start3A_33 = tpu.memref_slice %arg2[%dma_start3A_31, %dma_start3A_32] : memref<2856x128xf32, #tpu.memory_space<hbm>> -> memref<2856x128xf32, #tpu.memory_space<hbm>>
    tpu.enqueue_indirect_dma source(%dma_start3A_33 : memref<2856x128xf32, #tpu.memory_space<hbm>>) target(%dma_start3A_28 : memref<32x128xf32, #tpu.memory_space<vmem>>) offsets(%dma_start3A_30 : memref<32xi32, #tpu.memory_space<vmem>>) semaphore(%arg27 : memref<!tpu.dma_semaphore, #tpu.memory_space<semaphore_mem>>)
    %dma_start3A_34 = arith.constant 128 : i32
    %dma_start3A_35 = arith.constant 0 : i32
    %dma_start3A_36 = tpu.memref_slice %arg18[%dma_start3A_34, %dma_start3A_35] : memref<224x128xf32, #tpu.memory_space<vmem>> -> memref<32x128xf32, #tpu.memory_space<vmem>>
    %dma_start3A_37 = arith.constant 0 : i32
    %dma_start3A_38 = tpu.memref_slice %arg15[%dma_start3A_37] : memref<512xi32, #tpu.memory_space<vmem>> -> memref<32xi32, #tpu.memory_space<vmem>>
    %dma_start3A_39 = arith.constant 0 : i32
    %dma_start3A_40 = arith.constant 0 : i32
    %dma_start3A_41 = tpu.memref_slice %arg2[%dma_start3A_39, %dma_start3A_40] : memref<2856x128xf32, #tpu.memory_space<hbm>> -> memref<2856x128xf32, #tpu.memory_space<hbm>>
    tpu.enqueue_indirect_dma source(%dma_start3A_41 : memref<2856x128xf32, #tpu.memory_space<hbm>>) target(%dma_start3A_36 : memref<32x128xf32, #tpu.memory_space<vmem>>) offsets(%dma_start3A_38 : memref<32xi32, #tpu.memory_space<vmem>>) semaphore(%arg27 : memref<!tpu.dma_semaphore, #tpu.memory_space<semaphore_mem>>)
    %dma_start3A_42 = arith.constant 160 : i32
    %dma_start3A_43 = arith.constant 0 : i32
    %dma_start3A_44 = tpu.memref_slice %arg18[%dma_start3A_42, %dma_start3A_43] : memref<224x128xf32, #tpu.memory_space<vmem>> -> memref<32x128xf32, #tpu.memory_space<vmem>>
    %dma_start3A_45 = arith.constant 0 : i32
    %dma_start3A_46 = tpu.memref_slice %arg16[%dma_start3A_45] : memref<512xi32, #tpu.memory_space<vmem>> -> memref<32xi32, #tpu.memory_space<vmem>>
    %dma_start3A_47 = arith.constant 0 : i32
    %dma_start3A_48 = arith.constant 0 : i32
    %dma_start3A_49 = tpu.memref_slice %arg2[%dma_start3A_47, %dma_start3A_48] : memref<2856x128xf32, #tpu.memory_space<hbm>> -> memref<2856x128xf32, #tpu.memory_space<hbm>>
    tpu.enqueue_indirect_dma source(%dma_start3A_49 : memref<2856x128xf32, #tpu.memory_space<hbm>>) target(%dma_start3A_44 : memref<32x128xf32, #tpu.memory_space<vmem>>) offsets(%dma_start3A_46 : memref<32xi32, #tpu.memory_space<vmem>>) semaphore(%arg27 : memref<!tpu.dma_semaphore, #tpu.memory_space<semaphore_mem>>)
    %dma_start3A_50 = arith.constant 192 : i32
    %dma_start3A_51 = arith.constant 0 : i32
    %dma_start3A_52 = tpu.memref_slice %arg18[%dma_start3A_50, %dma_start3A_51] : memref<224x128xf32, #tpu.memory_space<vmem>> -> memref<32x128xf32, #tpu.memory_space<vmem>>
    %dma_start3A_53 = arith.constant 0 : i32
    %dma_start3A_54 = tpu.memref_slice %arg17[%dma_start3A_53] : memref<512xi32, #tpu.memory_space<vmem>> -> memref<32xi32, #tpu.memory_space<vmem>>
    %dma_start3A_55 = arith.constant 0 : i32
    %dma_start3A_56 = arith.constant 0 : i32
    %dma_start3A_57 = tpu.memref_slice %arg2[%dma_start3A_55, %dma_start3A_56] : memref<2856x128xf32, #tpu.memory_space<hbm>> -> memref<2856x128xf32, #tpu.memory_space<hbm>>
    tpu.enqueue_indirect_dma source(%dma_start3A_57 : memref<2856x128xf32, #tpu.memory_space<hbm>>) target(%dma_start3A_52 : memref<32x128xf32, #tpu.memory_space<vmem>>) offsets(%dma_start3A_54 : memref<32xi32, #tpu.memory_space<vmem>>) semaphore(%arg27 : memref<!tpu.dma_semaphore, #tpu.memory_space<semaphore_mem>>)
    %dma_start3A_58 = arith.constant 0 : i32
    %dma_start3A_59 = arith.constant 0 : i32
    %dma_start3A_60 = tpu.memref_slice %arg19[%dma_start3A_58, %dma_start3A_59] : memref<224x128xf32, #tpu.memory_space<vmem>> -> memref<32x128xf32, #tpu.memory_space<vmem>>
    %dma_start3A_61 = arith.constant 32 : i32
    %dma_start3A_62 = tpu.memref_slice %arg11[%dma_start3A_61] : memref<512xi32, #tpu.memory_space<vmem>> -> memref<32xi32, #tpu.memory_space<vmem>>
    %dma_start3A_63 = arith.constant 0 : i32
    %dma_start3A_64 = arith.constant 0 : i32
    %dma_start3A_65 = tpu.memref_slice %arg2[%dma_start3A_63, %dma_start3A_64] : memref<2856x128xf32, #tpu.memory_space<hbm>> -> memref<2856x128xf32, #tpu.memory_space<hbm>>
    tpu.enqueue_indirect_dma source(%dma_start3A_65 : memref<2856x128xf32, #tpu.memory_space<hbm>>) target(%dma_start3A_60 : memref<32x128xf32, #tpu.memory_space<vmem>>) offsets(%dma_start3A_62 : memref<32xi32, #tpu.memory_space<vmem>>) semaphore(%arg28 : memref<!tpu.dma_semaphore, #tpu.memory_space<semaphore_mem>>)
    %dma_start3A_66 = arith.constant 32 : i32
    %dma_start3A_67 = arith.constant 0 : i32
    %dma_start3A_68 = tpu.memref_slice %arg19[%dma_start3A_66, %dma_start3A_67] : memref<224x128xf32, #tpu.memory_space<vmem>> -> memref<32x128xf32, #tpu.memory_space<vmem>>
    %dma_start3A_69 = arith.constant 32 : i32
    %dma_start3A_70 = tpu.memref_slice %arg12[%dma_start3A_69] : memref<512xi32, #tpu.memory_space<vmem>> -> memref<32xi32, #tpu.memory_space<vmem>>
    %dma_start3A_71 = arith.constant 0 : i32
    %dma_start3A_72 = arith.constant 0 : i32
    %dma_start3A_73 = tpu.memref_slice %arg2[%dma_start3A_71, %dma_start3A_72] : memref<2856x128xf32, #tpu.memory_space<hbm>> -> memref<2856x128xf32, #tpu.memory_space<hbm>>
    tpu.enqueue_indirect_dma source(%dma_start3A_73 : memref<2856x128xf32, #tpu.memory_space<hbm>>) target(%dma_start3A_68 : memref<32x128xf32, #tpu.memory_space<vmem>>) offsets(%dma_start3A_70 : memref<32xi32, #tpu.memory_space<vmem>>) semaphore(%arg28 : memref<!tpu.dma_semaphore, #tpu.memory_space<semaphore_mem>>)
    %dma_start3A_74 = arith.constant 64 : i32
    %dma_start3A_75 = arith.constant 0 : i32
    %dma_start3A_76 = tpu.memref_slice %arg19[%dma_start3A_74, %dma_start3A_75] : memref<224x128xf32, #tpu.memory_space<vmem>> -> memref<32x128xf32, #tpu.memory_space<vmem>>
    %dma_start3A_77 = arith.constant 32 : i32
    %dma_start3A_78 = tpu.memref_slice %arg13[%dma_start3A_77] : memref<512xi32, #tpu.memory_space<vmem>> -> memref<32xi32, #tpu.memory_space<vmem>>
    %dma_start3A_79 = arith.constant 0 : i32
    %dma_start3A_80 = arith.constant 0 : i32
    %dma_start3A_81 = tpu.memref_slice %arg2[%dma_start3A_79, %dma_start3A_80] : memref<2856x128xf32, #tpu.memory_space<hbm>> -> memref<2856x128xf32, #tpu.memory_space<hbm>>
    tpu.enqueue_indirect_dma source(%dma_start3A_81 : memref<2856x128xf32, #tpu.memory_space<hbm>>) target(%dma_start3A_76 : memref<32x128xf32, #tpu.memory_space<vmem>>) offsets(%dma_start3A_78 : memref<32xi32, #tpu.memory_space<vmem>>) semaphore(%arg28 : memref<!tpu.dma_semaphore, #tpu.memory_space<semaphore_mem>>)
    %dma_start3A_82 = arith.constant 96 : i32
    %dma_start3A_83 = arith.constant 0 : i32
    %dma_start3A_84 = tpu.memref_slice %arg19[%dma_start3A_82, %dma_start3A_83] : memref<224x128xf32, #tpu.memory_space<vmem>> -> memref<32x128xf32, #tpu.memory_space<vmem>>
    %dma_start3A_85 = arith.constant 32 : i32
    %dma_start3A_86 = tpu.memref_slice %arg14[%dma_start3A_85] : memref<512xi32, #tpu.memory_space<vmem>> -> memref<32xi32, #tpu.memory_space<vmem>>
    %dma_start3A_87 = arith.constant 0 : i32
    %dma_start3A_88 = arith.constant 0 : i32
    %dma_start3A_89 = tpu.memref_slice %arg2[%dma_start3A_87, %dma_start3A_88] : memref<2856x128xf32, #tpu.memory_space<hbm>> -> memref<2856x128xf32, #tpu.memory_space<hbm>>
    tpu.enqueue_indirect_dma source(%dma_start3A_89 : memref<2856x128xf32, #tpu.memory_space<hbm>>) target(%dma_start3A_84 : memref<32x128xf32, #tpu.memory_space<vmem>>) offsets(%dma_start3A_86 : memref<32xi32, #tpu.memory_space<vmem>>) semaphore(%arg28 : memref<!tpu.dma_semaphore, #tpu.memory_space<semaphore_mem>>)
    %dma_start3A_90 = arith.constant 128 : i32
    %dma_start3A_91 = arith.constant 0 : i32
    %dma_start3A_92 = tpu.memref_slice %arg19[%dma_start3A_90, %dma_start3A_91] : memref<224x128xf32, #tpu.memory_space<vmem>> -> memref<32x128xf32, #tpu.memory_space<vmem>>
    %dma_start3A_93 = arith.constant 32 : i32
    %dma_start3A_94 = tpu.memref_slice %arg15[%dma_start3A_93] : memref<512xi32, #tpu.memory_space<vmem>> -> memref<32xi32, #tpu.memory_space<vmem>>
    %dma_start3A_95 = arith.constant 0 : i32
    %dma_start3A_96 = arith.constant 0 : i32
    %dma_start3A_97 = tpu.memref_slice %arg2[%dma_start3A_95, %dma_start3A_96] : memref<2856x128xf32, #tpu.memory_space<hbm>> -> memref<2856x128xf32, #tpu.memory_space<hbm>>
    tpu.enqueue_indirect_dma source(%dma_start3A_97 : memref<2856x128xf32, #tpu.memory_space<hbm>>) target(%dma_start3A_92 : memref<32x128xf32, #tpu.memory_space<vmem>>) offsets(%dma_start3A_94 : memref<32xi32, #tpu.memory_space<vmem>>) semaphore(%arg28 : memref<!tpu.dma_semaphore, #tpu.memory_space<semaphore_mem>>)
    %dma_start3A_98 = arith.constant 160 : i32
    %dma_start3A_99 = arith.constant 0 : i32
    %dma_start3A_100 = tpu.memref_slice %arg19[%dma_start3A_98, %dma_start3A_99] : memref<224x128xf32, #tpu.memory_space<vmem>> -> memref<32x128xf32, #tpu.memory_space<vmem>>
    %dma_start3A_101 = arith.constant 32 : i32
    %dma_start3A_102 = tpu.memref_slice %arg16[%dma_start3A_101] : memref<512xi32, #tpu.memory_space<vmem>> -> memref<32xi32, #tpu.memory_space<vmem>>
    %dma_start3A_103 = arith.constant 0 : i32
    %dma_start3A_104 = arith.constant 0 : i32
    %dma_start3A_105 = tpu.memref_slice %arg2[%dma_start3A_103, %dma_start3A_104] : memref<2856x128xf32, #tpu.memory_space<hbm>> -> memref<2856x128xf32, #tpu.memory_space<hbm>>
    tpu.enqueue_indirect_dma source(%dma_start3A_105 : memref<2856x128xf32, #tpu.memory_space<hbm>>) target(%dma_start3A_100 : memref<32x128xf32, #tpu.memory_space<vmem>>) offsets(%dma_start3A_102 : memref<32xi32, #tpu.memory_space<vmem>>) semaphore(%arg28 : memref<!tpu.dma_semaphore, #tpu.memory_space<semaphore_mem>>)
    %dma_start3A_106 = arith.constant 192 : i32
    %dma_start3A_107 = arith.constant 0 : i32
    %dma_start3A_108 = tpu.memref_slice %arg19[%dma_start3A_106, %dma_start3A_107] : memref<224x128xf32, #tpu.memory_space<vmem>> -> memref<32x128xf32, #tpu.memory_space<vmem>>
    %dma_start3A_109 = arith.constant 32 : i32
    %dma_start3A_110 = tpu.memref_slice %arg17[%dma_start3A_109] : memref<512xi32, #tpu.memory_space<vmem>> -> memref<32xi32, #tpu.memory_space<vmem>>
    %dma_start3A_111 = arith.constant 0 : i32
    %dma_start3A_112 = arith.constant 0 : i32
    %dma_start3A_113 = tpu.memref_slice %arg2[%dma_start3A_111, %dma_start3A_112] : memref<2856x128xf32, #tpu.memory_space<hbm>> -> memref<2856x128xf32, #tpu.memory_space<hbm>>
    tpu.enqueue_indirect_dma source(%dma_start3A_113 : memref<2856x128xf32, #tpu.memory_space<hbm>>) target(%dma_start3A_108 : memref<32x128xf32, #tpu.memory_space<vmem>>) offsets(%dma_start3A_110 : memref<32xi32, #tpu.memory_space<vmem>>) semaphore(%arg28 : memref<!tpu.dma_semaphore, #tpu.memory_space<semaphore_mem>>)
    %scan3A = arith.constant 0 : i32
    %scan3A_114 = arith.constant 0 : i32
    %scan3A_115 = arith.constant 8 : i32
    %scan3A_116 = arith.addi %scan3A_114, %scan3A_115 : i32
    %scan3A_117 = arith.constant 1 : i32
    scf.for %scan3A_130 = %scan3A_114 to %scan3A_116 step %scan3A_117  : i32 {
      %mul3A_131 = arith.constant 2 : i32
      %mul3A_132 = arith.muli %scan3A_130, %mul3A_131 : i32
      %add3A_133 = arith.constant 0 : i32
      %add3A_134 = arith.addi %mul3A_132, %add3A_133 : i32
      %dma_wait3A_135 = arith.constant 0 : i32
      %dma_wait3A_136 = arith.constant 0 : i32
      %dma_wait3A_137 = tpu.memref_slice %arg18[%dma_wait3A_135, %dma_wait3A_136] : memref<224x128xf32, #tpu.memory_space<vmem>> -> memref<32x128xf32, #tpu.memory_space<vmem>>
      %dma_wait3A_138 = arith.constant 0 : i32
      %dma_wait3A_139 = tpu.memref_slice %arg11[%dma_wait3A_138] : memref<512xi32, #tpu.memory_space<vmem>> -> memref<32xi32, #tpu.memory_space<vmem>>
      %dma_wait3A_140 = arith.constant 0 : i32
      %dma_wait3A_141 = arith.constant 0 : i32
      %dma_wait3A_142 = tpu.memref_slice %arg2[%dma_wait3A_140, %dma_wait3A_141] : memref<2856x128xf32, #tpu.memory_space<hbm>> -> memref<2856x128xf32, #tpu.memory_space<hbm>>
      tpu.wait_indirect_dma semaphore(%arg27 : memref<!tpu.dma_semaphore, #tpu.memory_space<semaphore_mem>>) src(%dma_wait3A_142 : memref<2856x128xf32, #tpu.memory_space<hbm>>) dst(%dma_wait3A_137 : memref<32x128xf32, #tpu.memory_space<vmem>>)
      %dma_wait3A_143 = arith.constant 32 : i32
      %dma_wait3A_144 = arith.constant 0 : i32
      %dma_wait3A_145 = tpu.memref_slice %arg18[%dma_wait3A_143, %dma_wait3A_144] : memref<224x128xf32, #tpu.memory_space<vmem>> -> memref<32x128xf32, #tpu.memory_space<vmem>>
      %dma_wait3A_146 = arith.constant 0 : i32
      %dma_wait3A_147 = tpu.memref_slice %arg12[%dma_wait3A_146] : memref<512xi32, #tpu.memory_space<vmem>> -> memref<32xi32, #tpu.memory_space<vmem>>
      %dma_wait3A_148 = arith.constant 0 : i32
      %dma_wait3A_149 = arith.constant 0 : i32
      %dma_wait3A_150 = tpu.memref_slice %arg2[%dma_wait3A_148, %dma_wait3A_149] : memref<2856x128xf32, #tpu.memory_space<hbm>> -> memref<2856x128xf32, #tpu.memory_space<hbm>>
      tpu.wait_indirect_dma semaphore(%arg27 : memref<!tpu.dma_semaphore, #tpu.memory_space<semaphore_mem>>) src(%dma_wait3A_150 : memref<2856x128xf32, #tpu.memory_space<hbm>>) dst(%dma_wait3A_145 : memref<32x128xf32, #tpu.memory_space<vmem>>)
      %dma_wait3A_151 = arith.constant 64 : i32
      %dma_wait3A_152 = arith.constant 0 : i32
      %dma_wait3A_153 = tpu.memref_slice %arg18[%dma_wait3A_151, %dma_wait3A_152] : memref<224x128xf32, #tpu.memory_space<vmem>> -> memref<32x128xf32, #tpu.memory_space<vmem>>
      %dma_wait3A_154 = arith.constant 0 : i32
      %dma_wait3A_155 = tpu.memref_slice %arg13[%dma_wait3A_154] : memref<512xi32, #tpu.memory_space<vmem>> -> memref<32xi32, #tpu.memory_space<vmem>>
      %dma_wait3A_156 = arith.constant 0 : i32
      %dma_wait3A_157 = arith.constant 0 : i32
      %dma_wait3A_158 = tpu.memref_slice %arg2[%dma_wait3A_156, %dma_wait3A_157] : memref<2856x128xf32, #tpu.memory_space<hbm>> -> memref<2856x128xf32, #tpu.memory_space<hbm>>
      tpu.wait_indirect_dma semaphore(%arg27 : memref<!tpu.dma_semaphore, #tpu.memory_space<semaphore_mem>>) src(%dma_wait3A_158 : memref<2856x128xf32, #tpu.memory_space<hbm>>) dst(%dma_wait3A_153 : memref<32x128xf32, #tpu.memory_space<vmem>>)
      %dma_wait3A_159 = arith.constant 96 : i32
      %dma_wait3A_160 = arith.constant 0 : i32
      %dma_wait3A_161 = tpu.memref_slice %arg18[%dma_wait3A_159, %dma_wait3A_160] : memref<224x128xf32, #tpu.memory_space<vmem>> -> memref<32x128xf32, #tpu.memory_space<vmem>>
      %dma_wait3A_162 = arith.constant 0 : i32
      %dma_wait3A_163 = tpu.memref_slice %arg14[%dma_wait3A_162] : memref<512xi32, #tpu.memory_space<vmem>> -> memref<32xi32, #tpu.memory_space<vmem>>
      %dma_wait3A_164 = arith.constant 0 : i32
      %dma_wait3A_165 = arith.constant 0 : i32
      %dma_wait3A_166 = tpu.memref_slice %arg2[%dma_wait3A_164, %dma_wait3A_165] : memref<2856x128xf32, #tpu.memory_space<hbm>> -> memref<2856x128xf32, #tpu.memory_space<hbm>>
      tpu.wait_indirect_dma semaphore(%arg27 : memref<!tpu.dma_semaphore, #tpu.memory_space<semaphore_mem>>) src(%dma_wait3A_166 : memref<2856x128xf32, #tpu.memory_space<hbm>>) dst(%dma_wait3A_161 : memref<32x128xf32, #tpu.memory_space<vmem>>)
      %dma_wait3A_167 = arith.constant 128 : i32
      %dma_wait3A_168 = arith.constant 0 : i32
      %dma_wait3A_169 = tpu.memref_slice %arg18[%dma_wait3A_167, %dma_wait3A_168] : memref<224x128xf32, #tpu.memory_space<vmem>> -> memref<32x128xf32, #tpu.memory_space<vmem>>
      %dma_wait3A_170 = arith.constant 0 : i32
      %dma_wait3A_171 = tpu.memref_slice %arg15[%dma_wait3A_170] : memref<512xi32, #tpu.memory_space<vmem>> -> memref<32xi32, #tpu.memory_space<vmem>>
      %dma_wait3A_172 = arith.constant 0 : i32
      %dma_wait3A_173 = arith.constant 0 : i32
      %dma_wait3A_174 = tpu.memref_slice %arg2[%dma_wait3A_172, %dma_wait3A_173] : memref<2856x128xf32, #tpu.memory_space<hbm>> -> memref<2856x128xf32, #tpu.memory_space<hbm>>
      tpu.wait_indirect_dma semaphore(%arg27 : memref<!tpu.dma_semaphore, #tpu.memory_space<semaphore_mem>>) src(%dma_wait3A_174 : memref<2856x128xf32, #tpu.memory_space<hbm>>) dst(%dma_wait3A_169 : memref<32x128xf32, #tpu.memory_space<vmem>>)
      %dma_wait3A_175 = arith.constant 160 : i32
      %dma_wait3A_176 = arith.constant 0 : i32
      %dma_wait3A_177 = tpu.memref_slice %arg18[%dma_wait3A_175, %dma_wait3A_176] : memref<224x128xf32, #tpu.memory_space<vmem>> -> memref<32x128xf32, #tpu.memory_space<vmem>>
      %dma_wait3A_178 = arith.constant 0 : i32
      %dma_wait3A_179 = tpu.memref_slice %arg16[%dma_wait3A_178] : memref<512xi32, #tpu.memory_space<vmem>> -> memref<32xi32, #tpu.memory_space<vmem>>
      %dma_wait3A_180 = arith.constant 0 : i32
      %dma_wait3A_181 = arith.constant 0 : i32
      %dma_wait3A_182 = tpu.memref_slice %arg2[%dma_wait3A_180, %dma_wait3A_181] : memref<2856x128xf32, #tpu.memory_space<hbm>> -> memref<2856x128xf32, #tpu.memory_space<hbm>>
      tpu.wait_indirect_dma semaphore(%arg27 : memref<!tpu.dma_semaphore, #tpu.memory_space<semaphore_mem>>) src(%dma_wait3A_182 : memref<2856x128xf32, #tpu.memory_space<hbm>>) dst(%dma_wait3A_177 : memref<32x128xf32, #tpu.memory_space<vmem>>)
      %dma_wait3A_183 = arith.constant 192 : i32
      %dma_wait3A_184 = arith.constant 0 : i32
      %dma_wait3A_185 = tpu.memref_slice %arg18[%dma_wait3A_183, %dma_wait3A_184] : memref<224x128xf32, #tpu.memory_space<vmem>> -> memref<32x128xf32, #tpu.memory_space<vmem>>
      %dma_wait3A_186 = arith.constant 0 : i32
      %dma_wait3A_187 = tpu.memref_slice %arg17[%dma_wait3A_186] : memref<512xi32, #tpu.memory_space<vmem>> -> memref<32xi32, #tpu.memory_space<vmem>>
      %dma_wait3A_188 = arith.constant 0 : i32
      %dma_wait3A_189 = arith.constant 0 : i32
      %dma_wait3A_190 = tpu.memref_slice %arg2[%dma_wait3A_188, %dma_wait3A_189] : memref<2856x128xf32, #tpu.memory_space<hbm>> -> memref<2856x128xf32, #tpu.memory_space<hbm>>
      tpu.wait_indirect_dma semaphore(%arg27 : memref<!tpu.dma_semaphore, #tpu.memory_space<semaphore_mem>>) src(%dma_wait3A_190 : memref<2856x128xf32, #tpu.memory_space<hbm>>) dst(%dma_wait3A_185 : memref<32x128xf32, #tpu.memory_space<vmem>>)
      %ge3A = arith.constant 2 : i32
      %ge3A_191 = arith.cmpi sge, %add3A_134, %ge3A : i32
      %convert_element_type3A = arith.extui %ge3A_191 : i1 to i32
      %cond3A = arith.constant 0 : i32
      %cond3A_192 = arith.cmpi ne, %convert_element_type3A, %cond3A : i32
      scf.if %cond3A_192 {
        %dma_wait3A_1053 = arith.constant 0 : i32
        %dma_wait3A_1054 = arith.constant 0 : i32
        %dma_wait3A_1055 = tpu.memref_slice %arg10[%dma_wait3A_1053, %dma_wait3A_1054] : memref<16384x128xf32, #tpu.memory_space<hbm>> -> memref<32x128xf32, #tpu.memory_space<hbm>>
        %dma_wait3A_1056 = arith.constant 0 : i32
        %dma_wait3A_1057 = arith.constant 0 : i32
        %dma_wait3A_1058 = tpu.memref_slice %arg10[%dma_wait3A_1056, %dma_wait3A_1057] : memref<16384x128xf32, #tpu.memory_space<hbm>> -> memref<32x128xf32, #tpu.memory_space<hbm>>
        tpu.wait_dma2 semaphore(%arg29 : memref<!tpu.dma_semaphore, #tpu.memory_space<semaphore_mem>>) src(%arg20 : memref<32x128xf32, #tpu.memory_space<vmem>>) dst(%dma_wait3A_1058 : memref<32x128xf32, #tpu.memory_space<hbm>>)
      } else {
      }
      %parallel_loop3A = arith.constant 0 : i32
      %parallel_loop3A_193 = arith.constant 32 : i32
      %parallel_loop3A_194 = arith.constant 1 : i32
      scf.for %parallel_loop3A_1053 = %parallel_loop3A to %parallel_loop3A_193 step %parallel_loop3A_194  : i32 {
        %parallel_loop3A_1054 = arith.constant 32 : i32
        %parallel_loop3A_1055 = arith.addi %parallel_loop3A_1054, %parallel_loop3A_1053 : i32
        %parallel_loop3A_1056 = arith.index_cast %parallel_loop3A_1055 : i32 to index
        %parallel_loop3A_1057 = arith.constant 0 : index
        %parallel_loop3A_1058 = tpu.vector_load %arg18[%parallel_loop3A_1056, %parallel_loop3A_1057] {strides = array<i32>} : memref<224x128xf32, #tpu.memory_space<vmem>>, vector<1x16xf32>,
        %parallel_loop3A_1059 = vector.shape_cast %parallel_loop3A_1058 : vector<1x16xf32> to vector<16xf32>
        %parallel_loop3A_1060 = arith.constant 64 : i32
        %parallel_loop3A_1061 = arith.addi %parallel_loop3A_1060, %parallel_loop3A_1053 : i32
        %parallel_loop3A_1062 = arith.index_cast %parallel_loop3A_1061 : i32 to index
        %parallel_loop3A_1063 = arith.constant 0 : index
        %parallel_loop3A_1064 = tpu.vector_load %arg18[%parallel_loop3A_1062, %parallel_loop3A_1063] {strides = array<i32>} : memref<224x128xf32, #tpu.memory_space<vmem>>, vector<1x16xf32>,
        %parallel_loop3A_1065 = vector.shape_cast %parallel_loop3A_1064 : vector<1x16xf32> to vector<16xf32>
        %parallel_loop3A_1066 = arith.addf %parallel_loop3A_1059, %parallel_loop3A_1065 : vector<16xf32>
        %parallel_loop3A_1067 = arith.constant 96 : i32
        %parallel_loop3A_1068 = arith.addi %parallel_loop3A_1067, %parallel_loop3A_1053 : i32
        %parallel_loop3A_1069 = arith.index_cast %parallel_loop3A_1068 : i32 to index
        %parallel_loop3A_1070 = arith.constant 0 : index
        %parallel_loop3A_1071 = tpu.vector_load %arg18[%parallel_loop3A_1069, %parallel_loop3A_1070] {strides = array<i32>} : memref<224x128xf32, #tpu.memory_space<vmem>>, vector<1x16xf32>,
        %parallel_loop3A_1072 = vector.shape_cast %parallel_loop3A_1071 : vector<1x16xf32> to vector<16xf32>
        %parallel_loop3A_1073 = arith.constant 128 : i32
        %parallel_loop3A_1074 = arith.addi %parallel_loop3A_1073, %parallel_loop3A_1053 : i32
        %parallel_loop3A_1075 = arith.index_cast %parallel_loop3A_1074 : i32 to index
        %parallel_loop3A_1076 = arith.constant 0 : index
        %parallel_loop3A_1077 = tpu.vector_load %arg18[%parallel_loop3A_1075, %parallel_loop3A_1076] {strides = array<i32>} : memref<224x128xf32, #tpu.memory_space<vmem>>, vector<1x16xf32>,
        %parallel_loop3A_1078 = vector.shape_cast %parallel_loop3A_1077 : vector<1x16xf32> to vector<16xf32>
        %parallel_loop3A_1079 = arith.addf %parallel_loop3A_1072, %parallel_loop3A_1078 : vector<16xf32>
        %parallel_loop3A_1080 = arith.addf %parallel_loop3A_1066, %parallel_loop3A_1079 : vector<16xf32>
        %parallel_loop3A_1081 = arith.index_cast %parallel_loop3A_1053 : i32 to index
        %parallel_loop3A_1082 = arith.constant 0 : index
        %parallel_loop3A_1083 = tpu.vector_load %arg21[%parallel_loop3A_1081, %parallel_loop3A_1082] {strides = array<i32>} : memref<32x128xf32, #tpu.memory_space<vmem>>, vector<1x16xf32>,
        %parallel_loop3A_1084 = vector.shape_cast %parallel_loop3A_1083 : vector<1x16xf32> to vector<16xf32>
        %parallel_loop3A_1085 = vector.shape_cast %parallel_loop3A_1080 : vector<16xf32> to vector<1x16xf32>
        tpu.vector_store %arg21[%parallel_loop3A_1081, %parallel_loop3A_1082], %parallel_loop3A_1085 {strides = array<i32>} : memref<32x128xf32, #tpu.memory_space<vmem>>, vector<1x16xf32>,
        %parallel_loop3A_1086 = arith.index_cast %parallel_loop3A_1053 : i32 to index
        %parallel_loop3A_1087 = arith.constant 0 : index
        %parallel_loop3A_1088 = tpu.vector_load %arg18[%parallel_loop3A_1086, %parallel_loop3A_1087] {strides = array<i32>} : memref<224x128xf32, #tpu.memory_space<vmem>>, vector<1x16xf32>,
        %parallel_loop3A_1089 = vector.shape_cast %parallel_loop3A_1088 : vector<1x16xf32> to vector<16xf32>
        %parallel_loop3A_1090 = arith.constant 160 : i32
        %parallel_loop3A_1091 = arith.addi %parallel_loop3A_1090, %parallel_loop3A_1053 : i32
        %parallel_loop3A_1092 = arith.index_cast %parallel_loop3A_1091 : i32 to index
        %parallel_loop3A_1093 = arith.constant 0 : index
        %parallel_loop3A_1094 = tpu.vector_load %arg18[%parallel_loop3A_1092, %parallel_loop3A_1093] {strides = array<i32>} : memref<224x128xf32, #tpu.memory_space<vmem>>, vector<1x16xf32>,
        %parallel_loop3A_1095 = vector.shape_cast %parallel_loop3A_1094 : vector<1x16xf32> to vector<16xf32>
        %parallel_loop3A_1096 = arith.addf %parallel_loop3A_1089, %parallel_loop3A_1095 : vector<16xf32>
        %parallel_loop3A_1097 = arith.constant 192 : i32
        %parallel_loop3A_1098 = arith.addi %parallel_loop3A_1097, %parallel_loop3A_1053 : i32
        %parallel_loop3A_1099 = arith.index_cast %parallel_loop3A_1098 : i32 to index
        %parallel_loop3A_1100 = arith.constant 0 : index
        %parallel_loop3A_1101 = tpu.vector_load %arg18[%parallel_loop3A_1099, %parallel_loop3A_1100] {strides = array<i32>} : memref<224x128xf32, #tpu.memory_space<vmem>>, vector<1x16xf32>,
        %parallel_loop3A_1102 = vector.shape_cast %parallel_loop3A_1101 : vector<1x16xf32> to vector<16xf32>
        %parallel_loop3A_1103 = arith.addf %parallel_loop3A_1096, %parallel_loop3A_1102 : vector<16xf32>
        %parallel_loop3A_1104 = arith.index_cast %parallel_loop3A_1053 : i32 to index
        %parallel_loop3A_1105 = arith.constant 0 : index
        %parallel_loop3A_1106 = tpu.vector_load %arg20[%parallel_loop3A_1104, %parallel_loop3A_1105] {strides = array<i32>} : memref<32x128xf32, #tpu.memory_space<vmem>>, vector<1x16xf32>,
        %parallel_loop3A_1107 = vector.shape_cast %parallel_loop3A_1106 : vector<1x16xf32> to vector<16xf32>
        %parallel_loop3A_1108 = vector.shape_cast %parallel_loop3A_1103 : vector<16xf32> to vector<1x16xf32>
        tpu.vector_store %arg20[%parallel_loop3A_1104, %parallel_loop3A_1105], %parallel_loop3A_1108 {strides = array<i32>} : memref<32x128xf32, #tpu.memory_space<vmem>>, vector<1x16xf32>,
        %parallel_loop3A_1109 = arith.mulf %parallel_loop3A_1080, %parallel_loop3A_1080 : vector<16xf32>
        %parallel_loop3A_1110 = arith.constant 32 : i32
        %parallel_loop3A_1111 = arith.addi %parallel_loop3A_1110, %parallel_loop3A_1053 : i32
        %parallel_loop3A_1112 = arith.index_cast %parallel_loop3A_1111 : i32 to index
        %parallel_loop3A_1113 = arith.constant 16 : index
        %parallel_loop3A_1114 = tpu.vector_load %arg18[%parallel_loop3A_1112, %parallel_loop3A_1113] {strides = array<i32>} : memref<224x128xf32, #tpu.memory_space<vmem>>, vector<1x16xf32>,
        %parallel_loop3A_1115 = vector.shape_cast %parallel_loop3A_1114 : vector<1x16xf32> to vector<16xf32>
        %parallel_loop3A_1116 = arith.constant 64 : i32
        %parallel_loop3A_1117 = arith.addi %parallel_loop3A_1116, %parallel_loop3A_1053 : i32
        %parallel_loop3A_1118 = arith.index_cast %parallel_loop3A_1117 : i32 to index
        %parallel_loop3A_1119 = arith.constant 16 : index
        %parallel_loop3A_1120 = tpu.vector_load %arg18[%parallel_loop3A_1118, %parallel_loop3A_1119] {strides = array<i32>} : memref<224x128xf32, #tpu.memory_space<vmem>>, vector<1x16xf32>,
        %parallel_loop3A_1121 = vector.shape_cast %parallel_loop3A_1120 : vector<1x16xf32> to vector<16xf32>
        %parallel_loop3A_1122 = arith.addf %parallel_loop3A_1115, %parallel_loop3A_1121 : vector<16xf32>
        %parallel_loop3A_1123 = arith.constant 96 : i32
        %parallel_loop3A_1124 = arith.addi %parallel_loop3A_1123, %parallel_loop3A_1053 : i32
        %parallel_loop3A_1125 = arith.index_cast %parallel_loop3A_1124 : i32 to index
        %parallel_loop3A_1126 = arith.constant 16 : index
        %parallel_loop3A_1127 = tpu.vector_load %arg18[%parallel_loop3A_1125, %parallel_loop3A_1126] {strides = array<i32>} : memref<224x128xf32, #tpu.memory_space<vmem>>, vector<1x16xf32>,
        %parallel_loop3A_1128 = vector.shape_cast %parallel_loop3A_1127 : vector<1x16xf32> to vector<16xf32>
        %parallel_loop3A_1129 = arith.constant 128 : i32
        %parallel_loop3A_1130 = arith.addi %parallel_loop3A_1129, %parallel_loop3A_1053 : i32
        %parallel_loop3A_1131 = arith.index_cast %parallel_loop3A_1130 : i32 to index
        %parallel_loop3A_1132 = arith.constant 16 : index
        %parallel_loop3A_1133 = tpu.vector_load %arg18[%parallel_loop3A_1131, %parallel_loop3A_1132] {strides = array<i32>} : memref<224x128xf32, #tpu.memory_space<vmem>>, vector<1x16xf32>,
        %parallel_loop3A_1134 = vector.shape_cast %parallel_loop3A_1133 : vector<1x16xf32> to vector<16xf32>
        %parallel_loop3A_1135 = arith.addf %parallel_loop3A_1128, %parallel_loop3A_1134 : vector<16xf32>
        %parallel_loop3A_1136 = arith.addf %parallel_loop3A_1122, %parallel_loop3A_1135 : vector<16xf32>
        %parallel_loop3A_1137 = arith.index_cast %parallel_loop3A_1053 : i32 to index
        %parallel_loop3A_1138 = arith.constant 16 : index
        %parallel_loop3A_1139 = tpu.vector_load %arg21[%parallel_loop3A_1137, %parallel_loop3A_1138] {strides = array<i32>} : memref<32x128xf32, #tpu.memory_space<vmem>>, vector<1x16xf32>,
        %parallel_loop3A_1140 = vector.shape_cast %parallel_loop3A_1139 : vector<1x16xf32> to vector<16xf32>
        %parallel_loop3A_1141 = vector.shape_cast %parallel_loop3A_1136 : vector<16xf32> to vector<1x16xf32>
        tpu.vector_store %arg21[%parallel_loop3A_1137, %parallel_loop3A_1138], %parallel_loop3A_1141 {strides = array<i32>} : memref<32x128xf32, #tpu.memory_space<vmem>>, vector<1x16xf32>,
        %parallel_loop3A_1142 = arith.index_cast %parallel_loop3A_1053 : i32 to index
        %parallel_loop3A_1143 = arith.constant 16 : index
        %parallel_loop3A_1144 = tpu.vector_load %arg18[%parallel_loop3A_1142, %parallel_loop3A_1143] {strides = array<i32>} : memref<224x128xf32, #tpu.memory_space<vmem>>, vector<1x16xf32>,
        %parallel_loop3A_1145 = vector.shape_cast %parallel_loop3A_1144 : vector<1x16xf32> to vector<16xf32>
        %parallel_loop3A_1146 = arith.constant 160 : i32
        %parallel_loop3A_1147 = arith.addi %parallel_loop3A_1146, %parallel_loop3A_1053 : i32
        %parallel_loop3A_1148 = arith.index_cast %parallel_loop3A_1147 : i32 to index
        %parallel_loop3A_1149 = arith.constant 16 : index
        %parallel_loop3A_1150 = tpu.vector_load %arg18[%parallel_loop3A_1148, %parallel_loop3A_1149] {strides = array<i32>} : memref<224x128xf32, #tpu.memory_space<vmem>>, vector<1x16xf32>,
        %parallel_loop3A_1151 = vector.shape_cast %parallel_loop3A_1150 : vector<1x16xf32> to vector<16xf32>
        %parallel_loop3A_1152 = arith.addf %parallel_loop3A_1145, %parallel_loop3A_1151 : vector<16xf32>
        %parallel_loop3A_1153 = arith.constant 192 : i32
        %parallel_loop3A_1154 = arith.addi %parallel_loop3A_1153, %parallel_loop3A_1053 : i32
        %parallel_loop3A_1155 = arith.index_cast %parallel_loop3A_1154 : i32 to index
        %parallel_loop3A_1156 = arith.constant 16 : index
        %parallel_loop3A_1157 = tpu.vector_load %arg18[%parallel_loop3A_1155, %parallel_loop3A_1156] {strides = array<i32>} : memref<224x128xf32, #tpu.memory_space<vmem>>, vector<1x16xf32>,
        %parallel_loop3A_1158 = vector.shape_cast %parallel_loop3A_1157 : vector<1x16xf32> to vector<16xf32>
        %parallel_loop3A_1159 = arith.addf %parallel_loop3A_1152, %parallel_loop3A_1158 : vector<16xf32>
        %parallel_loop3A_1160 = arith.index_cast %parallel_loop3A_1053 : i32 to index
        %parallel_loop3A_1161 = arith.constant 16 : index
        %parallel_loop3A_1162 = tpu.vector_load %arg20[%parallel_loop3A_1160, %parallel_loop3A_1161] {strides = array<i32>} : memref<32x128xf32, #tpu.memory_space<vmem>>, vector<1x16xf32>,
        %parallel_loop3A_1163 = vector.shape_cast %parallel_loop3A_1162 : vector<1x16xf32> to vector<16xf32>
        %parallel_loop3A_1164 = vector.shape_cast %parallel_loop3A_1159 : vector<16xf32> to vector<1x16xf32>
        tpu.vector_store %arg20[%parallel_loop3A_1160, %parallel_loop3A_1161], %parallel_loop3A_1164 {strides = array<i32>} : memref<32x128xf32, #tpu.memory_space<vmem>>, vector<1x16xf32>,
        %parallel_loop3A_1165 = arith.mulf %parallel_loop3A_1136, %parallel_loop3A_1136 : vector<16xf32>
        %parallel_loop3A_1166 = arith.addf %parallel_loop3A_1109, %parallel_loop3A_1165 : vector<16xf32>
        %parallel_loop3A_1167 = arith.constant 32 : i32
        %parallel_loop3A_1168 = arith.addi %parallel_loop3A_1167, %parallel_loop3A_1053 : i32
        %parallel_loop3A_1169 = arith.index_cast %parallel_loop3A_1168 : i32 to index
        %parallel_loop3A_1170 = arith.constant 32 : index
        %parallel_loop3A_1171 = tpu.vector_load %arg18[%parallel_loop3A_1169, %parallel_loop3A_1170] {strides = array<i32>} : memref<224x128xf32, #tpu.memory_space<vmem>>, vector<1x16xf32>,
        %parallel_loop3A_1172 = vector.shape_cast %parallel_loop3A_1171 : vector<1x16xf32> to vector<16xf32>
        %parallel_loop3A_1173 = arith.constant 64 : i32
        %parallel_loop3A_1174 = arith.addi %parallel_loop3A_1173, %parallel_loop3A_1053 : i32
        %parallel_loop3A_1175 = arith.index_cast %parallel_loop3A_1174 : i32 to index
        %parallel_loop3A_1176 = arith.constant 32 : index
        %parallel_loop3A_1177 = tpu.vector_load %arg18[%parallel_loop3A_1175, %parallel_loop3A_1176] {strides = array<i32>} : memref<224x128xf32, #tpu.memory_space<vmem>>, vector<1x16xf32>,
        %parallel_loop3A_1178 = vector.shape_cast %parallel_loop3A_1177 : vector<1x16xf32> to vector<16xf32>
        %parallel_loop3A_1179 = arith.addf %parallel_loop3A_1172, %parallel_loop3A_1178 : vector<16xf32>
        %parallel_loop3A_1180 = arith.constant 96 : i32
        %parallel_loop3A_1181 = arith.addi %parallel_loop3A_1180, %parallel_loop3A_1053 : i32
        %parallel_loop3A_1182 = arith.index_cast %parallel_loop3A_1181 : i32 to index
        %parallel_loop3A_1183 = arith.constant 32 : index
        %parallel_loop3A_1184 = tpu.vector_load %arg18[%parallel_loop3A_1182, %parallel_loop3A_1183] {strides = array<i32>} : memref<224x128xf32, #tpu.memory_space<vmem>>, vector<1x16xf32>,
        %parallel_loop3A_1185 = vector.shape_cast %parallel_loop3A_1184 : vector<1x16xf32> to vector<16xf32>
        %parallel_loop3A_1186 = arith.constant 128 : i32
        %parallel_loop3A_1187 = arith.addi %parallel_loop3A_1186, %parallel_loop3A_1053 : i32
        %parallel_loop3A_1188 = arith.index_cast %parallel_loop3A_1187 : i32 to index
        %parallel_loop3A_1189 = arith.constant 32 : index
        %parallel_loop3A_1190 = tpu.vector_load %arg18[%parallel_loop3A_1188, %parallel_loop3A_1189] {strides = array<i32>} : memref<224x128xf32, #tpu.memory_space<vmem>>, vector<1x16xf32>,
        %parallel_loop3A_1191 = vector.shape_cast %parallel_loop3A_1190 : vector<1x16xf32> to vector<16xf32>
        %parallel_loop3A_1192 = arith.addf %parallel_loop3A_1185, %parallel_loop3A_1191 : vector<16xf32>
        %parallel_loop3A_1193 = arith.addf %parallel_loop3A_1179, %parallel_loop3A_1192 : vector<16xf32>
        %parallel_loop3A_1194 = arith.index_cast %parallel_loop3A_1053 : i32 to index
        %parallel_loop3A_1195 = arith.constant 32 : index
        %parallel_loop3A_1196 = tpu.vector_load %arg21[%parallel_loop3A_1194, %parallel_loop3A_1195] {strides = array<i32>} : memref<32x128xf32, #tpu.memory_space<vmem>>, vector<1x16xf32>,
        %parallel_loop3A_1197 = vector.shape_cast %parallel_loop3A_1196 : vector<1x16xf32> to vector<16xf32>
        %parallel_loop3A_1198 = vector.shape_cast %parallel_loop3A_1193 : vector<16xf32> to vector<1x16xf32>
        tpu.vector_store %arg21[%parallel_loop3A_1194, %parallel_loop3A_1195], %parallel_loop3A_1198 {strides = array<i32>} : memref<32x128xf32, #tpu.memory_space<vmem>>, vector<1x16xf32>,
        %parallel_loop3A_1199 = arith.index_cast %parallel_loop3A_1053 : i32 to index
        %parallel_loop3A_1200 = arith.constant 32 : index
        %parallel_loop3A_1201 = tpu.vector_load %arg18[%parallel_loop3A_1199, %parallel_loop3A_1200] {strides = array<i32>} : memref<224x128xf32, #tpu.memory_space<vmem>>, vector<1x16xf32>,
        %parallel_loop3A_1202 = vector.shape_cast %parallel_loop3A_1201 : vector<1x16xf32> to vector<16xf32>
        %parallel_loop3A_1203 = arith.constant 160 : i32
        %parallel_loop3A_1204 = arith.addi %parallel_loop3A_1203, %parallel_loop3A_1053 : i32
        %parallel_loop3A_1205 = arith.index_cast %parallel_loop3A_1204 : i32 to index
        %parallel_loop3A_1206 = arith.constant 32 : index
        %parallel_loop3A_1207 = tpu.vector_load %arg18[%parallel_loop3A_1205, %parallel_loop3A_1206] {strides = array<i32>} : memref<224x128xf32, #tpu.memory_space<vmem>>, vector<1x16xf32>,
        %parallel_loop3A_1208 = vector.shape_cast %parallel_loop3A_1207 : vector<1x16xf32> to vector<16xf32>
        %parallel_loop3A_1209 = arith.addf %parallel_loop3A_1202, %parallel_loop3A_1208 : vector<16xf32>
        %parallel_loop3A_1210 = arith.constant 192 : i32
        %parallel_loop3A_1211 = arith.addi %parallel_loop3A_1210, %parallel_loop3A_1053 : i32
        %parallel_loop3A_1212 = arith.index_cast %parallel_loop3A_1211 : i32 to index
        %parallel_loop3A_1213 = arith.constant 32 : index
        %parallel_loop3A_1214 = tpu.vector_load %arg18[%parallel_loop3A_1212, %parallel_loop3A_1213] {strides = array<i32>} : memref<224x128xf32, #tpu.memory_space<vmem>>, vector<1x16xf32>,
        %parallel_loop3A_1215 = vector.shape_cast %parallel_loop3A_1214 : vector<1x16xf32> to vector<16xf32>
        %parallel_loop3A_1216 = arith.addf %parallel_loop3A_1209, %parallel_loop3A_1215 : vector<16xf32>
        %parallel_loop3A_1217 = arith.index_cast %parallel_loop3A_1053 : i32 to index
        %parallel_loop3A_1218 = arith.constant 32 : index
        %parallel_loop3A_1219 = tpu.vector_load %arg20[%parallel_loop3A_1217, %parallel_loop3A_1218] {strides = array<i32>} : memref<32x128xf32, #tpu.memory_space<vmem>>, vector<1x16xf32>,
        %parallel_loop3A_1220 = vector.shape_cast %parallel_loop3A_1219 : vector<1x16xf32> to vector<16xf32>
        %parallel_loop3A_1221 = vector.shape_cast %parallel_loop3A_1216 : vector<16xf32> to vector<1x16xf32>
        tpu.vector_store %arg20[%parallel_loop3A_1217, %parallel_loop3A_1218], %parallel_loop3A_1221 {strides = array<i32>} : memref<32x128xf32, #tpu.memory_space<vmem>>, vector<1x16xf32>,
        %parallel_loop3A_1222 = arith.mulf %parallel_loop3A_1193, %parallel_loop3A_1193 : vector<16xf32>
        %parallel_loop3A_1223 = arith.addf %parallel_loop3A_1166, %parallel_loop3A_1222 : vector<16xf32>
        %parallel_loop3A_1224 = arith.constant 32 : i32
        %parallel_loop3A_1225 = arith.addi %parallel_loop3A_1224, %parallel_loop3A_1053 : i32
        %parallel_loop3A_1226 = arith.index_cast %parallel_loop3A_1225 : i32 to index
        %parallel_loop3A_1227 = arith.constant 48 : index
        %parallel_loop3A_1228 = tpu.vector_load %arg18[%parallel_loop3A_1226, %parallel_loop3A_1227] {strides = array<i32>} : memref<224x128xf32, #tpu.memory_space<vmem>>, vector<1x16xf32>,
        %parallel_loop3A_1229 = vector.shape_cast %parallel_loop3A_1228 : vector<1x16xf32> to vector<16xf32>
        %parallel_loop3A_1230 = arith.constant 64 : i32
        %parallel_loop3A_1231 = arith.addi %parallel_loop3A_1230, %parallel_loop3A_1053 : i32
        %parallel_loop3A_1232 = arith.index_cast %parallel_loop3A_1231 : i32 to index
        %parallel_loop3A_1233 = arith.constant 48 : index
        %parallel_loop3A_1234 = tpu.vector_load %arg18[%parallel_loop3A_1232, %parallel_loop3A_1233] {strides = array<i32>} : memref<224x128xf32, #tpu.memory_space<vmem>>, vector<1x16xf32>,
        %parallel_loop3A_1235 = vector.shape_cast %parallel_loop3A_1234 : vector<1x16xf32> to vector<16xf32>
        %parallel_loop3A_1236 = arith.addf %parallel_loop3A_1229, %parallel_loop3A_1235 : vector<16xf32>
        %parallel_loop3A_1237 = arith.constant 96 : i32
        %parallel_loop3A_1238 = arith.addi %parallel_loop3A_1237, %parallel_loop3A_1053 : i32
        %parallel_loop3A_1239 = arith.index_cast %parallel_loop3A_1238 : i32 to index
        %parallel_loop3A_1240 = arith.constant 48 : index
        %parallel_loop3A_1241 = tpu.vector_load %arg18[%parallel_loop3A_1239, %parallel_loop3A_1240] {strides = array<i32>} : memref<224x128xf32, #tpu.memory_space<vmem>>, vector<1x16xf32>,
        %parallel_loop3A_1242 = vector.shape_cast %parallel_loop3A_1241 : vector<1x16xf32> to vector<16xf32>
        %parallel_loop3A_1243 = arith.constant 128 : i32
        %parallel_loop3A_1244 = arith.addi %parallel_loop3A_1243, %parallel_loop3A_1053 : i32
        %parallel_loop3A_1245 = arith.index_cast %parallel_loop3A_1244 : i32 to index
        %parallel_loop3A_1246 = arith.constant 48 : index
        %parallel_loop3A_1247 = tpu.vector_load %arg18[%parallel_loop3A_1245, %parallel_loop3A_1246] {strides = array<i32>} : memref<224x128xf32, #tpu.memory_space<vmem>>, vector<1x16xf32>,
        %parallel_loop3A_1248 = vector.shape_cast %parallel_loop3A_1247 : vector<1x16xf32> to vector<16xf32>
        %parallel_loop3A_1249 = arith.addf %parallel_loop3A_1242, %parallel_loop3A_1248 : vector<16xf32>
        %parallel_loop3A_1250 = arith.addf %parallel_loop3A_1236, %parallel_loop3A_1249 : vector<16xf32>
        %parallel_loop3A_1251 = arith.index_cast %parallel_loop3A_1053 : i32 to index
        %parallel_loop3A_1252 = arith.constant 48 : index
        %parallel_loop3A_1253 = tpu.vector_load %arg21[%parallel_loop3A_1251, %parallel_loop3A_1252] {strides = array<i32>} : memref<32x128xf32, #tpu.memory_space<vmem>>, vector<1x16xf32>,
        %parallel_loop3A_1254 = vector.shape_cast %parallel_loop3A_1253 : vector<1x16xf32> to vector<16xf32>
        %parallel_loop3A_1255 = vector.shape_cast %parallel_loop3A_1250 : vector<16xf32> to vector<1x16xf32>
        tpu.vector_store %arg21[%parallel_loop3A_1251, %parallel_loop3A_1252], %parallel_loop3A_1255 {strides = array<i32>} : memref<32x128xf32, #tpu.memory_space<vmem>>, vector<1x16xf32>,
        %parallel_loop3A_1256 = arith.index_cast %parallel_loop3A_1053 : i32 to index
        %parallel_loop3A_1257 = arith.constant 48 : index
        %parallel_loop3A_1258 = tpu.vector_load %arg18[%parallel_loop3A_1256, %parallel_loop3A_1257] {strides = array<i32>} : memref<224x128xf32, #tpu.memory_space<vmem>>, vector<1x16xf32>,
        %parallel_loop3A_1259 = vector.shape_cast %parallel_loop3A_1258 : vector<1x16xf32> to vector<16xf32>
        %parallel_loop3A_1260 = arith.constant 160 : i32
        %parallel_loop3A_1261 = arith.addi %parallel_loop3A_1260, %parallel_loop3A_1053 : i32
        %parallel_loop3A_1262 = arith.index_cast %parallel_loop3A_1261 : i32 to index
        %parallel_loop3A_1263 = arith.constant 48 : index
        %parallel_loop3A_1264 = tpu.vector_load %arg18[%parallel_loop3A_1262, %parallel_loop3A_1263] {strides = array<i32>} : memref<224x128xf32, #tpu.memory_space<vmem>>, vector<1x16xf32>,
        %parallel_loop3A_1265 = vector.shape_cast %parallel_loop3A_1264 : vector<1x16xf32> to vector<16xf32>
        %parallel_loop3A_1266 = arith.addf %parallel_loop3A_1259, %parallel_loop3A_1265 : vector<16xf32>
        %parallel_loop3A_1267 = arith.constant 192 : i32
        %parallel_loop3A_1268 = arith.addi %parallel_loop3A_1267, %parallel_loop3A_1053 : i32
        %parallel_loop3A_1269 = arith.index_cast %parallel_loop3A_1268 : i32 to index
        %parallel_loop3A_1270 = arith.constant 48 : index
        %parallel_loop3A_1271 = tpu.vector_load %arg18[%parallel_loop3A_1269, %parallel_loop3A_1270] {strides = array<i32>} : memref<224x128xf32, #tpu.memory_space<vmem>>, vector<1x16xf32>,
        %parallel_loop3A_1272 = vector.shape_cast %parallel_loop3A_1271 : vector<1x16xf32> to vector<16xf32>
        %parallel_loop3A_1273 = arith.addf %parallel_loop3A_1266, %parallel_loop3A_1272 : vector<16xf32>
        %parallel_loop3A_1274 = arith.index_cast %parallel_loop3A_1053 : i32 to index
        %parallel_loop3A_1275 = arith.constant 48 : index
        %parallel_loop3A_1276 = tpu.vector_load %arg20[%parallel_loop3A_1274, %parallel_loop3A_1275] {strides = array<i32>} : memref<32x128xf32, #tpu.memory_space<vmem>>, vector<1x16xf32>,
        %parallel_loop3A_1277 = vector.shape_cast %parallel_loop3A_1276 : vector<1x16xf32> to vector<16xf32>
        %parallel_loop3A_1278 = vector.shape_cast %parallel_loop3A_1273 : vector<16xf32> to vector<1x16xf32>
        tpu.vector_store %arg20[%parallel_loop3A_1274, %parallel_loop3A_1275], %parallel_loop3A_1278 {strides = array<i32>} : memref<32x128xf32, #tpu.memory_space<vmem>>, vector<1x16xf32>,
        %parallel_loop3A_1279 = arith.mulf %parallel_loop3A_1250, %parallel_loop3A_1250 : vector<16xf32>
        %parallel_loop3A_1280 = arith.addf %parallel_loop3A_1223, %parallel_loop3A_1279 : vector<16xf32>
        %parallel_loop3A_1281 = arith.constant 32 : i32
        %parallel_loop3A_1282 = arith.addi %parallel_loop3A_1281, %parallel_loop3A_1053 : i32
        %parallel_loop3A_1283 = arith.index_cast %parallel_loop3A_1282 : i32 to index
        %parallel_loop3A_1284 = arith.constant 64 : index
        %parallel_loop3A_1285 = tpu.vector_load %arg18[%parallel_loop3A_1283, %parallel_loop3A_1284] {strides = array<i32>} : memref<224x128xf32, #tpu.memory_space<vmem>>, vector<1x16xf32>,
        %parallel_loop3A_1286 = vector.shape_cast %parallel_loop3A_1285 : vector<1x16xf32> to vector<16xf32>
        %parallel_loop3A_1287 = arith.constant 64 : i32
        %parallel_loop3A_1288 = arith.addi %parallel_loop3A_1287, %parallel_loop3A_1053 : i32
        %parallel_loop3A_1289 = arith.index_cast %parallel_loop3A_1288 : i32 to index
        %parallel_loop3A_1290 = arith.constant 64 : index
        %parallel_loop3A_1291 = tpu.vector_load %arg18[%parallel_loop3A_1289, %parallel_loop3A_1290] {strides = array<i32>} : memref<224x128xf32, #tpu.memory_space<vmem>>, vector<1x16xf32>,
        %parallel_loop3A_1292 = vector.shape_cast %parallel_loop3A_1291 : vector<1x16xf32> to vector<16xf32>
        %parallel_loop3A_1293 = arith.addf %parallel_loop3A_1286, %parallel_loop3A_1292 : vector<16xf32>
        %parallel_loop3A_1294 = arith.constant 96 : i32
        %parallel_loop3A_1295 = arith.addi %parallel_loop3A_1294, %parallel_loop3A_1053 : i32
        %parallel_loop3A_1296 = arith.index_cast %parallel_loop3A_1295 : i32 to index
        %parallel_loop3A_1297 = arith.constant 64 : index
        %parallel_loop3A_1298 = tpu.vector_load %arg18[%parallel_loop3A_1296, %parallel_loop3A_1297] {strides = array<i32>} : memref<224x128xf32, #tpu.memory_space<vmem>>, vector<1x16xf32>,
        %parallel_loop3A_1299 = vector.shape_cast %parallel_loop3A_1298 : vector<1x16xf32> to vector<16xf32>
        %parallel_loop3A_1300 = arith.constant 128 : i32
        %parallel_loop3A_1301 = arith.addi %parallel_loop3A_1300, %parallel_loop3A_1053 : i32
        %parallel_loop3A_1302 = arith.index_cast %parallel_loop3A_1301 : i32 to index
        %parallel_loop3A_1303 = arith.constant 64 : index
        %parallel_loop3A_1304 = tpu.vector_load %arg18[%parallel_loop3A_1302, %parallel_loop3A_1303] {strides = array<i32>} : memref<224x128xf32, #tpu.memory_space<vmem>>, vector<1x16xf32>,
        %parallel_loop3A_1305 = vector.shape_cast %parallel_loop3A_1304 : vector<1x16xf32> to vector<16xf32>
        %parallel_loop3A_1306 = arith.addf %parallel_loop3A_1299, %parallel_loop3A_1305 : vector<16xf32>
        %parallel_loop3A_1307 = arith.addf %parallel_loop3A_1293, %parallel_loop3A_1306 : vector<16xf32>
        %parallel_loop3A_1308 = arith.index_cast %parallel_loop3A_1053 : i32 to index
        %parallel_loop3A_1309 = arith.constant 64 : index
        %parallel_loop3A_1310 = tpu.vector_load %arg21[%parallel_loop3A_1308, %parallel_loop3A_1309] {strides = array<i32>} : memref<32x128xf32, #tpu.memory_space<vmem>>, vector<1x16xf32>,
        %parallel_loop3A_1311 = vector.shape_cast %parallel_loop3A_1310 : vector<1x16xf32> to vector<16xf32>
        %parallel_loop3A_1312 = vector.shape_cast %parallel_loop3A_1307 : vector<16xf32> to vector<1x16xf32>
        tpu.vector_store %arg21[%parallel_loop3A_1308, %parallel_loop3A_1309], %parallel_loop3A_1312 {strides = array<i32>} : memref<32x128xf32, #tpu.memory_space<vmem>>, vector<1x16xf32>,
        %parallel_loop3A_1313 = arith.index_cast %parallel_loop3A_1053 : i32 to index
        %parallel_loop3A_1314 = arith.constant 64 : index
        %parallel_loop3A_1315 = tpu.vector_load %arg18[%parallel_loop3A_1313, %parallel_loop3A_1314] {strides = array<i32>} : memref<224x128xf32, #tpu.memory_space<vmem>>, vector<1x16xf32>,
        %parallel_loop3A_1316 = vector.shape_cast %parallel_loop3A_1315 : vector<1x16xf32> to vector<16xf32>
        %parallel_loop3A_1317 = arith.constant 160 : i32
        %parallel_loop3A_1318 = arith.addi %parallel_loop3A_1317, %parallel_loop3A_1053 : i32
        %parallel_loop3A_1319 = arith.index_cast %parallel_loop3A_1318 : i32 to index
        %parallel_loop3A_1320 = arith.constant 64 : index
        %parallel_loop3A_1321 = tpu.vector_load %arg18[%parallel_loop3A_1319, %parallel_loop3A_1320] {strides = array<i32>} : memref<224x128xf32, #tpu.memory_space<vmem>>, vector<1x16xf32>,
        %parallel_loop3A_1322 = vector.shape_cast %parallel_loop3A_1321 : vector<1x16xf32> to vector<16xf32>
        %parallel_loop3A_1323 = arith.addf %parallel_loop3A_1316, %parallel_loop3A_1322 : vector<16xf32>
        %parallel_loop3A_1324 = arith.constant 192 : i32
        %parallel_loop3A_1325 = arith.addi %parallel_loop3A_1324, %parallel_loop3A_1053 : i32
        %parallel_loop3A_1326 = arith.index_cast %parallel_loop3A_1325 : i32 to index
        %parallel_loop3A_1327 = arith.constant 64 : index
        %parallel_loop3A_1328 = tpu.vector_load %arg18[%parallel_loop3A_1326, %parallel_loop3A_1327] {strides = array<i32>} : memref<224x128xf32, #tpu.memory_space<vmem>>, vector<1x16xf32>,
        %parallel_loop3A_1329 = vector.shape_cast %parallel_loop3A_1328 : vector<1x16xf32> to vector<16xf32>
        %parallel_loop3A_1330 = arith.addf %parallel_loop3A_1323, %parallel_loop3A_1329 : vector<16xf32>
        %parallel_loop3A_1331 = arith.index_cast %parallel_loop3A_1053 : i32 to index
        %parallel_loop3A_1332 = arith.constant 64 : index
        %parallel_loop3A_1333 = tpu.vector_load %arg20[%parallel_loop3A_1331, %parallel_loop3A_1332] {strides = array<i32>} : memref<32x128xf32, #tpu.memory_space<vmem>>, vector<1x16xf32>,
        %parallel_loop3A_1334 = vector.shape_cast %parallel_loop3A_1333 : vector<1x16xf32> to vector<16xf32>
        %parallel_loop3A_1335 = vector.shape_cast %parallel_loop3A_1330 : vector<16xf32> to vector<1x16xf32>
        tpu.vector_store %arg20[%parallel_loop3A_1331, %parallel_loop3A_1332], %parallel_loop3A_1335 {strides = array<i32>} : memref<32x128xf32, #tpu.memory_space<vmem>>, vector<1x16xf32>,
        %parallel_loop3A_1336 = arith.mulf %parallel_loop3A_1307, %parallel_loop3A_1307 : vector<16xf32>
        %parallel_loop3A_1337 = arith.addf %parallel_loop3A_1280, %parallel_loop3A_1336 : vector<16xf32>
        %parallel_loop3A_1338 = arith.constant 32 : i32
        %parallel_loop3A_1339 = arith.addi %parallel_loop3A_1338, %parallel_loop3A_1053 : i32
        %parallel_loop3A_1340 = arith.index_cast %parallel_loop3A_1339 : i32 to index
        %parallel_loop3A_1341 = arith.constant 80 : index
        %parallel_loop3A_1342 = tpu.vector_load %arg18[%parallel_loop3A_1340, %parallel_loop3A_1341] {strides = array<i32>} : memref<224x128xf32, #tpu.memory_space<vmem>>, vector<1x16xf32>,
        %parallel_loop3A_1343 = vector.shape_cast %parallel_loop3A_1342 : vector<1x16xf32> to vector<16xf32>
        %parallel_loop3A_1344 = arith.constant 64 : i32
        %parallel_loop3A_1345 = arith.addi %parallel_loop3A_1344, %parallel_loop3A_1053 : i32
        %parallel_loop3A_1346 = arith.index_cast %parallel_loop3A_1345 : i32 to index
        %parallel_loop3A_1347 = arith.constant 80 : index
        %parallel_loop3A_1348 = tpu.vector_load %arg18[%parallel_loop3A_1346, %parallel_loop3A_1347] {strides = array<i32>} : memref<224x128xf32, #tpu.memory_space<vmem>>, vector<1x16xf32>,
        %parallel_loop3A_1349 = vector.shape_cast %parallel_loop3A_1348 : vector<1x16xf32> to vector<16xf32>
        %parallel_loop3A_1350 = arith.addf %parallel_loop3A_1343, %parallel_loop3A_1349 : vector<16xf32>
        %parallel_loop3A_1351 = arith.constant 96 : i32
        %parallel_loop3A_1352 = arith.addi %parallel_loop3A_1351, %parallel_loop3A_1053 : i32
        %parallel_loop3A_1353 = arith.index_cast %parallel_loop3A_1352 : i32 to index
        %parallel_loop3A_1354 = arith.constant 80 : index
        %parallel_loop3A_1355 = tpu.vector_load %arg18[%parallel_loop3A_1353, %parallel_loop3A_1354] {strides = array<i32>} : memref<224x128xf32, #tpu.memory_space<vmem>>, vector<1x16xf32>,
        %parallel_loop3A_1356 = vector.shape_cast %parallel_loop3A_1355 : vector<1x16xf32> to vector<16xf32>
        %parallel_loop3A_1357 = arith.constant 128 : i32
        %parallel_loop3A_1358 = arith.addi %parallel_loop3A_1357, %parallel_loop3A_1053 : i32
        %parallel_loop3A_1359 = arith.index_cast %parallel_loop3A_1358 : i32 to index
        %parallel_loop3A_1360 = arith.constant 80 : index
        %parallel_loop3A_1361 = tpu.vector_load %arg18[%parallel_loop3A_1359, %parallel_loop3A_1360] {strides = array<i32>} : memref<224x128xf32, #tpu.memory_space<vmem>>, vector<1x16xf32>,
        %parallel_loop3A_1362 = vector.shape_cast %parallel_loop3A_1361 : vector<1x16xf32> to vector<16xf32>
        %parallel_loop3A_1363 = arith.addf %parallel_loop3A_1356, %parallel_loop3A_1362 : vector<16xf32>
        %parallel_loop3A_1364 = arith.addf %parallel_loop3A_1350, %parallel_loop3A_1363 : vector<16xf32>
        %parallel_loop3A_1365 = arith.index_cast %parallel_loop3A_1053 : i32 to index
        %parallel_loop3A_1366 = arith.constant 80 : index
        %parallel_loop3A_1367 = tpu.vector_load %arg21[%parallel_loop3A_1365, %parallel_loop3A_1366] {strides = array<i32>} : memref<32x128xf32, #tpu.memory_space<vmem>>, vector<1x16xf32>,
        %parallel_loop3A_1368 = vector.shape_cast %parallel_loop3A_1367 : vector<1x16xf32> to vector<16xf32>
        %parallel_loop3A_1369 = vector.shape_cast %parallel_loop3A_1364 : vector<16xf32> to vector<1x16xf32>
        tpu.vector_store %arg21[%parallel_loop3A_1365, %parallel_loop3A_1366], %parallel_loop3A_1369 {strides = array<i32>} : memref<32x128xf32, #tpu.memory_space<vmem>>, vector<1x16xf32>,
        %parallel_loop3A_1370 = arith.index_cast %parallel_loop3A_1053 : i32 to index
        %parallel_loop3A_1371 = arith.constant 80 : index
        %parallel_loop3A_1372 = tpu.vector_load %arg18[%parallel_loop3A_1370, %parallel_loop3A_1371] {strides = array<i32>} : memref<224x128xf32, #tpu.memory_space<vmem>>, vector<1x16xf32>,
        %parallel_loop3A_1373 = vector.shape_cast %parallel_loop3A_1372 : vector<1x16xf32> to vector<16xf32>
        %parallel_loop3A_1374 = arith.constant 160 : i32
        %parallel_loop3A_1375 = arith.addi %parallel_loop3A_1374, %parallel_loop3A_1053 : i32
        %parallel_loop3A_1376 = arith.index_cast %parallel_loop3A_1375 : i32 to index
        %parallel_loop3A_1377 = arith.constant 80 : index
        %parallel_loop3A_1378 = tpu.vector_load %arg18[%parallel_loop3A_1376, %parallel_loop3A_1377] {strides = array<i32>} : memref<224x128xf32, #tpu.memory_space<vmem>>, vector<1x16xf32>,
        %parallel_loop3A_1379 = vector.shape_cast %parallel_loop3A_1378 : vector<1x16xf32> to vector<16xf32>
        %parallel_loop3A_1380 = arith.addf %parallel_loop3A_1373, %parallel_loop3A_1379 : vector<16xf32>
        %parallel_loop3A_1381 = arith.constant 192 : i32
        %parallel_loop3A_1382 = arith.addi %parallel_loop3A_1381, %parallel_loop3A_1053 : i32
        %parallel_loop3A_1383 = arith.index_cast %parallel_loop3A_1382 : i32 to index
        %parallel_loop3A_1384 = arith.constant 80 : index
        %parallel_loop3A_1385 = tpu.vector_load %arg18[%parallel_loop3A_1383, %parallel_loop3A_1384] {strides = array<i32>} : memref<224x128xf32, #tpu.memory_space<vmem>>, vector<1x16xf32>,
        %parallel_loop3A_1386 = vector.shape_cast %parallel_loop3A_1385 : vector<1x16xf32> to vector<16xf32>
        %parallel_loop3A_1387 = arith.addf %parallel_loop3A_1380, %parallel_loop3A_1386 : vector<16xf32>
        %parallel_loop3A_1388 = arith.index_cast %parallel_loop3A_1053 : i32 to index
        %parallel_loop3A_1389 = arith.constant 80 : index
        %parallel_loop3A_1390 = tpu.vector_load %arg20[%parallel_loop3A_1388, %parallel_loop3A_1389] {strides = array<i32>} : memref<32x128xf32, #tpu.memory_space<vmem>>, vector<1x16xf32>,
        %parallel_loop3A_1391 = vector.shape_cast %parallel_loop3A_1390 : vector<1x16xf32> to vector<16xf32>
        %parallel_loop3A_1392 = vector.shape_cast %parallel_loop3A_1387 : vector<16xf32> to vector<1x16xf32>
        tpu.vector_store %arg20[%parallel_loop3A_1388, %parallel_loop3A_1389], %parallel_loop3A_1392 {strides = array<i32>} : memref<32x128xf32, #tpu.memory_space<vmem>>, vector<1x16xf32>,
        %parallel_loop3A_1393 = arith.mulf %parallel_loop3A_1364, %parallel_loop3A_1364 : vector<16xf32>
        %parallel_loop3A_1394 = arith.addf %parallel_loop3A_1337, %parallel_loop3A_1393 : vector<16xf32>
        %parallel_loop3A_1395 = arith.constant 32 : i32
        %parallel_loop3A_1396 = arith.addi %parallel_loop3A_1395, %parallel_loop3A_1053 : i32
        %parallel_loop3A_1397 = arith.index_cast %parallel_loop3A_1396 : i32 to index
        %parallel_loop3A_1398 = arith.constant 96 : index
        %parallel_loop3A_1399 = tpu.vector_load %arg18[%parallel_loop3A_1397, %parallel_loop3A_1398] {strides = array<i32>} : memref<224x128xf32, #tpu.memory_space<vmem>>, vector<1x16xf32>,
        %parallel_loop3A_1400 = vector.shape_cast %parallel_loop3A_1399 : vector<1x16xf32> to vector<16xf32>
        %parallel_loop3A_1401 = arith.constant 64 : i32
        %parallel_loop3A_1402 = arith.addi %parallel_loop3A_1401, %parallel_loop3A_1053 : i32
        %parallel_loop3A_1403 = arith.index_cast %parallel_loop3A_1402 : i32 to index
        %parallel_loop3A_1404 = arith.constant 96 : index
        %parallel_loop3A_1405 = tpu.vector_load %arg18[%parallel_loop3A_1403, %parallel_loop3A_1404] {strides = array<i32>} : memref<224x128xf32, #tpu.memory_space<vmem>>, vector<1x16xf32>,
        %parallel_loop3A_1406 = vector.shape_cast %parallel_loop3A_1405 : vector<1x16xf32> to vector<16xf32>
        %parallel_loop3A_1407 = arith.addf %parallel_loop3A_1400, %parallel_loop3A_1406 : vector<16xf32>
        %parallel_loop3A_1408 = arith.constant 96 : i32
        %parallel_loop3A_1409 = arith.addi %parallel_loop3A_1408, %parallel_loop3A_1053 : i32
        %parallel_loop3A_1410 = arith.index_cast %parallel_loop3A_1409 : i32 to index
        %parallel_loop3A_1411 = arith.constant 96 : index
        %parallel_loop3A_1412 = tpu.vector_load %arg18[%parallel_loop3A_1410, %parallel_loop3A_1411] {strides = array<i32>} : memref<224x128xf32, #tpu.memory_space<vmem>>, vector<1x16xf32>,
        %parallel_loop3A_1413 = vector.shape_cast %parallel_loop3A_1412 : vector<1x16xf32> to vector<16xf32>
        %parallel_loop3A_1414 = arith.constant 128 : i32
        %parallel_loop3A_1415 = arith.addi %parallel_loop3A_1414, %parallel_loop3A_1053 : i32
        %parallel_loop3A_1416 = arith.index_cast %parallel_loop3A_1415 : i32 to index
        %parallel_loop3A_1417 = arith.constant 96 : index
        %parallel_loop3A_1418 = tpu.vector_load %arg18[%parallel_loop3A_1416, %parallel_loop3A_1417] {strides = array<i32>} : memref<224x128xf32, #tpu.memory_space<vmem>>, vector<1x16xf32>,
        %parallel_loop3A_1419 = vector.shape_cast %parallel_loop3A_1418 : vector<1x16xf32> to vector<16xf32>
        %parallel_loop3A_1420 = arith.addf %parallel_loop3A_1413, %parallel_loop3A_1419 : vector<16xf32>
        %parallel_loop3A_1421 = arith.addf %parallel_loop3A_1407, %parallel_loop3A_1420 : vector<16xf32>
        %parallel_loop3A_1422 = arith.index_cast %parallel_loop3A_1053 : i32 to index
        %parallel_loop3A_1423 = arith.constant 96 : index
        %parallel_loop3A_1424 = tpu.vector_load %arg21[%parallel_loop3A_1422, %parallel_loop3A_1423] {strides = array<i32>} : memref<32x128xf32, #tpu.memory_space<vmem>>, vector<1x16xf32>,
        %parallel_loop3A_1425 = vector.shape_cast %parallel_loop3A_1424 : vector<1x16xf32> to vector<16xf32>
        %parallel_loop3A_1426 = vector.shape_cast %parallel_loop3A_1421 : vector<16xf32> to vector<1x16xf32>
        tpu.vector_store %arg21[%parallel_loop3A_1422, %parallel_loop3A_1423], %parallel_loop3A_1426 {strides = array<i32>} : memref<32x128xf32, #tpu.memory_space<vmem>>, vector<1x16xf32>,
        %parallel_loop3A_1427 = arith.index_cast %parallel_loop3A_1053 : i32 to index
        %parallel_loop3A_1428 = arith.constant 96 : index
        %parallel_loop3A_1429 = tpu.vector_load %arg18[%parallel_loop3A_1427, %parallel_loop3A_1428] {strides = array<i32>} : memref<224x128xf32, #tpu.memory_space<vmem>>, vector<1x16xf32>,
        %parallel_loop3A_1430 = vector.shape_cast %parallel_loop3A_1429 : vector<1x16xf32> to vector<16xf32>
        %parallel_loop3A_1431 = arith.constant 160 : i32
        %parallel_loop3A_1432 = arith.addi %parallel_loop3A_1431, %parallel_loop3A_1053 : i32
        %parallel_loop3A_1433 = arith.index_cast %parallel_loop3A_1432 : i32 to index
        %parallel_loop3A_1434 = arith.constant 96 : index
        %parallel_loop3A_1435 = tpu.vector_load %arg18[%parallel_loop3A_1433, %parallel_loop3A_1434] {strides = array<i32>} : memref<224x128xf32, #tpu.memory_space<vmem>>, vector<1x16xf32>,
        %parallel_loop3A_1436 = vector.shape_cast %parallel_loop3A_1435 : vector<1x16xf32> to vector<16xf32>
        %parallel_loop3A_1437 = arith.addf %parallel_loop3A_1430, %parallel_loop3A_1436 : vector<16xf32>
        %parallel_loop3A_1438 = arith.constant 192 : i32
        %parallel_loop3A_1439 = arith.addi %parallel_loop3A_1438, %parallel_loop3A_1053 : i32
        %parallel_loop3A_1440 = arith.index_cast %parallel_loop3A_1439 : i32 to index
        %parallel_loop3A_1441 = arith.constant 96 : index
        %parallel_loop3A_1442 = tpu.vector_load %arg18[%parallel_loop3A_1440, %parallel_loop3A_1441] {strides = array<i32>} : memref<224x128xf32, #tpu.memory_space<vmem>>, vector<1x16xf32>,
        %parallel_loop3A_1443 = vector.shape_cast %parallel_loop3A_1442 : vector<1x16xf32> to vector<16xf32>
        %parallel_loop3A_1444 = arith.addf %parallel_loop3A_1437, %parallel_loop3A_1443 : vector<16xf32>
        %parallel_loop3A_1445 = arith.index_cast %parallel_loop3A_1053 : i32 to index
        %parallel_loop3A_1446 = arith.constant 96 : index
        %parallel_loop3A_1447 = tpu.vector_load %arg20[%parallel_loop3A_1445, %parallel_loop3A_1446] {strides = array<i32>} : memref<32x128xf32, #tpu.memory_space<vmem>>, vector<1x16xf32>,
        %parallel_loop3A_1448 = vector.shape_cast %parallel_loop3A_1447 : vector<1x16xf32> to vector<16xf32>
        %parallel_loop3A_1449 = vector.shape_cast %parallel_loop3A_1444 : vector<16xf32> to vector<1x16xf32>
        tpu.vector_store %arg20[%parallel_loop3A_1445, %parallel_loop3A_1446], %parallel_loop3A_1449 {strides = array<i32>} : memref<32x128xf32, #tpu.memory_space<vmem>>, vector<1x16xf32>,
        %parallel_loop3A_1450 = arith.mulf %parallel_loop3A_1421, %parallel_loop3A_1421 : vector<16xf32>
        %parallel_loop3A_1451 = arith.addf %parallel_loop3A_1394, %parallel_loop3A_1450 : vector<16xf32>
        %parallel_loop3A_1452 = arith.constant 32 : i32
        %parallel_loop3A_1453 = arith.addi %parallel_loop3A_1452, %parallel_loop3A_1053 : i32
        %parallel_loop3A_1454 = arith.index_cast %parallel_loop3A_1453 : i32 to index
        %parallel_loop3A_1455 = arith.constant 112 : index
        %parallel_loop3A_1456 = tpu.vector_load %arg18[%parallel_loop3A_1454, %parallel_loop3A_1455] {strides = array<i32>} : memref<224x128xf32, #tpu.memory_space<vmem>>, vector<1x16xf32>,
        %parallel_loop3A_1457 = vector.shape_cast %parallel_loop3A_1456 : vector<1x16xf32> to vector<16xf32>
        %parallel_loop3A_1458 = arith.constant 64 : i32
        %parallel_loop3A_1459 = arith.addi %parallel_loop3A_1458, %parallel_loop3A_1053 : i32
        %parallel_loop3A_1460 = arith.index_cast %parallel_loop3A_1459 : i32 to index
        %parallel_loop3A_1461 = arith.constant 112 : index
        %parallel_loop3A_1462 = tpu.vector_load %arg18[%parallel_loop3A_1460, %parallel_loop3A_1461] {strides = array<i32>} : memref<224x128xf32, #tpu.memory_space<vmem>>, vector<1x16xf32>,
        %parallel_loop3A_1463 = vector.shape_cast %parallel_loop3A_1462 : vector<1x16xf32> to vector<16xf32>
        %parallel_loop3A_1464 = arith.addf %parallel_loop3A_1457, %parallel_loop3A_1463 : vector<16xf32>
        %parallel_loop3A_1465 = arith.constant 96 : i32
        %parallel_loop3A_1466 = arith.addi %parallel_loop3A_1465, %parallel_loop3A_1053 : i32
        %parallel_loop3A_1467 = arith.index_cast %parallel_loop3A_1466 : i32 to index
        %parallel_loop3A_1468 = arith.constant 112 : index
        %parallel_loop3A_1469 = tpu.vector_load %arg18[%parallel_loop3A_1467, %parallel_loop3A_1468] {strides = array<i32>} : memref<224x128xf32, #tpu.memory_space<vmem>>, vector<1x16xf32>,
        %parallel_loop3A_1470 = vector.shape_cast %parallel_loop3A_1469 : vector<1x16xf32> to vector<16xf32>
        %parallel_loop3A_1471 = arith.constant 128 : i32
        %parallel_loop3A_1472 = arith.addi %parallel_loop3A_1471, %parallel_loop3A_1053 : i32
        %parallel_loop3A_1473 = arith.index_cast %parallel_loop3A_1472 : i32 to index
        %parallel_loop3A_1474 = arith.constant 112 : index
        %parallel_loop3A_1475 = tpu.vector_load %arg18[%parallel_loop3A_1473, %parallel_loop3A_1474] {strides = array<i32>} : memref<224x128xf32, #tpu.memory_space<vmem>>, vector<1x16xf32>,
        %parallel_loop3A_1476 = vector.shape_cast %parallel_loop3A_1475 : vector<1x16xf32> to vector<16xf32>
        %parallel_loop3A_1477 = arith.addf %parallel_loop3A_1470, %parallel_loop3A_1476 : vector<16xf32>
        %parallel_loop3A_1478 = arith.addf %parallel_loop3A_1464, %parallel_loop3A_1477 : vector<16xf32>
        %parallel_loop3A_1479 = arith.index_cast %parallel_loop3A_1053 : i32 to index
        %parallel_loop3A_1480 = arith.constant 112 : index
        %parallel_loop3A_1481 = tpu.vector_load %arg21[%parallel_loop3A_1479, %parallel_loop3A_1480] {strides = array<i32>} : memref<32x128xf32, #tpu.memory_space<vmem>>, vector<1x16xf32>,
        %parallel_loop3A_1482 = vector.shape_cast %parallel_loop3A_1481 : vector<1x16xf32> to vector<16xf32>
        %parallel_loop3A_1483 = vector.shape_cast %parallel_loop3A_1478 : vector<16xf32> to vector<1x16xf32>
        tpu.vector_store %arg21[%parallel_loop3A_1479, %parallel_loop3A_1480], %parallel_loop3A_1483 {strides = array<i32>} : memref<32x128xf32, #tpu.memory_space<vmem>>, vector<1x16xf32>,
        %parallel_loop3A_1484 = arith.index_cast %parallel_loop3A_1053 : i32 to index
        %parallel_loop3A_1485 = arith.constant 112 : index
        %parallel_loop3A_1486 = tpu.vector_load %arg18[%parallel_loop3A_1484, %parallel_loop3A_1485] {strides = array<i32>} : memref<224x128xf32, #tpu.memory_space<vmem>>, vector<1x16xf32>,
        %parallel_loop3A_1487 = vector.shape_cast %parallel_loop3A_1486 : vector<1x16xf32> to vector<16xf32>
        %parallel_loop3A_1488 = arith.constant 160 : i32
        %parallel_loop3A_1489 = arith.addi %parallel_loop3A_1488, %parallel_loop3A_1053 : i32
        %parallel_loop3A_1490 = arith.index_cast %parallel_loop3A_1489 : i32 to index
        %parallel_loop3A_1491 = arith.constant 112 : index
        %parallel_loop3A_1492 = tpu.vector_load %arg18[%parallel_loop3A_1490, %parallel_loop3A_1491] {strides = array<i32>} : memref<224x128xf32, #tpu.memory_space<vmem>>, vector<1x16xf32>,
        %parallel_loop3A_1493 = vector.shape_cast %parallel_loop3A_1492 : vector<1x16xf32> to vector<16xf32>
        %parallel_loop3A_1494 = arith.addf %parallel_loop3A_1487, %parallel_loop3A_1493 : vector<16xf32>
        %parallel_loop3A_1495 = arith.constant 192 : i32
        %parallel_loop3A_1496 = arith.addi %parallel_loop3A_1495, %parallel_loop3A_1053 : i32
        %parallel_loop3A_1497 = arith.index_cast %parallel_loop3A_1496 : i32 to index
        %parallel_loop3A_1498 = arith.constant 112 : index
        %parallel_loop3A_1499 = tpu.vector_load %arg18[%parallel_loop3A_1497, %parallel_loop3A_1498] {strides = array<i32>} : memref<224x128xf32, #tpu.memory_space<vmem>>, vector<1x16xf32>,
        %parallel_loop3A_1500 = vector.shape_cast %parallel_loop3A_1499 : vector<1x16xf32> to vector<16xf32>
        %parallel_loop3A_1501 = arith.addf %parallel_loop3A_1494, %parallel_loop3A_1500 : vector<16xf32>
        %parallel_loop3A_1502 = arith.index_cast %parallel_loop3A_1053 : i32 to index
        %parallel_loop3A_1503 = arith.constant 112 : index
        %parallel_loop3A_1504 = tpu.vector_load %arg20[%parallel_loop3A_1502, %parallel_loop3A_1503] {strides = array<i32>} : memref<32x128xf32, #tpu.memory_space<vmem>>, vector<1x16xf32>,
        %parallel_loop3A_1505 = vector.shape_cast %parallel_loop3A_1504 : vector<1x16xf32> to vector<16xf32>
        %parallel_loop3A_1506 = vector.shape_cast %parallel_loop3A_1501 : vector<16xf32> to vector<1x16xf32>
        tpu.vector_store %arg20[%parallel_loop3A_1502, %parallel_loop3A_1503], %parallel_loop3A_1506 {strides = array<i32>} : memref<32x128xf32, #tpu.memory_space<vmem>>, vector<1x16xf32>,
        %parallel_loop3A_1507 = arith.mulf %parallel_loop3A_1478, %parallel_loop3A_1478 : vector<16xf32>
        %parallel_loop3A_1508 = arith.addf %parallel_loop3A_1451, %parallel_loop3A_1507 : vector<16xf32>
        %parallel_loop3A_1509 = arith.constant 16 : i32
        %parallel_loop3A_1510 = arith.muli %parallel_loop3A_1053, %parallel_loop3A_1509 : i32
        %parallel_loop3A_1511 = arith.index_cast %parallel_loop3A_1510 : i32 to index
        %parallel_loop3A_1512 = tpu.vector_load %arg24[%parallel_loop3A_1511] {strides = array<i32>} : memref<528xf32, #tpu.memory_space<vmem>>, vector<16xf32>,
        %parallel_loop3A_1513 = vector.shape_cast %parallel_loop3A_1512 : vector<16xf32> to vector<16xf32>
        %parallel_loop3A_1514 = vector.shape_cast %parallel_loop3A_1508 : vector<16xf32> to vector<16xf32>
        tpu.vector_store %arg24[%parallel_loop3A_1511], %parallel_loop3A_1514 {strides = array<i32>} : memref<528xf32, #tpu.memory_space<vmem>>, vector<16xf32>,
        %parallel_loop3A_1515 = arith.index_cast %parallel_loop3A_1510 : i32 to index
        %parallel_loop3A_1516 = tpu.vector_load %arg24[%parallel_loop3A_1515] {strides = array<i32>} : memref<528xf32, #tpu.memory_space<vmem>>, vector<16xf32>,
        %parallel_loop3A_1517 = vector.shape_cast %parallel_loop3A_1516 : vector<16xf32> to vector<16xf32>
        %parallel_loop3A_1518 = arith.constant 8 : i32
        %parallel_loop3A_1519 = arith.addi %parallel_loop3A_1510, %parallel_loop3A_1518 : i32
        %parallel_loop3A_1520 = arith.index_cast %parallel_loop3A_1519 : i32 to index
        %parallel_loop3A_1521 = tpu.vector_load %arg24[%parallel_loop3A_1520] {strides = array<i32>} : memref<528xf32, #tpu.memory_space<vmem>>, vector<16xf32>,
        %parallel_loop3A_1522 = vector.shape_cast %parallel_loop3A_1521 : vector<16xf32> to vector<16xf32>
        %parallel_loop3A_1523 = arith.addf %parallel_loop3A_1517, %parallel_loop3A_1522 : vector<16xf32>
        %parallel_loop3A_1524 = arith.index_cast %parallel_loop3A_1510 : i32 to index
        %parallel_loop3A_1525 = tpu.vector_load %arg25[%parallel_loop3A_1524] {strides = array<i32>} : memref<528xf32, #tpu.memory_space<vmem>>, vector<16xf32>,
        %parallel_loop3A_1526 = vector.shape_cast %parallel_loop3A_1525 : vector<16xf32> to vector<16xf32>
        %parallel_loop3A_1527 = vector.shape_cast %parallel_loop3A_1523 : vector<16xf32> to vector<16xf32>
        tpu.vector_store %arg25[%parallel_loop3A_1524], %parallel_loop3A_1527 {strides = array<i32>} : memref<528xf32, #tpu.memory_space<vmem>>, vector<16xf32>,
        %parallel_loop3A_1528 = arith.index_cast %parallel_loop3A_1510 : i32 to index
        %parallel_loop3A_1529 = tpu.vector_load %arg25[%parallel_loop3A_1528] {strides = array<i32>} : memref<528xf32, #tpu.memory_space<vmem>>, vector<16xf32>,
        %parallel_loop3A_1530 = vector.shape_cast %parallel_loop3A_1529 : vector<16xf32> to vector<16xf32>
        %parallel_loop3A_1531 = arith.constant 4 : i32
        %parallel_loop3A_1532 = arith.addi %parallel_loop3A_1510, %parallel_loop3A_1531 : i32
        %parallel_loop3A_1533 = arith.index_cast %parallel_loop3A_1532 : i32 to index
        %parallel_loop3A_1534 = tpu.vector_load %arg25[%parallel_loop3A_1533] {strides = array<i32>} : memref<528xf32, #tpu.memory_space<vmem>>, vector<16xf32>,
        %parallel_loop3A_1535 = vector.shape_cast %parallel_loop3A_1534 : vector<16xf32> to vector<16xf32>
        %parallel_loop3A_1536 = arith.addf %parallel_loop3A_1530, %parallel_loop3A_1535 : vector<16xf32>
        %parallel_loop3A_1537 = arith.index_cast %parallel_loop3A_1510 : i32 to index
        %parallel_loop3A_1538 = tpu.vector_load %arg24[%parallel_loop3A_1537] {strides = array<i32>} : memref<528xf32, #tpu.memory_space<vmem>>, vector<16xf32>,
        %parallel_loop3A_1539 = vector.shape_cast %parallel_loop3A_1538 : vector<16xf32> to vector<16xf32>
        %parallel_loop3A_1540 = vector.shape_cast %parallel_loop3A_1536 : vector<16xf32> to vector<16xf32>
        tpu.vector_store %arg24[%parallel_loop3A_1537], %parallel_loop3A_1540 {strides = array<i32>} : memref<528xf32, #tpu.memory_space<vmem>>, vector<16xf32>,
        %parallel_loop3A_1541 = arith.index_cast %parallel_loop3A_1510 : i32 to index
        %parallel_loop3A_1542 = tpu.vector_load %arg24[%parallel_loop3A_1541] {strides = array<i32>} : memref<528xf32, #tpu.memory_space<vmem>>, vector<16xf32>,
        %parallel_loop3A_1543 = vector.shape_cast %parallel_loop3A_1542 : vector<16xf32> to vector<16xf32>
        %parallel_loop3A_1544 = arith.constant 2 : i32
        %parallel_loop3A_1545 = arith.addi %parallel_loop3A_1510, %parallel_loop3A_1544 : i32
        %parallel_loop3A_1546 = arith.index_cast %parallel_loop3A_1545 : i32 to index
        %parallel_loop3A_1547 = tpu.vector_load %arg24[%parallel_loop3A_1546] {strides = array<i32>} : memref<528xf32, #tpu.memory_space<vmem>>, vector<16xf32>,
        %parallel_loop3A_1548 = vector.shape_cast %parallel_loop3A_1547 : vector<16xf32> to vector<16xf32>
        %parallel_loop3A_1549 = arith.addf %parallel_loop3A_1543, %parallel_loop3A_1548 : vector<16xf32>
        %parallel_loop3A_1550 = arith.index_cast %parallel_loop3A_1510 : i32 to index
        %parallel_loop3A_1551 = tpu.vector_load %arg25[%parallel_loop3A_1550] {strides = array<i32>} : memref<528xf32, #tpu.memory_space<vmem>>, vector<16xf32>,
        %parallel_loop3A_1552 = vector.shape_cast %parallel_loop3A_1551 : vector<16xf32> to vector<16xf32>
        %parallel_loop3A_1553 = vector.shape_cast %parallel_loop3A_1549 : vector<16xf32> to vector<16xf32>
        tpu.vector_store %arg25[%parallel_loop3A_1550], %parallel_loop3A_1553 {strides = array<i32>} : memref<528xf32, #tpu.memory_space<vmem>>, vector<16xf32>,
        %parallel_loop3A_1554 = arith.index_cast %parallel_loop3A_1510 : i32 to index
        %parallel_loop3A_1555 = tpu.vector_load %arg25[%parallel_loop3A_1554] {strides = array<i32>} : memref<528xf32, #tpu.memory_space<vmem>>, vector<16xf32>,
        %parallel_loop3A_1556 = vector.shape_cast %parallel_loop3A_1555 : vector<16xf32> to vector<16xf32>
        %parallel_loop3A_1557 = arith.constant 1 : i32
        %parallel_loop3A_1558 = arith.addi %parallel_loop3A_1510, %parallel_loop3A_1557 : i32
        %parallel_loop3A_1559 = arith.index_cast %parallel_loop3A_1558 : i32 to index
        %parallel_loop3A_1560 = tpu.vector_load %arg25[%parallel_loop3A_1559] {strides = array<i32>} : memref<528xf32, #tpu.memory_space<vmem>>, vector<16xf32>,
        %parallel_loop3A_1561 = vector.shape_cast %parallel_loop3A_1560 : vector<16xf32> to vector<16xf32>
        %parallel_loop3A_1562 = arith.addf %parallel_loop3A_1556, %parallel_loop3A_1561 : vector<16xf32>
        %parallel_loop3A_1563 = arith.index_cast %parallel_loop3A_1510 : i32 to index
        %parallel_loop3A_1564 = tpu.vector_load %arg24[%parallel_loop3A_1563] {strides = array<i32>} : memref<528xf32, #tpu.memory_space<vmem>>, vector<16xf32>,
        %parallel_loop3A_1565 = vector.shape_cast %parallel_loop3A_1564 : vector<16xf32> to vector<16xf32>
        %parallel_loop3A_1566 = vector.shape_cast %parallel_loop3A_1562 : vector<16xf32> to vector<16xf32>
        tpu.vector_store %arg24[%parallel_loop3A_1563], %parallel_loop3A_1566 {strides = array<i32>} : memref<528xf32, #tpu.memory_space<vmem>>, vector<16xf32>,
      } {sc.loop_unroll_factor = 4 : i64, sc.parallel_access}
      %get3A = arith.constant 0 : index
      %get3A_195 = tpu.vector_load %arg24[%get3A] {strides = array<i32>} : memref<528xf32, #tpu.memory_space<vmem>>, vector<16xf32>,
      %get3A_196 = vector.shape_cast %get3A_195 : vector<16xf32> to vector<16xf32>
      %slice3A = vector.extract_strided_slice %get3A_196 {offsets = [0], sizes = [1], strides = [1]} : vector<16xf32> to vector<1xf32>
      %squeeze3A = vector.extract %slice3A[0] : f32 from vector<1xf32>
      %broadcast_in_dim3A = vector.broadcast %squeeze3A : f32 to vector<16xf32>
      %get3A_197 = arith.constant 16 : index
      %get3A_198 = tpu.vector_load %arg24[%get3A_197] {strides = array<i32>} : memref<528xf32, #tpu.memory_space<vmem>>, vector<16xf32>,
      %get3A_199 = vector.shape_cast %get3A_198 : vector<16xf32> to vector<16xf32>
      %slice3A_200 = vector.extract_strided_slice %get3A_199 {offsets = [0], sizes = [1], strides = [1]} : vector<16xf32> to vector<1xf32>
      %squeeze3A_201 = vector.extract %slice3A_200[0] : f32 from vector<1xf32>
      %broadcast_in_dim3A_202 = vector.broadcast %squeeze3A_201 : f32 to vector<16xf32>
      %eq3A = arith.constant 1 : i32
      %eq3A_203 = vector.broadcast %eq3A : i32 to vector<16xi32>
      %eq3A_204 = arith.cmpi eq, %iota3A, %eq3A_203 : vector<16xi32>
      %select_n3A = arith.select %eq3A_204, %broadcast_in_dim3A_202, %broadcast_in_dim3A : vector<16xi1>, vector<16xf32>
      %get3A_205 = arith.constant 32 : index
      %get3A_206 = tpu.vector_load %arg24[%get3A_205] {strides = array<i32>} : memref<528xf32, #tpu.memory_space<vmem>>, vector<16xf32>,
      %get3A_207 = vector.shape_cast %get3A_206 : vector<16xf32> to vector<16xf32>
      %slice3A_208 = vector.extract_strided_slice %get3A_207 {offsets = [0], sizes = [1], strides = [1]} : vector<16xf32> to vector<1xf32>
      %squeeze3A_209 = vector.extract %slice3A_208[0] : f32 from vector<1xf32>
      %broadcast_in_dim3A_210 = vector.broadcast %squeeze3A_209 : f32 to vector<16xf32>
      %eq3A_211 = arith.constant 2 : i32
      %eq3A_212 = vector.broadcast %eq3A_211 : i32 to vector<16xi32>
      %eq3A_213 = arith.cmpi eq, %iota3A, %eq3A_212 : vector<16xi32>
      %select_n3A_214 = arith.select %eq3A_213, %broadcast_in_dim3A_210, %select_n3A : vector<16xi1>, vector<16xf32>
      %get3A_215 = arith.constant 48 : index
      %get3A_216 = tpu.vector_load %arg24[%get3A_215] {strides = array<i32>} : memref<528xf32, #tpu.memory_space<vmem>>, vector<16xf32>,
      %get3A_217 = vector.shape_cast %get3A_216 : vector<16xf32> to vector<16xf32>
      %slice3A_218 = vector.extract_strided_slice %get3A_217 {offsets = [0], sizes = [1], strides = [1]} : vector<16xf32> to vector<1xf32>
      %squeeze3A_219 = vector.extract %slice3A_218[0] : f32 from vector<1xf32>
      %broadcast_in_dim3A_220 = vector.broadcast %squeeze3A_219 : f32 to vector<16xf32>
      %eq3A_221 = arith.constant 3 : i32
      %eq3A_222 = vector.broadcast %eq3A_221 : i32 to vector<16xi32>
      %eq3A_223 = arith.cmpi eq, %iota3A, %eq3A_222 : vector<16xi32>
      %select_n3A_224 = arith.select %eq3A_223, %broadcast_in_dim3A_220, %select_n3A_214 : vector<16xi1>, vector<16xf32>
      %get3A_225 = arith.constant 64 : index
      %get3A_226 = tpu.vector_load %arg24[%get3A_225] {strides = array<i32>} : memref<528xf32, #tpu.memory_space<vmem>>, vector<16xf32>,
      %get3A_227 = vector.shape_cast %get3A_226 : vector<16xf32> to vector<16xf32>
      %slice3A_228 = vector.extract_strided_slice %get3A_227 {offsets = [0], sizes = [1], strides = [1]} : vector<16xf32> to vector<1xf32>
      %squeeze3A_229 = vector.extract %slice3A_228[0] : f32 from vector<1xf32>
      %broadcast_in_dim3A_230 = vector.broadcast %squeeze3A_229 : f32 to vector<16xf32>
      %eq3A_231 = arith.constant 4 : i32
      %eq3A_232 = vector.broadcast %eq3A_231 : i32 to vector<16xi32>
      %eq3A_233 = arith.cmpi eq, %iota3A, %eq3A_232 : vector<16xi32>
      %select_n3A_234 = arith.select %eq3A_233, %broadcast_in_dim3A_230, %select_n3A_224 : vector<16xi1>, vector<16xf32>
      %get3A_235 = arith.constant 80 : index
      %get3A_236 = tpu.vector_load %arg24[%get3A_235] {strides = array<i32>} : memref<528xf32, #tpu.memory_space<vmem>>, vector<16xf32>,
      %get3A_237 = vector.shape_cast %get3A_236 : vector<16xf32> to vector<16xf32>
      %slice3A_238 = vector.extract_strided_slice %get3A_237 {offsets = [0], sizes = [1], strides = [1]} : vector<16xf32> to vector<1xf32>
      %squeeze3A_239 = vector.extract %slice3A_238[0] : f32 from vector<1xf32>
      %broadcast_in_dim3A_240 = vector.broadcast %squeeze3A_239 : f32 to vector<16xf32>
      %eq3A_241 = arith.constant 5 : i32
      %eq3A_242 = vector.broadcast %eq3A_241 : i32 to vector<16xi32>
      %eq3A_243 = arith.cmpi eq, %iota3A, %eq3A_242 : vector<16xi32>
      %select_n3A_244 = arith.select %eq3A_243, %broadcast_in_dim3A_240, %select_n3A_234 : vector<16xi1>, vector<16xf32>
      %get3A_245 = arith.constant 96 : index
      %get3A_246 = tpu.vector_load %arg24[%get3A_245] {strides = array<i32>} : memref<528xf32, #tpu.memory_space<vmem>>, vector<16xf32>,
      %get3A_247 = vector.shape_cast %get3A_246 : vector<16xf32> to vector<16xf32>
      %slice3A_248 = vector.extract_strided_slice %get3A_247 {offsets = [0], sizes = [1], strides = [1]} : vector<16xf32> to vector<1xf32>
      %squeeze3A_249 = vector.extract %slice3A_248[0] : f32 from vector<1xf32>
      %broadcast_in_dim3A_250 = vector.broadcast %squeeze3A_249 : f32 to vector<16xf32>
      %eq3A_251 = arith.constant 6 : i32
      %eq3A_252 = vector.broadcast %eq3A_251 : i32 to vector<16xi32>
      %eq3A_253 = arith.cmpi eq, %iota3A, %eq3A_252 : vector<16xi32>
      %select_n3A_254 = arith.select %eq3A_253, %broadcast_in_dim3A_250, %select_n3A_244 : vector<16xi1>, vector<16xf32>
      %get3A_255 = arith.constant 112 : index
      %get3A_256 = tpu.vector_load %arg24[%get3A_255] {strides = array<i32>} : memref<528xf32, #tpu.memory_space<vmem>>, vector<16xf32>,
      %get3A_257 = vector.shape_cast %get3A_256 : vector<16xf32> to vector<16xf32>
      %slice3A_258 = vector.extract_strided_slice %get3A_257 {offsets = [0], sizes = [1], strides = [1]} : vector<16xf32> to vector<1xf32>
      %squeeze3A_259 = vector.extract %slice3A_258[0] : f32 from vector<1xf32>
      %broadcast_in_dim3A_260 = vector.broadcast %squeeze3A_259 : f32 to vector<16xf32>
      %eq3A_261 = arith.constant 7 : i32
      %eq3A_262 = vector.broadcast %eq3A_261 : i32 to vector<16xi32>
      %eq3A_263 = arith.cmpi eq, %iota3A, %eq3A_262 : vector<16xi32>
      %select_n3A_264 = arith.select %eq3A_263, %broadcast_in_dim3A_260, %select_n3A_254 : vector<16xi1>, vector<16xf32>
      %get3A_265 = arith.constant 128 : index
      %get3A_266 = tpu.vector_load %arg24[%get3A_265] {strides = array<i32>} : memref<528xf32, #tpu.memory_space<vmem>>, vector<16xf32>,
      %get3A_267 = vector.shape_cast %get3A_266 : vector<16xf32> to vector<16xf32>
      %slice3A_268 = vector.extract_strided_slice %get3A_267 {offsets = [0], sizes = [1], strides = [1]} : vector<16xf32> to vector<1xf32>
      %squeeze3A_269 = vector.extract %slice3A_268[0] : f32 from vector<1xf32>
      %broadcast_in_dim3A_270 = vector.broadcast %squeeze3A_269 : f32 to vector<16xf32>
      %eq3A_271 = arith.constant 8 : i32
      %eq3A_272 = vector.broadcast %eq3A_271 : i32 to vector<16xi32>
      %eq3A_273 = arith.cmpi eq, %iota3A, %eq3A_272 : vector<16xi32>
      %select_n3A_274 = arith.select %eq3A_273, %broadcast_in_dim3A_270, %select_n3A_264 : vector<16xi1>, vector<16xf32>
      %get3A_275 = arith.constant 144 : index
      %get3A_276 = tpu.vector_load %arg24[%get3A_275] {strides = array<i32>} : memref<528xf32, #tpu.memory_space<vmem>>, vector<16xf32>,
      %get3A_277 = vector.shape_cast %get3A_276 : vector<16xf32> to vector<16xf32>
      %slice3A_278 = vector.extract_strided_slice %get3A_277 {offsets = [0], sizes = [1], strides = [1]} : vector<16xf32> to vector<1xf32>
      %squeeze3A_279 = vector.extract %slice3A_278[0] : f32 from vector<1xf32>
      %broadcast_in_dim3A_280 = vector.broadcast %squeeze3A_279 : f32 to vector<16xf32>
      %eq3A_281 = arith.constant 9 : i32
      %eq3A_282 = vector.broadcast %eq3A_281 : i32 to vector<16xi32>
      %eq3A_283 = arith.cmpi eq, %iota3A, %eq3A_282 : vector<16xi32>
      %select_n3A_284 = arith.select %eq3A_283, %broadcast_in_dim3A_280, %select_n3A_274 : vector<16xi1>, vector<16xf32>
      %get3A_285 = arith.constant 160 : index
      %get3A_286 = tpu.vector_load %arg24[%get3A_285] {strides = array<i32>} : memref<528xf32, #tpu.memory_space<vmem>>, vector<16xf32>,
      %get3A_287 = vector.shape_cast %get3A_286 : vector<16xf32> to vector<16xf32>
      %slice3A_288 = vector.extract_strided_slice %get3A_287 {offsets = [0], sizes = [1], strides = [1]} : vector<16xf32> to vector<1xf32>
      %squeeze3A_289 = vector.extract %slice3A_288[0] : f32 from vector<1xf32>
      %broadcast_in_dim3A_290 = vector.broadcast %squeeze3A_289 : f32 to vector<16xf32>
      %eq3A_291 = arith.constant 10 : i32
      %eq3A_292 = vector.broadcast %eq3A_291 : i32 to vector<16xi32>
      %eq3A_293 = arith.cmpi eq, %iota3A, %eq3A_292 : vector<16xi32>
      %select_n3A_294 = arith.select %eq3A_293, %broadcast_in_dim3A_290, %select_n3A_284 : vector<16xi1>, vector<16xf32>
      %get3A_295 = arith.constant 176 : index
      %get3A_296 = tpu.vector_load %arg24[%get3A_295] {strides = array<i32>} : memref<528xf32, #tpu.memory_space<vmem>>, vector<16xf32>,
      %get3A_297 = vector.shape_cast %get3A_296 : vector<16xf32> to vector<16xf32>
      %slice3A_298 = vector.extract_strided_slice %get3A_297 {offsets = [0], sizes = [1], strides = [1]} : vector<16xf32> to vector<1xf32>
      %squeeze3A_299 = vector.extract %slice3A_298[0] : f32 from vector<1xf32>
      %broadcast_in_dim3A_300 = vector.broadcast %squeeze3A_299 : f32 to vector<16xf32>
      %eq3A_301 = arith.constant 11 : i32
      %eq3A_302 = vector.broadcast %eq3A_301 : i32 to vector<16xi32>
      %eq3A_303 = arith.cmpi eq, %iota3A, %eq3A_302 : vector<16xi32>
      %select_n3A_304 = arith.select %eq3A_303, %broadcast_in_dim3A_300, %select_n3A_294 : vector<16xi1>, vector<16xf32>
      %get3A_305 = arith.constant 192 : index
      %get3A_306 = tpu.vector_load %arg24[%get3A_305] {strides = array<i32>} : memref<528xf32, #tpu.memory_space<vmem>>, vector<16xf32>,
      %get3A_307 = vector.shape_cast %get3A_306 : vector<16xf32> to vector<16xf32>
      %slice3A_308 = vector.extract_strided_slice %get3A_307 {offsets = [0], sizes = [1], strides = [1]} : vector<16xf32> to vector<1xf32>
      %squeeze3A_309 = vector.extract %slice3A_308[0] : f32 from vector<1xf32>
      %broadcast_in_dim3A_310 = vector.broadcast %squeeze3A_309 : f32 to vector<16xf32>
      %eq3A_311 = arith.constant 12 : i32
      %eq3A_312 = vector.broadcast %eq3A_311 : i32 to vector<16xi32>
      %eq3A_313 = arith.cmpi eq, %iota3A, %eq3A_312 : vector<16xi32>
      %select_n3A_314 = arith.select %eq3A_313, %broadcast_in_dim3A_310, %select_n3A_304 : vector<16xi1>, vector<16xf32>
      %get3A_315 = arith.constant 208 : index
      %get3A_316 = tpu.vector_load %arg24[%get3A_315] {strides = array<i32>} : memref<528xf32, #tpu.memory_space<vmem>>, vector<16xf32>,
      %get3A_317 = vector.shape_cast %get3A_316 : vector<16xf32> to vector<16xf32>
      %slice3A_318 = vector.extract_strided_slice %get3A_317 {offsets = [0], sizes = [1], strides = [1]} : vector<16xf32> to vector<1xf32>
      %squeeze3A_319 = vector.extract %slice3A_318[0] : f32 from vector<1xf32>
      %broadcast_in_dim3A_320 = vector.broadcast %squeeze3A_319 : f32 to vector<16xf32>
      %eq3A_321 = arith.constant 13 : i32
      %eq3A_322 = vector.broadcast %eq3A_321 : i32 to vector<16xi32>
      %eq3A_323 = arith.cmpi eq, %iota3A, %eq3A_322 : vector<16xi32>
      %select_n3A_324 = arith.select %eq3A_323, %broadcast_in_dim3A_320, %select_n3A_314 : vector<16xi1>, vector<16xf32>
      %get3A_325 = arith.constant 224 : index
      %get3A_326 = tpu.vector_load %arg24[%get3A_325] {strides = array<i32>} : memref<528xf32, #tpu.memory_space<vmem>>, vector<16xf32>,
      %get3A_327 = vector.shape_cast %get3A_326 : vector<16xf32> to vector<16xf32>
      %slice3A_328 = vector.extract_strided_slice %get3A_327 {offsets = [0], sizes = [1], strides = [1]} : vector<16xf32> to vector<1xf32>
      %squeeze3A_329 = vector.extract %slice3A_328[0] : f32 from vector<1xf32>
      %broadcast_in_dim3A_330 = vector.broadcast %squeeze3A_329 : f32 to vector<16xf32>
      %eq3A_331 = arith.constant 14 : i32
      %eq3A_332 = vector.broadcast %eq3A_331 : i32 to vector<16xi32>
      %eq3A_333 = arith.cmpi eq, %iota3A, %eq3A_332 : vector<16xi32>
      %select_n3A_334 = arith.select %eq3A_333, %broadcast_in_dim3A_330, %select_n3A_324 : vector<16xi1>, vector<16xf32>
      %get3A_335 = arith.constant 240 : index
      %get3A_336 = tpu.vector_load %arg24[%get3A_335] {strides = array<i32>} : memref<528xf32, #tpu.memory_space<vmem>>, vector<16xf32>,
      %get3A_337 = vector.shape_cast %get3A_336 : vector<16xf32> to vector<16xf32>
      %slice3A_338 = vector.extract_strided_slice %get3A_337 {offsets = [0], sizes = [1], strides = [1]} : vector<16xf32> to vector<1xf32>
      %squeeze3A_339 = vector.extract %slice3A_338[0] : f32 from vector<1xf32>
      %broadcast_in_dim3A_340 = vector.broadcast %squeeze3A_339 : f32 to vector<16xf32>
      %eq3A_341 = arith.constant 15 : i32
      %eq3A_342 = vector.broadcast %eq3A_341 : i32 to vector<16xi32>
      %eq3A_343 = arith.cmpi eq, %iota3A, %eq3A_342 : vector<16xi32>
      %select_n3A_344 = arith.select %eq3A_343, %broadcast_in_dim3A_340, %select_n3A_334 : vector<16xi1>, vector<16xf32>
      %bitcast_convert_type3A = tpu.bitcast %select_n3A_344 : vector<16xf32> -> vector<16xi32>
      %shift_right_arithmetic3A = arith.constant 1 : i32
      %shift_right_arithmetic3A_345 = vector.broadcast %shift_right_arithmetic3A : i32 to vector<16xi32>
      %shift_right_arithmetic3A_346 = arith.shrsi %bitcast_convert_type3A, %shift_right_arithmetic3A_345 : vector<16xi32>
      %sub3A = arith.constant 1597463007 : i32
      %sub3A_347 = vector.broadcast %sub3A : i32 to vector<16xi32>
      %sub3A_348 = arith.subi %sub3A_347, %shift_right_arithmetic3A_346 : vector<16xi32>
      %bitcast_convert_type3A_349 = tpu.bitcast %sub3A_348 : vector<16xi32> -> vector<16xf32>
      %mul3A_350 = arith.constant 5.000000e-01 : f32
      %mul3A_351 = vector.broadcast %mul3A_350 : f32 to vector<16xf32>
      %mul3A_352 = arith.mulf %select_n3A_344, %mul3A_351 : vector<16xf32>
      %mul3A_353 = arith.mulf %mul3A_352, %bitcast_convert_type3A_349 : vector<16xf32>
      %mul3A_354 = arith.mulf %mul3A_353, %bitcast_convert_type3A_349 : vector<16xf32>
      %sub3A_355 = arith.constant 1.500000e+00 : f32
      %sub3A_356 = vector.broadcast %sub3A_355 : f32 to vector<16xf32>
      %sub3A_357 = arith.subf %sub3A_356, %mul3A_354 : vector<16xf32>
      %mul3A_358 = arith.mulf %bitcast_convert_type3A_349, %sub3A_357 : vector<16xf32>
      %mul3A_359 = arith.mulf %mul3A_352, %mul3A_358 : vector<16xf32>
      %mul3A_360 = arith.mulf %mul3A_359, %mul3A_358 : vector<16xf32>
      %sub3A_361 = arith.constant 1.500000e+00 : f32
      %sub3A_362 = vector.broadcast %sub3A_361 : f32 to vector<16xf32>
      %sub3A_363 = arith.subf %sub3A_362, %mul3A_360 : vector<16xf32>
      %mul3A_364 = arith.mulf %mul3A_358, %sub3A_363 : vector<16xf32>
      %mul3A_365 = arith.mulf %mul3A_352, %mul3A_364 : vector<16xf32>
      %mul3A_366 = arith.mulf %mul3A_365, %mul3A_364 : vector<16xf32>
      %sub3A_367 = arith.constant 1.500000e+00 : f32
      %sub3A_368 = vector.broadcast %sub3A_367 : f32 to vector<16xf32>
      %sub3A_369 = arith.subf %sub3A_368, %mul3A_366 : vector<16xf32>
      %mul3A_370 = arith.mulf %mul3A_364, %sub3A_369 : vector<16xf32>
      %min3A = arith.constant 9.99999995E+11 : f32
      %min3A_371 = vector.broadcast %min3A : f32 to vector<16xf32>
      %min3A_372 = arith.minimumf %mul3A_370, %min3A_371 : vector<16xf32>
      %swap3A = arith.constant 0 : index
      %swap3A_373 = tpu.vector_load %arg26[%swap3A] {strides = array<i32>} : memref<48xf32, #tpu.memory_space<vmem>>, vector<16xf32>,
      %swap3A_374 = vector.shape_cast %swap3A_373 : vector<16xf32> to vector<16xf32>
      %swap3A_375 = vector.shape_cast %min3A_372 : vector<16xf32> to vector<16xf32>
      tpu.vector_store %arg26[%swap3A], %swap3A_375 {strides = array<i32>} : memref<48xf32, #tpu.memory_space<vmem>>, vector<16xf32>,
      %get3A_376 = arith.constant 256 : index
      %get3A_377 = tpu.vector_load %arg24[%get3A_376] {strides = array<i32>} : memref<528xf32, #tpu.memory_space<vmem>>, vector<16xf32>,
      %get3A_378 = vector.shape_cast %get3A_377 : vector<16xf32> to vector<16xf32>
      %slice3A_379 = vector.extract_strided_slice %get3A_378 {offsets = [0], sizes = [1], strides = [1]} : vector<16xf32> to vector<1xf32>
      %squeeze3A_380 = vector.extract %slice3A_379[0] : f32 from vector<1xf32>
      %broadcast_in_dim3A_381 = vector.broadcast %squeeze3A_380 : f32 to vector<16xf32>
      %get3A_382 = arith.constant 272 : index
      %get3A_383 = tpu.vector_load %arg24[%get3A_382] {strides = array<i32>} : memref<528xf32, #tpu.memory_space<vmem>>, vector<16xf32>,
      %get3A_384 = vector.shape_cast %get3A_383 : vector<16xf32> to vector<16xf32>
      %slice3A_385 = vector.extract_strided_slice %get3A_384 {offsets = [0], sizes = [1], strides = [1]} : vector<16xf32> to vector<1xf32>
      %squeeze3A_386 = vector.extract %slice3A_385[0] : f32 from vector<1xf32>
      %broadcast_in_dim3A_387 = vector.broadcast %squeeze3A_386 : f32 to vector<16xf32>
      %eq3A_388 = arith.constant 1 : i32
      %eq3A_389 = vector.broadcast %eq3A_388 : i32 to vector<16xi32>
      %eq3A_390 = arith.cmpi eq, %iota3A, %eq3A_389 : vector<16xi32>
      %select_n3A_391 = arith.select %eq3A_390, %broadcast_in_dim3A_387, %broadcast_in_dim3A_381 : vector<16xi1>, vector<16xf32>
      %get3A_392 = arith.constant 288 : index
      %get3A_393 = tpu.vector_load %arg24[%get3A_392] {strides = array<i32>} : memref<528xf32, #tpu.memory_space<vmem>>, vector<16xf32>,
      %get3A_394 = vector.shape_cast %get3A_393 : vector<16xf32> to vector<16xf32>
      %slice3A_395 = vector.extract_strided_slice %get3A_394 {offsets = [0], sizes = [1], strides = [1]} : vector<16xf32> to vector<1xf32>
      %squeeze3A_396 = vector.extract %slice3A_395[0] : f32 from vector<1xf32>
      %broadcast_in_dim3A_397 = vector.broadcast %squeeze3A_396 : f32 to vector<16xf32>
      %eq3A_398 = arith.constant 2 : i32
      %eq3A_399 = vector.broadcast %eq3A_398 : i32 to vector<16xi32>
      %eq3A_400 = arith.cmpi eq, %iota3A, %eq3A_399 : vector<16xi32>
      %select_n3A_401 = arith.select %eq3A_400, %broadcast_in_dim3A_397, %select_n3A_391 : vector<16xi1>, vector<16xf32>
      %get3A_402 = arith.constant 304 : index
      %get3A_403 = tpu.vector_load %arg24[%get3A_402] {strides = array<i32>} : memref<528xf32, #tpu.memory_space<vmem>>, vector<16xf32>,
      %get3A_404 = vector.shape_cast %get3A_403 : vector<16xf32> to vector<16xf32>
      %slice3A_405 = vector.extract_strided_slice %get3A_404 {offsets = [0], sizes = [1], strides = [1]} : vector<16xf32> to vector<1xf32>
      %squeeze3A_406 = vector.extract %slice3A_405[0] : f32 from vector<1xf32>
      %broadcast_in_dim3A_407 = vector.broadcast %squeeze3A_406 : f32 to vector<16xf32>
      %eq3A_408 = arith.constant 3 : i32
      %eq3A_409 = vector.broadcast %eq3A_408 : i32 to vector<16xi32>
      %eq3A_410 = arith.cmpi eq, %iota3A, %eq3A_409 : vector<16xi32>
      %select_n3A_411 = arith.select %eq3A_410, %broadcast_in_dim3A_407, %select_n3A_401 : vector<16xi1>, vector<16xf32>
      %get3A_412 = arith.constant 320 : index
      %get3A_413 = tpu.vector_load %arg24[%get3A_412] {strides = array<i32>} : memref<528xf32, #tpu.memory_space<vmem>>, vector<16xf32>,
      %get3A_414 = vector.shape_cast %get3A_413 : vector<16xf32> to vector<16xf32>
      %slice3A_415 = vector.extract_strided_slice %get3A_414 {offsets = [0], sizes = [1], strides = [1]} : vector<16xf32> to vector<1xf32>
      %squeeze3A_416 = vector.extract %slice3A_415[0] : f32 from vector<1xf32>
      %broadcast_in_dim3A_417 = vector.broadcast %squeeze3A_416 : f32 to vector<16xf32>
      %eq3A_418 = arith.constant 4 : i32
      %eq3A_419 = vector.broadcast %eq3A_418 : i32 to vector<16xi32>
      %eq3A_420 = arith.cmpi eq, %iota3A, %eq3A_419 : vector<16xi32>
      %select_n3A_421 = arith.select %eq3A_420, %broadcast_in_dim3A_417, %select_n3A_411 : vector<16xi1>, vector<16xf32>
      %get3A_422 = arith.constant 336 : index
      %get3A_423 = tpu.vector_load %arg24[%get3A_422] {strides = array<i32>} : memref<528xf32, #tpu.memory_space<vmem>>, vector<16xf32>,
      %get3A_424 = vector.shape_cast %get3A_423 : vector<16xf32> to vector<16xf32>
      %slice3A_425 = vector.extract_strided_slice %get3A_424 {offsets = [0], sizes = [1], strides = [1]} : vector<16xf32> to vector<1xf32>
      %squeeze3A_426 = vector.extract %slice3A_425[0] : f32 from vector<1xf32>
      %broadcast_in_dim3A_427 = vector.broadcast %squeeze3A_426 : f32 to vector<16xf32>
      %eq3A_428 = arith.constant 5 : i32
      %eq3A_429 = vector.broadcast %eq3A_428 : i32 to vector<16xi32>
      %eq3A_430 = arith.cmpi eq, %iota3A, %eq3A_429 : vector<16xi32>
      %select_n3A_431 = arith.select %eq3A_430, %broadcast_in_dim3A_427, %select_n3A_421 : vector<16xi1>, vector<16xf32>
      %get3A_432 = arith.constant 352 : index
      %get3A_433 = tpu.vector_load %arg24[%get3A_432] {strides = array<i32>} : memref<528xf32, #tpu.memory_space<vmem>>, vector<16xf32>,
      %get3A_434 = vector.shape_cast %get3A_433 : vector<16xf32> to vector<16xf32>
      %slice3A_435 = vector.extract_strided_slice %get3A_434 {offsets = [0], sizes = [1], strides = [1]} : vector<16xf32> to vector<1xf32>
      %squeeze3A_436 = vector.extract %slice3A_435[0] : f32 from vector<1xf32>
      %broadcast_in_dim3A_437 = vector.broadcast %squeeze3A_436 : f32 to vector<16xf32>
      %eq3A_438 = arith.constant 6 : i32
      %eq3A_439 = vector.broadcast %eq3A_438 : i32 to vector<16xi32>
      %eq3A_440 = arith.cmpi eq, %iota3A, %eq3A_439 : vector<16xi32>
      %select_n3A_441 = arith.select %eq3A_440, %broadcast_in_dim3A_437, %select_n3A_431 : vector<16xi1>, vector<16xf32>
      %get3A_442 = arith.constant 368 : index
      %get3A_443 = tpu.vector_load %arg24[%get3A_442] {strides = array<i32>} : memref<528xf32, #tpu.memory_space<vmem>>, vector<16xf32>,
      %get3A_444 = vector.shape_cast %get3A_443 : vector<16xf32> to vector<16xf32>
      %slice3A_445 = vector.extract_strided_slice %get3A_444 {offsets = [0], sizes = [1], strides = [1]} : vector<16xf32> to vector<1xf32>
      %squeeze3A_446 = vector.extract %slice3A_445[0] : f32 from vector<1xf32>
      %broadcast_in_dim3A_447 = vector.broadcast %squeeze3A_446 : f32 to vector<16xf32>
      %eq3A_448 = arith.constant 7 : i32
      %eq3A_449 = vector.broadcast %eq3A_448 : i32 to vector<16xi32>
      %eq3A_450 = arith.cmpi eq, %iota3A, %eq3A_449 : vector<16xi32>
      %select_n3A_451 = arith.select %eq3A_450, %broadcast_in_dim3A_447, %select_n3A_441 : vector<16xi1>, vector<16xf32>
      %get3A_452 = arith.constant 384 : index
      %get3A_453 = tpu.vector_load %arg24[%get3A_452] {strides = array<i32>} : memref<528xf32, #tpu.memory_space<vmem>>, vector<16xf32>,
      %get3A_454 = vector.shape_cast %get3A_453 : vector<16xf32> to vector<16xf32>
      %slice3A_455 = vector.extract_strided_slice %get3A_454 {offsets = [0], sizes = [1], strides = [1]} : vector<16xf32> to vector<1xf32>
      %squeeze3A_456 = vector.extract %slice3A_455[0] : f32 from vector<1xf32>
      %broadcast_in_dim3A_457 = vector.broadcast %squeeze3A_456 : f32 to vector<16xf32>
      %eq3A_458 = arith.constant 8 : i32
      %eq3A_459 = vector.broadcast %eq3A_458 : i32 to vector<16xi32>
      %eq3A_460 = arith.cmpi eq, %iota3A, %eq3A_459 : vector<16xi32>
      %select_n3A_461 = arith.select %eq3A_460, %broadcast_in_dim3A_457, %select_n3A_451 : vector<16xi1>, vector<16xf32>
      %get3A_462 = arith.constant 400 : index
      %get3A_463 = tpu.vector_load %arg24[%get3A_462] {strides = array<i32>} : memref<528xf32, #tpu.memory_space<vmem>>, vector<16xf32>,
      %get3A_464 = vector.shape_cast %get3A_463 : vector<16xf32> to vector<16xf32>
      %slice3A_465 = vector.extract_strided_slice %get3A_464 {offsets = [0], sizes = [1], strides = [1]} : vector<16xf32> to vector<1xf32>
      %squeeze3A_466 = vector.extract %slice3A_465[0] : f32 from vector<1xf32>
      %broadcast_in_dim3A_467 = vector.broadcast %squeeze3A_466 : f32 to vector<16xf32>
      %eq3A_468 = arith.constant 9 : i32
      %eq3A_469 = vector.broadcast %eq3A_468 : i32 to vector<16xi32>
      %eq3A_470 = arith.cmpi eq, %iota3A, %eq3A_469 : vector<16xi32>
      %select_n3A_471 = arith.select %eq3A_470, %broadcast_in_dim3A_467, %select_n3A_461 : vector<16xi1>, vector<16xf32>
      %get3A_472 = arith.constant 416 : index
      %get3A_473 = tpu.vector_load %arg24[%get3A_472] {strides = array<i32>} : memref<528xf32, #tpu.memory_space<vmem>>, vector<16xf32>,
      %get3A_474 = vector.shape_cast %get3A_473 : vector<16xf32> to vector<16xf32>
      %slice3A_475 = vector.extract_strided_slice %get3A_474 {offsets = [0], sizes = [1], strides = [1]} : vector<16xf32> to vector<1xf32>
      %squeeze3A_476 = vector.extract %slice3A_475[0] : f32 from vector<1xf32>
      %broadcast_in_dim3A_477 = vector.broadcast %squeeze3A_476 : f32 to vector<16xf32>
      %eq3A_478 = arith.constant 10 : i32
      %eq3A_479 = vector.broadcast %eq3A_478 : i32 to vector<16xi32>
      %eq3A_480 = arith.cmpi eq, %iota3A, %eq3A_479 : vector<16xi32>
      %select_n3A_481 = arith.select %eq3A_480, %broadcast_in_dim3A_477, %select_n3A_471 : vector<16xi1>, vector<16xf32>
      %get3A_482 = arith.constant 432 : index
      %get3A_483 = tpu.vector_load %arg24[%get3A_482] {strides = array<i32>} : memref<528xf32, #tpu.memory_space<vmem>>, vector<16xf32>,
      %get3A_484 = vector.shape_cast %get3A_483 : vector<16xf32> to vector<16xf32>
      %slice3A_485 = vector.extract_strided_slice %get3A_484 {offsets = [0], sizes = [1], strides = [1]} : vector<16xf32> to vector<1xf32>
      %squeeze3A_486 = vector.extract %slice3A_485[0] : f32 from vector<1xf32>
      %broadcast_in_dim3A_487 = vector.broadcast %squeeze3A_486 : f32 to vector<16xf32>
      %eq3A_488 = arith.constant 11 : i32
      %eq3A_489 = vector.broadcast %eq3A_488 : i32 to vector<16xi32>
      %eq3A_490 = arith.cmpi eq, %iota3A, %eq3A_489 : vector<16xi32>
      %select_n3A_491 = arith.select %eq3A_490, %broadcast_in_dim3A_487, %select_n3A_481 : vector<16xi1>, vector<16xf32>
      %get3A_492 = arith.constant 448 : index
      %get3A_493 = tpu.vector_load %arg24[%get3A_492] {strides = array<i32>} : memref<528xf32, #tpu.memory_space<vmem>>, vector<16xf32>,
      %get3A_494 = vector.shape_cast %get3A_493 : vector<16xf32> to vector<16xf32>
      %slice3A_495 = vector.extract_strided_slice %get3A_494 {offsets = [0], sizes = [1], strides = [1]} : vector<16xf32> to vector<1xf32>
      %squeeze3A_496 = vector.extract %slice3A_495[0] : f32 from vector<1xf32>
      %broadcast_in_dim3A_497 = vector.broadcast %squeeze3A_496 : f32 to vector<16xf32>
      %eq3A_498 = arith.constant 12 : i32
      %eq3A_499 = vector.broadcast %eq3A_498 : i32 to vector<16xi32>
      %eq3A_500 = arith.cmpi eq, %iota3A, %eq3A_499 : vector<16xi32>
      %select_n3A_501 = arith.select %eq3A_500, %broadcast_in_dim3A_497, %select_n3A_491 : vector<16xi1>, vector<16xf32>
      %get3A_502 = arith.constant 464 : index
      %get3A_503 = tpu.vector_load %arg24[%get3A_502] {strides = array<i32>} : memref<528xf32, #tpu.memory_space<vmem>>, vector<16xf32>,
      %get3A_504 = vector.shape_cast %get3A_503 : vector<16xf32> to vector<16xf32>
      %slice3A_505 = vector.extract_strided_slice %get3A_504 {offsets = [0], sizes = [1], strides = [1]} : vector<16xf32> to vector<1xf32>
      %squeeze3A_506 = vector.extract %slice3A_505[0] : f32 from vector<1xf32>
      %broadcast_in_dim3A_507 = vector.broadcast %squeeze3A_506 : f32 to vector<16xf32>
      %eq3A_508 = arith.constant 13 : i32
      %eq3A_509 = vector.broadcast %eq3A_508 : i32 to vector<16xi32>
      %eq3A_510 = arith.cmpi eq, %iota3A, %eq3A_509 : vector<16xi32>
      %select_n3A_511 = arith.select %eq3A_510, %broadcast_in_dim3A_507, %select_n3A_501 : vector<16xi1>, vector<16xf32>
      %get3A_512 = arith.constant 480 : index
      %get3A_513 = tpu.vector_load %arg24[%get3A_512] {strides = array<i32>} : memref<528xf32, #tpu.memory_space<vmem>>, vector<16xf32>,
      %get3A_514 = vector.shape_cast %get3A_513 : vector<16xf32> to vector<16xf32>
      %slice3A_515 = vector.extract_strided_slice %get3A_514 {offsets = [0], sizes = [1], strides = [1]} : vector<16xf32> to vector<1xf32>
      %squeeze3A_516 = vector.extract %slice3A_515[0] : f32 from vector<1xf32>
      %broadcast_in_dim3A_517 = vector.broadcast %squeeze3A_516 : f32 to vector<16xf32>
      %eq3A_518 = arith.constant 14 : i32
      %eq3A_519 = vector.broadcast %eq3A_518 : i32 to vector<16xi32>
      %eq3A_520 = arith.cmpi eq, %iota3A, %eq3A_519 : vector<16xi32>
      %select_n3A_521 = arith.select %eq3A_520, %broadcast_in_dim3A_517, %select_n3A_511 : vector<16xi1>, vector<16xf32>
      %get3A_522 = arith.constant 496 : index
      %get3A_523 = tpu.vector_load %arg24[%get3A_522] {strides = array<i32>} : memref<528xf32, #tpu.memory_space<vmem>>, vector<16xf32>,
      %get3A_524 = vector.shape_cast %get3A_523 : vector<16xf32> to vector<16xf32>
      %slice3A_525 = vector.extract_strided_slice %get3A_524 {offsets = [0], sizes = [1], strides = [1]} : vector<16xf32> to vector<1xf32>
      %squeeze3A_526 = vector.extract %slice3A_525[0] : f32 from vector<1xf32>
      %broadcast_in_dim3A_527 = vector.broadcast %squeeze3A_526 : f32 to vector<16xf32>
      %eq3A_528 = arith.constant 15 : i32
      %eq3A_529 = vector.broadcast %eq3A_528 : i32 to vector<16xi32>
      %eq3A_530 = arith.cmpi eq, %iota3A, %eq3A_529 : vector<16xi32>
      %select_n3A_531 = arith.select %eq3A_530, %broadcast_in_dim3A_527, %select_n3A_521 : vector<16xi1>, vector<16xf32>
      %bitcast_convert_type3A_532 = tpu.bitcast %select_n3A_531 : vector<16xf32> -> vector<16xi32>
      %shift_right_arithmetic3A_533 = arith.constant 1 : i32
      %shift_right_arithmetic3A_534 = vector.broadcast %shift_right_arithmetic3A_533 : i32 to vector<16xi32>
      %shift_right_arithmetic3A_535 = arith.shrsi %bitcast_convert_type3A_532, %shift_right_arithmetic3A_534 : vector<16xi32>
      %sub3A_536 = arith.constant 1597463007 : i32
      %sub3A_537 = vector.broadcast %sub3A_536 : i32 to vector<16xi32>
      %sub3A_538 = arith.subi %sub3A_537, %shift_right_arithmetic3A_535 : vector<16xi32>
      %bitcast_convert_type3A_539 = tpu.bitcast %sub3A_538 : vector<16xi32> -> vector<16xf32>
      %mul3A_540 = arith.constant 5.000000e-01 : f32
      %mul3A_541 = vector.broadcast %mul3A_540 : f32 to vector<16xf32>
      %mul3A_542 = arith.mulf %select_n3A_531, %mul3A_541 : vector<16xf32>
      %mul3A_543 = arith.mulf %mul3A_542, %bitcast_convert_type3A_539 : vector<16xf32>
      %mul3A_544 = arith.mulf %mul3A_543, %bitcast_convert_type3A_539 : vector<16xf32>
      %sub3A_545 = arith.constant 1.500000e+00 : f32
      %sub3A_546 = vector.broadcast %sub3A_545 : f32 to vector<16xf32>
      %sub3A_547 = arith.subf %sub3A_546, %mul3A_544 : vector<16xf32>
      %mul3A_548 = arith.mulf %bitcast_convert_type3A_539, %sub3A_547 : vector<16xf32>
      %mul3A_549 = arith.mulf %mul3A_542, %mul3A_548 : vector<16xf32>
      %mul3A_550 = arith.mulf %mul3A_549, %mul3A_548 : vector<16xf32>
      %sub3A_551 = arith.constant 1.500000e+00 : f32
      %sub3A_552 = vector.broadcast %sub3A_551 : f32 to vector<16xf32>
      %sub3A_553 = arith.subf %sub3A_552, %mul3A_550 : vector<16xf32>
      %mul3A_554 = arith.mulf %mul3A_548, %sub3A_553 : vector<16xf32>
      %mul3A_555 = arith.mulf %mul3A_542, %mul3A_554 : vector<16xf32>
      %mul3A_556 = arith.mulf %mul3A_555, %mul3A_554 : vector<16xf32>
      %sub3A_557 = arith.constant 1.500000e+00 : f32
      %sub3A_558 = vector.broadcast %sub3A_557 : f32 to vector<16xf32>
      %sub3A_559 = arith.subf %sub3A_558, %mul3A_556 : vector<16xf32>
      %mul3A_560 = arith.mulf %mul3A_554, %sub3A_559 : vector<16xf32>
      %min3A_561 = arith.constant 9.99999995E+11 : f32
      %min3A_562 = vector.broadcast %min3A_561 : f32 to vector<16xf32>
      %min3A_563 = arith.minimumf %mul3A_560, %min3A_562 : vector<16xf32>
      %swap3A_564 = arith.constant 16 : index
      %swap3A_565 = tpu.vector_load %arg26[%swap3A_564] {strides = array<i32>} : memref<48xf32, #tpu.memory_space<vmem>>, vector<16xf32>,
      %swap3A_566 = vector.shape_cast %swap3A_565 : vector<16xf32> to vector<16xf32>
      %swap3A_567 = vector.shape_cast %min3A_563 : vector<16xf32> to vector<16xf32>
      tpu.vector_store %arg26[%swap3A_564], %swap3A_567 {strides = array<i32>} : memref<48xf32, #tpu.memory_space<vmem>>, vector<16xf32>,
      %parallel_loop3A_568 = arith.constant 0 : i32
      %parallel_loop3A_569 = arith.constant 32 : i32
      %parallel_loop3A_570 = arith.constant 1 : i32
      scf.for %parallel_loop3A_1053 = %parallel_loop3A_568 to %parallel_loop3A_569 step %parallel_loop3A_570  : i32 {
        %parallel_loop3A_1054 = arith.index_cast %parallel_loop3A_1053 : i32 to index
        %parallel_loop3A_1055 = tpu.vector_load %arg26[%parallel_loop3A_1054] {strides = array<i32>} : memref<48xf32, #tpu.memory_space<vmem>>, vector<16xf32>,
        %parallel_loop3A_1056 = vector.shape_cast %parallel_loop3A_1055 : vector<16xf32> to vector<16xf32>
        %parallel_loop3A_1057 = vector.extract_strided_slice %parallel_loop3A_1056 {offsets = [0], sizes = [1], strides = [1]} : vector<16xf32> to vector<1xf32>
        %parallel_loop3A_1058 = vector.extract %parallel_loop3A_1057[0] : f32 from vector<1xf32>
        %parallel_loop3A_1059 = vector.broadcast %parallel_loop3A_1058 : f32 to vector<16xf32>
        %parallel_loop3A_1060 = arith.index_cast %parallel_loop3A_1053 : i32 to index
        %parallel_loop3A_1061 = arith.constant 0 : index
        %parallel_loop3A_1062 = tpu.vector_load %arg20[%parallel_loop3A_1060, %parallel_loop3A_1061] {strides = array<i32>} : memref<32x128xf32, #tpu.memory_space<vmem>>, vector<1x16xf32>,
        %parallel_loop3A_1063 = vector.shape_cast %parallel_loop3A_1062 : vector<1x16xf32> to vector<16xf32>
        %parallel_loop3A_1064 = arith.index_cast %parallel_loop3A_1053 : i32 to index
        %parallel_loop3A_1065 = arith.constant 0 : index
        %parallel_loop3A_1066 = tpu.vector_load %arg21[%parallel_loop3A_1064, %parallel_loop3A_1065] {strides = array<i32>} : memref<32x128xf32, #tpu.memory_space<vmem>>, vector<1x16xf32>,
        %parallel_loop3A_1067 = vector.shape_cast %parallel_loop3A_1066 : vector<1x16xf32> to vector<16xf32>
        %parallel_loop3A_1068 = arith.mulf %parallel_loop3A_1067, %parallel_loop3A_1059 : vector<16xf32>
        %parallel_loop3A_1069 = arith.addf %parallel_loop3A_1063, %parallel_loop3A_1068 : vector<16xf32>
        %parallel_loop3A_1070 = arith.index_cast %parallel_loop3A_1053 : i32 to index
        %parallel_loop3A_1071 = arith.constant 0 : index
        %parallel_loop3A_1072 = tpu.vector_load %arg20[%parallel_loop3A_1070, %parallel_loop3A_1071] {strides = array<i32>} : memref<32x128xf32, #tpu.memory_space<vmem>>, vector<1x16xf32>,
        %parallel_loop3A_1073 = vector.shape_cast %parallel_loop3A_1072 : vector<1x16xf32> to vector<16xf32>
        %parallel_loop3A_1074 = vector.shape_cast %parallel_loop3A_1069 : vector<16xf32> to vector<1x16xf32>
        tpu.vector_store %arg20[%parallel_loop3A_1070, %parallel_loop3A_1071], %parallel_loop3A_1074 {strides = array<i32>} : memref<32x128xf32, #tpu.memory_space<vmem>>, vector<1x16xf32>,
        %parallel_loop3A_1075 = arith.index_cast %parallel_loop3A_1053 : i32 to index
        %parallel_loop3A_1076 = arith.constant 16 : index
        %parallel_loop3A_1077 = tpu.vector_load %arg20[%parallel_loop3A_1075, %parallel_loop3A_1076] {strides = array<i32>} : memref<32x128xf32, #tpu.memory_space<vmem>>, vector<1x16xf32>,
        %parallel_loop3A_1078 = vector.shape_cast %parallel_loop3A_1077 : vector<1x16xf32> to vector<16xf32>
        %parallel_loop3A_1079 = arith.index_cast %parallel_loop3A_1053 : i32 to index
        %parallel_loop3A_1080 = arith.constant 16 : index
        %parallel_loop3A_1081 = tpu.vector_load %arg21[%parallel_loop3A_1079, %parallel_loop3A_1080] {strides = array<i32>} : memref<32x128xf32, #tpu.memory_space<vmem>>, vector<1x16xf32>,
        %parallel_loop3A_1082 = vector.shape_cast %parallel_loop3A_1081 : vector<1x16xf32> to vector<16xf32>
        %parallel_loop3A_1083 = arith.mulf %parallel_loop3A_1082, %parallel_loop3A_1059 : vector<16xf32>
        %parallel_loop3A_1084 = arith.addf %parallel_loop3A_1078, %parallel_loop3A_1083 : vector<16xf32>
        %parallel_loop3A_1085 = arith.index_cast %parallel_loop3A_1053 : i32 to index
        %parallel_loop3A_1086 = arith.constant 16 : index
        %parallel_loop3A_1087 = tpu.vector_load %arg20[%parallel_loop3A_1085, %parallel_loop3A_1086] {strides = array<i32>} : memref<32x128xf32, #tpu.memory_space<vmem>>, vector<1x16xf32>,
        %parallel_loop3A_1088 = vector.shape_cast %parallel_loop3A_1087 : vector<1x16xf32> to vector<16xf32>
        %parallel_loop3A_1089 = vector.shape_cast %parallel_loop3A_1084 : vector<16xf32> to vector<1x16xf32>
        tpu.vector_store %arg20[%parallel_loop3A_1085, %parallel_loop3A_1086], %parallel_loop3A_1089 {strides = array<i32>} : memref<32x128xf32, #tpu.memory_space<vmem>>, vector<1x16xf32>,
        %parallel_loop3A_1090 = arith.index_cast %parallel_loop3A_1053 : i32 to index
        %parallel_loop3A_1091 = arith.constant 32 : index
        %parallel_loop3A_1092 = tpu.vector_load %arg20[%parallel_loop3A_1090, %parallel_loop3A_1091] {strides = array<i32>} : memref<32x128xf32, #tpu.memory_space<vmem>>, vector<1x16xf32>,
        %parallel_loop3A_1093 = vector.shape_cast %parallel_loop3A_1092 : vector<1x16xf32> to vector<16xf32>
        %parallel_loop3A_1094 = arith.index_cast %parallel_loop3A_1053 : i32 to index
        %parallel_loop3A_1095 = arith.constant 32 : index
        %parallel_loop3A_1096 = tpu.vector_load %arg21[%parallel_loop3A_1094, %parallel_loop3A_1095] {strides = array<i32>} : memref<32x128xf32, #tpu.memory_space<vmem>>, vector<1x16xf32>,
        %parallel_loop3A_1097 = vector.shape_cast %parallel_loop3A_1096 : vector<1x16xf32> to vector<16xf32>
        %parallel_loop3A_1098 = arith.mulf %parallel_loop3A_1097, %parallel_loop3A_1059 : vector<16xf32>
        %parallel_loop3A_1099 = arith.addf %parallel_loop3A_1093, %parallel_loop3A_1098 : vector<16xf32>
        %parallel_loop3A_1100 = arith.index_cast %parallel_loop3A_1053 : i32 to index
        %parallel_loop3A_1101 = arith.constant 32 : index
        %parallel_loop3A_1102 = tpu.vector_load %arg20[%parallel_loop3A_1100, %parallel_loop3A_1101] {strides = array<i32>} : memref<32x128xf32, #tpu.memory_space<vmem>>, vector<1x16xf32>,
        %parallel_loop3A_1103 = vector.shape_cast %parallel_loop3A_1102 : vector<1x16xf32> to vector<16xf32>
        %parallel_loop3A_1104 = vector.shape_cast %parallel_loop3A_1099 : vector<16xf32> to vector<1x16xf32>
        tpu.vector_store %arg20[%parallel_loop3A_1100, %parallel_loop3A_1101], %parallel_loop3A_1104 {strides = array<i32>} : memref<32x128xf32, #tpu.memory_space<vmem>>, vector<1x16xf32>,
        %parallel_loop3A_1105 = arith.index_cast %parallel_loop3A_1053 : i32 to index
        %parallel_loop3A_1106 = arith.constant 48 : index
        %parallel_loop3A_1107 = tpu.vector_load %arg20[%parallel_loop3A_1105, %parallel_loop3A_1106] {strides = array<i32>} : memref<32x128xf32, #tpu.memory_space<vmem>>, vector<1x16xf32>,
        %parallel_loop3A_1108 = vector.shape_cast %parallel_loop3A_1107 : vector<1x16xf32> to vector<16xf32>
        %parallel_loop3A_1109 = arith.index_cast %parallel_loop3A_1053 : i32 to index
        %parallel_loop3A_1110 = arith.constant 48 : index
        %parallel_loop3A_1111 = tpu.vector_load %arg21[%parallel_loop3A_1109, %parallel_loop3A_1110] {strides = array<i32>} : memref<32x128xf32, #tpu.memory_space<vmem>>, vector<1x16xf32>,
        %parallel_loop3A_1112 = vector.shape_cast %parallel_loop3A_1111 : vector<1x16xf32> to vector<16xf32>
        %parallel_loop3A_1113 = arith.mulf %parallel_loop3A_1112, %parallel_loop3A_1059 : vector<16xf32>
        %parallel_loop3A_1114 = arith.addf %parallel_loop3A_1108, %parallel_loop3A_1113 : vector<16xf32>
        %parallel_loop3A_1115 = arith.index_cast %parallel_loop3A_1053 : i32 to index
        %parallel_loop3A_1116 = arith.constant 48 : index
        %parallel_loop3A_1117 = tpu.vector_load %arg20[%parallel_loop3A_1115, %parallel_loop3A_1116] {strides = array<i32>} : memref<32x128xf32, #tpu.memory_space<vmem>>, vector<1x16xf32>,
        %parallel_loop3A_1118 = vector.shape_cast %parallel_loop3A_1117 : vector<1x16xf32> to vector<16xf32>
        %parallel_loop3A_1119 = vector.shape_cast %parallel_loop3A_1114 : vector<16xf32> to vector<1x16xf32>
        tpu.vector_store %arg20[%parallel_loop3A_1115, %parallel_loop3A_1116], %parallel_loop3A_1119 {strides = array<i32>} : memref<32x128xf32, #tpu.memory_space<vmem>>, vector<1x16xf32>,
        %parallel_loop3A_1120 = arith.index_cast %parallel_loop3A_1053 : i32 to index
        %parallel_loop3A_1121 = arith.constant 64 : index
        %parallel_loop3A_1122 = tpu.vector_load %arg20[%parallel_loop3A_1120, %parallel_loop3A_1121] {strides = array<i32>} : memref<32x128xf32, #tpu.memory_space<vmem>>, vector<1x16xf32>,
        %parallel_loop3A_1123 = vector.shape_cast %parallel_loop3A_1122 : vector<1x16xf32> to vector<16xf32>
        %parallel_loop3A_1124 = arith.index_cast %parallel_loop3A_1053 : i32 to index
        %parallel_loop3A_1125 = arith.constant 64 : index
        %parallel_loop3A_1126 = tpu.vector_load %arg21[%parallel_loop3A_1124, %parallel_loop3A_1125] {strides = array<i32>} : memref<32x128xf32, #tpu.memory_space<vmem>>, vector<1x16xf32>,
        %parallel_loop3A_1127 = vector.shape_cast %parallel_loop3A_1126 : vector<1x16xf32> to vector<16xf32>
        %parallel_loop3A_1128 = arith.mulf %parallel_loop3A_1127, %parallel_loop3A_1059 : vector<16xf32>
        %parallel_loop3A_1129 = arith.addf %parallel_loop3A_1123, %parallel_loop3A_1128 : vector<16xf32>
        %parallel_loop3A_1130 = arith.index_cast %parallel_loop3A_1053 : i32 to index
        %parallel_loop3A_1131 = arith.constant 64 : index
        %parallel_loop3A_1132 = tpu.vector_load %arg20[%parallel_loop3A_1130, %parallel_loop3A_1131] {strides = array<i32>} : memref<32x128xf32, #tpu.memory_space<vmem>>, vector<1x16xf32>,
        %parallel_loop3A_1133 = vector.shape_cast %parallel_loop3A_1132 : vector<1x16xf32> to vector<16xf32>
        %parallel_loop3A_1134 = vector.shape_cast %parallel_loop3A_1129 : vector<16xf32> to vector<1x16xf32>
        tpu.vector_store %arg20[%parallel_loop3A_1130, %parallel_loop3A_1131], %parallel_loop3A_1134 {strides = array<i32>} : memref<32x128xf32, #tpu.memory_space<vmem>>, vector<1x16xf32>,
        %parallel_loop3A_1135 = arith.index_cast %parallel_loop3A_1053 : i32 to index
        %parallel_loop3A_1136 = arith.constant 80 : index
        %parallel_loop3A_1137 = tpu.vector_load %arg20[%parallel_loop3A_1135, %parallel_loop3A_1136] {strides = array<i32>} : memref<32x128xf32, #tpu.memory_space<vmem>>, vector<1x16xf32>,
        %parallel_loop3A_1138 = vector.shape_cast %parallel_loop3A_1137 : vector<1x16xf32> to vector<16xf32>
        %parallel_loop3A_1139 = arith.index_cast %parallel_loop3A_1053 : i32 to index
        %parallel_loop3A_1140 = arith.constant 80 : index
        %parallel_loop3A_1141 = tpu.vector_load %arg21[%parallel_loop3A_1139, %parallel_loop3A_1140] {strides = array<i32>} : memref<32x128xf32, #tpu.memory_space<vmem>>, vector<1x16xf32>,
        %parallel_loop3A_1142 = vector.shape_cast %parallel_loop3A_1141 : vector<1x16xf32> to vector<16xf32>
        %parallel_loop3A_1143 = arith.mulf %parallel_loop3A_1142, %parallel_loop3A_1059 : vector<16xf32>
        %parallel_loop3A_1144 = arith.addf %parallel_loop3A_1138, %parallel_loop3A_1143 : vector<16xf32>
        %parallel_loop3A_1145 = arith.index_cast %parallel_loop3A_1053 : i32 to index
        %parallel_loop3A_1146 = arith.constant 80 : index
        %parallel_loop3A_1147 = tpu.vector_load %arg20[%parallel_loop3A_1145, %parallel_loop3A_1146] {strides = array<i32>} : memref<32x128xf32, #tpu.memory_space<vmem>>, vector<1x16xf32>,
        %parallel_loop3A_1148 = vector.shape_cast %parallel_loop3A_1147 : vector<1x16xf32> to vector<16xf32>
        %parallel_loop3A_1149 = vector.shape_cast %parallel_loop3A_1144 : vector<16xf32> to vector<1x16xf32>
        tpu.vector_store %arg20[%parallel_loop3A_1145, %parallel_loop3A_1146], %parallel_loop3A_1149 {strides = array<i32>} : memref<32x128xf32, #tpu.memory_space<vmem>>, vector<1x16xf32>,
        %parallel_loop3A_1150 = arith.index_cast %parallel_loop3A_1053 : i32 to index
        %parallel_loop3A_1151 = arith.constant 96 : index
        %parallel_loop3A_1152 = tpu.vector_load %arg20[%parallel_loop3A_1150, %parallel_loop3A_1151] {strides = array<i32>} : memref<32x128xf32, #tpu.memory_space<vmem>>, vector<1x16xf32>,
        %parallel_loop3A_1153 = vector.shape_cast %parallel_loop3A_1152 : vector<1x16xf32> to vector<16xf32>
        %parallel_loop3A_1154 = arith.index_cast %parallel_loop3A_1053 : i32 to index
        %parallel_loop3A_1155 = arith.constant 96 : index
        %parallel_loop3A_1156 = tpu.vector_load %arg21[%parallel_loop3A_1154, %parallel_loop3A_1155] {strides = array<i32>} : memref<32x128xf32, #tpu.memory_space<vmem>>, vector<1x16xf32>,
        %parallel_loop3A_1157 = vector.shape_cast %parallel_loop3A_1156 : vector<1x16xf32> to vector<16xf32>
        %parallel_loop3A_1158 = arith.mulf %parallel_loop3A_1157, %parallel_loop3A_1059 : vector<16xf32>
        %parallel_loop3A_1159 = arith.addf %parallel_loop3A_1153, %parallel_loop3A_1158 : vector<16xf32>
        %parallel_loop3A_1160 = arith.index_cast %parallel_loop3A_1053 : i32 to index
        %parallel_loop3A_1161 = arith.constant 96 : index
        %parallel_loop3A_1162 = tpu.vector_load %arg20[%parallel_loop3A_1160, %parallel_loop3A_1161] {strides = array<i32>} : memref<32x128xf32, #tpu.memory_space<vmem>>, vector<1x16xf32>,
        %parallel_loop3A_1163 = vector.shape_cast %parallel_loop3A_1162 : vector<1x16xf32> to vector<16xf32>
        %parallel_loop3A_1164 = vector.shape_cast %parallel_loop3A_1159 : vector<16xf32> to vector<1x16xf32>
        tpu.vector_store %arg20[%parallel_loop3A_1160, %parallel_loop3A_1161], %parallel_loop3A_1164 {strides = array<i32>} : memref<32x128xf32, #tpu.memory_space<vmem>>, vector<1x16xf32>,
        %parallel_loop3A_1165 = arith.index_cast %parallel_loop3A_1053 : i32 to index
        %parallel_loop3A_1166 = arith.constant 112 : index
        %parallel_loop3A_1167 = tpu.vector_load %arg20[%parallel_loop3A_1165, %parallel_loop3A_1166] {strides = array<i32>} : memref<32x128xf32, #tpu.memory_space<vmem>>, vector<1x16xf32>,
        %parallel_loop3A_1168 = vector.shape_cast %parallel_loop3A_1167 : vector<1x16xf32> to vector<16xf32>
        %parallel_loop3A_1169 = arith.index_cast %parallel_loop3A_1053 : i32 to index
        %parallel_loop3A_1170 = arith.constant 112 : index
        %parallel_loop3A_1171 = tpu.vector_load %arg21[%parallel_loop3A_1169, %parallel_loop3A_1170] {strides = array<i32>} : memref<32x128xf32, #tpu.memory_space<vmem>>, vector<1x16xf32>,
        %parallel_loop3A_1172 = vector.shape_cast %parallel_loop3A_1171 : vector<1x16xf32> to vector<16xf32>
        %parallel_loop3A_1173 = arith.mulf %parallel_loop3A_1172, %parallel_loop3A_1059 : vector<16xf32>
        %parallel_loop3A_1174 = arith.addf %parallel_loop3A_1168, %parallel_loop3A_1173 : vector<16xf32>
        %parallel_loop3A_1175 = arith.index_cast %parallel_loop3A_1053 : i32 to index
        %parallel_loop3A_1176 = arith.constant 112 : index
        %parallel_loop3A_1177 = tpu.vector_load %arg20[%parallel_loop3A_1175, %parallel_loop3A_1176] {strides = array<i32>} : memref<32x128xf32, #tpu.memory_space<vmem>>, vector<1x16xf32>,
        %parallel_loop3A_1178 = vector.shape_cast %parallel_loop3A_1177 : vector<1x16xf32> to vector<16xf32>
        %parallel_loop3A_1179 = vector.shape_cast %parallel_loop3A_1174 : vector<16xf32> to vector<1x16xf32>
        tpu.vector_store %arg20[%parallel_loop3A_1175, %parallel_loop3A_1176], %parallel_loop3A_1179 {strides = array<i32>} : memref<32x128xf32, #tpu.memory_space<vmem>>, vector<1x16xf32>,
      } {sc.loop_unroll_factor = 4 : i64, sc.parallel_access}
      %mul3A_571 = arith.constant 32 : i32
      %mul3A_572 = arith.muli %add3A_134, %mul3A_571 : i32
      %add3A_573 = arith.addi %mul3A_2, %mul3A_572 : i32
      %dma_start3A_574 = arith.constant 0 : i32
      %dma_start3A_575 = tpu.memref_slice %arg10[%add3A_573, %dma_start3A_574] : memref<16384x128xf32, #tpu.memory_space<hbm>> -> memref<32x128xf32, #tpu.memory_space<hbm>>
      %dma_start3A_576 = arith.constant 0 : i32
      %dma_start3A_577 = tpu.memref_slice %arg10[%add3A_573, %dma_start3A_576] : memref<16384x128xf32, #tpu.memory_space<hbm>> -> memref<32x128xf32, #tpu.memory_space<hbm>>
      tpu.enqueue_dma source(%arg20 : memref<32x128xf32, #tpu.memory_space<vmem>>) target(%dma_start3A_577 : memref<32x128xf32, #tpu.memory_space<hbm>>) target_semaphore(%arg29 : memref<!tpu.dma_semaphore, #tpu.memory_space<semaphore_mem>>)
      %add3A_578 = arith.constant 2 : i32
      %add3A_579 = arith.addi %add3A_134, %add3A_578 : i32
      %lt3A = arith.constant 16 : i32
      %lt3A_580 = arith.cmpi slt, %add3A_579, %lt3A : i32
      %convert_element_type3A_581 = arith.extui %lt3A_580 : i1 to i32
      %cond3A_582 = arith.constant 0 : i32
      %cond3A_583 = arith.cmpi ne, %convert_element_type3A_581, %cond3A_582 : i32
      scf.if %cond3A_583 {
        %add3A_1053 = arith.constant 2 : i32
        %add3A_1054 = arith.addi %add3A_134, %add3A_1053 : i32
        %mul3A_1055 = arith.constant 32 : i32
        %mul3A_1056 = arith.muli %add3A_1054, %mul3A_1055 : i32
        %dma_start3A_1057 = arith.constant 0 : i32
        %dma_start3A_1058 = arith.constant 0 : i32
        %dma_start3A_1059 = tpu.memref_slice %arg18[%dma_start3A_1057, %dma_start3A_1058] : memref<224x128xf32, #tpu.memory_space<vmem>> -> memref<32x128xf32, #tpu.memory_space<vmem>>
        %dma_start3A_1060 = tpu.memref_slice %arg11[%mul3A_1056] : memref<512xi32, #tpu.memory_space<vmem>> -> memref<32xi32, #tpu.memory_space<vmem>>
        %dma_start3A_1061 = arith.constant 0 : i32
        %dma_start3A_1062 = arith.constant 0 : i32
        %dma_start3A_1063 = tpu.memref_slice %arg2[%dma_start3A_1061, %dma_start3A_1062] : memref<2856x128xf32, #tpu.memory_space<hbm>> -> memref<2856x128xf32, #tpu.memory_space<hbm>>
        tpu.enqueue_indirect_dma source(%dma_start3A_1063 : memref<2856x128xf32, #tpu.memory_space<hbm>>) target(%dma_start3A_1059 : memref<32x128xf32, #tpu.memory_space<vmem>>) offsets(%dma_start3A_1060 : memref<32xi32, #tpu.memory_space<vmem>>) semaphore(%arg27 : memref<!tpu.dma_semaphore, #tpu.memory_space<semaphore_mem>>)
        %dma_start3A_1064 = arith.constant 32 : i32
        %dma_start3A_1065 = arith.constant 0 : i32
        %dma_start3A_1066 = tpu.memref_slice %arg18[%dma_start3A_1064, %dma_start3A_1065] : memref<224x128xf32, #tpu.memory_space<vmem>> -> memref<32x128xf32, #tpu.memory_space<vmem>>
        %dma_start3A_1067 = tpu.memref_slice %arg12[%mul3A_1056] : memref<512xi32, #tpu.memory_space<vmem>> -> memref<32xi32, #tpu.memory_space<vmem>>
        %dma_start3A_1068 = arith.constant 0 : i32
        %dma_start3A_1069 = arith.constant 0 : i32
        %dma_start3A_1070 = tpu.memref_slice %arg2[%dma_start3A_1068, %dma_start3A_1069] : memref<2856x128xf32, #tpu.memory_space<hbm>> -> memref<2856x128xf32, #tpu.memory_space<hbm>>
        tpu.enqueue_indirect_dma source(%dma_start3A_1070 : memref<2856x128xf32, #tpu.memory_space<hbm>>) target(%dma_start3A_1066 : memref<32x128xf32, #tpu.memory_space<vmem>>) offsets(%dma_start3A_1067 : memref<32xi32, #tpu.memory_space<vmem>>) semaphore(%arg27 : memref<!tpu.dma_semaphore, #tpu.memory_space<semaphore_mem>>)
        %dma_start3A_1071 = arith.constant 64 : i32
        %dma_start3A_1072 = arith.constant 0 : i32
        %dma_start3A_1073 = tpu.memref_slice %arg18[%dma_start3A_1071, %dma_start3A_1072] : memref<224x128xf32, #tpu.memory_space<vmem>> -> memref<32x128xf32, #tpu.memory_space<vmem>>
        %dma_start3A_1074 = tpu.memref_slice %arg13[%mul3A_1056] : memref<512xi32, #tpu.memory_space<vmem>> -> memref<32xi32, #tpu.memory_space<vmem>>
        %dma_start3A_1075 = arith.constant 0 : i32
        %dma_start3A_1076 = arith.constant 0 : i32
        %dma_start3A_1077 = tpu.memref_slice %arg2[%dma_start3A_1075, %dma_start3A_1076] : memref<2856x128xf32, #tpu.memory_space<hbm>> -> memref<2856x128xf32, #tpu.memory_space<hbm>>
        tpu.enqueue_indirect_dma source(%dma_start3A_1077 : memref<2856x128xf32, #tpu.memory_space<hbm>>) target(%dma_start3A_1073 : memref<32x128xf32, #tpu.memory_space<vmem>>) offsets(%dma_start3A_1074 : memref<32xi32, #tpu.memory_space<vmem>>) semaphore(%arg27 : memref<!tpu.dma_semaphore, #tpu.memory_space<semaphore_mem>>)
        %dma_start3A_1078 = arith.constant 96 : i32
        %dma_start3A_1079 = arith.constant 0 : i32
        %dma_start3A_1080 = tpu.memref_slice %arg18[%dma_start3A_1078, %dma_start3A_1079] : memref<224x128xf32, #tpu.memory_space<vmem>> -> memref<32x128xf32, #tpu.memory_space<vmem>>
        %dma_start3A_1081 = tpu.memref_slice %arg14[%mul3A_1056] : memref<512xi32, #tpu.memory_space<vmem>> -> memref<32xi32, #tpu.memory_space<vmem>>
        %dma_start3A_1082 = arith.constant 0 : i32
        %dma_start3A_1083 = arith.constant 0 : i32
        %dma_start3A_1084 = tpu.memref_slice %arg2[%dma_start3A_1082, %dma_start3A_1083] : memref<2856x128xf32, #tpu.memory_space<hbm>> -> memref<2856x128xf32, #tpu.memory_space<hbm>>
        tpu.enqueue_indirect_dma source(%dma_start3A_1084 : memref<2856x128xf32, #tpu.memory_space<hbm>>) target(%dma_start3A_1080 : memref<32x128xf32, #tpu.memory_space<vmem>>) offsets(%dma_start3A_1081 : memref<32xi32, #tpu.memory_space<vmem>>) semaphore(%arg27 : memref<!tpu.dma_semaphore, #tpu.memory_space<semaphore_mem>>)
        %dma_start3A_1085 = arith.constant 128 : i32
        %dma_start3A_1086 = arith.constant 0 : i32
        %dma_start3A_1087 = tpu.memref_slice %arg18[%dma_start3A_1085, %dma_start3A_1086] : memref<224x128xf32, #tpu.memory_space<vmem>> -> memref<32x128xf32, #tpu.memory_space<vmem>>
        %dma_start3A_1088 = tpu.memref_slice %arg15[%mul3A_1056] : memref<512xi32, #tpu.memory_space<vmem>> -> memref<32xi32, #tpu.memory_space<vmem>>
        %dma_start3A_1089 = arith.constant 0 : i32
        %dma_start3A_1090 = arith.constant 0 : i32
        %dma_start3A_1091 = tpu.memref_slice %arg2[%dma_start3A_1089, %dma_start3A_1090] : memref<2856x128xf32, #tpu.memory_space<hbm>> -> memref<2856x128xf32, #tpu.memory_space<hbm>>
        tpu.enqueue_indirect_dma source(%dma_start3A_1091 : memref<2856x128xf32, #tpu.memory_space<hbm>>) target(%dma_start3A_1087 : memref<32x128xf32, #tpu.memory_space<vmem>>) offsets(%dma_start3A_1088 : memref<32xi32, #tpu.memory_space<vmem>>) semaphore(%arg27 : memref<!tpu.dma_semaphore, #tpu.memory_space<semaphore_mem>>)
        %dma_start3A_1092 = arith.constant 160 : i32
        %dma_start3A_1093 = arith.constant 0 : i32
        %dma_start3A_1094 = tpu.memref_slice %arg18[%dma_start3A_1092, %dma_start3A_1093] : memref<224x128xf32, #tpu.memory_space<vmem>> -> memref<32x128xf32, #tpu.memory_space<vmem>>
        %dma_start3A_1095 = tpu.memref_slice %arg16[%mul3A_1056] : memref<512xi32, #tpu.memory_space<vmem>> -> memref<32xi32, #tpu.memory_space<vmem>>
        %dma_start3A_1096 = arith.constant 0 : i32
        %dma_start3A_1097 = arith.constant 0 : i32
        %dma_start3A_1098 = tpu.memref_slice %arg2[%dma_start3A_1096, %dma_start3A_1097] : memref<2856x128xf32, #tpu.memory_space<hbm>> -> memref<2856x128xf32, #tpu.memory_space<hbm>>
        tpu.enqueue_indirect_dma source(%dma_start3A_1098 : memref<2856x128xf32, #tpu.memory_space<hbm>>) target(%dma_start3A_1094 : memref<32x128xf32, #tpu.memory_space<vmem>>) offsets(%dma_start3A_1095 : memref<32xi32, #tpu.memory_space<vmem>>) semaphore(%arg27 : memref<!tpu.dma_semaphore, #tpu.memory_space<semaphore_mem>>)
        %dma_start3A_1099 = arith.constant 192 : i32
        %dma_start3A_1100 = arith.constant 0 : i32
        %dma_start3A_1101 = tpu.memref_slice %arg18[%dma_start3A_1099, %dma_start3A_1100] : memref<224x128xf32, #tpu.memory_space<vmem>> -> memref<32x128xf32, #tpu.memory_space<vmem>>
        %dma_start3A_1102 = tpu.memref_slice %arg17[%mul3A_1056] : memref<512xi32, #tpu.memory_space<vmem>> -> memref<32xi32, #tpu.memory_space<vmem>>
        %dma_start3A_1103 = arith.constant 0 : i32
        %dma_start3A_1104 = arith.constant 0 : i32
        %dma_start3A_1105 = tpu.memref_slice %arg2[%dma_start3A_1103, %dma_start3A_1104] : memref<2856x128xf32, #tpu.memory_space<hbm>> -> memref<2856x128xf32, #tpu.memory_space<hbm>>
        tpu.enqueue_indirect_dma source(%dma_start3A_1105 : memref<2856x128xf32, #tpu.memory_space<hbm>>) target(%dma_start3A_1101 : memref<32x128xf32, #tpu.memory_space<vmem>>) offsets(%dma_start3A_1102 : memref<32xi32, #tpu.memory_space<vmem>>) semaphore(%arg27 : memref<!tpu.dma_semaphore, #tpu.memory_space<semaphore_mem>>)
      } else {
      }
      %mul3A_584 = arith.constant 2 : i32
      %mul3A_585 = arith.muli %scan3A_130, %mul3A_584 : i32
      %add3A_586 = arith.constant 1 : i32
      %add3A_587 = arith.addi %mul3A_585, %add3A_586 : i32
      %dma_wait3A_588 = arith.constant 0 : i32
      %dma_wait3A_589 = arith.constant 0 : i32
      %dma_wait3A_590 = tpu.memref_slice %arg19[%dma_wait3A_588, %dma_wait3A_589] : memref<224x128xf32, #tpu.memory_space<vmem>> -> memref<32x128xf32, #tpu.memory_space<vmem>>
      %dma_wait3A_591 = arith.constant 0 : i32
      %dma_wait3A_592 = tpu.memref_slice %arg11[%dma_wait3A_591] : memref<512xi32, #tpu.memory_space<vmem>> -> memref<32xi32, #tpu.memory_space<vmem>>
      %dma_wait3A_593 = arith.constant 0 : i32
      %dma_wait3A_594 = arith.constant 0 : i32
      %dma_wait3A_595 = tpu.memref_slice %arg2[%dma_wait3A_593, %dma_wait3A_594] : memref<2856x128xf32, #tpu.memory_space<hbm>> -> memref<2856x128xf32, #tpu.memory_space<hbm>>
      tpu.wait_indirect_dma semaphore(%arg28 : memref<!tpu.dma_semaphore, #tpu.memory_space<semaphore_mem>>) src(%dma_wait3A_595 : memref<2856x128xf32, #tpu.memory_space<hbm>>) dst(%dma_wait3A_590 : memref<32x128xf32, #tpu.memory_space<vmem>>)
      %dma_wait3A_596 = arith.constant 32 : i32
      %dma_wait3A_597 = arith.constant 0 : i32
      %dma_wait3A_598 = tpu.memref_slice %arg19[%dma_wait3A_596, %dma_wait3A_597] : memref<224x128xf32, #tpu.memory_space<vmem>> -> memref<32x128xf32, #tpu.memory_space<vmem>>
      %dma_wait3A_599 = arith.constant 0 : i32
      %dma_wait3A_600 = tpu.memref_slice %arg12[%dma_wait3A_599] : memref<512xi32, #tpu.memory_space<vmem>> -> memref<32xi32, #tpu.memory_space<vmem>>
      %dma_wait3A_601 = arith.constant 0 : i32
      %dma_wait3A_602 = arith.constant 0 : i32
      %dma_wait3A_603 = tpu.memref_slice %arg2[%dma_wait3A_601, %dma_wait3A_602] : memref<2856x128xf32, #tpu.memory_space<hbm>> -> memref<2856x128xf32, #tpu.memory_space<hbm>>
      tpu.wait_indirect_dma semaphore(%arg28 : memref<!tpu.dma_semaphore, #tpu.memory_space<semaphore_mem>>) src(%dma_wait3A_603 : memref<2856x128xf32, #tpu.memory_space<hbm>>) dst(%dma_wait3A_598 : memref<32x128xf32, #tpu.memory_space<vmem>>)
      %dma_wait3A_604 = arith.constant 64 : i32
      %dma_wait3A_605 = arith.constant 0 : i32
      %dma_wait3A_606 = tpu.memref_slice %arg19[%dma_wait3A_604, %dma_wait3A_605] : memref<224x128xf32, #tpu.memory_space<vmem>> -> memref<32x128xf32, #tpu.memory_space<vmem>>
      %dma_wait3A_607 = arith.constant 0 : i32
      %dma_wait3A_608 = tpu.memref_slice %arg13[%dma_wait3A_607] : memref<512xi32, #tpu.memory_space<vmem>> -> memref<32xi32, #tpu.memory_space<vmem>>
      %dma_wait3A_609 = arith.constant 0 : i32
      %dma_wait3A_610 = arith.constant 0 : i32
      %dma_wait3A_611 = tpu.memref_slice %arg2[%dma_wait3A_609, %dma_wait3A_610] : memref<2856x128xf32, #tpu.memory_space<hbm>> -> memref<2856x128xf32, #tpu.memory_space<hbm>>
      tpu.wait_indirect_dma semaphore(%arg28 : memref<!tpu.dma_semaphore, #tpu.memory_space<semaphore_mem>>) src(%dma_wait3A_611 : memref<2856x128xf32, #tpu.memory_space<hbm>>) dst(%dma_wait3A_606 : memref<32x128xf32, #tpu.memory_space<vmem>>)
      %dma_wait3A_612 = arith.constant 96 : i32
      %dma_wait3A_613 = arith.constant 0 : i32
      %dma_wait3A_614 = tpu.memref_slice %arg19[%dma_wait3A_612, %dma_wait3A_613] : memref<224x128xf32, #tpu.memory_space<vmem>> -> memref<32x128xf32, #tpu.memory_space<vmem>>
      %dma_wait3A_615 = arith.constant 0 : i32
      %dma_wait3A_616 = tpu.memref_slice %arg14[%dma_wait3A_615] : memref<512xi32, #tpu.memory_space<vmem>> -> memref<32xi32, #tpu.memory_space<vmem>>
      %dma_wait3A_617 = arith.constant 0 : i32
      %dma_wait3A_618 = arith.constant 0 : i32
      %dma_wait3A_619 = tpu.memref_slice %arg2[%dma_wait3A_617, %dma_wait3A_618] : memref<2856x128xf32, #tpu.memory_space<hbm>> -> memref<2856x128xf32, #tpu.memory_space<hbm>>
      tpu.wait_indirect_dma semaphore(%arg28 : memref<!tpu.dma_semaphore, #tpu.memory_space<semaphore_mem>>) src(%dma_wait3A_619 : memref<2856x128xf32, #tpu.memory_space<hbm>>) dst(%dma_wait3A_614 : memref<32x128xf32, #tpu.memory_space<vmem>>)
      %dma_wait3A_620 = arith.constant 128 : i32
      %dma_wait3A_621 = arith.constant 0 : i32
      %dma_wait3A_622 = tpu.memref_slice %arg19[%dma_wait3A_620, %dma_wait3A_621] : memref<224x128xf32, #tpu.memory_space<vmem>> -> memref<32x128xf32, #tpu.memory_space<vmem>>
      %dma_wait3A_623 = arith.constant 0 : i32
      %dma_wait3A_624 = tpu.memref_slice %arg15[%dma_wait3A_623] : memref<512xi32, #tpu.memory_space<vmem>> -> memref<32xi32, #tpu.memory_space<vmem>>
      %dma_wait3A_625 = arith.constant 0 : i32
      %dma_wait3A_626 = arith.constant 0 : i32
      %dma_wait3A_627 = tpu.memref_slice %arg2[%dma_wait3A_625, %dma_wait3A_626] : memref<2856x128xf32, #tpu.memory_space<hbm>> -> memref<2856x128xf32, #tpu.memory_space<hbm>>
      tpu.wait_indirect_dma semaphore(%arg28 : memref<!tpu.dma_semaphore, #tpu.memory_space<semaphore_mem>>) src(%dma_wait3A_627 : memref<2856x128xf32, #tpu.memory_space<hbm>>) dst(%dma_wait3A_622 : memref<32x128xf32, #tpu.memory_space<vmem>>)
      %dma_wait3A_628 = arith.constant 160 : i32
      %dma_wait3A_629 = arith.constant 0 : i32
      %dma_wait3A_630 = tpu.memref_slice %arg19[%dma_wait3A_628, %dma_wait3A_629] : memref<224x128xf32, #tpu.memory_space<vmem>> -> memref<32x128xf32, #tpu.memory_space<vmem>>
      %dma_wait3A_631 = arith.constant 0 : i32
      %dma_wait3A_632 = tpu.memref_slice %arg16[%dma_wait3A_631] : memref<512xi32, #tpu.memory_space<vmem>> -> memref<32xi32, #tpu.memory_space<vmem>>
      %dma_wait3A_633 = arith.constant 0 : i32
      %dma_wait3A_634 = arith.constant 0 : i32
      %dma_wait3A_635 = tpu.memref_slice %arg2[%dma_wait3A_633, %dma_wait3A_634] : memref<2856x128xf32, #tpu.memory_space<hbm>> -> memref<2856x128xf32, #tpu.memory_space<hbm>>
      tpu.wait_indirect_dma semaphore(%arg28 : memref<!tpu.dma_semaphore, #tpu.memory_space<semaphore_mem>>) src(%dma_wait3A_635 : memref<2856x128xf32, #tpu.memory_space<hbm>>) dst(%dma_wait3A_630 : memref<32x128xf32, #tpu.memory_space<vmem>>)
      %dma_wait3A_636 = arith.constant 192 : i32
      %dma_wait3A_637 = arith.constant 0 : i32
      %dma_wait3A_638 = tpu.memref_slice %arg19[%dma_wait3A_636, %dma_wait3A_637] : memref<224x128xf32, #tpu.memory_space<vmem>> -> memref<32x128xf32, #tpu.memory_space<vmem>>
      %dma_wait3A_639 = arith.constant 0 : i32
      %dma_wait3A_640 = tpu.memref_slice %arg17[%dma_wait3A_639] : memref<512xi32, #tpu.memory_space<vmem>> -> memref<32xi32, #tpu.memory_space<vmem>>
      %dma_wait3A_641 = arith.constant 0 : i32
      %dma_wait3A_642 = arith.constant 0 : i32
      %dma_wait3A_643 = tpu.memref_slice %arg2[%dma_wait3A_641, %dma_wait3A_642] : memref<2856x128xf32, #tpu.memory_space<hbm>> -> memref<2856x128xf32, #tpu.memory_space<hbm>>
      tpu.wait_indirect_dma semaphore(%arg28 : memref<!tpu.dma_semaphore, #tpu.memory_space<semaphore_mem>>) src(%dma_wait3A_643 : memref<2856x128xf32, #tpu.memory_space<hbm>>) dst(%dma_wait3A_638 : memref<32x128xf32, #tpu.memory_space<vmem>>)
      %ge3A_644 = arith.constant 2 : i32
      %ge3A_645 = arith.cmpi sge, %add3A_587, %ge3A_644 : i32
      %convert_element_type3A_646 = arith.extui %ge3A_645 : i1 to i32
      %cond3A_647 = arith.constant 0 : i32
      %cond3A_648 = arith.cmpi ne, %convert_element_type3A_646, %cond3A_647 : i32
      scf.if %cond3A_648 {
        %dma_wait3A_1053 = arith.constant 0 : i32
        %dma_wait3A_1054 = arith.constant 0 : i32
        %dma_wait3A_1055 = tpu.memref_slice %arg10[%dma_wait3A_1053, %dma_wait3A_1054] : memref<16384x128xf32, #tpu.memory_space<hbm>> -> memref<32x128xf32, #tpu.memory_space<hbm>>
        %dma_wait3A_1056 = arith.constant 0 : i32
        %dma_wait3A_1057 = arith.constant 0 : i32
        %dma_wait3A_1058 = tpu.memref_slice %arg10[%dma_wait3A_1056, %dma_wait3A_1057] : memref<16384x128xf32, #tpu.memory_space<hbm>> -> memref<32x128xf32, #tpu.memory_space<hbm>>
        tpu.wait_dma2 semaphore(%arg30 : memref<!tpu.dma_semaphore, #tpu.memory_space<semaphore_mem>>) src(%arg22 : memref<32x128xf32, #tpu.memory_space<vmem>>) dst(%dma_wait3A_1058 : memref<32x128xf32, #tpu.memory_space<hbm>>)
      } else {
      }
      %parallel_loop3A_649 = arith.constant 0 : i32
      %parallel_loop3A_650 = arith.constant 32 : i32
      %parallel_loop3A_651 = arith.constant 1 : i32
      scf.for %parallel_loop3A_1053 = %parallel_loop3A_649 to %parallel_loop3A_650 step %parallel_loop3A_651  : i32 {
        %parallel_loop3A_1054 = arith.constant 32 : i32
        %parallel_loop3A_1055 = arith.addi %parallel_loop3A_1054, %parallel_loop3A_1053 : i32
        %parallel_loop3A_1056 = arith.index_cast %parallel_loop3A_1055 : i32 to index
        %parallel_loop3A_1057 = arith.constant 0 : index
        %parallel_loop3A_1058 = tpu.vector_load %arg19[%parallel_loop3A_1056, %parallel_loop3A_1057] {strides = array<i32>} : memref<224x128xf32, #tpu.memory_space<vmem>>, vector<1x16xf32>,
        %parallel_loop3A_1059 = vector.shape_cast %parallel_loop3A_1058 : vector<1x16xf32> to vector<16xf32>
        %parallel_loop3A_1060 = arith.constant 64 : i32
        %parallel_loop3A_1061 = arith.addi %parallel_loop3A_1060, %parallel_loop3A_1053 : i32
        %parallel_loop3A_1062 = arith.index_cast %parallel_loop3A_1061 : i32 to index
        %parallel_loop3A_1063 = arith.constant 0 : index
        %parallel_loop3A_1064 = tpu.vector_load %arg19[%parallel_loop3A_1062, %parallel_loop3A_1063] {strides = array<i32>} : memref<224x128xf32, #tpu.memory_space<vmem>>, vector<1x16xf32>,
        %parallel_loop3A_1065 = vector.shape_cast %parallel_loop3A_1064 : vector<1x16xf32> to vector<16xf32>
        %parallel_loop3A_1066 = arith.addf %parallel_loop3A_1059, %parallel_loop3A_1065 : vector<16xf32>
        %parallel_loop3A_1067 = arith.constant 96 : i32
        %parallel_loop3A_1068 = arith.addi %parallel_loop3A_1067, %parallel_loop3A_1053 : i32
        %parallel_loop3A_1069 = arith.index_cast %parallel_loop3A_1068 : i32 to index
        %parallel_loop3A_1070 = arith.constant 0 : index
        %parallel_loop3A_1071 = tpu.vector_load %arg19[%parallel_loop3A_1069, %parallel_loop3A_1070] {strides = array<i32>} : memref<224x128xf32, #tpu.memory_space<vmem>>, vector<1x16xf32>,
        %parallel_loop3A_1072 = vector.shape_cast %parallel_loop3A_1071 : vector<1x16xf32> to vector<16xf32>
        %parallel_loop3A_1073 = arith.constant 128 : i32
        %parallel_loop3A_1074 = arith.addi %parallel_loop3A_1073, %parallel_loop3A_1053 : i32
        %parallel_loop3A_1075 = arith.index_cast %parallel_loop3A_1074 : i32 to index
        %parallel_loop3A_1076 = arith.constant 0 : index
        %parallel_loop3A_1077 = tpu.vector_load %arg19[%parallel_loop3A_1075, %parallel_loop3A_1076] {strides = array<i32>} : memref<224x128xf32, #tpu.memory_space<vmem>>, vector<1x16xf32>,
        %parallel_loop3A_1078 = vector.shape_cast %parallel_loop3A_1077 : vector<1x16xf32> to vector<16xf32>
        %parallel_loop3A_1079 = arith.addf %parallel_loop3A_1072, %parallel_loop3A_1078 : vector<16xf32>
        %parallel_loop3A_1080 = arith.addf %parallel_loop3A_1066, %parallel_loop3A_1079 : vector<16xf32>
        %parallel_loop3A_1081 = arith.index_cast %parallel_loop3A_1053 : i32 to index
        %parallel_loop3A_1082 = arith.constant 0 : index
        %parallel_loop3A_1083 = tpu.vector_load %arg21[%parallel_loop3A_1081, %parallel_loop3A_1082] {strides = array<i32>} : memref<32x128xf32, #tpu.memory_space<vmem>>, vector<1x16xf32>,
        %parallel_loop3A_1084 = vector.shape_cast %parallel_loop3A_1083 : vector<1x16xf32> to vector<16xf32>
        %parallel_loop3A_1085 = vector.shape_cast %parallel_loop3A_1080 : vector<16xf32> to vector<1x16xf32>
        tpu.vector_store %arg21[%parallel_loop3A_1081, %parallel_loop3A_1082], %parallel_loop3A_1085 {strides = array<i32>} : memref<32x128xf32, #tpu.memory_space<vmem>>, vector<1x16xf32>,
        %parallel_loop3A_1086 = arith.index_cast %parallel_loop3A_1053 : i32 to index
        %parallel_loop3A_1087 = arith.constant 0 : index
        %parallel_loop3A_1088 = tpu.vector_load %arg19[%parallel_loop3A_1086, %parallel_loop3A_1087] {strides = array<i32>} : memref<224x128xf32, #tpu.memory_space<vmem>>, vector<1x16xf32>,
        %parallel_loop3A_1089 = vector.shape_cast %parallel_loop3A_1088 : vector<1x16xf32> to vector<16xf32>
        %parallel_loop3A_1090 = arith.constant 160 : i32
        %parallel_loop3A_1091 = arith.addi %parallel_loop3A_1090, %parallel_loop3A_1053 : i32
        %parallel_loop3A_1092 = arith.index_cast %parallel_loop3A_1091 : i32 to index
        %parallel_loop3A_1093 = arith.constant 0 : index
        %parallel_loop3A_1094 = tpu.vector_load %arg19[%parallel_loop3A_1092, %parallel_loop3A_1093] {strides = array<i32>} : memref<224x128xf32, #tpu.memory_space<vmem>>, vector<1x16xf32>,
        %parallel_loop3A_1095 = vector.shape_cast %parallel_loop3A_1094 : vector<1x16xf32> to vector<16xf32>
        %parallel_loop3A_1096 = arith.addf %parallel_loop3A_1089, %parallel_loop3A_1095 : vector<16xf32>
        %parallel_loop3A_1097 = arith.constant 192 : i32
        %parallel_loop3A_1098 = arith.addi %parallel_loop3A_1097, %parallel_loop3A_1053 : i32
        %parallel_loop3A_1099 = arith.index_cast %parallel_loop3A_1098 : i32 to index
        %parallel_loop3A_1100 = arith.constant 0 : index
        %parallel_loop3A_1101 = tpu.vector_load %arg19[%parallel_loop3A_1099, %parallel_loop3A_1100] {strides = array<i32>} : memref<224x128xf32, #tpu.memory_space<vmem>>, vector<1x16xf32>,
        %parallel_loop3A_1102 = vector.shape_cast %parallel_loop3A_1101 : vector<1x16xf32> to vector<16xf32>
        %parallel_loop3A_1103 = arith.addf %parallel_loop3A_1096, %parallel_loop3A_1102 : vector<16xf32>
        %parallel_loop3A_1104 = arith.index_cast %parallel_loop3A_1053 : i32 to index
        %parallel_loop3A_1105 = arith.constant 0 : index
        %parallel_loop3A_1106 = tpu.vector_load %arg22[%parallel_loop3A_1104, %parallel_loop3A_1105] {strides = array<i32>} : memref<32x128xf32, #tpu.memory_space<vmem>>, vector<1x16xf32>,
        %parallel_loop3A_1107 = vector.shape_cast %parallel_loop3A_1106 : vector<1x16xf32> to vector<16xf32>
        %parallel_loop3A_1108 = vector.shape_cast %parallel_loop3A_1103 : vector<16xf32> to vector<1x16xf32>
        tpu.vector_store %arg22[%parallel_loop3A_1104, %parallel_loop3A_1105], %parallel_loop3A_1108 {strides = array<i32>} : memref<32x128xf32, #tpu.memory_space<vmem>>, vector<1x16xf32>,
        %parallel_loop3A_1109 = arith.mulf %parallel_loop3A_1080, %parallel_loop3A_1080 : vector<16xf32>
        %parallel_loop3A_1110 = arith.constant 32 : i32
        %parallel_loop3A_1111 = arith.addi %parallel_loop3A_1110, %parallel_loop3A_1053 : i32
        %parallel_loop3A_1112 = arith.index_cast %parallel_loop3A_1111 : i32 to index
        %parallel_loop3A_1113 = arith.constant 16 : index
        %parallel_loop3A_1114 = tpu.vector_load %arg19[%parallel_loop3A_1112, %parallel_loop3A_1113] {strides = array<i32>} : memref<224x128xf32, #tpu.memory_space<vmem>>, vector<1x16xf32>,
        %parallel_loop3A_1115 = vector.shape_cast %parallel_loop3A_1114 : vector<1x16xf32> to vector<16xf32>
        %parallel_loop3A_1116 = arith.constant 64 : i32
        %parallel_loop3A_1117 = arith.addi %parallel_loop3A_1116, %parallel_loop3A_1053 : i32
        %parallel_loop3A_1118 = arith.index_cast %parallel_loop3A_1117 : i32 to index
        %parallel_loop3A_1119 = arith.constant 16 : index
        %parallel_loop3A_1120 = tpu.vector_load %arg19[%parallel_loop3A_1118, %parallel_loop3A_1119] {strides = array<i32>} : memref<224x128xf32, #tpu.memory_space<vmem>>, vector<1x16xf32>,
        %parallel_loop3A_1121 = vector.shape_cast %parallel_loop3A_1120 : vector<1x16xf32> to vector<16xf32>
        %parallel_loop3A_1122 = arith.addf %parallel_loop3A_1115, %parallel_loop3A_1121 : vector<16xf32>
        %parallel_loop3A_1123 = arith.constant 96 : i32
        %parallel_loop3A_1124 = arith.addi %parallel_loop3A_1123, %parallel_loop3A_1053 : i32
        %parallel_loop3A_1125 = arith.index_cast %parallel_loop3A_1124 : i32 to index
        %parallel_loop3A_1126 = arith.constant 16 : index
        %parallel_loop3A_1127 = tpu.vector_load %arg19[%parallel_loop3A_1125, %parallel_loop3A_1126] {strides = array<i32>} : memref<224x128xf32, #tpu.memory_space<vmem>>, vector<1x16xf32>,
        %parallel_loop3A_1128 = vector.shape_cast %parallel_loop3A_1127 : vector<1x16xf32> to vector<16xf32>
        %parallel_loop3A_1129 = arith.constant 128 : i32
        %parallel_loop3A_1130 = arith.addi %parallel_loop3A_1129, %parallel_loop3A_1053 : i32
        %parallel_loop3A_1131 = arith.index_cast %parallel_loop3A_1130 : i32 to index
        %parallel_loop3A_1132 = arith.constant 16 : index
        %parallel_loop3A_1133 = tpu.vector_load %arg19[%parallel_loop3A_1131, %parallel_loop3A_1132] {strides = array<i32>} : memref<224x128xf32, #tpu.memory_space<vmem>>, vector<1x16xf32>,
        %parallel_loop3A_1134 = vector.shape_cast %parallel_loop3A_1133 : vector<1x16xf32> to vector<16xf32>
        %parallel_loop3A_1135 = arith.addf %parallel_loop3A_1128, %parallel_loop3A_1134 : vector<16xf32>
        %parallel_loop3A_1136 = arith.addf %parallel_loop3A_1122, %parallel_loop3A_1135 : vector<16xf32>
        %parallel_loop3A_1137 = arith.index_cast %parallel_loop3A_1053 : i32 to index
        %parallel_loop3A_1138 = arith.constant 16 : index
        %parallel_loop3A_1139 = tpu.vector_load %arg21[%parallel_loop3A_1137, %parallel_loop3A_1138] {strides = array<i32>} : memref<32x128xf32, #tpu.memory_space<vmem>>, vector<1x16xf32>,
        %parallel_loop3A_1140 = vector.shape_cast %parallel_loop3A_1139 : vector<1x16xf32> to vector<16xf32>
        %parallel_loop3A_1141 = vector.shape_cast %parallel_loop3A_1136 : vector<16xf32> to vector<1x16xf32>
        tpu.vector_store %arg21[%parallel_loop3A_1137, %parallel_loop3A_1138], %parallel_loop3A_1141 {strides = array<i32>} : memref<32x128xf32, #tpu.memory_space<vmem>>, vector<1x16xf32>,
        %parallel_loop3A_1142 = arith.index_cast %parallel_loop3A_1053 : i32 to index
        %parallel_loop3A_1143 = arith.constant 16 : index
        %parallel_loop3A_1144 = tpu.vector_load %arg19[%parallel_loop3A_1142, %parallel_loop3A_1143] {strides = array<i32>} : memref<224x128xf32, #tpu.memory_space<vmem>>, vector<1x16xf32>,
        %parallel_loop3A_1145 = vector.shape_cast %parallel_loop3A_1144 : vector<1x16xf32> to vector<16xf32>
        %parallel_loop3A_1146 = arith.constant 160 : i32
        %parallel_loop3A_1147 = arith.addi %parallel_loop3A_1146, %parallel_loop3A_1053 : i32
        %parallel_loop3A_1148 = arith.index_cast %parallel_loop3A_1147 : i32 to index
        %parallel_loop3A_1149 = arith.constant 16 : index
        %parallel_loop3A_1150 = tpu.vector_load %arg19[%parallel_loop3A_1148, %parallel_loop3A_1149] {strides = array<i32>} : memref<224x128xf32, #tpu.memory_space<vmem>>, vector<1x16xf32>,
        %parallel_loop3A_1151 = vector.shape_cast %parallel_loop3A_1150 : vector<1x16xf32> to vector<16xf32>
        %parallel_loop3A_1152 = arith.addf %parallel_loop3A_1145, %parallel_loop3A_1151 : vector<16xf32>
        %parallel_loop3A_1153 = arith.constant 192 : i32
        %parallel_loop3A_1154 = arith.addi %parallel_loop3A_1153, %parallel_loop3A_1053 : i32
        %parallel_loop3A_1155 = arith.index_cast %parallel_loop3A_1154 : i32 to index
        %parallel_loop3A_1156 = arith.constant 16 : index
        %parallel_loop3A_1157 = tpu.vector_load %arg19[%parallel_loop3A_1155, %parallel_loop3A_1156] {strides = array<i32>} : memref<224x128xf32, #tpu.memory_space<vmem>>, vector<1x16xf32>,
        %parallel_loop3A_1158 = vector.shape_cast %parallel_loop3A_1157 : vector<1x16xf32> to vector<16xf32>
        %parallel_loop3A_1159 = arith.addf %parallel_loop3A_1152, %parallel_loop3A_1158 : vector<16xf32>
        %parallel_loop3A_1160 = arith.index_cast %parallel_loop3A_1053 : i32 to index
        %parallel_loop3A_1161 = arith.constant 16 : index
        %parallel_loop3A_1162 = tpu.vector_load %arg22[%parallel_loop3A_1160, %parallel_loop3A_1161] {strides = array<i32>} : memref<32x128xf32, #tpu.memory_space<vmem>>, vector<1x16xf32>,
        %parallel_loop3A_1163 = vector.shape_cast %parallel_loop3A_1162 : vector<1x16xf32> to vector<16xf32>
        %parallel_loop3A_1164 = vector.shape_cast %parallel_loop3A_1159 : vector<16xf32> to vector<1x16xf32>
        tpu.vector_store %arg22[%parallel_loop3A_1160, %parallel_loop3A_1161], %parallel_loop3A_1164 {strides = array<i32>} : memref<32x128xf32, #tpu.memory_space<vmem>>, vector<1x16xf32>,
        %parallel_loop3A_1165 = arith.mulf %parallel_loop3A_1136, %parallel_loop3A_1136 : vector<16xf32>
        %parallel_loop3A_1166 = arith.addf %parallel_loop3A_1109, %parallel_loop3A_1165 : vector<16xf32>
        %parallel_loop3A_1167 = arith.constant 32 : i32
        %parallel_loop3A_1168 = arith.addi %parallel_loop3A_1167, %parallel_loop3A_1053 : i32
        %parallel_loop3A_1169 = arith.index_cast %parallel_loop3A_1168 : i32 to index
        %parallel_loop3A_1170 = arith.constant 32 : index
        %parallel_loop3A_1171 = tpu.vector_load %arg19[%parallel_loop3A_1169, %parallel_loop3A_1170] {strides = array<i32>} : memref<224x128xf32, #tpu.memory_space<vmem>>, vector<1x16xf32>,
        %parallel_loop3A_1172 = vector.shape_cast %parallel_loop3A_1171 : vector<1x16xf32> to vector<16xf32>
        %parallel_loop3A_1173 = arith.constant 64 : i32
        %parallel_loop3A_1174 = arith.addi %parallel_loop3A_1173, %parallel_loop3A_1053 : i32
        %parallel_loop3A_1175 = arith.index_cast %parallel_loop3A_1174 : i32 to index
        %parallel_loop3A_1176 = arith.constant 32 : index
        %parallel_loop3A_1177 = tpu.vector_load %arg19[%parallel_loop3A_1175, %parallel_loop3A_1176] {strides = array<i32>} : memref<224x128xf32, #tpu.memory_space<vmem>>, vector<1x16xf32>,
        %parallel_loop3A_1178 = vector.shape_cast %parallel_loop3A_1177 : vector<1x16xf32> to vector<16xf32>
        %parallel_loop3A_1179 = arith.addf %parallel_loop3A_1172, %parallel_loop3A_1178 : vector<16xf32>
        %parallel_loop3A_1180 = arith.constant 96 : i32
        %parallel_loop3A_1181 = arith.addi %parallel_loop3A_1180, %parallel_loop3A_1053 : i32
        %parallel_loop3A_1182 = arith.index_cast %parallel_loop3A_1181 : i32 to index
        %parallel_loop3A_1183 = arith.constant 32 : index
        %parallel_loop3A_1184 = tpu.vector_load %arg19[%parallel_loop3A_1182, %parallel_loop3A_1183] {strides = array<i32>} : memref<224x128xf32, #tpu.memory_space<vmem>>, vector<1x16xf32>,
        %parallel_loop3A_1185 = vector.shape_cast %parallel_loop3A_1184 : vector<1x16xf32> to vector<16xf32>
        %parallel_loop3A_1186 = arith.constant 128 : i32
        %parallel_loop3A_1187 = arith.addi %parallel_loop3A_1186, %parallel_loop3A_1053 : i32
        %parallel_loop3A_1188 = arith.index_cast %parallel_loop3A_1187 : i32 to index
        %parallel_loop3A_1189 = arith.constant 32 : index
        %parallel_loop3A_1190 = tpu.vector_load %arg19[%parallel_loop3A_1188, %parallel_loop3A_1189] {strides = array<i32>} : memref<224x128xf32, #tpu.memory_space<vmem>>, vector<1x16xf32>,
        %parallel_loop3A_1191 = vector.shape_cast %parallel_loop3A_1190 : vector<1x16xf32> to vector<16xf32>
        %parallel_loop3A_1192 = arith.addf %parallel_loop3A_1185, %parallel_loop3A_1191 : vector<16xf32>
        %parallel_loop3A_1193 = arith.addf %parallel_loop3A_1179, %parallel_loop3A_1192 : vector<16xf32>
        %parallel_loop3A_1194 = arith.index_cast %parallel_loop3A_1053 : i32 to index
        %parallel_loop3A_1195 = arith.constant 32 : index
        %parallel_loop3A_1196 = tpu.vector_load %arg21[%parallel_loop3A_1194, %parallel_loop3A_1195] {strides = array<i32>} : memref<32x128xf32, #tpu.memory_space<vmem>>, vector<1x16xf32>,
        %parallel_loop3A_1197 = vector.shape_cast %parallel_loop3A_1196 : vector<1x16xf32> to vector<16xf32>
        %parallel_loop3A_1198 = vector.shape_cast %parallel_loop3A_1193 : vector<16xf32> to vector<1x16xf32>
        tpu.vector_store %arg21[%parallel_loop3A_1194, %parallel_loop3A_1195], %parallel_loop3A_1198 {strides = array<i32>} : memref<32x128xf32, #tpu.memory_space<vmem>>, vector<1x16xf32>,
        %parallel_loop3A_1199 = arith.index_cast %parallel_loop3A_1053 : i32 to index
        %parallel_loop3A_1200 = arith.constant 32 : index
        %parallel_loop3A_1201 = tpu.vector_load %arg19[%parallel_loop3A_1199, %parallel_loop3A_1200] {strides = array<i32>} : memref<224x128xf32, #tpu.memory_space<vmem>>, vector<1x16xf32>,
        %parallel_loop3A_1202 = vector.shape_cast %parallel_loop3A_1201 : vector<1x16xf32> to vector<16xf32>
        %parallel_loop3A_1203 = arith.constant 160 : i32
        %parallel_loop3A_1204 = arith.addi %parallel_loop3A_1203, %parallel_loop3A_1053 : i32
        %parallel_loop3A_1205 = arith.index_cast %parallel_loop3A_1204 : i32 to index
        %parallel_loop3A_1206 = arith.constant 32 : index
        %parallel_loop3A_1207 = tpu.vector_load %arg19[%parallel_loop3A_1205, %parallel_loop3A_1206] {strides = array<i32>} : memref<224x128xf32, #tpu.memory_space<vmem>>, vector<1x16xf32>,
        %parallel_loop3A_1208 = vector.shape_cast %parallel_loop3A_1207 : vector<1x16xf32> to vector<16xf32>
        %parallel_loop3A_1209 = arith.addf %parallel_loop3A_1202, %parallel_loop3A_1208 : vector<16xf32>
        %parallel_loop3A_1210 = arith.constant 192 : i32
        %parallel_loop3A_1211 = arith.addi %parallel_loop3A_1210, %parallel_loop3A_1053 : i32
        %parallel_loop3A_1212 = arith.index_cast %parallel_loop3A_1211 : i32 to index
        %parallel_loop3A_1213 = arith.constant 32 : index
        %parallel_loop3A_1214 = tpu.vector_load %arg19[%parallel_loop3A_1212, %parallel_loop3A_1213] {strides = array<i32>} : memref<224x128xf32, #tpu.memory_space<vmem>>, vector<1x16xf32>,
        %parallel_loop3A_1215 = vector.shape_cast %parallel_loop3A_1214 : vector<1x16xf32> to vector<16xf32>
        %parallel_loop3A_1216 = arith.addf %parallel_loop3A_1209, %parallel_loop3A_1215 : vector<16xf32>
        %parallel_loop3A_1217 = arith.index_cast %parallel_loop3A_1053 : i32 to index
        %parallel_loop3A_1218 = arith.constant 32 : index
        %parallel_loop3A_1219 = tpu.vector_load %arg22[%parallel_loop3A_1217, %parallel_loop3A_1218] {strides = array<i32>} : memref<32x128xf32, #tpu.memory_space<vmem>>, vector<1x16xf32>,
        %parallel_loop3A_1220 = vector.shape_cast %parallel_loop3A_1219 : vector<1x16xf32> to vector<16xf32>
        %parallel_loop3A_1221 = vector.shape_cast %parallel_loop3A_1216 : vector<16xf32> to vector<1x16xf32>
        tpu.vector_store %arg22[%parallel_loop3A_1217, %parallel_loop3A_1218], %parallel_loop3A_1221 {strides = array<i32>} : memref<32x128xf32, #tpu.memory_space<vmem>>, vector<1x16xf32>,
        %parallel_loop3A_1222 = arith.mulf %parallel_loop3A_1193, %parallel_loop3A_1193 : vector<16xf32>
        %parallel_loop3A_1223 = arith.addf %parallel_loop3A_1166, %parallel_loop3A_1222 : vector<16xf32>
        %parallel_loop3A_1224 = arith.constant 32 : i32
        %parallel_loop3A_1225 = arith.addi %parallel_loop3A_1224, %parallel_loop3A_1053 : i32
        %parallel_loop3A_1226 = arith.index_cast %parallel_loop3A_1225 : i32 to index
        %parallel_loop3A_1227 = arith.constant 48 : index
        %parallel_loop3A_1228 = tpu.vector_load %arg19[%parallel_loop3A_1226, %parallel_loop3A_1227] {strides = array<i32>} : memref<224x128xf32, #tpu.memory_space<vmem>>, vector<1x16xf32>,
        %parallel_loop3A_1229 = vector.shape_cast %parallel_loop3A_1228 : vector<1x16xf32> to vector<16xf32>
        %parallel_loop3A_1230 = arith.constant 64 : i32
        %parallel_loop3A_1231 = arith.addi %parallel_loop3A_1230, %parallel_loop3A_1053 : i32
        %parallel_loop3A_1232 = arith.index_cast %parallel_loop3A_1231 : i32 to index
        %parallel_loop3A_1233 = arith.constant 48 : index
        %parallel_loop3A_1234 = tpu.vector_load %arg19[%parallel_loop3A_1232, %parallel_loop3A_1233] {strides = array<i32>} : memref<224x128xf32, #tpu.memory_space<vmem>>, vector<1x16xf32>,
        %parallel_loop3A_1235 = vector.shape_cast %parallel_loop3A_1234 : vector<1x16xf32> to vector<16xf32>
        %parallel_loop3A_1236 = arith.addf %parallel_loop3A_1229, %parallel_loop3A_1235 : vector<16xf32>
        %parallel_loop3A_1237 = arith.constant 96 : i32
        %parallel_loop3A_1238 = arith.addi %parallel_loop3A_1237, %parallel_loop3A_1053 : i32
        %parallel_loop3A_1239 = arith.index_cast %parallel_loop3A_1238 : i32 to index
        %parallel_loop3A_1240 = arith.constant 48 : index
        %parallel_loop3A_1241 = tpu.vector_load %arg19[%parallel_loop3A_1239, %parallel_loop3A_1240] {strides = array<i32>} : memref<224x128xf32, #tpu.memory_space<vmem>>, vector<1x16xf32>,
        %parallel_loop3A_1242 = vector.shape_cast %parallel_loop3A_1241 : vector<1x16xf32> to vector<16xf32>
        %parallel_loop3A_1243 = arith.constant 128 : i32
        %parallel_loop3A_1244 = arith.addi %parallel_loop3A_1243, %parallel_loop3A_1053 : i32
        %parallel_loop3A_1245 = arith.index_cast %parallel_loop3A_1244 : i32 to index
        %parallel_loop3A_1246 = arith.constant 48 : index
        %parallel_loop3A_1247 = tpu.vector_load %arg19[%parallel_loop3A_1245, %parallel_loop3A_1246] {strides = array<i32>} : memref<224x128xf32, #tpu.memory_space<vmem>>, vector<1x16xf32>,
        %parallel_loop3A_1248 = vector.shape_cast %parallel_loop3A_1247 : vector<1x16xf32> to vector<16xf32>
        %parallel_loop3A_1249 = arith.addf %parallel_loop3A_1242, %parallel_loop3A_1248 : vector<16xf32>
        %parallel_loop3A_1250 = arith.addf %parallel_loop3A_1236, %parallel_loop3A_1249 : vector<16xf32>
        %parallel_loop3A_1251 = arith.index_cast %parallel_loop3A_1053 : i32 to index
        %parallel_loop3A_1252 = arith.constant 48 : index
        %parallel_loop3A_1253 = tpu.vector_load %arg21[%parallel_loop3A_1251, %parallel_loop3A_1252] {strides = array<i32>} : memref<32x128xf32, #tpu.memory_space<vmem>>, vector<1x16xf32>,
        %parallel_loop3A_1254 = vector.shape_cast %parallel_loop3A_1253 : vector<1x16xf32> to vector<16xf32>
        %parallel_loop3A_1255 = vector.shape_cast %parallel_loop3A_1250 : vector<16xf32> to vector<1x16xf32>
        tpu.vector_store %arg21[%parallel_loop3A_1251, %parallel_loop3A_1252], %parallel_loop3A_1255 {strides = array<i32>} : memref<32x128xf32, #tpu.memory_space<vmem>>, vector<1x16xf32>,
        %parallel_loop3A_1256 = arith.index_cast %parallel_loop3A_1053 : i32 to index
        %parallel_loop3A_1257 = arith.constant 48 : index
        %parallel_loop3A_1258 = tpu.vector_load %arg19[%parallel_loop3A_1256, %parallel_loop3A_1257] {strides = array<i32>} : memref<224x128xf32, #tpu.memory_space<vmem>>, vector<1x16xf32>,
        %parallel_loop3A_1259 = vector.shape_cast %parallel_loop3A_1258 : vector<1x16xf32> to vector<16xf32>
        %parallel_loop3A_1260 = arith.constant 160 : i32
        %parallel_loop3A_1261 = arith.addi %parallel_loop3A_1260, %parallel_loop3A_1053 : i32
        %parallel_loop3A_1262 = arith.index_cast %parallel_loop3A_1261 : i32 to index
        %parallel_loop3A_1263 = arith.constant 48 : index
        %parallel_loop3A_1264 = tpu.vector_load %arg19[%parallel_loop3A_1262, %parallel_loop3A_1263] {strides = array<i32>} : memref<224x128xf32, #tpu.memory_space<vmem>>, vector<1x16xf32>,
        %parallel_loop3A_1265 = vector.shape_cast %parallel_loop3A_1264 : vector<1x16xf32> to vector<16xf32>
        %parallel_loop3A_1266 = arith.addf %parallel_loop3A_1259, %parallel_loop3A_1265 : vector<16xf32>
        %parallel_loop3A_1267 = arith.constant 192 : i32
        %parallel_loop3A_1268 = arith.addi %parallel_loop3A_1267, %parallel_loop3A_1053 : i32
        %parallel_loop3A_1269 = arith.index_cast %parallel_loop3A_1268 : i32 to index
        %parallel_loop3A_1270 = arith.constant 48 : index
        %parallel_loop3A_1271 = tpu.vector_load %arg19[%parallel_loop3A_1269, %parallel_loop3A_1270] {strides = array<i32>} : memref<224x128xf32, #tpu.memory_space<vmem>>, vector<1x16xf32>,
        %parallel_loop3A_1272 = vector.shape_cast %parallel_loop3A_1271 : vector<1x16xf32> to vector<16xf32>
        %parallel_loop3A_1273 = arith.addf %parallel_loop3A_1266, %parallel_loop3A_1272 : vector<16xf32>
        %parallel_loop3A_1274 = arith.index_cast %parallel_loop3A_1053 : i32 to index
        %parallel_loop3A_1275 = arith.constant 48 : index
        %parallel_loop3A_1276 = tpu.vector_load %arg22[%parallel_loop3A_1274, %parallel_loop3A_1275] {strides = array<i32>} : memref<32x128xf32, #tpu.memory_space<vmem>>, vector<1x16xf32>,
        %parallel_loop3A_1277 = vector.shape_cast %parallel_loop3A_1276 : vector<1x16xf32> to vector<16xf32>
        %parallel_loop3A_1278 = vector.shape_cast %parallel_loop3A_1273 : vector<16xf32> to vector<1x16xf32>
        tpu.vector_store %arg22[%parallel_loop3A_1274, %parallel_loop3A_1275], %parallel_loop3A_1278 {strides = array<i32>} : memref<32x128xf32, #tpu.memory_space<vmem>>, vector<1x16xf32>,
        %parallel_loop3A_1279 = arith.mulf %parallel_loop3A_1250, %parallel_loop3A_1250 : vector<16xf32>
        %parallel_loop3A_1280 = arith.addf %parallel_loop3A_1223, %parallel_loop3A_1279 : vector<16xf32>
        %parallel_loop3A_1281 = arith.constant 32 : i32
        %parallel_loop3A_1282 = arith.addi %parallel_loop3A_1281, %parallel_loop3A_1053 : i32
        %parallel_loop3A_1283 = arith.index_cast %parallel_loop3A_1282 : i32 to index
        %parallel_loop3A_1284 = arith.constant 64 : index
        %parallel_loop3A_1285 = tpu.vector_load %arg19[%parallel_loop3A_1283, %parallel_loop3A_1284] {strides = array<i32>} : memref<224x128xf32, #tpu.memory_space<vmem>>, vector<1x16xf32>,
        %parallel_loop3A_1286 = vector.shape_cast %parallel_loop3A_1285 : vector<1x16xf32> to vector<16xf32>
        %parallel_loop3A_1287 = arith.constant 64 : i32
        %parallel_loop3A_1288 = arith.addi %parallel_loop3A_1287, %parallel_loop3A_1053 : i32
        %parallel_loop3A_1289 = arith.index_cast %parallel_loop3A_1288 : i32 to index
        %parallel_loop3A_1290 = arith.constant 64 : index
        %parallel_loop3A_1291 = tpu.vector_load %arg19[%parallel_loop3A_1289, %parallel_loop3A_1290] {strides = array<i32>} : memref<224x128xf32, #tpu.memory_space<vmem>>, vector<1x16xf32>,
        %parallel_loop3A_1292 = vector.shape_cast %parallel_loop3A_1291 : vector<1x16xf32> to vector<16xf32>
        %parallel_loop3A_1293 = arith.addf %parallel_loop3A_1286, %parallel_loop3A_1292 : vector<16xf32>
        %parallel_loop3A_1294 = arith.constant 96 : i32
        %parallel_loop3A_1295 = arith.addi %parallel_loop3A_1294, %parallel_loop3A_1053 : i32
        %parallel_loop3A_1296 = arith.index_cast %parallel_loop3A_1295 : i32 to index
        %parallel_loop3A_1297 = arith.constant 64 : index
        %parallel_loop3A_1298 = tpu.vector_load %arg19[%parallel_loop3A_1296, %parallel_loop3A_1297] {strides = array<i32>} : memref<224x128xf32, #tpu.memory_space<vmem>>, vector<1x16xf32>,
        %parallel_loop3A_1299 = vector.shape_cast %parallel_loop3A_1298 : vector<1x16xf32> to vector<16xf32>
        %parallel_loop3A_1300 = arith.constant 128 : i32
        %parallel_loop3A_1301 = arith.addi %parallel_loop3A_1300, %parallel_loop3A_1053 : i32
        %parallel_loop3A_1302 = arith.index_cast %parallel_loop3A_1301 : i32 to index
        %parallel_loop3A_1303 = arith.constant 64 : index
        %parallel_loop3A_1304 = tpu.vector_load %arg19[%parallel_loop3A_1302, %parallel_loop3A_1303] {strides = array<i32>} : memref<224x128xf32, #tpu.memory_space<vmem>>, vector<1x16xf32>,
        %parallel_loop3A_1305 = vector.shape_cast %parallel_loop3A_1304 : vector<1x16xf32> to vector<16xf32>
        %parallel_loop3A_1306 = arith.addf %parallel_loop3A_1299, %parallel_loop3A_1305 : vector<16xf32>
        %parallel_loop3A_1307 = arith.addf %parallel_loop3A_1293, %parallel_loop3A_1306 : vector<16xf32>
        %parallel_loop3A_1308 = arith.index_cast %parallel_loop3A_1053 : i32 to index
        %parallel_loop3A_1309 = arith.constant 64 : index
        %parallel_loop3A_1310 = tpu.vector_load %arg21[%parallel_loop3A_1308, %parallel_loop3A_1309] {strides = array<i32>} : memref<32x128xf32, #tpu.memory_space<vmem>>, vector<1x16xf32>,
        %parallel_loop3A_1311 = vector.shape_cast %parallel_loop3A_1310 : vector<1x16xf32> to vector<16xf32>
        %parallel_loop3A_1312 = vector.shape_cast %parallel_loop3A_1307 : vector<16xf32> to vector<1x16xf32>
        tpu.vector_store %arg21[%parallel_loop3A_1308, %parallel_loop3A_1309], %parallel_loop3A_1312 {strides = array<i32>} : memref<32x128xf32, #tpu.memory_space<vmem>>, vector<1x16xf32>,
        %parallel_loop3A_1313 = arith.index_cast %parallel_loop3A_1053 : i32 to index
        %parallel_loop3A_1314 = arith.constant 64 : index
        %parallel_loop3A_1315 = tpu.vector_load %arg19[%parallel_loop3A_1313, %parallel_loop3A_1314] {strides = array<i32>} : memref<224x128xf32, #tpu.memory_space<vmem>>, vector<1x16xf32>,
        %parallel_loop3A_1316 = vector.shape_cast %parallel_loop3A_1315 : vector<1x16xf32> to vector<16xf32>
        %parallel_loop3A_1317 = arith.constant 160 : i32
        %parallel_loop3A_1318 = arith.addi %parallel_loop3A_1317, %parallel_loop3A_1053 : i32
        %parallel_loop3A_1319 = arith.index_cast %parallel_loop3A_1318 : i32 to index
        %parallel_loop3A_1320 = arith.constant 64 : index
        %parallel_loop3A_1321 = tpu.vector_load %arg19[%parallel_loop3A_1319, %parallel_loop3A_1320] {strides = array<i32>} : memref<224x128xf32, #tpu.memory_space<vmem>>, vector<1x16xf32>,
        %parallel_loop3A_1322 = vector.shape_cast %parallel_loop3A_1321 : vector<1x16xf32> to vector<16xf32>
        %parallel_loop3A_1323 = arith.addf %parallel_loop3A_1316, %parallel_loop3A_1322 : vector<16xf32>
        %parallel_loop3A_1324 = arith.constant 192 : i32
        %parallel_loop3A_1325 = arith.addi %parallel_loop3A_1324, %parallel_loop3A_1053 : i32
        %parallel_loop3A_1326 = arith.index_cast %parallel_loop3A_1325 : i32 to index
        %parallel_loop3A_1327 = arith.constant 64 : index
        %parallel_loop3A_1328 = tpu.vector_load %arg19[%parallel_loop3A_1326, %parallel_loop3A_1327] {strides = array<i32>} : memref<224x128xf32, #tpu.memory_space<vmem>>, vector<1x16xf32>,
        %parallel_loop3A_1329 = vector.shape_cast %parallel_loop3A_1328 : vector<1x16xf32> to vector<16xf32>
        %parallel_loop3A_1330 = arith.addf %parallel_loop3A_1323, %parallel_loop3A_1329 : vector<16xf32>
        %parallel_loop3A_1331 = arith.index_cast %parallel_loop3A_1053 : i32 to index
        %parallel_loop3A_1332 = arith.constant 64 : index
        %parallel_loop3A_1333 = tpu.vector_load %arg22[%parallel_loop3A_1331, %parallel_loop3A_1332] {strides = array<i32>} : memref<32x128xf32, #tpu.memory_space<vmem>>, vector<1x16xf32>,
        %parallel_loop3A_1334 = vector.shape_cast %parallel_loop3A_1333 : vector<1x16xf32> to vector<16xf32>
        %parallel_loop3A_1335 = vector.shape_cast %parallel_loop3A_1330 : vector<16xf32> to vector<1x16xf32>
        tpu.vector_store %arg22[%parallel_loop3A_1331, %parallel_loop3A_1332], %parallel_loop3A_1335 {strides = array<i32>} : memref<32x128xf32, #tpu.memory_space<vmem>>, vector<1x16xf32>,
        %parallel_loop3A_1336 = arith.mulf %parallel_loop3A_1307, %parallel_loop3A_1307 : vector<16xf32>
        %parallel_loop3A_1337 = arith.addf %parallel_loop3A_1280, %parallel_loop3A_1336 : vector<16xf32>
        %parallel_loop3A_1338 = arith.constant 32 : i32
        %parallel_loop3A_1339 = arith.addi %parallel_loop3A_1338, %parallel_loop3A_1053 : i32
        %parallel_loop3A_1340 = arith.index_cast %parallel_loop3A_1339 : i32 to index
        %parallel_loop3A_1341 = arith.constant 80 : index
        %parallel_loop3A_1342 = tpu.vector_load %arg19[%parallel_loop3A_1340, %parallel_loop3A_1341] {strides = array<i32>} : memref<224x128xf32, #tpu.memory_space<vmem>>, vector<1x16xf32>,
        %parallel_loop3A_1343 = vector.shape_cast %parallel_loop3A_1342 : vector<1x16xf32> to vector<16xf32>
        %parallel_loop3A_1344 = arith.constant 64 : i32
        %parallel_loop3A_1345 = arith.addi %parallel_loop3A_1344, %parallel_loop3A_1053 : i32
        %parallel_loop3A_1346 = arith.index_cast %parallel_loop3A_1345 : i32 to index
        %parallel_loop3A_1347 = arith.constant 80 : index
        %parallel_loop3A_1348 = tpu.vector_load %arg19[%parallel_loop3A_1346, %parallel_loop3A_1347] {strides = array<i32>} : memref<224x128xf32, #tpu.memory_space<vmem>>, vector<1x16xf32>,
        %parallel_loop3A_1349 = vector.shape_cast %parallel_loop3A_1348 : vector<1x16xf32> to vector<16xf32>
        %parallel_loop3A_1350 = arith.addf %parallel_loop3A_1343, %parallel_loop3A_1349 : vector<16xf32>
        %parallel_loop3A_1351 = arith.constant 96 : i32
        %parallel_loop3A_1352 = arith.addi %parallel_loop3A_1351, %parallel_loop3A_1053 : i32
        %parallel_loop3A_1353 = arith.index_cast %parallel_loop3A_1352 : i32 to index
        %parallel_loop3A_1354 = arith.constant 80 : index
        %parallel_loop3A_1355 = tpu.vector_load %arg19[%parallel_loop3A_1353, %parallel_loop3A_1354] {strides = array<i32>} : memref<224x128xf32, #tpu.memory_space<vmem>>, vector<1x16xf32>,
        %parallel_loop3A_1356 = vector.shape_cast %parallel_loop3A_1355 : vector<1x16xf32> to vector<16xf32>
        %parallel_loop3A_1357 = arith.constant 128 : i32
        %parallel_loop3A_1358 = arith.addi %parallel_loop3A_1357, %parallel_loop3A_1053 : i32
        %parallel_loop3A_1359 = arith.index_cast %parallel_loop3A_1358 : i32 to index
        %parallel_loop3A_1360 = arith.constant 80 : index
        %parallel_loop3A_1361 = tpu.vector_load %arg19[%parallel_loop3A_1359, %parallel_loop3A_1360] {strides = array<i32>} : memref<224x128xf32, #tpu.memory_space<vmem>>, vector<1x16xf32>,
        %parallel_loop3A_1362 = vector.shape_cast %parallel_loop3A_1361 : vector<1x16xf32> to vector<16xf32>
        %parallel_loop3A_1363 = arith.addf %parallel_loop3A_1356, %parallel_loop3A_1362 : vector<16xf32>
        %parallel_loop3A_1364 = arith.addf %parallel_loop3A_1350, %parallel_loop3A_1363 : vector<16xf32>
        %parallel_loop3A_1365 = arith.index_cast %parallel_loop3A_1053 : i32 to index
        %parallel_loop3A_1366 = arith.constant 80 : index
        %parallel_loop3A_1367 = tpu.vector_load %arg21[%parallel_loop3A_1365, %parallel_loop3A_1366] {strides = array<i32>} : memref<32x128xf32, #tpu.memory_space<vmem>>, vector<1x16xf32>,
        %parallel_loop3A_1368 = vector.shape_cast %parallel_loop3A_1367 : vector<1x16xf32> to vector<16xf32>
        %parallel_loop3A_1369 = vector.shape_cast %parallel_loop3A_1364 : vector<16xf32> to vector<1x16xf32>
        tpu.vector_store %arg21[%parallel_loop3A_1365, %parallel_loop3A_1366], %parallel_loop3A_1369 {strides = array<i32>} : memref<32x128xf32, #tpu.memory_space<vmem>>, vector<1x16xf32>,
        %parallel_loop3A_1370 = arith.index_cast %parallel_loop3A_1053 : i32 to index
        %parallel_loop3A_1371 = arith.constant 80 : index
        %parallel_loop3A_1372 = tpu.vector_load %arg19[%parallel_loop3A_1370, %parallel_loop3A_1371] {strides = array<i32>} : memref<224x128xf32, #tpu.memory_space<vmem>>, vector<1x16xf32>,
        %parallel_loop3A_1373 = vector.shape_cast %parallel_loop3A_1372 : vector<1x16xf32> to vector<16xf32>
        %parallel_loop3A_1374 = arith.constant 160 : i32
        %parallel_loop3A_1375 = arith.addi %parallel_loop3A_1374, %parallel_loop3A_1053 : i32
        %parallel_loop3A_1376 = arith.index_cast %parallel_loop3A_1375 : i32 to index
        %parallel_loop3A_1377 = arith.constant 80 : index
        %parallel_loop3A_1378 = tpu.vector_load %arg19[%parallel_loop3A_1376, %parallel_loop3A_1377] {strides = array<i32>} : memref<224x128xf32, #tpu.memory_space<vmem>>, vector<1x16xf32>,
        %parallel_loop3A_1379 = vector.shape_cast %parallel_loop3A_1378 : vector<1x16xf32> to vector<16xf32>
        %parallel_loop3A_1380 = arith.addf %parallel_loop3A_1373, %parallel_loop3A_1379 : vector<16xf32>
        %parallel_loop3A_1381 = arith.constant 192 : i32
        %parallel_loop3A_1382 = arith.addi %parallel_loop3A_1381, %parallel_loop3A_1053 : i32
        %parallel_loop3A_1383 = arith.index_cast %parallel_loop3A_1382 : i32 to index
        %parallel_loop3A_1384 = arith.constant 80 : index
        %parallel_loop3A_1385 = tpu.vector_load %arg19[%parallel_loop3A_1383, %parallel_loop3A_1384] {strides = array<i32>} : memref<224x128xf32, #tpu.memory_space<vmem>>, vector<1x16xf32>,
        %parallel_loop3A_1386 = vector.shape_cast %parallel_loop3A_1385 : vector<1x16xf32> to vector<16xf32>
        %parallel_loop3A_1387 = arith.addf %parallel_loop3A_1380, %parallel_loop3A_1386 : vector<16xf32>
        %parallel_loop3A_1388 = arith.index_cast %parallel_loop3A_1053 : i32 to index
        %parallel_loop3A_1389 = arith.constant 80 : index
        %parallel_loop3A_1390 = tpu.vector_load %arg22[%parallel_loop3A_1388, %parallel_loop3A_1389] {strides = array<i32>} : memref<32x128xf32, #tpu.memory_space<vmem>>, vector<1x16xf32>,
        %parallel_loop3A_1391 = vector.shape_cast %parallel_loop3A_1390 : vector<1x16xf32> to vector<16xf32>
        %parallel_loop3A_1392 = vector.shape_cast %parallel_loop3A_1387 : vector<16xf32> to vector<1x16xf32>
        tpu.vector_store %arg22[%parallel_loop3A_1388, %parallel_loop3A_1389], %parallel_loop3A_1392 {strides = array<i32>} : memref<32x128xf32, #tpu.memory_space<vmem>>, vector<1x16xf32>,
        %parallel_loop3A_1393 = arith.mulf %parallel_loop3A_1364, %parallel_loop3A_1364 : vector<16xf32>
        %parallel_loop3A_1394 = arith.addf %parallel_loop3A_1337, %parallel_loop3A_1393 : vector<16xf32>
        %parallel_loop3A_1395 = arith.constant 32 : i32
        %parallel_loop3A_1396 = arith.addi %parallel_loop3A_1395, %parallel_loop3A_1053 : i32
        %parallel_loop3A_1397 = arith.index_cast %parallel_loop3A_1396 : i32 to index
        %parallel_loop3A_1398 = arith.constant 96 : index
        %parallel_loop3A_1399 = tpu.vector_load %arg19[%parallel_loop3A_1397, %parallel_loop3A_1398] {strides = array<i32>} : memref<224x128xf32, #tpu.memory_space<vmem>>, vector<1x16xf32>,
        %parallel_loop3A_1400 = vector.shape_cast %parallel_loop3A_1399 : vector<1x16xf32> to vector<16xf32>
        %parallel_loop3A_1401 = arith.constant 64 : i32
        %parallel_loop3A_1402 = arith.addi %parallel_loop3A_1401, %parallel_loop3A_1053 : i32
        %parallel_loop3A_1403 = arith.index_cast %parallel_loop3A_1402 : i32 to index
        %parallel_loop3A_1404 = arith.constant 96 : index
        %parallel_loop3A_1405 = tpu.vector_load %arg19[%parallel_loop3A_1403, %parallel_loop3A_1404] {strides = array<i32>} : memref<224x128xf32, #tpu.memory_space<vmem>>, vector<1x16xf32>,
        %parallel_loop3A_1406 = vector.shape_cast %parallel_loop3A_1405 : vector<1x16xf32> to vector<16xf32>
        %parallel_loop3A_1407 = arith.addf %parallel_loop3A_1400, %parallel_loop3A_1406 : vector<16xf32>
        %parallel_loop3A_1408 = arith.constant 96 : i32
        %parallel_loop3A_1409 = arith.addi %parallel_loop3A_1408, %parallel_loop3A_1053 : i32
        %parallel_loop3A_1410 = arith.index_cast %parallel_loop3A_1409 : i32 to index
        %parallel_loop3A_1411 = arith.constant 96 : index
        %parallel_loop3A_1412 = tpu.vector_load %arg19[%parallel_loop3A_1410, %parallel_loop3A_1411] {strides = array<i32>} : memref<224x128xf32, #tpu.memory_space<vmem>>, vector<1x16xf32>,
        %parallel_loop3A_1413 = vector.shape_cast %parallel_loop3A_1412 : vector<1x16xf32> to vector<16xf32>
        %parallel_loop3A_1414 = arith.constant 128 : i32
        %parallel_loop3A_1415 = arith.addi %parallel_loop3A_1414, %parallel_loop3A_1053 : i32
        %parallel_loop3A_1416 = arith.index_cast %parallel_loop3A_1415 : i32 to index
        %parallel_loop3A_1417 = arith.constant 96 : index
        %parallel_loop3A_1418 = tpu.vector_load %arg19[%parallel_loop3A_1416, %parallel_loop3A_1417] {strides = array<i32>} : memref<224x128xf32, #tpu.memory_space<vmem>>, vector<1x16xf32>,
        %parallel_loop3A_1419 = vector.shape_cast %parallel_loop3A_1418 : vector<1x16xf32> to vector<16xf32>
        %parallel_loop3A_1420 = arith.addf %parallel_loop3A_1413, %parallel_loop3A_1419 : vector<16xf32>
        %parallel_loop3A_1421 = arith.addf %parallel_loop3A_1407, %parallel_loop3A_1420 : vector<16xf32>
        %parallel_loop3A_1422 = arith.index_cast %parallel_loop3A_1053 : i32 to index
        %parallel_loop3A_1423 = arith.constant 96 : index
        %parallel_loop3A_1424 = tpu.vector_load %arg21[%parallel_loop3A_1422, %parallel_loop3A_1423] {strides = array<i32>} : memref<32x128xf32, #tpu.memory_space<vmem>>, vector<1x16xf32>,
        %parallel_loop3A_1425 = vector.shape_cast %parallel_loop3A_1424 : vector<1x16xf32> to vector<16xf32>
        %parallel_loop3A_1426 = vector.shape_cast %parallel_loop3A_1421 : vector<16xf32> to vector<1x16xf32>
        tpu.vector_store %arg21[%parallel_loop3A_1422, %parallel_loop3A_1423], %parallel_loop3A_1426 {strides = array<i32>} : memref<32x128xf32, #tpu.memory_space<vmem>>, vector<1x16xf32>,
        %parallel_loop3A_1427 = arith.index_cast %parallel_loop3A_1053 : i32 to index
        %parallel_loop3A_1428 = arith.constant 96 : index
        %parallel_loop3A_1429 = tpu.vector_load %arg19[%parallel_loop3A_1427, %parallel_loop3A_1428] {strides = array<i32>} : memref<224x128xf32, #tpu.memory_space<vmem>>, vector<1x16xf32>,
        %parallel_loop3A_1430 = vector.shape_cast %parallel_loop3A_1429 : vector<1x16xf32> to vector<16xf32>
        %parallel_loop3A_1431 = arith.constant 160 : i32
        %parallel_loop3A_1432 = arith.addi %parallel_loop3A_1431, %parallel_loop3A_1053 : i32
        %parallel_loop3A_1433 = arith.index_cast %parallel_loop3A_1432 : i32 to index
        %parallel_loop3A_1434 = arith.constant 96 : index
        %parallel_loop3A_1435 = tpu.vector_load %arg19[%parallel_loop3A_1433, %parallel_loop3A_1434] {strides = array<i32>} : memref<224x128xf32, #tpu.memory_space<vmem>>, vector<1x16xf32>,
        %parallel_loop3A_1436 = vector.shape_cast %parallel_loop3A_1435 : vector<1x16xf32> to vector<16xf32>
        %parallel_loop3A_1437 = arith.addf %parallel_loop3A_1430, %parallel_loop3A_1436 : vector<16xf32>
        %parallel_loop3A_1438 = arith.constant 192 : i32
        %parallel_loop3A_1439 = arith.addi %parallel_loop3A_1438, %parallel_loop3A_1053 : i32
        %parallel_loop3A_1440 = arith.index_cast %parallel_loop3A_1439 : i32 to index
        %parallel_loop3A_1441 = arith.constant 96 : index
        %parallel_loop3A_1442 = tpu.vector_load %arg19[%parallel_loop3A_1440, %parallel_loop3A_1441] {strides = array<i32>} : memref<224x128xf32, #tpu.memory_space<vmem>>, vector<1x16xf32>,
        %parallel_loop3A_1443 = vector.shape_cast %parallel_loop3A_1442 : vector<1x16xf32> to vector<16xf32>
        %parallel_loop3A_1444 = arith.addf %parallel_loop3A_1437, %parallel_loop3A_1443 : vector<16xf32>
        %parallel_loop3A_1445 = arith.index_cast %parallel_loop3A_1053 : i32 to index
        %parallel_loop3A_1446 = arith.constant 96 : index
        %parallel_loop3A_1447 = tpu.vector_load %arg22[%parallel_loop3A_1445, %parallel_loop3A_1446] {strides = array<i32>} : memref<32x128xf32, #tpu.memory_space<vmem>>, vector<1x16xf32>,
        %parallel_loop3A_1448 = vector.shape_cast %parallel_loop3A_1447 : vector<1x16xf32> to vector<16xf32>
        %parallel_loop3A_1449 = vector.shape_cast %parallel_loop3A_1444 : vector<16xf32> to vector<1x16xf32>
        tpu.vector_store %arg22[%parallel_loop3A_1445, %parallel_loop3A_1446], %parallel_loop3A_1449 {strides = array<i32>} : memref<32x128xf32, #tpu.memory_space<vmem>>, vector<1x16xf32>,
        %parallel_loop3A_1450 = arith.mulf %parallel_loop3A_1421, %parallel_loop3A_1421 : vector<16xf32>
        %parallel_loop3A_1451 = arith.addf %parallel_loop3A_1394, %parallel_loop3A_1450 : vector<16xf32>
        %parallel_loop3A_1452 = arith.constant 32 : i32
        %parallel_loop3A_1453 = arith.addi %parallel_loop3A_1452, %parallel_loop3A_1053 : i32
        %parallel_loop3A_1454 = arith.index_cast %parallel_loop3A_1453 : i32 to index
        %parallel_loop3A_1455 = arith.constant 112 : index
        %parallel_loop3A_1456 = tpu.vector_load %arg19[%parallel_loop3A_1454, %parallel_loop3A_1455] {strides = array<i32>} : memref<224x128xf32, #tpu.memory_space<vmem>>, vector<1x16xf32>,
        %parallel_loop3A_1457 = vector.shape_cast %parallel_loop3A_1456 : vector<1x16xf32> to vector<16xf32>
        %parallel_loop3A_1458 = arith.constant 64 : i32
        %parallel_loop3A_1459 = arith.addi %parallel_loop3A_1458, %parallel_loop3A_1053 : i32
        %parallel_loop3A_1460 = arith.index_cast %parallel_loop3A_1459 : i32 to index
        %parallel_loop3A_1461 = arith.constant 112 : index
        %parallel_loop3A_1462 = tpu.vector_load %arg19[%parallel_loop3A_1460, %parallel_loop3A_1461] {strides = array<i32>} : memref<224x128xf32, #tpu.memory_space<vmem>>, vector<1x16xf32>,
        %parallel_loop3A_1463 = vector.shape_cast %parallel_loop3A_1462 : vector<1x16xf32> to vector<16xf32>
        %parallel_loop3A_1464 = arith.addf %parallel_loop3A_1457, %parallel_loop3A_1463 : vector<16xf32>
        %parallel_loop3A_1465 = arith.constant 96 : i32
        %parallel_loop3A_1466 = arith.addi %parallel_loop3A_1465, %parallel_loop3A_1053 : i32
        %parallel_loop3A_1467 = arith.index_cast %parallel_loop3A_1466 : i32 to index
        %parallel_loop3A_1468 = arith.constant 112 : index
        %parallel_loop3A_1469 = tpu.vector_load %arg19[%parallel_loop3A_1467, %parallel_loop3A_1468] {strides = array<i32>} : memref<224x128xf32, #tpu.memory_space<vmem>>, vector<1x16xf32>,
        %parallel_loop3A_1470 = vector.shape_cast %parallel_loop3A_1469 : vector<1x16xf32> to vector<16xf32>
        %parallel_loop3A_1471 = arith.constant 128 : i32
        %parallel_loop3A_1472 = arith.addi %parallel_loop3A_1471, %parallel_loop3A_1053 : i32
        %parallel_loop3A_1473 = arith.index_cast %parallel_loop3A_1472 : i32 to index
        %parallel_loop3A_1474 = arith.constant 112 : index
        %parallel_loop3A_1475 = tpu.vector_load %arg19[%parallel_loop3A_1473, %parallel_loop3A_1474] {strides = array<i32>} : memref<224x128xf32, #tpu.memory_space<vmem>>, vector<1x16xf32>,
        %parallel_loop3A_1476 = vector.shape_cast %parallel_loop3A_1475 : vector<1x16xf32> to vector<16xf32>
        %parallel_loop3A_1477 = arith.addf %parallel_loop3A_1470, %parallel_loop3A_1476 : vector<16xf32>
        %parallel_loop3A_1478 = arith.addf %parallel_loop3A_1464, %parallel_loop3A_1477 : vector<16xf32>
        %parallel_loop3A_1479 = arith.index_cast %parallel_loop3A_1053 : i32 to index
        %parallel_loop3A_1480 = arith.constant 112 : index
        %parallel_loop3A_1481 = tpu.vector_load %arg21[%parallel_loop3A_1479, %parallel_loop3A_1480] {strides = array<i32>} : memref<32x128xf32, #tpu.memory_space<vmem>>, vector<1x16xf32>,
        %parallel_loop3A_1482 = vector.shape_cast %parallel_loop3A_1481 : vector<1x16xf32> to vector<16xf32>
        %parallel_loop3A_1483 = vector.shape_cast %parallel_loop3A_1478 : vector<16xf32> to vector<1x16xf32>
        tpu.vector_store %arg21[%parallel_loop3A_1479, %parallel_loop3A_1480], %parallel_loop3A_1483 {strides = array<i32>} : memref<32x128xf32, #tpu.memory_space<vmem>>, vector<1x16xf32>,
        %parallel_loop3A_1484 = arith.index_cast %parallel_loop3A_1053 : i32 to index
        %parallel_loop3A_1485 = arith.constant 112 : index
        %parallel_loop3A_1486 = tpu.vector_load %arg19[%parallel_loop3A_1484, %parallel_loop3A_1485] {strides = array<i32>} : memref<224x128xf32, #tpu.memory_space<vmem>>, vector<1x16xf32>,
        %parallel_loop3A_1487 = vector.shape_cast %parallel_loop3A_1486 : vector<1x16xf32> to vector<16xf32>
        %parallel_loop3A_1488 = arith.constant 160 : i32
        %parallel_loop3A_1489 = arith.addi %parallel_loop3A_1488, %parallel_loop3A_1053 : i32
        %parallel_loop3A_1490 = arith.index_cast %parallel_loop3A_1489 : i32 to index
        %parallel_loop3A_1491 = arith.constant 112 : index
        %parallel_loop3A_1492 = tpu.vector_load %arg19[%parallel_loop3A_1490, %parallel_loop3A_1491] {strides = array<i32>} : memref<224x128xf32, #tpu.memory_space<vmem>>, vector<1x16xf32>,
        %parallel_loop3A_1493 = vector.shape_cast %parallel_loop3A_1492 : vector<1x16xf32> to vector<16xf32>
        %parallel_loop3A_1494 = arith.addf %parallel_loop3A_1487, %parallel_loop3A_1493 : vector<16xf32>
        %parallel_loop3A_1495 = arith.constant 192 : i32
        %parallel_loop3A_1496 = arith.addi %parallel_loop3A_1495, %parallel_loop3A_1053 : i32
        %parallel_loop3A_1497 = arith.index_cast %parallel_loop3A_1496 : i32 to index
        %parallel_loop3A_1498 = arith.constant 112 : index
        %parallel_loop3A_1499 = tpu.vector_load %arg19[%parallel_loop3A_1497, %parallel_loop3A_1498] {strides = array<i32>} : memref<224x128xf32, #tpu.memory_space<vmem>>, vector<1x16xf32>,
        %parallel_loop3A_1500 = vector.shape_cast %parallel_loop3A_1499 : vector<1x16xf32> to vector<16xf32>
        %parallel_loop3A_1501 = arith.addf %parallel_loop3A_1494, %parallel_loop3A_1500 : vector<16xf32>
        %parallel_loop3A_1502 = arith.index_cast %parallel_loop3A_1053 : i32 to index
        %parallel_loop3A_1503 = arith.constant 112 : index
        %parallel_loop3A_1504 = tpu.vector_load %arg22[%parallel_loop3A_1502, %parallel_loop3A_1503] {strides = array<i32>} : memref<32x128xf32, #tpu.memory_space<vmem>>, vector<1x16xf32>,
        %parallel_loop3A_1505 = vector.shape_cast %parallel_loop3A_1504 : vector<1x16xf32> to vector<16xf32>
        %parallel_loop3A_1506 = vector.shape_cast %parallel_loop3A_1501 : vector<16xf32> to vector<1x16xf32>
        tpu.vector_store %arg22[%parallel_loop3A_1502, %parallel_loop3A_1503], %parallel_loop3A_1506 {strides = array<i32>} : memref<32x128xf32, #tpu.memory_space<vmem>>, vector<1x16xf32>,
        %parallel_loop3A_1507 = arith.mulf %parallel_loop3A_1478, %parallel_loop3A_1478 : vector<16xf32>
        %parallel_loop3A_1508 = arith.addf %parallel_loop3A_1451, %parallel_loop3A_1507 : vector<16xf32>
        %parallel_loop3A_1509 = arith.constant 16 : i32
        %parallel_loop3A_1510 = arith.muli %parallel_loop3A_1053, %parallel_loop3A_1509 : i32
        %parallel_loop3A_1511 = arith.index_cast %parallel_loop3A_1510 : i32 to index
        %parallel_loop3A_1512 = tpu.vector_load %arg24[%parallel_loop3A_1511] {strides = array<i32>} : memref<528xf32, #tpu.memory_space<vmem>>, vector<16xf32>,
        %parallel_loop3A_1513 = vector.shape_cast %parallel_loop3A_1512 : vector<16xf32> to vector<16xf32>
        %parallel_loop3A_1514 = vector.shape_cast %parallel_loop3A_1508 : vector<16xf32> to vector<16xf32>
        tpu.vector_store %arg24[%parallel_loop3A_1511], %parallel_loop3A_1514 {strides = array<i32>} : memref<528xf32, #tpu.memory_space<vmem>>, vector<16xf32>,
        %parallel_loop3A_1515 = arith.index_cast %parallel_loop3A_1510 : i32 to index
        %parallel_loop3A_1516 = tpu.vector_load %arg24[%parallel_loop3A_1515] {strides = array<i32>} : memref<528xf32, #tpu.memory_space<vmem>>, vector<16xf32>,
        %parallel_loop3A_1517 = vector.shape_cast %parallel_loop3A_1516 : vector<16xf32> to vector<16xf32>
        %parallel_loop3A_1518 = arith.constant 8 : i32
        %parallel_loop3A_1519 = arith.addi %parallel_loop3A_1510, %parallel_loop3A_1518 : i32
        %parallel_loop3A_1520 = arith.index_cast %parallel_loop3A_1519 : i32 to index
        %parallel_loop3A_1521 = tpu.vector_load %arg24[%parallel_loop3A_1520] {strides = array<i32>} : memref<528xf32, #tpu.memory_space<vmem>>, vector<16xf32>,
        %parallel_loop3A_1522 = vector.shape_cast %parallel_loop3A_1521 : vector<16xf32> to vector<16xf32>
        %parallel_loop3A_1523 = arith.addf %parallel_loop3A_1517, %parallel_loop3A_1522 : vector<16xf32>
        %parallel_loop3A_1524 = arith.index_cast %parallel_loop3A_1510 : i32 to index
        %parallel_loop3A_1525 = tpu.vector_load %arg25[%parallel_loop3A_1524] {strides = array<i32>} : memref<528xf32, #tpu.memory_space<vmem>>, vector<16xf32>,
        %parallel_loop3A_1526 = vector.shape_cast %parallel_loop3A_1525 : vector<16xf32> to vector<16xf32>
        %parallel_loop3A_1527 = vector.shape_cast %parallel_loop3A_1523 : vector<16xf32> to vector<16xf32>
        tpu.vector_store %arg25[%parallel_loop3A_1524], %parallel_loop3A_1527 {strides = array<i32>} : memref<528xf32, #tpu.memory_space<vmem>>, vector<16xf32>,
        %parallel_loop3A_1528 = arith.index_cast %parallel_loop3A_1510 : i32 to index
        %parallel_loop3A_1529 = tpu.vector_load %arg25[%parallel_loop3A_1528] {strides = array<i32>} : memref<528xf32, #tpu.memory_space<vmem>>, vector<16xf32>,
        %parallel_loop3A_1530 = vector.shape_cast %parallel_loop3A_1529 : vector<16xf32> to vector<16xf32>
        %parallel_loop3A_1531 = arith.constant 4 : i32
        %parallel_loop3A_1532 = arith.addi %parallel_loop3A_1510, %parallel_loop3A_1531 : i32
        %parallel_loop3A_1533 = arith.index_cast %parallel_loop3A_1532 : i32 to index
        %parallel_loop3A_1534 = tpu.vector_load %arg25[%parallel_loop3A_1533] {strides = array<i32>} : memref<528xf32, #tpu.memory_space<vmem>>, vector<16xf32>,
        %parallel_loop3A_1535 = vector.shape_cast %parallel_loop3A_1534 : vector<16xf32> to vector<16xf32>
        %parallel_loop3A_1536 = arith.addf %parallel_loop3A_1530, %parallel_loop3A_1535 : vector<16xf32>
        %parallel_loop3A_1537 = arith.index_cast %parallel_loop3A_1510 : i32 to index
        %parallel_loop3A_1538 = tpu.vector_load %arg24[%parallel_loop3A_1537] {strides = array<i32>} : memref<528xf32, #tpu.memory_space<vmem>>, vector<16xf32>,
        %parallel_loop3A_1539 = vector.shape_cast %parallel_loop3A_1538 : vector<16xf32> to vector<16xf32>
        %parallel_loop3A_1540 = vector.shape_cast %parallel_loop3A_1536 : vector<16xf32> to vector<16xf32>
        tpu.vector_store %arg24[%parallel_loop3A_1537], %parallel_loop3A_1540 {strides = array<i32>} : memref<528xf32, #tpu.memory_space<vmem>>, vector<16xf32>,
        %parallel_loop3A_1541 = arith.index_cast %parallel_loop3A_1510 : i32 to index
        %parallel_loop3A_1542 = tpu.vector_load %arg24[%parallel_loop3A_1541] {strides = array<i32>} : memref<528xf32, #tpu.memory_space<vmem>>, vector<16xf32>,
        %parallel_loop3A_1543 = vector.shape_cast %parallel_loop3A_1542 : vector<16xf32> to vector<16xf32>
        %parallel_loop3A_1544 = arith.constant 2 : i32
        %parallel_loop3A_1545 = arith.addi %parallel_loop3A_1510, %parallel_loop3A_1544 : i32
        %parallel_loop3A_1546 = arith.index_cast %parallel_loop3A_1545 : i32 to index
        %parallel_loop3A_1547 = tpu.vector_load %arg24[%parallel_loop3A_1546] {strides = array<i32>} : memref<528xf32, #tpu.memory_space<vmem>>, vector<16xf32>,
        %parallel_loop3A_1548 = vector.shape_cast %parallel_loop3A_1547 : vector<16xf32> to vector<16xf32>
        %parallel_loop3A_1549 = arith.addf %parallel_loop3A_1543, %parallel_loop3A_1548 : vector<16xf32>
        %parallel_loop3A_1550 = arith.index_cast %parallel_loop3A_1510 : i32 to index
        %parallel_loop3A_1551 = tpu.vector_load %arg25[%parallel_loop3A_1550] {strides = array<i32>} : memref<528xf32, #tpu.memory_space<vmem>>, vector<16xf32>,
        %parallel_loop3A_1552 = vector.shape_cast %parallel_loop3A_1551 : vector<16xf32> to vector<16xf32>
        %parallel_loop3A_1553 = vector.shape_cast %parallel_loop3A_1549 : vector<16xf32> to vector<16xf32>
        tpu.vector_store %arg25[%parallel_loop3A_1550], %parallel_loop3A_1553 {strides = array<i32>} : memref<528xf32, #tpu.memory_space<vmem>>, vector<16xf32>,
        %parallel_loop3A_1554 = arith.index_cast %parallel_loop3A_1510 : i32 to index
        %parallel_loop3A_1555 = tpu.vector_load %arg25[%parallel_loop3A_1554] {strides = array<i32>} : memref<528xf32, #tpu.memory_space<vmem>>, vector<16xf32>,
        %parallel_loop3A_1556 = vector.shape_cast %parallel_loop3A_1555 : vector<16xf32> to vector<16xf32>
        %parallel_loop3A_1557 = arith.constant 1 : i32
        %parallel_loop3A_1558 = arith.addi %parallel_loop3A_1510, %parallel_loop3A_1557 : i32
        %parallel_loop3A_1559 = arith.index_cast %parallel_loop3A_1558 : i32 to index
        %parallel_loop3A_1560 = tpu.vector_load %arg25[%parallel_loop3A_1559] {strides = array<i32>} : memref<528xf32, #tpu.memory_space<vmem>>, vector<16xf32>,
        %parallel_loop3A_1561 = vector.shape_cast %parallel_loop3A_1560 : vector<16xf32> to vector<16xf32>
        %parallel_loop3A_1562 = arith.addf %parallel_loop3A_1556, %parallel_loop3A_1561 : vector<16xf32>
        %parallel_loop3A_1563 = arith.index_cast %parallel_loop3A_1510 : i32 to index
        %parallel_loop3A_1564 = tpu.vector_load %arg24[%parallel_loop3A_1563] {strides = array<i32>} : memref<528xf32, #tpu.memory_space<vmem>>, vector<16xf32>,
        %parallel_loop3A_1565 = vector.shape_cast %parallel_loop3A_1564 : vector<16xf32> to vector<16xf32>
        %parallel_loop3A_1566 = vector.shape_cast %parallel_loop3A_1562 : vector<16xf32> to vector<16xf32>
        tpu.vector_store %arg24[%parallel_loop3A_1563], %parallel_loop3A_1566 {strides = array<i32>} : memref<528xf32, #tpu.memory_space<vmem>>, vector<16xf32>,
      } {sc.loop_unroll_factor = 4 : i64, sc.parallel_access}
      %get3A_652 = arith.constant 0 : index
      %get3A_653 = tpu.vector_load %arg24[%get3A_652] {strides = array<i32>} : memref<528xf32, #tpu.memory_space<vmem>>, vector<16xf32>,
      %get3A_654 = vector.shape_cast %get3A_653 : vector<16xf32> to vector<16xf32>
      %slice3A_655 = vector.extract_strided_slice %get3A_654 {offsets = [0], sizes = [1], strides = [1]} : vector<16xf32> to vector<1xf32>
      %squeeze3A_656 = vector.extract %slice3A_655[0] : f32 from vector<1xf32>
      %broadcast_in_dim3A_657 = vector.broadcast %squeeze3A_656 : f32 to vector<16xf32>
      %get3A_658 = arith.constant 16 : index
      %get3A_659 = tpu.vector_load %arg24[%get3A_658] {strides = array<i32>} : memref<528xf32, #tpu.memory_space<vmem>>, vector<16xf32>,
      %get3A_660 = vector.shape_cast %get3A_659 : vector<16xf32> to vector<16xf32>
      %slice3A_661 = vector.extract_strided_slice %get3A_660 {offsets = [0], sizes = [1], strides = [1]} : vector<16xf32> to vector<1xf32>
      %squeeze3A_662 = vector.extract %slice3A_661[0] : f32 from vector<1xf32>
      %broadcast_in_dim3A_663 = vector.broadcast %squeeze3A_662 : f32 to vector<16xf32>
      %eq3A_664 = arith.constant 1 : i32
      %eq3A_665 = vector.broadcast %eq3A_664 : i32 to vector<16xi32>
      %eq3A_666 = arith.cmpi eq, %iota3A, %eq3A_665 : vector<16xi32>
      %select_n3A_667 = arith.select %eq3A_666, %broadcast_in_dim3A_663, %broadcast_in_dim3A_657 : vector<16xi1>, vector<16xf32>
      %get3A_668 = arith.constant 32 : index
      %get3A_669 = tpu.vector_load %arg24[%get3A_668] {strides = array<i32>} : memref<528xf32, #tpu.memory_space<vmem>>, vector<16xf32>,
      %get3A_670 = vector.shape_cast %get3A_669 : vector<16xf32> to vector<16xf32>
      %slice3A_671 = vector.extract_strided_slice %get3A_670 {offsets = [0], sizes = [1], strides = [1]} : vector<16xf32> to vector<1xf32>
      %squeeze3A_672 = vector.extract %slice3A_671[0] : f32 from vector<1xf32>
      %broadcast_in_dim3A_673 = vector.broadcast %squeeze3A_672 : f32 to vector<16xf32>
      %eq3A_674 = arith.constant 2 : i32
      %eq3A_675 = vector.broadcast %eq3A_674 : i32 to vector<16xi32>
      %eq3A_676 = arith.cmpi eq, %iota3A, %eq3A_675 : vector<16xi32>
      %select_n3A_677 = arith.select %eq3A_676, %broadcast_in_dim3A_673, %select_n3A_667 : vector<16xi1>, vector<16xf32>
      %get3A_678 = arith.constant 48 : index
      %get3A_679 = tpu.vector_load %arg24[%get3A_678] {strides = array<i32>} : memref<528xf32, #tpu.memory_space<vmem>>, vector<16xf32>,
      %get3A_680 = vector.shape_cast %get3A_679 : vector<16xf32> to vector<16xf32>
      %slice3A_681 = vector.extract_strided_slice %get3A_680 {offsets = [0], sizes = [1], strides = [1]} : vector<16xf32> to vector<1xf32>
      %squeeze3A_682 = vector.extract %slice3A_681[0] : f32 from vector<1xf32>
      %broadcast_in_dim3A_683 = vector.broadcast %squeeze3A_682 : f32 to vector<16xf32>
      %eq3A_684 = arith.constant 3 : i32
      %eq3A_685 = vector.broadcast %eq3A_684 : i32 to vector<16xi32>
      %eq3A_686 = arith.cmpi eq, %iota3A, %eq3A_685 : vector<16xi32>
      %select_n3A_687 = arith.select %eq3A_686, %broadcast_in_dim3A_683, %select_n3A_677 : vector<16xi1>, vector<16xf32>
      %get3A_688 = arith.constant 64 : index
      %get3A_689 = tpu.vector_load %arg24[%get3A_688] {strides = array<i32>} : memref<528xf32, #tpu.memory_space<vmem>>, vector<16xf32>,
      %get3A_690 = vector.shape_cast %get3A_689 : vector<16xf32> to vector<16xf32>
      %slice3A_691 = vector.extract_strided_slice %get3A_690 {offsets = [0], sizes = [1], strides = [1]} : vector<16xf32> to vector<1xf32>
      %squeeze3A_692 = vector.extract %slice3A_691[0] : f32 from vector<1xf32>
      %broadcast_in_dim3A_693 = vector.broadcast %squeeze3A_692 : f32 to vector<16xf32>
      %eq3A_694 = arith.constant 4 : i32
      %eq3A_695 = vector.broadcast %eq3A_694 : i32 to vector<16xi32>
      %eq3A_696 = arith.cmpi eq, %iota3A, %eq3A_695 : vector<16xi32>
      %select_n3A_697 = arith.select %eq3A_696, %broadcast_in_dim3A_693, %select_n3A_687 : vector<16xi1>, vector<16xf32>
      %get3A_698 = arith.constant 80 : index
      %get3A_699 = tpu.vector_load %arg24[%get3A_698] {strides = array<i32>} : memref<528xf32, #tpu.memory_space<vmem>>, vector<16xf32>,
      %get3A_700 = vector.shape_cast %get3A_699 : vector<16xf32> to vector<16xf32>
      %slice3A_701 = vector.extract_strided_slice %get3A_700 {offsets = [0], sizes = [1], strides = [1]} : vector<16xf32> to vector<1xf32>
      %squeeze3A_702 = vector.extract %slice3A_701[0] : f32 from vector<1xf32>
      %broadcast_in_dim3A_703 = vector.broadcast %squeeze3A_702 : f32 to vector<16xf32>
      %eq3A_704 = arith.constant 5 : i32
      %eq3A_705 = vector.broadcast %eq3A_704 : i32 to vector<16xi32>
      %eq3A_706 = arith.cmpi eq, %iota3A, %eq3A_705 : vector<16xi32>
      %select_n3A_707 = arith.select %eq3A_706, %broadcast_in_dim3A_703, %select_n3A_697 : vector<16xi1>, vector<16xf32>
      %get3A_708 = arith.constant 96 : index
      %get3A_709 = tpu.vector_load %arg24[%get3A_708] {strides = array<i32>} : memref<528xf32, #tpu.memory_space<vmem>>, vector<16xf32>,
      %get3A_710 = vector.shape_cast %get3A_709 : vector<16xf32> to vector<16xf32>
      %slice3A_711 = vector.extract_strided_slice %get3A_710 {offsets = [0], sizes = [1], strides = [1]} : vector<16xf32> to vector<1xf32>
      %squeeze3A_712 = vector.extract %slice3A_711[0] : f32 from vector<1xf32>
      %broadcast_in_dim3A_713 = vector.broadcast %squeeze3A_712 : f32 to vector<16xf32>
      %eq3A_714 = arith.constant 6 : i32
      %eq3A_715 = vector.broadcast %eq3A_714 : i32 to vector<16xi32>
      %eq3A_716 = arith.cmpi eq, %iota3A, %eq3A_715 : vector<16xi32>
      %select_n3A_717 = arith.select %eq3A_716, %broadcast_in_dim3A_713, %select_n3A_707 : vector<16xi1>, vector<16xf32>
      %get3A_718 = arith.constant 112 : index
      %get3A_719 = tpu.vector_load %arg24[%get3A_718] {strides = array<i32>} : memref<528xf32, #tpu.memory_space<vmem>>, vector<16xf32>,
      %get3A_720 = vector.shape_cast %get3A_719 : vector<16xf32> to vector<16xf32>
      %slice3A_721 = vector.extract_strided_slice %get3A_720 {offsets = [0], sizes = [1], strides = [1]} : vector<16xf32> to vector<1xf32>
      %squeeze3A_722 = vector.extract %slice3A_721[0] : f32 from vector<1xf32>
      %broadcast_in_dim3A_723 = vector.broadcast %squeeze3A_722 : f32 to vector<16xf32>
      %eq3A_724 = arith.constant 7 : i32
      %eq3A_725 = vector.broadcast %eq3A_724 : i32 to vector<16xi32>
      %eq3A_726 = arith.cmpi eq, %iota3A, %eq3A_725 : vector<16xi32>
      %select_n3A_727 = arith.select %eq3A_726, %broadcast_in_dim3A_723, %select_n3A_717 : vector<16xi1>, vector<16xf32>
      %get3A_728 = arith.constant 128 : index
      %get3A_729 = tpu.vector_load %arg24[%get3A_728] {strides = array<i32>} : memref<528xf32, #tpu.memory_space<vmem>>, vector<16xf32>,
      %get3A_730 = vector.shape_cast %get3A_729 : vector<16xf32> to vector<16xf32>
      %slice3A_731 = vector.extract_strided_slice %get3A_730 {offsets = [0], sizes = [1], strides = [1]} : vector<16xf32> to vector<1xf32>
      %squeeze3A_732 = vector.extract %slice3A_731[0] : f32 from vector<1xf32>
      %broadcast_in_dim3A_733 = vector.broadcast %squeeze3A_732 : f32 to vector<16xf32>
      %eq3A_734 = arith.constant 8 : i32
      %eq3A_735 = vector.broadcast %eq3A_734 : i32 to vector<16xi32>
      %eq3A_736 = arith.cmpi eq, %iota3A, %eq3A_735 : vector<16xi32>
      %select_n3A_737 = arith.select %eq3A_736, %broadcast_in_dim3A_733, %select_n3A_727 : vector<16xi1>, vector<16xf32>
      %get3A_738 = arith.constant 144 : index
      %get3A_739 = tpu.vector_load %arg24[%get3A_738] {strides = array<i32>} : memref<528xf32, #tpu.memory_space<vmem>>, vector<16xf32>,
      %get3A_740 = vector.shape_cast %get3A_739 : vector<16xf32> to vector<16xf32>
      %slice3A_741 = vector.extract_strided_slice %get3A_740 {offsets = [0], sizes = [1], strides = [1]} : vector<16xf32> to vector<1xf32>
      %squeeze3A_742 = vector.extract %slice3A_741[0] : f32 from vector<1xf32>
      %broadcast_in_dim3A_743 = vector.broadcast %squeeze3A_742 : f32 to vector<16xf32>
      %eq3A_744 = arith.constant 9 : i32
      %eq3A_745 = vector.broadcast %eq3A_744 : i32 to vector<16xi32>
      %eq3A_746 = arith.cmpi eq, %iota3A, %eq3A_745 : vector<16xi32>
      %select_n3A_747 = arith.select %eq3A_746, %broadcast_in_dim3A_743, %select_n3A_737 : vector<16xi1>, vector<16xf32>
      %get3A_748 = arith.constant 160 : index
      %get3A_749 = tpu.vector_load %arg24[%get3A_748] {strides = array<i32>} : memref<528xf32, #tpu.memory_space<vmem>>, vector<16xf32>,
      %get3A_750 = vector.shape_cast %get3A_749 : vector<16xf32> to vector<16xf32>
      %slice3A_751 = vector.extract_strided_slice %get3A_750 {offsets = [0], sizes = [1], strides = [1]} : vector<16xf32> to vector<1xf32>
      %squeeze3A_752 = vector.extract %slice3A_751[0] : f32 from vector<1xf32>
      %broadcast_in_dim3A_753 = vector.broadcast %squeeze3A_752 : f32 to vector<16xf32>
      %eq3A_754 = arith.constant 10 : i32
      %eq3A_755 = vector.broadcast %eq3A_754 : i32 to vector<16xi32>
      %eq3A_756 = arith.cmpi eq, %iota3A, %eq3A_755 : vector<16xi32>
      %select_n3A_757 = arith.select %eq3A_756, %broadcast_in_dim3A_753, %select_n3A_747 : vector<16xi1>, vector<16xf32>
      %get3A_758 = arith.constant 176 : index
      %get3A_759 = tpu.vector_load %arg24[%get3A_758] {strides = array<i32>} : memref<528xf32, #tpu.memory_space<vmem>>, vector<16xf32>,
      %get3A_760 = vector.shape_cast %get3A_759 : vector<16xf32> to vector<16xf32>
      %slice3A_761 = vector.extract_strided_slice %get3A_760 {offsets = [0], sizes = [1], strides = [1]} : vector<16xf32> to vector<1xf32>
      %squeeze3A_762 = vector.extract %slice3A_761[0] : f32 from vector<1xf32>
      %broadcast_in_dim3A_763 = vector.broadcast %squeeze3A_762 : f32 to vector<16xf32>
      %eq3A_764 = arith.constant 11 : i32
      %eq3A_765 = vector.broadcast %eq3A_764 : i32 to vector<16xi32>
      %eq3A_766 = arith.cmpi eq, %iota3A, %eq3A_765 : vector<16xi32>
      %select_n3A_767 = arith.select %eq3A_766, %broadcast_in_dim3A_763, %select_n3A_757 : vector<16xi1>, vector<16xf32>
      %get3A_768 = arith.constant 192 : index
      %get3A_769 = tpu.vector_load %arg24[%get3A_768] {strides = array<i32>} : memref<528xf32, #tpu.memory_space<vmem>>, vector<16xf32>,
      %get3A_770 = vector.shape_cast %get3A_769 : vector<16xf32> to vector<16xf32>
      %slice3A_771 = vector.extract_strided_slice %get3A_770 {offsets = [0], sizes = [1], strides = [1]} : vector<16xf32> to vector<1xf32>
      %squeeze3A_772 = vector.extract %slice3A_771[0] : f32 from vector<1xf32>
      %broadcast_in_dim3A_773 = vector.broadcast %squeeze3A_772 : f32 to vector<16xf32>
      %eq3A_774 = arith.constant 12 : i32
      %eq3A_775 = vector.broadcast %eq3A_774 : i32 to vector<16xi32>
      %eq3A_776 = arith.cmpi eq, %iota3A, %eq3A_775 : vector<16xi32>
      %select_n3A_777 = arith.select %eq3A_776, %broadcast_in_dim3A_773, %select_n3A_767 : vector<16xi1>, vector<16xf32>
      %get3A_778 = arith.constant 208 : index
      %get3A_779 = tpu.vector_load %arg24[%get3A_778] {strides = array<i32>} : memref<528xf32, #tpu.memory_space<vmem>>, vector<16xf32>,
      %get3A_780 = vector.shape_cast %get3A_779 : vector<16xf32> to vector<16xf32>
      %slice3A_781 = vector.extract_strided_slice %get3A_780 {offsets = [0], sizes = [1], strides = [1]} : vector<16xf32> to vector<1xf32>
      %squeeze3A_782 = vector.extract %slice3A_781[0] : f32 from vector<1xf32>
      %broadcast_in_dim3A_783 = vector.broadcast %squeeze3A_782 : f32 to vector<16xf32>
      %eq3A_784 = arith.constant 13 : i32
      %eq3A_785 = vector.broadcast %eq3A_784 : i32 to vector<16xi32>
      %eq3A_786 = arith.cmpi eq, %iota3A, %eq3A_785 : vector<16xi32>
      %select_n3A_787 = arith.select %eq3A_786, %broadcast_in_dim3A_783, %select_n3A_777 : vector<16xi1>, vector<16xf32>
      %get3A_788 = arith.constant 224 : index
      %get3A_789 = tpu.vector_load %arg24[%get3A_788] {strides = array<i32>} : memref<528xf32, #tpu.memory_space<vmem>>, vector<16xf32>,
      %get3A_790 = vector.shape_cast %get3A_789 : vector<16xf32> to vector<16xf32>
      %slice3A_791 = vector.extract_strided_slice %get3A_790 {offsets = [0], sizes = [1], strides = [1]} : vector<16xf32> to vector<1xf32>
      %squeeze3A_792 = vector.extract %slice3A_791[0] : f32 from vector<1xf32>
      %broadcast_in_dim3A_793 = vector.broadcast %squeeze3A_792 : f32 to vector<16xf32>
      %eq3A_794 = arith.constant 14 : i32
      %eq3A_795 = vector.broadcast %eq3A_794 : i32 to vector<16xi32>
      %eq3A_796 = arith.cmpi eq, %iota3A, %eq3A_795 : vector<16xi32>
      %select_n3A_797 = arith.select %eq3A_796, %broadcast_in_dim3A_793, %select_n3A_787 : vector<16xi1>, vector<16xf32>
      %get3A_798 = arith.constant 240 : index
      %get3A_799 = tpu.vector_load %arg24[%get3A_798] {strides = array<i32>} : memref<528xf32, #tpu.memory_space<vmem>>, vector<16xf32>,
      %get3A_800 = vector.shape_cast %get3A_799 : vector<16xf32> to vector<16xf32>
      %slice3A_801 = vector.extract_strided_slice %get3A_800 {offsets = [0], sizes = [1], strides = [1]} : vector<16xf32> to vector<1xf32>
      %squeeze3A_802 = vector.extract %slice3A_801[0] : f32 from vector<1xf32>
      %broadcast_in_dim3A_803 = vector.broadcast %squeeze3A_802 : f32 to vector<16xf32>
      %eq3A_804 = arith.constant 15 : i32
      %eq3A_805 = vector.broadcast %eq3A_804 : i32 to vector<16xi32>
      %eq3A_806 = arith.cmpi eq, %iota3A, %eq3A_805 : vector<16xi32>
      %select_n3A_807 = arith.select %eq3A_806, %broadcast_in_dim3A_803, %select_n3A_797 : vector<16xi1>, vector<16xf32>
      %bitcast_convert_type3A_808 = tpu.bitcast %select_n3A_807 : vector<16xf32> -> vector<16xi32>
      %shift_right_arithmetic3A_809 = arith.constant 1 : i32
      %shift_right_arithmetic3A_810 = vector.broadcast %shift_right_arithmetic3A_809 : i32 to vector<16xi32>
      %shift_right_arithmetic3A_811 = arith.shrsi %bitcast_convert_type3A_808, %shift_right_arithmetic3A_810 : vector<16xi32>
      %sub3A_812 = arith.constant 1597463007 : i32
      %sub3A_813 = vector.broadcast %sub3A_812 : i32 to vector<16xi32>
      %sub3A_814 = arith.subi %sub3A_813, %shift_right_arithmetic3A_811 : vector<16xi32>
      %bitcast_convert_type3A_815 = tpu.bitcast %sub3A_814 : vector<16xi32> -> vector<16xf32>
      %mul3A_816 = arith.constant 5.000000e-01 : f32
      %mul3A_817 = vector.broadcast %mul3A_816 : f32 to vector<16xf32>
      %mul3A_818 = arith.mulf %select_n3A_807, %mul3A_817 : vector<16xf32>
      %mul3A_819 = arith.mulf %mul3A_818, %bitcast_convert_type3A_815 : vector<16xf32>
      %mul3A_820 = arith.mulf %mul3A_819, %bitcast_convert_type3A_815 : vector<16xf32>
      %sub3A_821 = arith.constant 1.500000e+00 : f32
      %sub3A_822 = vector.broadcast %sub3A_821 : f32 to vector<16xf32>
      %sub3A_823 = arith.subf %sub3A_822, %mul3A_820 : vector<16xf32>
      %mul3A_824 = arith.mulf %bitcast_convert_type3A_815, %sub3A_823 : vector<16xf32>
      %mul3A_825 = arith.mulf %mul3A_818, %mul3A_824 : vector<16xf32>
      %mul3A_826 = arith.mulf %mul3A_825, %mul3A_824 : vector<16xf32>
      %sub3A_827 = arith.constant 1.500000e+00 : f32
      %sub3A_828 = vector.broadcast %sub3A_827 : f32 to vector<16xf32>
      %sub3A_829 = arith.subf %sub3A_828, %mul3A_826 : vector<16xf32>
      %mul3A_830 = arith.mulf %mul3A_824, %sub3A_829 : vector<16xf32>
      %mul3A_831 = arith.mulf %mul3A_818, %mul3A_830 : vector<16xf32>
      %mul3A_832 = arith.mulf %mul3A_831, %mul3A_830 : vector<16xf32>
      %sub3A_833 = arith.constant 1.500000e+00 : f32
      %sub3A_834 = vector.broadcast %sub3A_833 : f32 to vector<16xf32>
      %sub3A_835 = arith.subf %sub3A_834, %mul3A_832 : vector<16xf32>
      %mul3A_836 = arith.mulf %mul3A_830, %sub3A_835 : vector<16xf32>
      %min3A_837 = arith.constant 9.99999995E+11 : f32
      %min3A_838 = vector.broadcast %min3A_837 : f32 to vector<16xf32>
      %min3A_839 = arith.minimumf %mul3A_836, %min3A_838 : vector<16xf32>
      %swap3A_840 = arith.constant 0 : index
      %swap3A_841 = tpu.vector_load %arg26[%swap3A_840] {strides = array<i32>} : memref<48xf32, #tpu.memory_space<vmem>>, vector<16xf32>,
      %swap3A_842 = vector.shape_cast %swap3A_841 : vector<16xf32> to vector<16xf32>
      %swap3A_843 = vector.shape_cast %min3A_839 : vector<16xf32> to vector<16xf32>
      tpu.vector_store %arg26[%swap3A_840], %swap3A_843 {strides = array<i32>} : memref<48xf32, #tpu.memory_space<vmem>>, vector<16xf32>,
      %get3A_844 = arith.constant 256 : index
      %get3A_845 = tpu.vector_load %arg24[%get3A_844] {strides = array<i32>} : memref<528xf32, #tpu.memory_space<vmem>>, vector<16xf32>,
      %get3A_846 = vector.shape_cast %get3A_845 : vector<16xf32> to vector<16xf32>
      %slice3A_847 = vector.extract_strided_slice %get3A_846 {offsets = [0], sizes = [1], strides = [1]} : vector<16xf32> to vector<1xf32>
      %squeeze3A_848 = vector.extract %slice3A_847[0] : f32 from vector<1xf32>
      %broadcast_in_dim3A_849 = vector.broadcast %squeeze3A_848 : f32 to vector<16xf32>
      %get3A_850 = arith.constant 272 : index
      %get3A_851 = tpu.vector_load %arg24[%get3A_850] {strides = array<i32>} : memref<528xf32, #tpu.memory_space<vmem>>, vector<16xf32>,
      %get3A_852 = vector.shape_cast %get3A_851 : vector<16xf32> to vector<16xf32>
      %slice3A_853 = vector.extract_strided_slice %get3A_852 {offsets = [0], sizes = [1], strides = [1]} : vector<16xf32> to vector<1xf32>
      %squeeze3A_854 = vector.extract %slice3A_853[0] : f32 from vector<1xf32>
      %broadcast_in_dim3A_855 = vector.broadcast %squeeze3A_854 : f32 to vector<16xf32>
      %eq3A_856 = arith.constant 1 : i32
      %eq3A_857 = vector.broadcast %eq3A_856 : i32 to vector<16xi32>
      %eq3A_858 = arith.cmpi eq, %iota3A, %eq3A_857 : vector<16xi32>
      %select_n3A_859 = arith.select %eq3A_858, %broadcast_in_dim3A_855, %broadcast_in_dim3A_849 : vector<16xi1>, vector<16xf32>
      %get3A_860 = arith.constant 288 : index
      %get3A_861 = tpu.vector_load %arg24[%get3A_860] {strides = array<i32>} : memref<528xf32, #tpu.memory_space<vmem>>, vector<16xf32>,
      %get3A_862 = vector.shape_cast %get3A_861 : vector<16xf32> to vector<16xf32>
      %slice3A_863 = vector.extract_strided_slice %get3A_862 {offsets = [0], sizes = [1], strides = [1]} : vector<16xf32> to vector<1xf32>
      %squeeze3A_864 = vector.extract %slice3A_863[0] : f32 from vector<1xf32>
      %broadcast_in_dim3A_865 = vector.broadcast %squeeze3A_864 : f32 to vector<16xf32>
      %eq3A_866 = arith.constant 2 : i32
      %eq3A_867 = vector.broadcast %eq3A_866 : i32 to vector<16xi32>
      %eq3A_868 = arith.cmpi eq, %iota3A, %eq3A_867 : vector<16xi32>
      %select_n3A_869 = arith.select %eq3A_868, %broadcast_in_dim3A_865, %select_n3A_859 : vector<16xi1>, vector<16xf32>
      %get3A_870 = arith.constant 304 : index
      %get3A_871 = tpu.vector_load %arg24[%get3A_870] {strides = array<i32>} : memref<528xf32, #tpu.memory_space<vmem>>, vector<16xf32>,
      %get3A_872 = vector.shape_cast %get3A_871 : vector<16xf32> to vector<16xf32>
      %slice3A_873 = vector.extract_strided_slice %get3A_872 {offsets = [0], sizes = [1], strides = [1]} : vector<16xf32> to vector<1xf32>
      %squeeze3A_874 = vector.extract %slice3A_873[0] : f32 from vector<1xf32>
      %broadcast_in_dim3A_875 = vector.broadcast %squeeze3A_874 : f32 to vector<16xf32>
      %eq3A_876 = arith.constant 3 : i32
      %eq3A_877 = vector.broadcast %eq3A_876 : i32 to vector<16xi32>
      %eq3A_878 = arith.cmpi eq, %iota3A, %eq3A_877 : vector<16xi32>
      %select_n3A_879 = arith.select %eq3A_878, %broadcast_in_dim3A_875, %select_n3A_869 : vector<16xi1>, vector<16xf32>
      %get3A_880 = arith.constant 320 : index
      %get3A_881 = tpu.vector_load %arg24[%get3A_880] {strides = array<i32>} : memref<528xf32, #tpu.memory_space<vmem>>, vector<16xf32>,
      %get3A_882 = vector.shape_cast %get3A_881 : vector<16xf32> to vector<16xf32>
      %slice3A_883 = vector.extract_strided_slice %get3A_882 {offsets = [0], sizes = [1], strides = [1]} : vector<16xf32> to vector<1xf32>
      %squeeze3A_884 = vector.extract %slice3A_883[0] : f32 from vector<1xf32>
      %broadcast_in_dim3A_885 = vector.broadcast %squeeze3A_884 : f32 to vector<16xf32>
      %eq3A_886 = arith.constant 4 : i32
      %eq3A_887 = vector.broadcast %eq3A_886 : i32 to vector<16xi32>
      %eq3A_888 = arith.cmpi eq, %iota3A, %eq3A_887 : vector<16xi32>
      %select_n3A_889 = arith.select %eq3A_888, %broadcast_in_dim3A_885, %select_n3A_879 : vector<16xi1>, vector<16xf32>
      %get3A_890 = arith.constant 336 : index
      %get3A_891 = tpu.vector_load %arg24[%get3A_890] {strides = array<i32>} : memref<528xf32, #tpu.memory_space<vmem>>, vector<16xf32>,
      %get3A_892 = vector.shape_cast %get3A_891 : vector<16xf32> to vector<16xf32>
      %slice3A_893 = vector.extract_strided_slice %get3A_892 {offsets = [0], sizes = [1], strides = [1]} : vector<16xf32> to vector<1xf32>
      %squeeze3A_894 = vector.extract %slice3A_893[0] : f32 from vector<1xf32>
      %broadcast_in_dim3A_895 = vector.broadcast %squeeze3A_894 : f32 to vector<16xf32>
      %eq3A_896 = arith.constant 5 : i32
      %eq3A_897 = vector.broadcast %eq3A_896 : i32 to vector<16xi32>
      %eq3A_898 = arith.cmpi eq, %iota3A, %eq3A_897 : vector<16xi32>
      %select_n3A_899 = arith.select %eq3A_898, %broadcast_in_dim3A_895, %select_n3A_889 : vector<16xi1>, vector<16xf32>
      %get3A_900 = arith.constant 352 : index
      %get3A_901 = tpu.vector_load %arg24[%get3A_900] {strides = array<i32>} : memref<528xf32, #tpu.memory_space<vmem>>, vector<16xf32>,
      %get3A_902 = vector.shape_cast %get3A_901 : vector<16xf32> to vector<16xf32>
      %slice3A_903 = vector.extract_strided_slice %get3A_902 {offsets = [0], sizes = [1], strides = [1]} : vector<16xf32> to vector<1xf32>
      %squeeze3A_904 = vector.extract %slice3A_903[0] : f32 from vector<1xf32>
      %broadcast_in_dim3A_905 = vector.broadcast %squeeze3A_904 : f32 to vector<16xf32>
      %eq3A_906 = arith.constant 6 : i32
      %eq3A_907 = vector.broadcast %eq3A_906 : i32 to vector<16xi32>
      %eq3A_908 = arith.cmpi eq, %iota3A, %eq3A_907 : vector<16xi32>
      %select_n3A_909 = arith.select %eq3A_908, %broadcast_in_dim3A_905, %select_n3A_899 : vector<16xi1>, vector<16xf32>
      %get3A_910 = arith.constant 368 : index
      %get3A_911 = tpu.vector_load %arg24[%get3A_910] {strides = array<i32>} : memref<528xf32, #tpu.memory_space<vmem>>, vector<16xf32>,
      %get3A_912 = vector.shape_cast %get3A_911 : vector<16xf32> to vector<16xf32>
      %slice3A_913 = vector.extract_strided_slice %get3A_912 {offsets = [0], sizes = [1], strides = [1]} : vector<16xf32> to vector<1xf32>
      %squeeze3A_914 = vector.extract %slice3A_913[0] : f32 from vector<1xf32>
      %broadcast_in_dim3A_915 = vector.broadcast %squeeze3A_914 : f32 to vector<16xf32>
      %eq3A_916 = arith.constant 7 : i32
      %eq3A_917 = vector.broadcast %eq3A_916 : i32 to vector<16xi32>
      %eq3A_918 = arith.cmpi eq, %iota3A, %eq3A_917 : vector<16xi32>
      %select_n3A_919 = arith.select %eq3A_918, %broadcast_in_dim3A_915, %select_n3A_909 : vector<16xi1>, vector<16xf32>
      %get3A_920 = arith.constant 384 : index
      %get3A_921 = tpu.vector_load %arg24[%get3A_920] {strides = array<i32>} : memref<528xf32, #tpu.memory_space<vmem>>, vector<16xf32>,
      %get3A_922 = vector.shape_cast %get3A_921 : vector<16xf32> to vector<16xf32>
      %slice3A_923 = vector.extract_strided_slice %get3A_922 {offsets = [0], sizes = [1], strides = [1]} : vector<16xf32> to vector<1xf32>
      %squeeze3A_924 = vector.extract %slice3A_923[0] : f32 from vector<1xf32>
      %broadcast_in_dim3A_925 = vector.broadcast %squeeze3A_924 : f32 to vector<16xf32>
      %eq3A_926 = arith.constant 8 : i32
      %eq3A_927 = vector.broadcast %eq3A_926 : i32 to vector<16xi32>
      %eq3A_928 = arith.cmpi eq, %iota3A, %eq3A_927 : vector<16xi32>
      %select_n3A_929 = arith.select %eq3A_928, %broadcast_in_dim3A_925, %select_n3A_919 : vector<16xi1>, vector<16xf32>
      %get3A_930 = arith.constant 400 : index
      %get3A_931 = tpu.vector_load %arg24[%get3A_930] {strides = array<i32>} : memref<528xf32, #tpu.memory_space<vmem>>, vector<16xf32>,
      %get3A_932 = vector.shape_cast %get3A_931 : vector<16xf32> to vector<16xf32>
      %slice3A_933 = vector.extract_strided_slice %get3A_932 {offsets = [0], sizes = [1], strides = [1]} : vector<16xf32> to vector<1xf32>
      %squeeze3A_934 = vector.extract %slice3A_933[0] : f32 from vector<1xf32>
      %broadcast_in_dim3A_935 = vector.broadcast %squeeze3A_934 : f32 to vector<16xf32>
      %eq3A_936 = arith.constant 9 : i32
      %eq3A_937 = vector.broadcast %eq3A_936 : i32 to vector<16xi32>
      %eq3A_938 = arith.cmpi eq, %iota3A, %eq3A_937 : vector<16xi32>
      %select_n3A_939 = arith.select %eq3A_938, %broadcast_in_dim3A_935, %select_n3A_929 : vector<16xi1>, vector<16xf32>
      %get3A_940 = arith.constant 416 : index
      %get3A_941 = tpu.vector_load %arg24[%get3A_940] {strides = array<i32>} : memref<528xf32, #tpu.memory_space<vmem>>, vector<16xf32>,
      %get3A_942 = vector.shape_cast %get3A_941 : vector<16xf32> to vector<16xf32>
      %slice3A_943 = vector.extract_strided_slice %get3A_942 {offsets = [0], sizes = [1], strides = [1]} : vector<16xf32> to vector<1xf32>
      %squeeze3A_944 = vector.extract %slice3A_943[0] : f32 from vector<1xf32>
      %broadcast_in_dim3A_945 = vector.broadcast %squeeze3A_944 : f32 to vector<16xf32>
      %eq3A_946 = arith.constant 10 : i32
      %eq3A_947 = vector.broadcast %eq3A_946 : i32 to vector<16xi32>
      %eq3A_948 = arith.cmpi eq, %iota3A, %eq3A_947 : vector<16xi32>
      %select_n3A_949 = arith.select %eq3A_948, %broadcast_in_dim3A_945, %select_n3A_939 : vector<16xi1>, vector<16xf32>
      %get3A_950 = arith.constant 432 : index
      %get3A_951 = tpu.vector_load %arg24[%get3A_950] {strides = array<i32>} : memref<528xf32, #tpu.memory_space<vmem>>, vector<16xf32>,
      %get3A_952 = vector.shape_cast %get3A_951 : vector<16xf32> to vector<16xf32>
      %slice3A_953 = vector.extract_strided_slice %get3A_952 {offsets = [0], sizes = [1], strides = [1]} : vector<16xf32> to vector<1xf32>
      %squeeze3A_954 = vector.extract %slice3A_953[0] : f32 from vector<1xf32>
      %broadcast_in_dim3A_955 = vector.broadcast %squeeze3A_954 : f32 to vector<16xf32>
      %eq3A_956 = arith.constant 11 : i32
      %eq3A_957 = vector.broadcast %eq3A_956 : i32 to vector<16xi32>
      %eq3A_958 = arith.cmpi eq, %iota3A, %eq3A_957 : vector<16xi32>
      %select_n3A_959 = arith.select %eq3A_958, %broadcast_in_dim3A_955, %select_n3A_949 : vector<16xi1>, vector<16xf32>
      %get3A_960 = arith.constant 448 : index
      %get3A_961 = tpu.vector_load %arg24[%get3A_960] {strides = array<i32>} : memref<528xf32, #tpu.memory_space<vmem>>, vector<16xf32>,
      %get3A_962 = vector.shape_cast %get3A_961 : vector<16xf32> to vector<16xf32>
      %slice3A_963 = vector.extract_strided_slice %get3A_962 {offsets = [0], sizes = [1], strides = [1]} : vector<16xf32> to vector<1xf32>
      %squeeze3A_964 = vector.extract %slice3A_963[0] : f32 from vector<1xf32>
      %broadcast_in_dim3A_965 = vector.broadcast %squeeze3A_964 : f32 to vector<16xf32>
      %eq3A_966 = arith.constant 12 : i32
      %eq3A_967 = vector.broadcast %eq3A_966 : i32 to vector<16xi32>
      %eq3A_968 = arith.cmpi eq, %iota3A, %eq3A_967 : vector<16xi32>
      %select_n3A_969 = arith.select %eq3A_968, %broadcast_in_dim3A_965, %select_n3A_959 : vector<16xi1>, vector<16xf32>
      %get3A_970 = arith.constant 464 : index
      %get3A_971 = tpu.vector_load %arg24[%get3A_970] {strides = array<i32>} : memref<528xf32, #tpu.memory_space<vmem>>, vector<16xf32>,
      %get3A_972 = vector.shape_cast %get3A_971 : vector<16xf32> to vector<16xf32>
      %slice3A_973 = vector.extract_strided_slice %get3A_972 {offsets = [0], sizes = [1], strides = [1]} : vector<16xf32> to vector<1xf32>
      %squeeze3A_974 = vector.extract %slice3A_973[0] : f32 from vector<1xf32>
      %broadcast_in_dim3A_975 = vector.broadcast %squeeze3A_974 : f32 to vector<16xf32>
      %eq3A_976 = arith.constant 13 : i32
      %eq3A_977 = vector.broadcast %eq3A_976 : i32 to vector<16xi32>
      %eq3A_978 = arith.cmpi eq, %iota3A, %eq3A_977 : vector<16xi32>
      %select_n3A_979 = arith.select %eq3A_978, %broadcast_in_dim3A_975, %select_n3A_969 : vector<16xi1>, vector<16xf32>
      %get3A_980 = arith.constant 480 : index
      %get3A_981 = tpu.vector_load %arg24[%get3A_980] {strides = array<i32>} : memref<528xf32, #tpu.memory_space<vmem>>, vector<16xf32>,
      %get3A_982 = vector.shape_cast %get3A_981 : vector<16xf32> to vector<16xf32>
      %slice3A_983 = vector.extract_strided_slice %get3A_982 {offsets = [0], sizes = [1], strides = [1]} : vector<16xf32> to vector<1xf32>
      %squeeze3A_984 = vector.extract %slice3A_983[0] : f32 from vector<1xf32>
      %broadcast_in_dim3A_985 = vector.broadcast %squeeze3A_984 : f32 to vector<16xf32>
      %eq3A_986 = arith.constant 14 : i32
      %eq3A_987 = vector.broadcast %eq3A_986 : i32 to vector<16xi32>
      %eq3A_988 = arith.cmpi eq, %iota3A, %eq3A_987 : vector<16xi32>
      %select_n3A_989 = arith.select %eq3A_988, %broadcast_in_dim3A_985, %select_n3A_979 : vector<16xi1>, vector<16xf32>
      %get3A_990 = arith.constant 496 : index
      %get3A_991 = tpu.vector_load %arg24[%get3A_990] {strides = array<i32>} : memref<528xf32, #tpu.memory_space<vmem>>, vector<16xf32>,
      %get3A_992 = vector.shape_cast %get3A_991 : vector<16xf32> to vector<16xf32>
      %slice3A_993 = vector.extract_strided_slice %get3A_992 {offsets = [0], sizes = [1], strides = [1]} : vector<16xf32> to vector<1xf32>
      %squeeze3A_994 = vector.extract %slice3A_993[0] : f32 from vector<1xf32>
      %broadcast_in_dim3A_995 = vector.broadcast %squeeze3A_994 : f32 to vector<16xf32>
      %eq3A_996 = arith.constant 15 : i32
      %eq3A_997 = vector.broadcast %eq3A_996 : i32 to vector<16xi32>
      %eq3A_998 = arith.cmpi eq, %iota3A, %eq3A_997 : vector<16xi32>
      %select_n3A_999 = arith.select %eq3A_998, %broadcast_in_dim3A_995, %select_n3A_989 : vector<16xi1>, vector<16xf32>
      %bitcast_convert_type3A_1000 = tpu.bitcast %select_n3A_999 : vector<16xf32> -> vector<16xi32>
      %shift_right_arithmetic3A_1001 = arith.constant 1 : i32
      %shift_right_arithmetic3A_1002 = vector.broadcast %shift_right_arithmetic3A_1001 : i32 to vector<16xi32>
      %shift_right_arithmetic3A_1003 = arith.shrsi %bitcast_convert_type3A_1000, %shift_right_arithmetic3A_1002 : vector<16xi32>
      %sub3A_1004 = arith.constant 1597463007 : i32
      %sub3A_1005 = vector.broadcast %sub3A_1004 : i32 to vector<16xi32>
      %sub3A_1006 = arith.subi %sub3A_1005, %shift_right_arithmetic3A_1003 : vector<16xi32>
      %bitcast_convert_type3A_1007 = tpu.bitcast %sub3A_1006 : vector<16xi32> -> vector<16xf32>
      %mul3A_1008 = arith.constant 5.000000e-01 : f32
      %mul3A_1009 = vector.broadcast %mul3A_1008 : f32 to vector<16xf32>
      %mul3A_1010 = arith.mulf %select_n3A_999, %mul3A_1009 : vector<16xf32>
      %mul3A_1011 = arith.mulf %mul3A_1010, %bitcast_convert_type3A_1007 : vector<16xf32>
      %mul3A_1012 = arith.mulf %mul3A_1011, %bitcast_convert_type3A_1007 : vector<16xf32>
      %sub3A_1013 = arith.constant 1.500000e+00 : f32
      %sub3A_1014 = vector.broadcast %sub3A_1013 : f32 to vector<16xf32>
      %sub3A_1015 = arith.subf %sub3A_1014, %mul3A_1012 : vector<16xf32>
      %mul3A_1016 = arith.mulf %bitcast_convert_type3A_1007, %sub3A_1015 : vector<16xf32>
      %mul3A_1017 = arith.mulf %mul3A_1010, %mul3A_1016 : vector<16xf32>
      %mul3A_1018 = arith.mulf %mul3A_1017, %mul3A_1016 : vector<16xf32>
      %sub3A_1019 = arith.constant 1.500000e+00 : f32
      %sub3A_1020 = vector.broadcast %sub3A_1019 : f32 to vector<16xf32>
      %sub3A_1021 = arith.subf %sub3A_1020, %mul3A_1018 : vector<16xf32>
      %mul3A_1022 = arith.mulf %mul3A_1016, %sub3A_1021 : vector<16xf32>
      %mul3A_1023 = arith.mulf %mul3A_1010, %mul3A_1022 : vector<16xf32>
      %mul3A_1024 = arith.mulf %mul3A_1023, %mul3A_1022 : vector<16xf32>
      %sub3A_1025 = arith.constant 1.500000e+00 : f32
      %sub3A_1026 = vector.broadcast %sub3A_1025 : f32 to vector<16xf32>
      %sub3A_1027 = arith.subf %sub3A_1026, %mul3A_1024 : vector<16xf32>
      %mul3A_1028 = arith.mulf %mul3A_1022, %sub3A_1027 : vector<16xf32>
      %min3A_1029 = arith.constant 9.99999995E+11 : f32
      %min3A_1030 = vector.broadcast %min3A_1029 : f32 to vector<16xf32>
      %min3A_1031 = arith.minimumf %mul3A_1028, %min3A_1030 : vector<16xf32>
      %swap3A_1032 = arith.constant 16 : index
      %swap3A_1033 = tpu.vector_load %arg26[%swap3A_1032] {strides = array<i32>} : memref<48xf32, #tpu.memory_space<vmem>>, vector<16xf32>,
      %swap3A_1034 = vector.shape_cast %swap3A_1033 : vector<16xf32> to vector<16xf32>
      %swap3A_1035 = vector.shape_cast %min3A_1031 : vector<16xf32> to vector<16xf32>
      tpu.vector_store %arg26[%swap3A_1032], %swap3A_1035 {strides = array<i32>} : memref<48xf32, #tpu.memory_space<vmem>>, vector<16xf32>,
      %parallel_loop3A_1036 = arith.constant 0 : i32
      %parallel_loop3A_1037 = arith.constant 32 : i32
      %parallel_loop3A_1038 = arith.constant 1 : i32
      scf.for %parallel_loop3A_1053 = %parallel_loop3A_1036 to %parallel_loop3A_1037 step %parallel_loop3A_1038  : i32 {
        %parallel_loop3A_1054 = arith.index_cast %parallel_loop3A_1053 : i32 to index
        %parallel_loop3A_1055 = tpu.vector_load %arg26[%parallel_loop3A_1054] {strides = array<i32>} : memref<48xf32, #tpu.memory_space<vmem>>, vector<16xf32>,
        %parallel_loop3A_1056 = vector.shape_cast %parallel_loop3A_1055 : vector<16xf32> to vector<16xf32>
        %parallel_loop3A_1057 = vector.extract_strided_slice %parallel_loop3A_1056 {offsets = [0], sizes = [1], strides = [1]} : vector<16xf32> to vector<1xf32>
        %parallel_loop3A_1058 = vector.extract %parallel_loop3A_1057[0] : f32 from vector<1xf32>
        %parallel_loop3A_1059 = vector.broadcast %parallel_loop3A_1058 : f32 to vector<16xf32>
        %parallel_loop3A_1060 = arith.index_cast %parallel_loop3A_1053 : i32 to index
        %parallel_loop3A_1061 = arith.constant 0 : index
        %parallel_loop3A_1062 = tpu.vector_load %arg22[%parallel_loop3A_1060, %parallel_loop3A_1061] {strides = array<i32>} : memref<32x128xf32, #tpu.memory_space<vmem>>, vector<1x16xf32>,
        %parallel_loop3A_1063 = vector.shape_cast %parallel_loop3A_1062 : vector<1x16xf32> to vector<16xf32>
        %parallel_loop3A_1064 = arith.index_cast %parallel_loop3A_1053 : i32 to index
        %parallel_loop3A_1065 = arith.constant 0 : index
        %parallel_loop3A_1066 = tpu.vector_load %arg21[%parallel_loop3A_1064, %parallel_loop3A_1065] {strides = array<i32>} : memref<32x128xf32, #tpu.memory_space<vmem>>, vector<1x16xf32>,
        %parallel_loop3A_1067 = vector.shape_cast %parallel_loop3A_1066 : vector<1x16xf32> to vector<16xf32>
        %parallel_loop3A_1068 = arith.mulf %parallel_loop3A_1067, %parallel_loop3A_1059 : vector<16xf32>
        %parallel_loop3A_1069 = arith.addf %parallel_loop3A_1063, %parallel_loop3A_1068 : vector<16xf32>
        %parallel_loop3A_1070 = arith.index_cast %parallel_loop3A_1053 : i32 to index
        %parallel_loop3A_1071 = arith.constant 0 : index
        %parallel_loop3A_1072 = tpu.vector_load %arg22[%parallel_loop3A_1070, %parallel_loop3A_1071] {strides = array<i32>} : memref<32x128xf32, #tpu.memory_space<vmem>>, vector<1x16xf32>,
        %parallel_loop3A_1073 = vector.shape_cast %parallel_loop3A_1072 : vector<1x16xf32> to vector<16xf32>
        %parallel_loop3A_1074 = vector.shape_cast %parallel_loop3A_1069 : vector<16xf32> to vector<1x16xf32>
        tpu.vector_store %arg22[%parallel_loop3A_1070, %parallel_loop3A_1071], %parallel_loop3A_1074 {strides = array<i32>} : memref<32x128xf32, #tpu.memory_space<vmem>>, vector<1x16xf32>,
        %parallel_loop3A_1075 = arith.index_cast %parallel_loop3A_1053 : i32 to index
        %parallel_loop3A_1076 = arith.constant 16 : index
        %parallel_loop3A_1077 = tpu.vector_load %arg22[%parallel_loop3A_1075, %parallel_loop3A_1076] {strides = array<i32>} : memref<32x128xf32, #tpu.memory_space<vmem>>, vector<1x16xf32>,
        %parallel_loop3A_1078 = vector.shape_cast %parallel_loop3A_1077 : vector<1x16xf32> to vector<16xf32>
        %parallel_loop3A_1079 = arith.index_cast %parallel_loop3A_1053 : i32 to index
        %parallel_loop3A_1080 = arith.constant 16 : index
        %parallel_loop3A_1081 = tpu.vector_load %arg21[%parallel_loop3A_1079, %parallel_loop3A_1080] {strides = array<i32>} : memref<32x128xf32, #tpu.memory_space<vmem>>, vector<1x16xf32>,
        %parallel_loop3A_1082 = vector.shape_cast %parallel_loop3A_1081 : vector<1x16xf32> to vector<16xf32>
        %parallel_loop3A_1083 = arith.mulf %parallel_loop3A_1082, %parallel_loop3A_1059 : vector<16xf32>
        %parallel_loop3A_1084 = arith.addf %parallel_loop3A_1078, %parallel_loop3A_1083 : vector<16xf32>
        %parallel_loop3A_1085 = arith.index_cast %parallel_loop3A_1053 : i32 to index
        %parallel_loop3A_1086 = arith.constant 16 : index
        %parallel_loop3A_1087 = tpu.vector_load %arg22[%parallel_loop3A_1085, %parallel_loop3A_1086] {strides = array<i32>} : memref<32x128xf32, #tpu.memory_space<vmem>>, vector<1x16xf32>,
        %parallel_loop3A_1088 = vector.shape_cast %parallel_loop3A_1087 : vector<1x16xf32> to vector<16xf32>
        %parallel_loop3A_1089 = vector.shape_cast %parallel_loop3A_1084 : vector<16xf32> to vector<1x16xf32>
        tpu.vector_store %arg22[%parallel_loop3A_1085, %parallel_loop3A_1086], %parallel_loop3A_1089 {strides = array<i32>} : memref<32x128xf32, #tpu.memory_space<vmem>>, vector<1x16xf32>,
        %parallel_loop3A_1090 = arith.index_cast %parallel_loop3A_1053 : i32 to index
        %parallel_loop3A_1091 = arith.constant 32 : index
        %parallel_loop3A_1092 = tpu.vector_load %arg22[%parallel_loop3A_1090, %parallel_loop3A_1091] {strides = array<i32>} : memref<32x128xf32, #tpu.memory_space<vmem>>, vector<1x16xf32>,
        %parallel_loop3A_1093 = vector.shape_cast %parallel_loop3A_1092 : vector<1x16xf32> to vector<16xf32>
        %parallel_loop3A_1094 = arith.index_cast %parallel_loop3A_1053 : i32 to index
        %parallel_loop3A_1095 = arith.constant 32 : index
        %parallel_loop3A_1096 = tpu.vector_load %arg21[%parallel_loop3A_1094, %parallel_loop3A_1095] {strides = array<i32>} : memref<32x128xf32, #tpu.memory_space<vmem>>, vector<1x16xf32>,
        %parallel_loop3A_1097 = vector.shape_cast %parallel_loop3A_1096 : vector<1x16xf32> to vector<16xf32>
        %parallel_loop3A_1098 = arith.mulf %parallel_loop3A_1097, %parallel_loop3A_1059 : vector<16xf32>
        %parallel_loop3A_1099 = arith.addf %parallel_loop3A_1093, %parallel_loop3A_1098 : vector<16xf32>
        %parallel_loop3A_1100 = arith.index_cast %parallel_loop3A_1053 : i32 to index
        %parallel_loop3A_1101 = arith.constant 32 : index
        %parallel_loop3A_1102 = tpu.vector_load %arg22[%parallel_loop3A_1100, %parallel_loop3A_1101] {strides = array<i32>} : memref<32x128xf32, #tpu.memory_space<vmem>>, vector<1x16xf32>,
        %parallel_loop3A_1103 = vector.shape_cast %parallel_loop3A_1102 : vector<1x16xf32> to vector<16xf32>
        %parallel_loop3A_1104 = vector.shape_cast %parallel_loop3A_1099 : vector<16xf32> to vector<1x16xf32>
        tpu.vector_store %arg22[%parallel_loop3A_1100, %parallel_loop3A_1101], %parallel_loop3A_1104 {strides = array<i32>} : memref<32x128xf32, #tpu.memory_space<vmem>>, vector<1x16xf32>,
        %parallel_loop3A_1105 = arith.index_cast %parallel_loop3A_1053 : i32 to index
        %parallel_loop3A_1106 = arith.constant 48 : index
        %parallel_loop3A_1107 = tpu.vector_load %arg22[%parallel_loop3A_1105, %parallel_loop3A_1106] {strides = array<i32>} : memref<32x128xf32, #tpu.memory_space<vmem>>, vector<1x16xf32>,
        %parallel_loop3A_1108 = vector.shape_cast %parallel_loop3A_1107 : vector<1x16xf32> to vector<16xf32>
        %parallel_loop3A_1109 = arith.index_cast %parallel_loop3A_1053 : i32 to index
        %parallel_loop3A_1110 = arith.constant 48 : index
        %parallel_loop3A_1111 = tpu.vector_load %arg21[%parallel_loop3A_1109, %parallel_loop3A_1110] {strides = array<i32>} : memref<32x128xf32, #tpu.memory_space<vmem>>, vector<1x16xf32>,
        %parallel_loop3A_1112 = vector.shape_cast %parallel_loop3A_1111 : vector<1x16xf32> to vector<16xf32>
        %parallel_loop3A_1113 = arith.mulf %parallel_loop3A_1112, %parallel_loop3A_1059 : vector<16xf32>
        %parallel_loop3A_1114 = arith.addf %parallel_loop3A_1108, %parallel_loop3A_1113 : vector<16xf32>
        %parallel_loop3A_1115 = arith.index_cast %parallel_loop3A_1053 : i32 to index
        %parallel_loop3A_1116 = arith.constant 48 : index
        %parallel_loop3A_1117 = tpu.vector_load %arg22[%parallel_loop3A_1115, %parallel_loop3A_1116] {strides = array<i32>} : memref<32x128xf32, #tpu.memory_space<vmem>>, vector<1x16xf32>,
        %parallel_loop3A_1118 = vector.shape_cast %parallel_loop3A_1117 : vector<1x16xf32> to vector<16xf32>
        %parallel_loop3A_1119 = vector.shape_cast %parallel_loop3A_1114 : vector<16xf32> to vector<1x16xf32>
        tpu.vector_store %arg22[%parallel_loop3A_1115, %parallel_loop3A_1116], %parallel_loop3A_1119 {strides = array<i32>} : memref<32x128xf32, #tpu.memory_space<vmem>>, vector<1x16xf32>,
        %parallel_loop3A_1120 = arith.index_cast %parallel_loop3A_1053 : i32 to index
        %parallel_loop3A_1121 = arith.constant 64 : index
        %parallel_loop3A_1122 = tpu.vector_load %arg22[%parallel_loop3A_1120, %parallel_loop3A_1121] {strides = array<i32>} : memref<32x128xf32, #tpu.memory_space<vmem>>, vector<1x16xf32>,
        %parallel_loop3A_1123 = vector.shape_cast %parallel_loop3A_1122 : vector<1x16xf32> to vector<16xf32>
        %parallel_loop3A_1124 = arith.index_cast %parallel_loop3A_1053 : i32 to index
        %parallel_loop3A_1125 = arith.constant 64 : index
        %parallel_loop3A_1126 = tpu.vector_load %arg21[%parallel_loop3A_1124, %parallel_loop3A_1125] {strides = array<i32>} : memref<32x128xf32, #tpu.memory_space<vmem>>, vector<1x16xf32>,
        %parallel_loop3A_1127 = vector.shape_cast %parallel_loop3A_1126 : vector<1x16xf32> to vector<16xf32>
        %parallel_loop3A_1128 = arith.mulf %parallel_loop3A_1127, %parallel_loop3A_1059 : vector<16xf32>
        %parallel_loop3A_1129 = arith.addf %parallel_loop3A_1123, %parallel_loop3A_1128 : vector<16xf32>
        %parallel_loop3A_1130 = arith.index_cast %parallel_loop3A_1053 : i32 to index
        %parallel_loop3A_1131 = arith.constant 64 : index
        %parallel_loop3A_1132 = tpu.vector_load %arg22[%parallel_loop3A_1130, %parallel_loop3A_1131] {strides = array<i32>} : memref<32x128xf32, #tpu.memory_space<vmem>>, vector<1x16xf32>,
        %parallel_loop3A_1133 = vector.shape_cast %parallel_loop3A_1132 : vector<1x16xf32> to vector<16xf32>
        %parallel_loop3A_1134 = vector.shape_cast %parallel_loop3A_1129 : vector<16xf32> to vector<1x16xf32>
        tpu.vector_store %arg22[%parallel_loop3A_1130, %parallel_loop3A_1131], %parallel_loop3A_1134 {strides = array<i32>} : memref<32x128xf32, #tpu.memory_space<vmem>>, vector<1x16xf32>,
        %parallel_loop3A_1135 = arith.index_cast %parallel_loop3A_1053 : i32 to index
        %parallel_loop3A_1136 = arith.constant 80 : index
        %parallel_loop3A_1137 = tpu.vector_load %arg22[%parallel_loop3A_1135, %parallel_loop3A_1136] {strides = array<i32>} : memref<32x128xf32, #tpu.memory_space<vmem>>, vector<1x16xf32>,
        %parallel_loop3A_1138 = vector.shape_cast %parallel_loop3A_1137 : vector<1x16xf32> to vector<16xf32>
        %parallel_loop3A_1139 = arith.index_cast %parallel_loop3A_1053 : i32 to index
        %parallel_loop3A_1140 = arith.constant 80 : index
        %parallel_loop3A_1141 = tpu.vector_load %arg21[%parallel_loop3A_1139, %parallel_loop3A_1140] {strides = array<i32>} : memref<32x128xf32, #tpu.memory_space<vmem>>, vector<1x16xf32>,
        %parallel_loop3A_1142 = vector.shape_cast %parallel_loop3A_1141 : vector<1x16xf32> to vector<16xf32>
        %parallel_loop3A_1143 = arith.mulf %parallel_loop3A_1142, %parallel_loop3A_1059 : vector<16xf32>
        %parallel_loop3A_1144 = arith.addf %parallel_loop3A_1138, %parallel_loop3A_1143 : vector<16xf32>
        %parallel_loop3A_1145 = arith.index_cast %parallel_loop3A_1053 : i32 to index
        %parallel_loop3A_1146 = arith.constant 80 : index
        %parallel_loop3A_1147 = tpu.vector_load %arg22[%parallel_loop3A_1145, %parallel_loop3A_1146] {strides = array<i32>} : memref<32x128xf32, #tpu.memory_space<vmem>>, vector<1x16xf32>,
        %parallel_loop3A_1148 = vector.shape_cast %parallel_loop3A_1147 : vector<1x16xf32> to vector<16xf32>
        %parallel_loop3A_1149 = vector.shape_cast %parallel_loop3A_1144 : vector<16xf32> to vector<1x16xf32>
        tpu.vector_store %arg22[%parallel_loop3A_1145, %parallel_loop3A_1146], %parallel_loop3A_1149 {strides = array<i32>} : memref<32x128xf32, #tpu.memory_space<vmem>>, vector<1x16xf32>,
        %parallel_loop3A_1150 = arith.index_cast %parallel_loop3A_1053 : i32 to index
        %parallel_loop3A_1151 = arith.constant 96 : index
        %parallel_loop3A_1152 = tpu.vector_load %arg22[%parallel_loop3A_1150, %parallel_loop3A_1151] {strides = array<i32>} : memref<32x128xf32, #tpu.memory_space<vmem>>, vector<1x16xf32>,
        %parallel_loop3A_1153 = vector.shape_cast %parallel_loop3A_1152 : vector<1x16xf32> to vector<16xf32>
        %parallel_loop3A_1154 = arith.index_cast %parallel_loop3A_1053 : i32 to index
        %parallel_loop3A_1155 = arith.constant 96 : index
        %parallel_loop3A_1156 = tpu.vector_load %arg21[%parallel_loop3A_1154, %parallel_loop3A_1155] {strides = array<i32>} : memref<32x128xf32, #tpu.memory_space<vmem>>, vector<1x16xf32>,
        %parallel_loop3A_1157 = vector.shape_cast %parallel_loop3A_1156 : vector<1x16xf32> to vector<16xf32>
        %parallel_loop3A_1158 = arith.mulf %parallel_loop3A_1157, %parallel_loop3A_1059 : vector<16xf32>
        %parallel_loop3A_1159 = arith.addf %parallel_loop3A_1153, %parallel_loop3A_1158 : vector<16xf32>
        %parallel_loop3A_1160 = arith.index_cast %parallel_loop3A_1053 : i32 to index
        %parallel_loop3A_1161 = arith.constant 96 : index
        %parallel_loop3A_1162 = tpu.vector_load %arg22[%parallel_loop3A_1160, %parallel_loop3A_1161] {strides = array<i32>} : memref<32x128xf32, #tpu.memory_space<vmem>>, vector<1x16xf32>,
        %parallel_loop3A_1163 = vector.shape_cast %parallel_loop3A_1162 : vector<1x16xf32> to vector<16xf32>
        %parallel_loop3A_1164 = vector.shape_cast %parallel_loop3A_1159 : vector<16xf32> to vector<1x16xf32>
        tpu.vector_store %arg22[%parallel_loop3A_1160, %parallel_loop3A_1161], %parallel_loop3A_1164 {strides = array<i32>} : memref<32x128xf32, #tpu.memory_space<vmem>>, vector<1x16xf32>,
        %parallel_loop3A_1165 = arith.index_cast %parallel_loop3A_1053 : i32 to index
        %parallel_loop3A_1166 = arith.constant 112 : index
        %parallel_loop3A_1167 = tpu.vector_load %arg22[%parallel_loop3A_1165, %parallel_loop3A_1166] {strides = array<i32>} : memref<32x128xf32, #tpu.memory_space<vmem>>, vector<1x16xf32>,
        %parallel_loop3A_1168 = vector.shape_cast %parallel_loop3A_1167 : vector<1x16xf32> to vector<16xf32>
        %parallel_loop3A_1169 = arith.index_cast %parallel_loop3A_1053 : i32 to index
        %parallel_loop3A_1170 = arith.constant 112 : index
        %parallel_loop3A_1171 = tpu.vector_load %arg21[%parallel_loop3A_1169, %parallel_loop3A_1170] {strides = array<i32>} : memref<32x128xf32, #tpu.memory_space<vmem>>, vector<1x16xf32>,
        %parallel_loop3A_1172 = vector.shape_cast %parallel_loop3A_1171 : vector<1x16xf32> to vector<16xf32>
        %parallel_loop3A_1173 = arith.mulf %parallel_loop3A_1172, %parallel_loop3A_1059 : vector<16xf32>
        %parallel_loop3A_1174 = arith.addf %parallel_loop3A_1168, %parallel_loop3A_1173 : vector<16xf32>
        %parallel_loop3A_1175 = arith.index_cast %parallel_loop3A_1053 : i32 to index
        %parallel_loop3A_1176 = arith.constant 112 : index
        %parallel_loop3A_1177 = tpu.vector_load %arg22[%parallel_loop3A_1175, %parallel_loop3A_1176] {strides = array<i32>} : memref<32x128xf32, #tpu.memory_space<vmem>>, vector<1x16xf32>,
        %parallel_loop3A_1178 = vector.shape_cast %parallel_loop3A_1177 : vector<1x16xf32> to vector<16xf32>
        %parallel_loop3A_1179 = vector.shape_cast %parallel_loop3A_1174 : vector<16xf32> to vector<1x16xf32>
        tpu.vector_store %arg22[%parallel_loop3A_1175, %parallel_loop3A_1176], %parallel_loop3A_1179 {strides = array<i32>} : memref<32x128xf32, #tpu.memory_space<vmem>>, vector<1x16xf32>,
      } {sc.loop_unroll_factor = 4 : i64, sc.parallel_access}
      %mul3A_1039 = arith.constant 32 : i32
      %mul3A_1040 = arith.muli %add3A_587, %mul3A_1039 : i32
      %add3A_1041 = arith.addi %mul3A_2, %mul3A_1040 : i32
      %dma_start3A_1042 = arith.constant 0 : i32
      %dma_start3A_1043 = tpu.memref_slice %arg10[%add3A_1041, %dma_start3A_1042] : memref<16384x128xf32, #tpu.memory_space<hbm>> -> memref<32x128xf32, #tpu.memory_space<hbm>>
      %dma_start3A_1044 = arith.constant 0 : i32
      %dma_start3A_1045 = tpu.memref_slice %arg10[%add3A_1041, %dma_start3A_1044] : memref<16384x128xf32, #tpu.memory_space<hbm>> -> memref<32x128xf32, #tpu.memory_space<hbm>>
      tpu.enqueue_dma source(%arg22 : memref<32x128xf32, #tpu.memory_space<vmem>>) target(%dma_start3A_1045 : memref<32x128xf32, #tpu.memory_space<hbm>>) target_semaphore(%arg30 : memref<!tpu.dma_semaphore, #tpu.memory_space<semaphore_mem>>)
      %add3A_1046 = arith.constant 2 : i32
      %add3A_1047 = arith.addi %add3A_587, %add3A_1046 : i32
      %lt3A_1048 = arith.constant 16 : i32
      %lt3A_1049 = arith.cmpi slt, %add3A_1047, %lt3A_1048 : i32
      %convert_element_type3A_1050 = arith.extui %lt3A_1049 : i1 to i32
      %cond3A_1051 = arith.constant 0 : i32
      %cond3A_1052 = arith.cmpi ne, %convert_element_type3A_1050, %cond3A_1051 : i32
      scf.if %cond3A_1052 {
        %add3A_1053 = arith.constant 2 : i32
        %add3A_1054 = arith.addi %add3A_587, %add3A_1053 : i32
        %mul3A_1055 = arith.constant 32 : i32
        %mul3A_1056 = arith.muli %add3A_1054, %mul3A_1055 : i32
        %dma_start3A_1057 = arith.constant 0 : i32
        %dma_start3A_1058 = arith.constant 0 : i32
        %dma_start3A_1059 = tpu.memref_slice %arg19[%dma_start3A_1057, %dma_start3A_1058] : memref<224x128xf32, #tpu.memory_space<vmem>> -> memref<32x128xf32, #tpu.memory_space<vmem>>
        %dma_start3A_1060 = tpu.memref_slice %arg11[%mul3A_1056] : memref<512xi32, #tpu.memory_space<vmem>> -> memref<32xi32, #tpu.memory_space<vmem>>
        %dma_start3A_1061 = arith.constant 0 : i32
        %dma_start3A_1062 = arith.constant 0 : i32
        %dma_start3A_1063 = tpu.memref_slice %arg2[%dma_start3A_1061, %dma_start3A_1062] : memref<2856x128xf32, #tpu.memory_space<hbm>> -> memref<2856x128xf32, #tpu.memory_space<hbm>>
        tpu.enqueue_indirect_dma source(%dma_start3A_1063 : memref<2856x128xf32, #tpu.memory_space<hbm>>) target(%dma_start3A_1059 : memref<32x128xf32, #tpu.memory_space<vmem>>) offsets(%dma_start3A_1060 : memref<32xi32, #tpu.memory_space<vmem>>) semaphore(%arg28 : memref<!tpu.dma_semaphore, #tpu.memory_space<semaphore_mem>>)
        %dma_start3A_1064 = arith.constant 32 : i32
        %dma_start3A_1065 = arith.constant 0 : i32
        %dma_start3A_1066 = tpu.memref_slice %arg19[%dma_start3A_1064, %dma_start3A_1065] : memref<224x128xf32, #tpu.memory_space<vmem>> -> memref<32x128xf32, #tpu.memory_space<vmem>>
        %dma_start3A_1067 = tpu.memref_slice %arg12[%mul3A_1056] : memref<512xi32, #tpu.memory_space<vmem>> -> memref<32xi32, #tpu.memory_space<vmem>>
        %dma_start3A_1068 = arith.constant 0 : i32
        %dma_start3A_1069 = arith.constant 0 : i32
        %dma_start3A_1070 = tpu.memref_slice %arg2[%dma_start3A_1068, %dma_start3A_1069] : memref<2856x128xf32, #tpu.memory_space<hbm>> -> memref<2856x128xf32, #tpu.memory_space<hbm>>
        tpu.enqueue_indirect_dma source(%dma_start3A_1070 : memref<2856x128xf32, #tpu.memory_space<hbm>>) target(%dma_start3A_1066 : memref<32x128xf32, #tpu.memory_space<vmem>>) offsets(%dma_start3A_1067 : memref<32xi32, #tpu.memory_space<vmem>>) semaphore(%arg28 : memref<!tpu.dma_semaphore, #tpu.memory_space<semaphore_mem>>)
        %dma_start3A_1071 = arith.constant 64 : i32
        %dma_start3A_1072 = arith.constant 0 : i32
        %dma_start3A_1073 = tpu.memref_slice %arg19[%dma_start3A_1071, %dma_start3A_1072] : memref<224x128xf32, #tpu.memory_space<vmem>> -> memref<32x128xf32, #tpu.memory_space<vmem>>
        %dma_start3A_1074 = tpu.memref_slice %arg13[%mul3A_1056] : memref<512xi32, #tpu.memory_space<vmem>> -> memref<32xi32, #tpu.memory_space<vmem>>
        %dma_start3A_1075 = arith.constant 0 : i32
        %dma_start3A_1076 = arith.constant 0 : i32
        %dma_start3A_1077 = tpu.memref_slice %arg2[%dma_start3A_1075, %dma_start3A_1076] : memref<2856x128xf32, #tpu.memory_space<hbm>> -> memref<2856x128xf32, #tpu.memory_space<hbm>>
        tpu.enqueue_indirect_dma source(%dma_start3A_1077 : memref<2856x128xf32, #tpu.memory_space<hbm>>) target(%dma_start3A_1073 : memref<32x128xf32, #tpu.memory_space<vmem>>) offsets(%dma_start3A_1074 : memref<32xi32, #tpu.memory_space<vmem>>) semaphore(%arg28 : memref<!tpu.dma_semaphore, #tpu.memory_space<semaphore_mem>>)
        %dma_start3A_1078 = arith.constant 96 : i32
        %dma_start3A_1079 = arith.constant 0 : i32
        %dma_start3A_1080 = tpu.memref_slice %arg19[%dma_start3A_1078, %dma_start3A_1079] : memref<224x128xf32, #tpu.memory_space<vmem>> -> memref<32x128xf32, #tpu.memory_space<vmem>>
        %dma_start3A_1081 = tpu.memref_slice %arg14[%mul3A_1056] : memref<512xi32, #tpu.memory_space<vmem>> -> memref<32xi32, #tpu.memory_space<vmem>>
        %dma_start3A_1082 = arith.constant 0 : i32
        %dma_start3A_1083 = arith.constant 0 : i32
        %dma_start3A_1084 = tpu.memref_slice %arg2[%dma_start3A_1082, %dma_start3A_1083] : memref<2856x128xf32, #tpu.memory_space<hbm>> -> memref<2856x128xf32, #tpu.memory_space<hbm>>
        tpu.enqueue_indirect_dma source(%dma_start3A_1084 : memref<2856x128xf32, #tpu.memory_space<hbm>>) target(%dma_start3A_1080 : memref<32x128xf32, #tpu.memory_space<vmem>>) offsets(%dma_start3A_1081 : memref<32xi32, #tpu.memory_space<vmem>>) semaphore(%arg28 : memref<!tpu.dma_semaphore, #tpu.memory_space<semaphore_mem>>)
        %dma_start3A_1085 = arith.constant 128 : i32
        %dma_start3A_1086 = arith.constant 0 : i32
        %dma_start3A_1087 = tpu.memref_slice %arg19[%dma_start3A_1085, %dma_start3A_1086] : memref<224x128xf32, #tpu.memory_space<vmem>> -> memref<32x128xf32, #tpu.memory_space<vmem>>
        %dma_start3A_1088 = tpu.memref_slice %arg15[%mul3A_1056] : memref<512xi32, #tpu.memory_space<vmem>> -> memref<32xi32, #tpu.memory_space<vmem>>
        %dma_start3A_1089 = arith.constant 0 : i32
        %dma_start3A_1090 = arith.constant 0 : i32
        %dma_start3A_1091 = tpu.memref_slice %arg2[%dma_start3A_1089, %dma_start3A_1090] : memref<2856x128xf32, #tpu.memory_space<hbm>> -> memref<2856x128xf32, #tpu.memory_space<hbm>>
        tpu.enqueue_indirect_dma source(%dma_start3A_1091 : memref<2856x128xf32, #tpu.memory_space<hbm>>) target(%dma_start3A_1087 : memref<32x128xf32, #tpu.memory_space<vmem>>) offsets(%dma_start3A_1088 : memref<32xi32, #tpu.memory_space<vmem>>) semaphore(%arg28 : memref<!tpu.dma_semaphore, #tpu.memory_space<semaphore_mem>>)
        %dma_start3A_1092 = arith.constant 160 : i32
        %dma_start3A_1093 = arith.constant 0 : i32
        %dma_start3A_1094 = tpu.memref_slice %arg19[%dma_start3A_1092, %dma_start3A_1093] : memref<224x128xf32, #tpu.memory_space<vmem>> -> memref<32x128xf32, #tpu.memory_space<vmem>>
        %dma_start3A_1095 = tpu.memref_slice %arg16[%mul3A_1056] : memref<512xi32, #tpu.memory_space<vmem>> -> memref<32xi32, #tpu.memory_space<vmem>>
        %dma_start3A_1096 = arith.constant 0 : i32
        %dma_start3A_1097 = arith.constant 0 : i32
        %dma_start3A_1098 = tpu.memref_slice %arg2[%dma_start3A_1096, %dma_start3A_1097] : memref<2856x128xf32, #tpu.memory_space<hbm>> -> memref<2856x128xf32, #tpu.memory_space<hbm>>
        tpu.enqueue_indirect_dma source(%dma_start3A_1098 : memref<2856x128xf32, #tpu.memory_space<hbm>>) target(%dma_start3A_1094 : memref<32x128xf32, #tpu.memory_space<vmem>>) offsets(%dma_start3A_1095 : memref<32xi32, #tpu.memory_space<vmem>>) semaphore(%arg28 : memref<!tpu.dma_semaphore, #tpu.memory_space<semaphore_mem>>)
        %dma_start3A_1099 = arith.constant 192 : i32
        %dma_start3A_1100 = arith.constant 0 : i32
        %dma_start3A_1101 = tpu.memref_slice %arg19[%dma_start3A_1099, %dma_start3A_1100] : memref<224x128xf32, #tpu.memory_space<vmem>> -> memref<32x128xf32, #tpu.memory_space<vmem>>
        %dma_start3A_1102 = tpu.memref_slice %arg17[%mul3A_1056] : memref<512xi32, #tpu.memory_space<vmem>> -> memref<32xi32, #tpu.memory_space<vmem>>
        %dma_start3A_1103 = arith.constant 0 : i32
        %dma_start3A_1104 = arith.constant 0 : i32
        %dma_start3A_1105 = tpu.memref_slice %arg2[%dma_start3A_1103, %dma_start3A_1104] : memref<2856x128xf32, #tpu.memory_space<hbm>> -> memref<2856x128xf32, #tpu.memory_space<hbm>>
        tpu.enqueue_indirect_dma source(%dma_start3A_1105 : memref<2856x128xf32, #tpu.memory_space<hbm>>) target(%dma_start3A_1101 : memref<32x128xf32, #tpu.memory_space<vmem>>) offsets(%dma_start3A_1102 : memref<32xi32, #tpu.memory_space<vmem>>) semaphore(%arg28 : memref<!tpu.dma_semaphore, #tpu.memory_space<semaphore_mem>>)
      } else {
      }
    }
    %scan3A_118 = arith.constant 8 : i32
    %dma_wait3A = arith.constant 0 : i32
    %dma_wait3A_119 = arith.constant 0 : i32
    %dma_wait3A_120 = tpu.memref_slice %arg10[%dma_wait3A, %dma_wait3A_119] : memref<16384x128xf32, #tpu.memory_space<hbm>> -> memref<32x128xf32, #tpu.memory_space<hbm>>
    %dma_wait3A_121 = arith.constant 0 : i32
    %dma_wait3A_122 = arith.constant 0 : i32
    %dma_wait3A_123 = tpu.memref_slice %arg10[%dma_wait3A_121, %dma_wait3A_122] : memref<16384x128xf32, #tpu.memory_space<hbm>> -> memref<32x128xf32, #tpu.memory_space<hbm>>
    tpu.wait_dma2 semaphore(%arg29 : memref<!tpu.dma_semaphore, #tpu.memory_space<semaphore_mem>>) src(%arg20 : memref<32x128xf32, #tpu.memory_space<vmem>>) dst(%dma_wait3A_123 : memref<32x128xf32, #tpu.memory_space<hbm>>)
    %dma_wait3A_124 = arith.constant 0 : i32
    %dma_wait3A_125 = arith.constant 0 : i32
    %dma_wait3A_126 = tpu.memref_slice %arg10[%dma_wait3A_124, %dma_wait3A_125] : memref<16384x128xf32, #tpu.memory_space<hbm>> -> memref<32x128xf32, #tpu.memory_space<hbm>>
    %dma_wait3A_127 = arith.constant 0 : i32
    %dma_wait3A_128 = arith.constant 0 : i32
    %dma_wait3A_129 = tpu.memref_slice %arg10[%dma_wait3A_127, %dma_wait3A_128] : memref<16384x128xf32, #tpu.memory_space<hbm>> -> memref<32x128xf32, #tpu.memory_space<hbm>>
    tpu.wait_dma2 semaphore(%arg30 : memref<!tpu.dma_semaphore, #tpu.memory_space<semaphore_mem>>) src(%arg22 : memref<32x128xf32, #tpu.memory_space<vmem>>) dst(%dma_wait3A_129 : memref<32x128xf32, #tpu.memory_space<hbm>>)
    return
  }
}

module attributes {stable_mosaic.version = 14 : i64} {
  func.func @_build_table_body(%arg0: memref<1x128xf32, #tpu.memory_space<vmem>>, %arg1: memref<1025x128xf32, #tpu.memory_space<vmem>>, %arg2: memref<2x128xf32, #tpu.memory_space<vmem>>, %arg3: memref<920x128xf32, #tpu.memory_space<vmem>>, %arg4: memref<1x128xf32, #tpu.memory_space<vmem>>, %arg5: memref<310x128xf32, #tpu.memory_space<vmem>>, %arg6: memref<1x128xf32, #tpu.memory_space<vmem>>, %arg7: memref<560x128xf32, #tpu.memory_space<vmem>>, %arg8: memref<128x128xf32, #tpu.memory_space<vmem>>, %arg9: memref<128xf32, #tpu.memory_space<vmem>>, %arg10: memref<128x128xf32, #tpu.memory_space<vmem>>, %arg11: memref<128xf32, #tpu.memory_space<vmem>>, %arg12: memref<128x128xf32, #tpu.memory_space<vmem>>, %arg13: memref<128xf32, #tpu.memory_space<vmem>>, %arg14: memref<128x128xf32, #tpu.memory_space<vmem>>, %arg15: memref<128xf32, #tpu.memory_space<vmem>>, %arg16: memref<128x128xf32, #tpu.memory_space<vmem>>, %arg17: memref<128xf32, #tpu.memory_space<vmem>>, %arg18: memref<128x128xf32, #tpu.memory_space<vmem>>, %arg19: memref<128xf32, #tpu.memory_space<vmem>>, %arg20: memref<128x128xf32, #tpu.memory_space<vmem>>, %arg21: memref<128xf32, #tpu.memory_space<vmem>>, %arg22: memref<128x128xf32, #tpu.memory_space<vmem>>, %arg23: memref<128xf32, #tpu.memory_space<vmem>>, %arg24: memref<128x128xf32, #tpu.memory_space<vmem>>, %arg25: memref<128xf32, #tpu.memory_space<vmem>>, %arg26: memref<128x128xf32, #tpu.memory_space<vmem>>, %arg27: memref<128xf32, #tpu.memory_space<vmem>>, %arg28: memref<128x128xf32, #tpu.memory_space<vmem>>, %arg29: memref<128xf32, #tpu.memory_space<vmem>>, %arg30: memref<128x128xf32, #tpu.memory_space<vmem>>, %arg31: memref<128xf32, #tpu.memory_space<vmem>>, %arg32: memref<2856x128xf32, #tpu.memory_space<vmem>>) attributes {dimension_semantics = [], scalar_prefetch = 0 : i64, scratch_operands = 0 : i64, tpu.core_type = #tpu.core_type<tc>} {
    %get3A = arith.constant 0 : index
    %get3A_0 = arith.constant 0 : index
    %get3A_1 = vector.load %arg1[%get3A, %get3A_0] : memref<1025x128xf32, #tpu.memory_space<vmem>>, vector<1025x128xf32>
    %get3A_2 = arith.constant 0 : index
    %get3A_3 = arith.constant 0 : index
    %get3A_4 = vector.load %arg8[%get3A_2, %get3A_3] : memref<128x128xf32, #tpu.memory_space<vmem>>, vector<128x128xf32>
    %dot_general3A = arith.constant dense<0.000000e+00> : vector<1025x128xf32>
    %dot_general3A_5 = tpu.matmul %get3A_1, %get3A_4, %dot_general3A {dimension_numbers = #tpu.dot_dimension_numbers<[1], [1], [0], [0], [0, 0, 1, 0], [], []>, transpose_lhs_hint = false} : vector<1025x128xf32>, vector<128x128xf32>, vector<1025x128xf32> -> vector<1025x128xf32>
    %get3A_6 = arith.constant 0 : index
    %get3A_7 = vector.load %arg9[%get3A_6] : memref<128xf32, #tpu.memory_space<vmem>>, vector<128xf32>
    %broadcast_in_dim3A = vector.shape_cast %get3A_7 : vector<128xf32> to vector<1x128xf32>
    %add3A = vector.broadcast %broadcast_in_dim3A : vector<1x128xf32> to vector<1025x128xf32>
    %add3A_8 = arith.addf %dot_general3A_5, %add3A : vector<1025x128xf32>
    %max3A = arith.constant 0.000000e+00 : f32
    %max3A_9 = vector.broadcast %max3A : f32 to vector<1025x128xf32>
    %max3A_10 = arith.maximumf %add3A_8, %max3A_9 : vector<1025x128xf32>
    %get3A_11 = arith.constant 0 : index
    %get3A_12 = arith.constant 0 : index
    %get3A_13 = vector.load %arg10[%get3A_11, %get3A_12] : memref<128x128xf32, #tpu.memory_space<vmem>>, vector<128x128xf32>
    %dot_general3A_14 = arith.constant dense<0.000000e+00> : vector<1025x128xf32>
    %dot_general3A_15 = tpu.matmul %max3A_10, %get3A_13, %dot_general3A_14 {dimension_numbers = #tpu.dot_dimension_numbers<[1], [1], [0], [0], [0, 0, 1, 0], [], []>, transpose_lhs_hint = false} : vector<1025x128xf32>, vector<128x128xf32>, vector<1025x128xf32> -> vector<1025x128xf32>
    %get3A_16 = arith.constant 0 : index
    %get3A_17 = vector.load %arg11[%get3A_16] : memref<128xf32, #tpu.memory_space<vmem>>, vector<128xf32>
    %broadcast_in_dim3A_18 = vector.shape_cast %get3A_17 : vector<128xf32> to vector<1x128xf32>
    %add3A_19 = vector.broadcast %broadcast_in_dim3A_18 : vector<1x128xf32> to vector<1025x128xf32>
    %add3A_20 = arith.addf %dot_general3A_15, %add3A_19 : vector<1025x128xf32>
    %max3A_21 = arith.constant 0.000000e+00 : f32
    %max3A_22 = vector.broadcast %max3A_21 : f32 to vector<1025x128xf32>
    %max3A_23 = arith.maximumf %add3A_20, %max3A_22 : vector<1025x128xf32>
    %get3A_24 = arith.constant 0 : index
    %get3A_25 = arith.constant 0 : index
    %get3A_26 = vector.load %arg12[%get3A_24, %get3A_25] : memref<128x128xf32, #tpu.memory_space<vmem>>, vector<128x128xf32>
    %dot_general3A_27 = arith.constant dense<0.000000e+00> : vector<1025x128xf32>
    %dot_general3A_28 = tpu.matmul %max3A_23, %get3A_26, %dot_general3A_27 {dimension_numbers = #tpu.dot_dimension_numbers<[1], [1], [0], [0], [0, 0, 1, 0], [], []>, transpose_lhs_hint = false} : vector<1025x128xf32>, vector<128x128xf32>, vector<1025x128xf32> -> vector<1025x128xf32>
    %get3A_29 = arith.constant 0 : index
    %get3A_30 = vector.load %arg13[%get3A_29] : memref<128xf32, #tpu.memory_space<vmem>>, vector<128xf32>
    %broadcast_in_dim3A_31 = vector.shape_cast %get3A_30 : vector<128xf32> to vector<1x128xf32>
    %add3A_32 = vector.broadcast %broadcast_in_dim3A_31 : vector<1x128xf32> to vector<1025x128xf32>
    %add3A_33 = arith.addf %dot_general3A_28, %add3A_32 : vector<1025x128xf32>
    %get3A_34 = arith.constant 0 : index
    %get3A_35 = arith.constant 0 : index
    %get3A_36 = vector.load %arg0[%get3A_34, %get3A_35] : memref<1x128xf32, #tpu.memory_space<vmem>>, vector<1x128xf32>
    %mul3A = arith.mulf %add3A_33, %add3A_33 : vector<1025x128xf32>
    %reduce_sum3A = arith.constant dense<0.000000e+00> : vector<1025xf32>
    %reduce_sum3A_37 = vector.multi_reduction <add>, %mul3A, %reduce_sum3A [1] : vector<1025x128xf32> to vector<1025xf32>
    %broadcast_in_dim3A_38 = vector.shape_cast %reduce_sum3A_37 : vector<1025xf32> to vector<1025x1xf32>
    %sqrt3A = math.sqrt %broadcast_in_dim3A_38 : vector<1025x1xf32>
    %max3A_39 = arith.constant 9.99999996E-13 : f32
    %max3A_40 = vector.broadcast %max3A_39 : f32 to vector<1025x1xf32>
    %max3A_41 = arith.maximumf %sqrt3A, %max3A_40 : vector<1025x1xf32>
    %div3A = vector.broadcast %max3A_41 : vector<1025x1xf32> to vector<1025x128xf32>
    %div3A_42 = arith.divf %add3A_33, %div3A : vector<1025x128xf32>
    %mul3A_43 = arith.mulf %get3A_36, %get3A_36 : vector<1x128xf32>
    %reduce_sum3A_44 = arith.constant dense<0.000000e+00> : vector<1xf32>
    %reduce_sum3A_45 = vector.multi_reduction <add>, %mul3A_43, %reduce_sum3A_44 [1] : vector<1x128xf32> to vector<1xf32>
    %broadcast_in_dim3A_46 = vector.shape_cast %reduce_sum3A_45 : vector<1xf32> to vector<1x1xf32>
    %sqrt3A_47 = math.sqrt %broadcast_in_dim3A_46 : vector<1x1xf32>
    %max3A_48 = arith.constant 9.99999996E-13 : f32
    %max3A_49 = vector.broadcast %max3A_48 : f32 to vector<1x1xf32>
    %max3A_50 = arith.maximumf %sqrt3A_47, %max3A_49 : vector<1x1xf32>
    %div3A_51 = vector.broadcast %max3A_50 : vector<1x1xf32> to vector<1x128xf32>
    %div3A_52 = arith.divf %get3A_36, %div3A_51 : vector<1x128xf32>
    %swap3A = arith.constant 0 : index
    %swap3A_53 = arith.constant 0 : index
    %swap3A_54 = vector.load %arg32[%swap3A, %swap3A_53] : memref<2856x128xf32, #tpu.memory_space<vmem>>, vector<1025x128xf32>
    tpu.vector_store %arg32[%swap3A, %swap3A_53], %div3A_42 {strides = array<i32>} : memref<2856x128xf32, #tpu.memory_space<vmem>>, vector<1025x128xf32>,
    %swap3A_55 = arith.constant 2824 : index
    %swap3A_56 = arith.constant 0 : index
    %swap3A_57 = vector.load %arg32[%swap3A_55, %swap3A_56] : memref<2856x128xf32, #tpu.memory_space<vmem>>, vector<1x128xf32>
    tpu.vector_store %arg32[%swap3A_55, %swap3A_56], %div3A_52 {strides = array<i32>} : memref<2856x128xf32, #tpu.memory_space<vmem>>, vector<1x128xf32>,
    %get3A_58 = arith.constant 0 : index
    %get3A_59 = arith.constant 0 : index
    %get3A_60 = vector.load %arg3[%get3A_58, %get3A_59] : memref<920x128xf32, #tpu.memory_space<vmem>>, vector<920x128xf32>
    %get3A_61 = arith.constant 0 : index
    %get3A_62 = arith.constant 0 : index
    %get3A_63 = vector.load %arg14[%get3A_61, %get3A_62] : memref<128x128xf32, #tpu.memory_space<vmem>>, vector<128x128xf32>
    %dot_general3A_64 = arith.constant dense<0.000000e+00> : vector<920x128xf32>
    %dot_general3A_65 = tpu.matmul %get3A_60, %get3A_63, %dot_general3A_64 {dimension_numbers = #tpu.dot_dimension_numbers<[1], [1], [0], [0], [0, 0, 1, 0], [], []>, transpose_lhs_hint = false} : vector<920x128xf32>, vector<128x128xf32>, vector<920x128xf32> -> vector<920x128xf32>
    %get3A_66 = arith.constant 0 : index
    %get3A_67 = vector.load %arg15[%get3A_66] : memref<128xf32, #tpu.memory_space<vmem>>, vector<128xf32>
    %broadcast_in_dim3A_68 = vector.shape_cast %get3A_67 : vector<128xf32> to vector<1x128xf32>
    %add3A_69 = vector.broadcast %broadcast_in_dim3A_68 : vector<1x128xf32> to vector<920x128xf32>
    %add3A_70 = arith.addf %dot_general3A_65, %add3A_69 : vector<920x128xf32>
    %max3A_71 = arith.constant 0.000000e+00 : f32
    %max3A_72 = vector.broadcast %max3A_71 : f32 to vector<920x128xf32>
    %max3A_73 = arith.maximumf %add3A_70, %max3A_72 : vector<920x128xf32>
    %get3A_74 = arith.constant 0 : index
    %get3A_75 = arith.constant 0 : index
    %get3A_76 = vector.load %arg16[%get3A_74, %get3A_75] : memref<128x128xf32, #tpu.memory_space<vmem>>, vector<128x128xf32>
    %dot_general3A_77 = arith.constant dense<0.000000e+00> : vector<920x128xf32>
    %dot_general3A_78 = tpu.matmul %max3A_73, %get3A_76, %dot_general3A_77 {dimension_numbers = #tpu.dot_dimension_numbers<[1], [1], [0], [0], [0, 0, 1, 0], [], []>, transpose_lhs_hint = false} : vector<920x128xf32>, vector<128x128xf32>, vector<920x128xf32> -> vector<920x128xf32>
    %get3A_79 = arith.constant 0 : index
    %get3A_80 = vector.load %arg17[%get3A_79] : memref<128xf32, #tpu.memory_space<vmem>>, vector<128xf32>
    %broadcast_in_dim3A_81 = vector.shape_cast %get3A_80 : vector<128xf32> to vector<1x128xf32>
    %add3A_82 = vector.broadcast %broadcast_in_dim3A_81 : vector<1x128xf32> to vector<920x128xf32>
    %add3A_83 = arith.addf %dot_general3A_78, %add3A_82 : vector<920x128xf32>
    %max3A_84 = arith.constant 0.000000e+00 : f32
    %max3A_85 = vector.broadcast %max3A_84 : f32 to vector<920x128xf32>
    %max3A_86 = arith.maximumf %add3A_83, %max3A_85 : vector<920x128xf32>
    %get3A_87 = arith.constant 0 : index
    %get3A_88 = arith.constant 0 : index
    %get3A_89 = vector.load %arg18[%get3A_87, %get3A_88] : memref<128x128xf32, #tpu.memory_space<vmem>>, vector<128x128xf32>
    %dot_general3A_90 = arith.constant dense<0.000000e+00> : vector<920x128xf32>
    %dot_general3A_91 = tpu.matmul %max3A_86, %get3A_89, %dot_general3A_90 {dimension_numbers = #tpu.dot_dimension_numbers<[1], [1], [0], [0], [0, 0, 1, 0], [], []>, transpose_lhs_hint = false} : vector<920x128xf32>, vector<128x128xf32>, vector<920x128xf32> -> vector<920x128xf32>
    %get3A_92 = arith.constant 0 : index
    %get3A_93 = vector.load %arg19[%get3A_92] : memref<128xf32, #tpu.memory_space<vmem>>, vector<128xf32>
    %broadcast_in_dim3A_94 = vector.shape_cast %get3A_93 : vector<128xf32> to vector<1x128xf32>
    %add3A_95 = vector.broadcast %broadcast_in_dim3A_94 : vector<1x128xf32> to vector<920x128xf32>
    %add3A_96 = arith.addf %dot_general3A_91, %add3A_95 : vector<920x128xf32>
    %get3A_97 = arith.constant 0 : index
    %get3A_98 = arith.constant 0 : index
    %get3A_99 = vector.load %arg2[%get3A_97, %get3A_98] : memref<2x128xf32, #tpu.memory_space<vmem>>, vector<2x128xf32>
    %swap3A_100 = arith.constant 1032 : index
    %swap3A_101 = arith.constant 0 : index
    %swap3A_102 = vector.load %arg32[%swap3A_100, %swap3A_101] : memref<2856x128xf32, #tpu.memory_space<vmem>>, vector<920x128xf32>
    tpu.vector_store %arg32[%swap3A_100, %swap3A_101], %add3A_96 {strides = array<i32>} : memref<2856x128xf32, #tpu.memory_space<vmem>>, vector<920x128xf32>,
    %swap3A_103 = arith.constant 2832 : index
    %swap3A_104 = arith.constant 0 : index
    %swap3A_105 = vector.load %arg32[%swap3A_103, %swap3A_104] : memref<2856x128xf32, #tpu.memory_space<vmem>>, vector<2x128xf32>
    tpu.vector_store %arg32[%swap3A_103, %swap3A_104], %get3A_99 {strides = array<i32>} : memref<2856x128xf32, #tpu.memory_space<vmem>>, vector<2x128xf32>,
    %get3A_106 = arith.constant 0 : index
    %get3A_107 = arith.constant 0 : index
    %get3A_108 = vector.load %arg5[%get3A_106, %get3A_107] : memref<310x128xf32, #tpu.memory_space<vmem>>, vector<310x128xf32>
    %get3A_109 = arith.constant 0 : index
    %get3A_110 = arith.constant 0 : index
    %get3A_111 = vector.load %arg20[%get3A_109, %get3A_110] : memref<128x128xf32, #tpu.memory_space<vmem>>, vector<128x128xf32>
    %dot_general3A_112 = arith.constant dense<0.000000e+00> : vector<310x128xf32>
    %dot_general3A_113 = tpu.matmul %get3A_108, %get3A_111, %dot_general3A_112 {dimension_numbers = #tpu.dot_dimension_numbers<[1], [1], [0], [0], [0, 0, 1, 0], [], []>, transpose_lhs_hint = false} : vector<310x128xf32>, vector<128x128xf32>, vector<310x128xf32> -> vector<310x128xf32>
    %get3A_114 = arith.constant 0 : index
    %get3A_115 = vector.load %arg21[%get3A_114] : memref<128xf32, #tpu.memory_space<vmem>>, vector<128xf32>
    %broadcast_in_dim3A_116 = vector.shape_cast %get3A_115 : vector<128xf32> to vector<1x128xf32>
    %add3A_117 = vector.broadcast %broadcast_in_dim3A_116 : vector<1x128xf32> to vector<310x128xf32>
    %add3A_118 = arith.addf %dot_general3A_113, %add3A_117 : vector<310x128xf32>
    %max3A_119 = arith.constant 0.000000e+00 : f32
    %max3A_120 = vector.broadcast %max3A_119 : f32 to vector<310x128xf32>
    %max3A_121 = arith.maximumf %add3A_118, %max3A_120 : vector<310x128xf32>
    %get3A_122 = arith.constant 0 : index
    %get3A_123 = arith.constant 0 : index
    %get3A_124 = vector.load %arg22[%get3A_122, %get3A_123] : memref<128x128xf32, #tpu.memory_space<vmem>>, vector<128x128xf32>
    %dot_general3A_125 = arith.constant dense<0.000000e+00> : vector<310x128xf32>
    %dot_general3A_126 = tpu.matmul %max3A_121, %get3A_124, %dot_general3A_125 {dimension_numbers = #tpu.dot_dimension_numbers<[1], [1], [0], [0], [0, 0, 1, 0], [], []>, transpose_lhs_hint = false} : vector<310x128xf32>, vector<128x128xf32>, vector<310x128xf32> -> vector<310x128xf32>
    %get3A_127 = arith.constant 0 : index
    %get3A_128 = vector.load %arg23[%get3A_127] : memref<128xf32, #tpu.memory_space<vmem>>, vector<128xf32>
    %broadcast_in_dim3A_129 = vector.shape_cast %get3A_128 : vector<128xf32> to vector<1x128xf32>
    %add3A_130 = vector.broadcast %broadcast_in_dim3A_129 : vector<1x128xf32> to vector<310x128xf32>
    %add3A_131 = arith.addf %dot_general3A_126, %add3A_130 : vector<310x128xf32>
    %max3A_132 = arith.constant 0.000000e+00 : f32
    %max3A_133 = vector.broadcast %max3A_132 : f32 to vector<310x128xf32>
    %max3A_134 = arith.maximumf %add3A_131, %max3A_133 : vector<310x128xf32>
    %get3A_135 = arith.constant 0 : index
    %get3A_136 = arith.constant 0 : index
    %get3A_137 = vector.load %arg24[%get3A_135, %get3A_136] : memref<128x128xf32, #tpu.memory_space<vmem>>, vector<128x128xf32>
    %dot_general3A_138 = arith.constant dense<0.000000e+00> : vector<310x128xf32>
    %dot_general3A_139 = tpu.matmul %max3A_134, %get3A_137, %dot_general3A_138 {dimension_numbers = #tpu.dot_dimension_numbers<[1], [1], [0], [0], [0, 0, 1, 0], [], []>, transpose_lhs_hint = false} : vector<310x128xf32>, vector<128x128xf32>, vector<310x128xf32> -> vector<310x128xf32>
    %get3A_140 = arith.constant 0 : index
    %get3A_141 = vector.load %arg25[%get3A_140] : memref<128xf32, #tpu.memory_space<vmem>>, vector<128xf32>
    %broadcast_in_dim3A_142 = vector.shape_cast %get3A_141 : vector<128xf32> to vector<1x128xf32>
    %add3A_143 = vector.broadcast %broadcast_in_dim3A_142 : vector<1x128xf32> to vector<310x128xf32>
    %add3A_144 = arith.addf %dot_general3A_139, %add3A_143 : vector<310x128xf32>
    %get3A_145 = arith.constant 0 : index
    %get3A_146 = arith.constant 0 : index
    %get3A_147 = vector.load %arg4[%get3A_145, %get3A_146] : memref<1x128xf32, #tpu.memory_space<vmem>>, vector<1x128xf32>
    %mul3A_148 = arith.mulf %add3A_144, %add3A_144 : vector<310x128xf32>
    %reduce_sum3A_149 = arith.constant dense<0.000000e+00> : vector<310xf32>
    %reduce_sum3A_150 = vector.multi_reduction <add>, %mul3A_148, %reduce_sum3A_149 [1] : vector<310x128xf32> to vector<310xf32>
    %broadcast_in_dim3A_151 = vector.shape_cast %reduce_sum3A_150 : vector<310xf32> to vector<310x1xf32>
    %sqrt3A_152 = math.sqrt %broadcast_in_dim3A_151 : vector<310x1xf32>
    %max3A_153 = arith.constant 9.99999996E-13 : f32
    %max3A_154 = vector.broadcast %max3A_153 : f32 to vector<310x1xf32>
    %max3A_155 = arith.maximumf %sqrt3A_152, %max3A_154 : vector<310x1xf32>
    %div3A_156 = vector.broadcast %max3A_155 : vector<310x1xf32> to vector<310x128xf32>
    %div3A_157 = arith.divf %add3A_144, %div3A_156 : vector<310x128xf32>
    %mul3A_158 = arith.mulf %get3A_147, %get3A_147 : vector<1x128xf32>
    %reduce_sum3A_159 = arith.constant dense<0.000000e+00> : vector<1xf32>
    %reduce_sum3A_160 = vector.multi_reduction <add>, %mul3A_158, %reduce_sum3A_159 [1] : vector<1x128xf32> to vector<1xf32>
    %broadcast_in_dim3A_161 = vector.shape_cast %reduce_sum3A_160 : vector<1xf32> to vector<1x1xf32>
    %sqrt3A_162 = math.sqrt %broadcast_in_dim3A_161 : vector<1x1xf32>
    %max3A_163 = arith.constant 9.99999996E-13 : f32
    %max3A_164 = vector.broadcast %max3A_163 : f32 to vector<1x1xf32>
    %max3A_165 = arith.maximumf %sqrt3A_162, %max3A_164 : vector<1x1xf32>
    %div3A_166 = vector.broadcast %max3A_165 : vector<1x1xf32> to vector<1x128xf32>
    %div3A_167 = arith.divf %get3A_147, %div3A_166 : vector<1x128xf32>
    %swap3A_168 = arith.constant 1952 : index
    %swap3A_169 = arith.constant 0 : index
    %swap3A_170 = vector.load %arg32[%swap3A_168, %swap3A_169] : memref<2856x128xf32, #tpu.memory_space<vmem>>, vector<310x128xf32>
    tpu.vector_store %arg32[%swap3A_168, %swap3A_169], %div3A_157 {strides = array<i32>} : memref<2856x128xf32, #tpu.memory_space<vmem>>, vector<310x128xf32>,
    %swap3A_171 = arith.constant 2840 : index
    %swap3A_172 = arith.constant 0 : index
    %swap3A_173 = vector.load %arg32[%swap3A_171, %swap3A_172] : memref<2856x128xf32, #tpu.memory_space<vmem>>, vector<1x128xf32>
    tpu.vector_store %arg32[%swap3A_171, %swap3A_172], %div3A_167 {strides = array<i32>} : memref<2856x128xf32, #tpu.memory_space<vmem>>, vector<1x128xf32>,
    %get3A_174 = arith.constant 0 : index
    %get3A_175 = arith.constant 0 : index
    %get3A_176 = vector.load %arg7[%get3A_174, %get3A_175] : memref<560x128xf32, #tpu.memory_space<vmem>>, vector<560x128xf32>
    %get3A_177 = arith.constant 0 : index
    %get3A_178 = arith.constant 0 : index
    %get3A_179 = vector.load %arg26[%get3A_177, %get3A_178] : memref<128x128xf32, #tpu.memory_space<vmem>>, vector<128x128xf32>
    %dot_general3A_180 = arith.constant dense<0.000000e+00> : vector<560x128xf32>
    %dot_general3A_181 = tpu.matmul %get3A_176, %get3A_179, %dot_general3A_180 {dimension_numbers = #tpu.dot_dimension_numbers<[1], [1], [0], [0], [0, 0, 1, 0], [], []>, transpose_lhs_hint = false} : vector<560x128xf32>, vector<128x128xf32>, vector<560x128xf32> -> vector<560x128xf32>
    %get3A_182 = arith.constant 0 : index
    %get3A_183 = vector.load %arg27[%get3A_182] : memref<128xf32, #tpu.memory_space<vmem>>, vector<128xf32>
    %broadcast_in_dim3A_184 = vector.shape_cast %get3A_183 : vector<128xf32> to vector<1x128xf32>
    %add3A_185 = vector.broadcast %broadcast_in_dim3A_184 : vector<1x128xf32> to vector<560x128xf32>
    %add3A_186 = arith.addf %dot_general3A_181, %add3A_185 : vector<560x128xf32>
    %max3A_187 = arith.constant 0.000000e+00 : f32
    %max3A_188 = vector.broadcast %max3A_187 : f32 to vector<560x128xf32>
    %max3A_189 = arith.maximumf %add3A_186, %max3A_188 : vector<560x128xf32>
    %get3A_190 = arith.constant 0 : index
    %get3A_191 = arith.constant 0 : index
    %get3A_192 = vector.load %arg28[%get3A_190, %get3A_191] : memref<128x128xf32, #tpu.memory_space<vmem>>, vector<128x128xf32>
    %dot_general3A_193 = arith.constant dense<0.000000e+00> : vector<560x128xf32>
    %dot_general3A_194 = tpu.matmul %max3A_189, %get3A_192, %dot_general3A_193 {dimension_numbers = #tpu.dot_dimension_numbers<[1], [1], [0], [0], [0, 0, 1, 0], [], []>, transpose_lhs_hint = false} : vector<560x128xf32>, vector<128x128xf32>, vector<560x128xf32> -> vector<560x128xf32>
    %get3A_195 = arith.constant 0 : index
    %get3A_196 = vector.load %arg29[%get3A_195] : memref<128xf32, #tpu.memory_space<vmem>>, vector<128xf32>
    %broadcast_in_dim3A_197 = vector.shape_cast %get3A_196 : vector<128xf32> to vector<1x128xf32>
    %add3A_198 = vector.broadcast %broadcast_in_dim3A_197 : vector<1x128xf32> to vector<560x128xf32>
    %add3A_199 = arith.addf %dot_general3A_194, %add3A_198 : vector<560x128xf32>
    %max3A_200 = arith.constant 0.000000e+00 : f32
    %max3A_201 = vector.broadcast %max3A_200 : f32 to vector<560x128xf32>
    %max3A_202 = arith.maximumf %add3A_199, %max3A_201 : vector<560x128xf32>
    %get3A_203 = arith.constant 0 : index
    %get3A_204 = arith.constant 0 : index
    %get3A_205 = vector.load %arg30[%get3A_203, %get3A_204] : memref<128x128xf32, #tpu.memory_space<vmem>>, vector<128x128xf32>
    %dot_general3A_206 = arith.constant dense<0.000000e+00> : vector<560x128xf32>
    %dot_general3A_207 = tpu.matmul %max3A_202, %get3A_205, %dot_general3A_206 {dimension_numbers = #tpu.dot_dimension_numbers<[1], [1], [0], [0], [0, 0, 1, 0], [], []>, transpose_lhs_hint = false} : vector<560x128xf32>, vector<128x128xf32>, vector<560x128xf32> -> vector<560x128xf32>
    %get3A_208 = arith.constant 0 : index
    %get3A_209 = vector.load %arg31[%get3A_208] : memref<128xf32, #tpu.memory_space<vmem>>, vector<128xf32>
    %broadcast_in_dim3A_210 = vector.shape_cast %get3A_209 : vector<128xf32> to vector<1x128xf32>
    %add3A_211 = vector.broadcast %broadcast_in_dim3A_210 : vector<1x128xf32> to vector<560x128xf32>
    %add3A_212 = arith.addf %dot_general3A_207, %add3A_211 : vector<560x128xf32>
    %get3A_213 = arith.constant 0 : index
    %get3A_214 = arith.constant 0 : index
    %get3A_215 = vector.load %arg6[%get3A_213, %get3A_214] : memref<1x128xf32, #tpu.memory_space<vmem>>, vector<1x128xf32>
    %mul3A_216 = arith.mulf %add3A_212, %add3A_212 : vector<560x128xf32>
    %reduce_sum3A_217 = arith.constant dense<0.000000e+00> : vector<560xf32>
    %reduce_sum3A_218 = vector.multi_reduction <add>, %mul3A_216, %reduce_sum3A_217 [1] : vector<560x128xf32> to vector<560xf32>
    %broadcast_in_dim3A_219 = vector.shape_cast %reduce_sum3A_218 : vector<560xf32> to vector<560x1xf32>
    %sqrt3A_220 = math.sqrt %broadcast_in_dim3A_219 : vector<560x1xf32>
    %max3A_221 = arith.constant 9.99999996E-13 : f32
    %max3A_222 = vector.broadcast %max3A_221 : f32 to vector<560x1xf32>
    %max3A_223 = arith.maximumf %sqrt3A_220, %max3A_222 : vector<560x1xf32>
    %div3A_224 = vector.broadcast %max3A_223 : vector<560x1xf32> to vector<560x128xf32>
    %div3A_225 = arith.divf %add3A_212, %div3A_224 : vector<560x128xf32>
    %mul3A_226 = arith.mulf %get3A_215, %get3A_215 : vector<1x128xf32>
    %reduce_sum3A_227 = arith.constant dense<0.000000e+00> : vector<1xf32>
    %reduce_sum3A_228 = vector.multi_reduction <add>, %mul3A_226, %reduce_sum3A_227 [1] : vector<1x128xf32> to vector<1xf32>
    %broadcast_in_dim3A_229 = vector.shape_cast %reduce_sum3A_228 : vector<1xf32> to vector<1x1xf32>
    %sqrt3A_230 = math.sqrt %broadcast_in_dim3A_229 : vector<1x1xf32>
    %max3A_231 = arith.constant 9.99999996E-13 : f32
    %max3A_232 = vector.broadcast %max3A_231 : f32 to vector<1x1xf32>
    %max3A_233 = arith.maximumf %sqrt3A_230, %max3A_232 : vector<1x1xf32>
    %div3A_234 = vector.broadcast %max3A_233 : vector<1x1xf32> to vector<1x128xf32>
    %div3A_235 = arith.divf %get3A_215, %div3A_234 : vector<1x128xf32>
    %swap3A_236 = arith.constant 2264 : index
    %swap3A_237 = arith.constant 0 : index
    %swap3A_238 = vector.load %arg32[%swap3A_236, %swap3A_237] : memref<2856x128xf32, #tpu.memory_space<vmem>>, vector<560x128xf32>
    tpu.vector_store %arg32[%swap3A_236, %swap3A_237], %div3A_225 {strides = array<i32>} : memref<2856x128xf32, #tpu.memory_space<vmem>>, vector<560x128xf32>,
    %swap3A_239 = arith.constant 2848 : index
    %swap3A_240 = arith.constant 0 : index
    %swap3A_241 = vector.load %arg32[%swap3A_239, %swap3A_240] : memref<2856x128xf32, #tpu.memory_space<vmem>>, vector<1x128xf32>
    tpu.vector_store %arg32[%swap3A_239, %swap3A_240], %div3A_235 {strides = array<i32>} : memref<2856x128xf32, #tpu.memory_space<vmem>>, vector<1x128xf32>,
    return
  }
}

</mosaic_0001>

<sc_bundles>
// kernel: kernel.4.cloned.1.call-start
scs
__scs_entry_jumppad:
0x0: {  	(pc) =	sbr.rel $0x88, $3  }
0x1: {  	(tag) =	ssettag $0x0;
	lr =	simm.s32 $0x1  }
0x2: {  	[smem:$0x3F7D] =	sst lr;
	_ =	strace $0xD0000000  }
0x3: {  	_ = 	snop  }
0x4: {  	_ = 	snop  }
0x5: {  	_ = 	snop  }
0x6: {  	_ = 	snop  }
0x7: {  	_ = 	snop  }
__scs_overlays_trampoline_lowered:
0x8: {  	[smem:$0x3F8C] =	sst s0  }
0x9: {  	[smem:$0x3F8D] =	sst s1  }
0xa: {  	[smem:$0x3F8E] =	sst s2  }
0xb: {  	[smem:$0x3F8F] =	sst s3  }
0xc: {  	[smem:$0x3F90] =	sst s4  }
0xd: {  	[smem:$0x3F91] =	sst s5  }
0xe: {  	[smem:$0x3F92] =	sst s6  }
0xf: {  	[smem:$0x3F93] =	sst s7  }
0x10: {  	[smem:$0x3F94] =	sst s8  }
0x11: {  	[smem:$0x3F95] =	sst s9;
	s0 =	simm.s32 @!p0 $0x0  }
0x12: {  	s1 =	sld [smem:$0x3F7B];
	s0 =	simm.s32 @p0 $0x1  }
0x13: {  	[smem:$0x3F96] =	sst s0;
	s0 =	simm.s32 @!p1 $0x0  }
0x14: {  	s2 =	sld [smem:$0x3F7A];
	s0 =	simm.s32 @p1 $0x1  }
0x15: {  	[smem:$0x3F97] =	sst s0;
	s0 =	simm.s32 @!p2 $0x0  }
0x16: {  	s3 =	sld [smem:$0x3FDB];
	s0 =	simm.s32 @p2 $0x1  }
0x17: {  	s4 =	simm.s32 $0x1BF5;
	[smem:$0x3F99] =	sst s0  }
0x18: {  	s0 =	sld [smem:$0x3F7C];
	_ =	swait.ge [sflag:s4], $0x0  }
0x19: {  	s7 =	sld [smem:$0x3F7D]  }
0x1a: {  	s8 =	sadd.s32 $0xFFFFE003, lr  }
0x1b: {  	s9 =	sadd.s32 $0xFFFFFEF7, lr;
	s5 =	simm.s32 $0xFFFFFFFF;
	p2 =	slt.u32 s8, $0xFFFFF086  }
0x1c: {  	p1 =	slt.u32 s9, $0xF7A;
	s5 =	simm.s32 @!p2 $0x0  }
0x1d: {  	s5 =	simm.s32 @p1 $0x1;
	p0 =	seq.s32 s7, s2  }
0x1e: {  	s7 =	smul.u32 @!p0 $0xF7A, s2;
	p2 =	seq.s32 @!p0 s5, $0x0  }
0x1f: {  	s9 =	smul.u32 $0xF7A, s1;
	s8 =	simm.s32 @!p0 $0x1BF5;
	p2 =	por !p2, p0  }
0x20: {  	[sflag:s8] =	ssyncset.s32 @!p0 $0xFFFFF086;
	s6 =	sadd.s32 @!p0 s3, s7;
	s7 =	simm.s32 @!p0 $0x108  }
0x21: {  	s3 =	sadd.s32 s3, s9;
	s6 =	sadd.s32 @!p0 $0x88, s6;
	s7 =	simm.s32 @p2 $0x1082  }
0x22: {  	[simem:s7], [sflag:s8] =	dma.local @!p0 [hbm:s6], $0xF7A  }
0x23: {  	s9 =	sor.u32 $0xD0000000, s2;
	s6 =	simm.s32 $0x108;
	_ =	swait.ge @!p0 [sflag:s8], $0x0  }
0x24: {  	s3 =	sadd.s32 $0x88, s3;
	s6 =	simm.s32 @!p1 $0x1082;
	[sflag:s4] =	ssyncset.s32 $0xFFFFF086  }
0x25: {  	[simem:s6], [sflag:s4] =	dma.local [hbm:s3], $0xF7A  }
0x26: {  	[smem:$0x3F7D] =	sst s1;
	(tag) =	ssettag s2;
	_ =	strace s9  }
0x27: {  	s1 =	sld [smem:$0x3F8D]  }
0x28: {  	s2 =	sld [smem:$0x3F8E]  }
0x29: {  	s4 =	sld [smem:$0x3F90]  }
0x2a: {  	p0 =	seq.s32 s5, $0x0;
	s5 =	sld [smem:$0x3F91]  }
0x2b: {  	s6 =	sld [smem:$0x3F92]  }
0x2c: {  	s7 =	sld [smem:$0x3F93]  }
0x2d: {  	s3 =	simm.s32 $0x108;
	s8 =	sld [smem:$0x3F94]  }
0x2e: {  	s3 =	simm.s32 @!p0 $0x1082;
	s9 =	sld [smem:$0x3F95]  }
0x2f: {  	lr =	sadd.s32 s0, s3;
	s0 =	sld [smem:$0x3F8C]  }
0x30: {  	s3 =	sld [smem:$0x3F8F]  }
0x31: {  	[smem:$0x3F98] =	sst s10  }
0x32: {  	s10 =	sld [smem:$0x3F96];
	_ =	sdelay $0x3  }
0x33: {  	p0 =	seq.s32 s10, $0x1;
	s10 =	sld [smem:$0x3F98];
	_ =	sdelay $0x3  }
0x34: {  	[smem:$0x3F98] =	sst s10  }
0x35: {  	s10 =	sld [smem:$0x3F97];
	_ =	sdelay $0x3  }
0x36: {  	p1 =	seq.s32 s10, $0x1;
	s10 =	sld [smem:$0x3F98];
	_ =	sdelay $0x3  }
0x37: {  	[smem:$0x3F98] =	sst s10  }
0x38: {  	s10 =	sld [smem:$0x3F99]  }
0x39: {  	_ = 	snop;
	(pc) =	sbr.ind lr, $3  }
0x3a: {  	_ = 	snop  }
0x3b: {  	_ = 	snop  }
0x3c: {  	p2 =	seq.s32 s10, $0x1;
	s10 =	sld [smem:$0x3F98]  }
0x3d: {  	_ =	shalt  }
0x3e: {  	_ =	shalt  }
0x3f: {  	_ =	shalt  }
0x40: {  	_ =	shalt  }
0x41: {  	_ =	shalt  }
0x42: {  	_ =	shalt  }
0x43: {  	_ =	shalt  }
0x44: {  	_ =	shalt  }
0x45: {  	_ =	shalt  }
0x46: {  	_ =	shalt  }
0x47: {  	_ =	shalt  }
0x48: {  	_ =	shalt  }
0x49: {  	_ =	shalt  }
0x4a: {  	_ =	shalt  }
0x4b: {  	_ =	shalt  }
0x4c: {  	_ =	shalt  }
0x4d: {  	_ =	shalt  }
0x4e: {  	_ =	shalt  }
0x4f: {  	_ =	shalt  }
0x50: {  	_ =	shalt  }
0x51: {  	_ =	shalt  }
0x52: {  	_ =	shalt  }
0x53: {  	_ =	shalt  }
0x54: {  	_ =	shalt  }
0x55: {  	_ =	shalt  }
0x56: {  	_ =	shalt  }
0x57: {  	_ =	shalt  }
0x58: {  	_ =	shalt  }
0x59: {  	_ =	shalt  }
0x5a: {  	_ =	shalt  }
0x5b: {  	_ =	shalt  }
0x5c: {  	_ =	shalt  }
0x5d: {  	_ =	shalt  }
0x5e: {  	_ =	shalt  }
0x5f: {  	_ =	shalt  }
0x60: {  	_ =	shalt  }
0x61: {  	_ =	shalt  }
0x62: {  	_ =	shalt  }
0x63: {  	_ =	shalt  }
0x64: {  	_ =	shalt  }
0x65: {  	_ =	shalt  }
0x66: {  	_ =	shalt  }
0x67: {  	_ =	shalt  }
0x68: {  	_ =	shalt  }
0x69: {  	_ =	shalt  }
0x6a: {  	_ =	shalt  }
0x6b: {  	_ =	shalt  }
0x6c: {  	_ =	shalt  }
0x6d: {  	_ =	shalt  }
0x6e: {  	_ =	shalt  }
0x6f: {  	_ =	shalt  }
0x70: {  	_ =	shalt  }
0x71: {  	_ =	shalt  }
0x72: {  	_ =	shalt  }
0x73: {  	_ =	shalt  }
0x74: {  	_ =	shalt  }
0x75: {  	_ =	shalt  }
0x76: {  	_ =	shalt  }
0x77: {  	_ =	shalt  }
0x78: {  	_ =	shalt  }
0x79: {  	_ =	shalt  }
0x7a: {  	_ =	shalt  }
0x7b: {  	_ =	shalt  }
0x7c: {  	_ =	shalt  }
0x7d: {  	_ =	shalt  }
0x7e: {  	_ =	shalt  }
0x7f: {  	_ =	shalt  }
0x80: {  	_ =	shalt  }
0x81: {  	_ =	shalt  }
0x82: {  	_ =	shalt  }
0x83: {  	_ =	shalt  }
0x84: {  	_ =	shalt  }
0x85: {  	_ =	shalt  }
0x86: {  	_ =	shalt  }
0x87: {  	_ =	shalt  }
.Lfunc_end0:
.L_simem_size_0:
called_computation_lowered:
.L_overlay_start_0:
0x88: {  	s2 =	sld [smem:$0x3FD9]  }
0x89: {  	s3 =	sld [smem:$0x3FFE];
	_ =	sdelay $0x1  }
0x8a: {  	s1 =	srdreg.scid  }
0x8b: {  	s0 =	sand.u32 $0x1, s1  }
0x8c: {  	s17 =	sshll.u32 s0, $0xA;
	s2 =	sadd.s32 s3, s2  }
0x8d: {  	s2 =	sadd.s32 s2, s17  }
0x8e: {  	[smem:$0x3FA4] =	sst s2  }
0x8f: {  	_ = 	snop  }
0x90: {  	s2 =	sld [smem:$0x3FD0];
	(tm) =	ssettm $0x1  }
0x91: {  	s18 =	sld [smem:$0x3FFB];
	_ =	sdelay $0x3  }
0x92: {  	_ =	strace s18  }
0x93: {  	s3 =	sld [smem:$0x3FFC];
	_ =	sdelay $0x3  }
0x94: {  	_ =	strace s3  }
0x95: {  	s3 =	sld [smem:$0x3FFD];
	_ =	sdelay $0x3  }
0x96: {  	_ =	strace s3  }
0x97: {  	_ =	strace $0x8FFFFFFF  }
0x98: {  	s19 =	sld [smem:$0x3FDB];
	_ =	sdelay $0x1  }
0x99: {  	s4 =	simm.s32 $_scs_section_size  }
0x9a: {  	s5 =	simm.s32 $_size__tile_overlayer_lowered;
	s6 =	simm.s32 $_tile_overlayer_lowered  }
0x9b: {  	s22 =	simm.s32 $0x1BFF;
	s21 =	sshll.u32 s6, $0x1;
	s3 =	sadd.s32 s4, s19  }
0x9c: {  	s7 =	simm.s32 $0x0;
	s20 =	sshll.u32 s5, $0x1;
	s5 =	sadd.s32 s21, s3  }
0x9d: {  	[timem:s7], [sflag:s22] =	dma.local [hbm:s5], s20  }
0x9e: {  	_ =	swait.ge [sflag:s22], s20  }
0x9f: {  	s4 =	ssub.s32 $0x0, s20;
	[sflag:s22] =	ssyncset.done $0x0  }
0xa0: {  	[sflag:s22] =	ssyncadd.s32 s4;
	_ =	sdelay $0x1  }
0xa1: {  	s23 =	simm.s32 $0x1B8B  }
0xa2: {  	_ =	swait.ge [sflag:s23], $0x1  }
0xa3: {  	[sflag:s23] =	ssyncset.done $0x0  }
0xa4: {  	s25 =	simm.s32 $0x1B8E;
	s24 =	sld [smem:$0x3FFE];
	[sflag:s23] =	ssyncadd.s32 $0xFFFFFFFF  }
0xa5: {  	s26 =	simm.s32 $execute0_lowered;
	[smem:$0x3FD2] =	sst s25  }
0xa6: {  	s5 =	sshll.u32 s26, $0x1;
	_ =	strace $0x80000046;
	[dreg:$0x1] =	wrdreg $0xFFFFFFFF  }
0xa7: {  	s28 =	simm.s32 $_size_execute0_lowered;
	s3 =	sadd.s32 s3, s5;
	[dreg:$0x0] =	wrdreg $0x0  }
0xa8: {  	s5 =	sshll.u32 s28, $0x1;
	[dreg:$0x2] =	wrdreg s3  }
0xa9: {  	[dreg:$0x3] =	wrdreg s5  }
0xaa: {  	[dreg:$0x4] =	wrdreg $0xC0  }
0xab: {  	_ =	task [dreg:s7], $0x5FFFF  }
0xac: {  	[dreg:$0x1] =	wrdreg $0xFFFFFFFF  }
0xad: {  	[dreg:$0x0] =	wrdreg $0x60  }
0xae: {  	[dreg:$0x2] =	wrdreg s24  }
0xaf: {  	[dreg:$0x3] =	wrdreg s2  }
0xb0: {  	[dreg:$0x4] =	wrdreg $0x9  }
0xb1: {  	_ =	task.clear_ibuf [dreg:s7], $0x5FFFF;
	_ =	strace $0x90000046  }
0xb2: {  	s29 =	simm.s32 $0x9;
	_ =	strace $0x80000048  }
0xb3: {  	_ =	swait.ge [sflag:s29], $0x1  }
0xb4: {  	[sflag:s29] =	ssyncadd.s32 $0xFFFFFFFF  }
0xb5: {  	_ =	strace $0x90000048  }
0xb6: {  	_ =	sfence  }
0xb7: {  	s30 =	sld [smem:$0x0];
	_ =	sdelay $0x2  }
0xb8: {  	s31 =	sshll.u32 s1, $0xD;
	s1 =	sshrl.u32 s1, $0x2  }
0xb9: {  	s3 =	sand.u32 $0x4000, s31;
	s1 =	sadd.s32 s1, s30  }
0xba: {  	s0 =	sor.u32 s3, s0;
	s1 =	sshll.u32 s1, $0x11  }
0xbb: {  	s0 =	sor.u32 s1, s0  }
0xbc: {  	s0 =	sadd.s32 $0x8F2B, s0  }
0xbd: {  	[sflag:s0] =	ssyncadd.remote.s32 $0x1  }
0xbe: {  	_ =	sfence.sel $0xFFFF  }
0xbf: {  	[dreg:$0x0] =	wrdreg $0xFFFFFFFF;
	(pc) =	sbr.abs _section_cstart, $3  }
0xc0: {  	[dreg:$0x1] =	wrdreg $0xFFFFFFFF  }
0xc1: {  	_ =	task.clear_ibuf [dreg:s7], $0x2FFFF;
	_ =	strace $0x9FFFFFFF  }
0xc2: {  	(tm) =	ssettm $0x7FFFFFFF  }
0xc3: {  	_ =	shalt  }
tec
execute0_lowered:
.L_overlay_start_1:
0x0: {  	(tag) =	ssettag $0x1  }
0x1: {  	s0 =	rddreg [dreg:$0x0]  }
0x2: {  	s2 =	rddreg [dreg:$0x1]  }
0x3: {  	s1 =	srdreg.scid;
	s4 =	stileid.u32  }
0x4: {  	s3 =	simm.s32 $0x0;
	s15 =	simm.s32 $0x5;
	s31 =	simm.s32 $0x7E00  }
0x5: {  	s29 =	simm.s32 $0xBE00;
	s28 =	simm.s32 $0x1;
	s30 =	simm.s32 $0xEE00  }
0x6: {  	s16 =	simm.s32 $0x10E00;
	s17 =	simm.s32 $0x3;
	s1 =	sand.u32 $0x1, s1  }
0x7: {  	s4 =	sshll.u32 s4, $0xA;
	s5 =	sshll.u32 s1, $0x9;
	s1 =	ssub.s32 $0x2, s1  }
0x8: {  	s18 =	simm.s32 $0x4;
	s4 =	sor.u32 s5, s4;
	s7 =	sshrl.u32 s1, $0x1  }
0x9: {  	[smem:$0x7FF] =	sst s3;
	s6 =	sshrl.u32 s4, $0x3;
	s1 =	ssub.s32 s1, s7  }
0xa: {  	s5 =	sadd.s32 $0x8200, s0;
	s0 =	sadd.s32 s6, s0;
	s26 =	smax.u32 s1, $0x1  }
0xb: {  	_ =	strace $0x80000047;
	s6 =	sadd.s32 $0x4A00, s0;
	[dreg:$0xa] =	wrdreg s26  }
0xc: {  	s19 =	simm.s32 $0x0;
	s20 =	sadd.s32 $0x6A00, s0;
	[dreg:$0x3] =	wrdreg s6  }
0xd: {  	s24 =	sshll.u32 s4, $0x4;
	s21 =	sadd.s32 $0x6200, s0;
	[dreg:$0x4] =	wrdreg s20  }
0xe: {  	s13 =	sadd.s32 s2, s24;
	s22 =	sadd.s32 $0x5A00, s0;
	[dreg:$0x5] =	wrdreg s21  }
.Ltmp0:
0xf: {  	vm0 =	vcmask $0x704;
	vm1 =	vmmov $0x3;
	vm2 =	vmmov $0x7;
	s23 =	sadd.s32 $0x5200, s0;
	[dreg:$0x6] =	wrdreg s22;
	(pc) =	sbr.rel .LBB2_1-.Ltmp0, $4  }
0x10: {  	vm3 =	vmmov $0xf;
	vm4 =	vmmov $0x1f;
	vm5 =	vmmov $0x3f;
	s1 =	simm.s32 $0x8E00;
	s25 =	sadd.s32 $0x7A00, s0;
	[dreg:$0x7] =	wrdreg s23  }
0x11: {  	vm6 =	vmmov $0x7f;
	vm7 =	vmmov $0xff;
	vm8 =	vmmov $0x1ff;
	s24 =	simm.s32 $0x9E00;
	s0 =	sadd.s32 $0x7200, s0;
	[dreg:$0x8] =	wrdreg s25  }
0x12: {  	vm9 =	vmmov $0x3ff;
	vm10 =	vmmov $0x7ff;
	vm11 =	vmmov $0xfff;
	s26 =	simm.s32 $0xAE00;
	[dreg:$0x9] =	wrdreg s0;
	s22 =	simm.s32 $0x20  }
0x13: {  	vm12 =	vmmov $0x1fff;
	vm13 =	vmmov $0x3fff;
	vm14 =	vmmov $0x7fff;
	s0 =	simm.s32 $0xCE00;
	s25 =	simm.s32 $0xDE00;
	s23 =	simm.s32 $0x2  }
.LBB2_12:
0x14: {  	_ =	swait.ge [sflag:s17], $0x1000  }
0x15: {  	[sflag:s17] =	ssyncset.done $0x0  }
0x16: {  	[sflag:s17] =	ssyncadd.s32 $0xFFFFF000  }
0x17: {  	_ =	swait.ge [sflag:s18], $0x1000  }
0x18: {  	s19 =	sadd.s32 $0x1, s19;
	s6 =	rddreg [dreg:$0xa]  }
0x19: {  	p0 =	sne.s32 s19, s6  }
.Ltmp1:
0x1a: {  	_ = 	snop;
	(pc) =	sbr.rel @!p0 .LBB2_13-.Ltmp1, $3  }
0x1b: {  	_ =	sdelay $0x1  }
0x1c: {  	[sflag:s18] =	ssyncset.done $0x0  }
0x1d: {  	[sflag:s18] =	ssyncadd.s32 $0xFFFFF000  }
.LBB2_1:
0x1e: {  	s6 =	rddreg [dreg:$0x3]  }
0x1f: {  	[tilespmem:s3], [sflag:$0x5] =	stream.linear.gather [hbm4b:s6+s3], $0x200, $0x38;
	[tilespmem:$0x12380] =	vst v63  }
0x20: {  	_ =	swait.ge [sflag:s15], $0x200  }
0x21: {  	[sflag:s15] =	ssyncset.done $0x0  }
0x22: {  	s7 =	simm.s32 $0x200;
	s9 =	rddreg [dreg:$0x4];
	[sflag:s15] =	ssyncadd.s32 $0xFFFFFE00  }
0x23: {  	[tilespmem:s7], [sflag:$0x5] =	stream.linear.gather [hbm4b:s9+s3], $0x200, $0x38;
	[tilespmem:$0x12380] =	vst v63  }
0x24: {  	_ =	swait.ge [sflag:s15], $0x200  }
0x25: {  	[sflag:s15] =	ssyncset.done $0x0  }
0x26: {  	s8 =	simm.s32 $0x400;
	s10 =	rddreg [dreg:$0x5];
	[sflag:s15] =	ssyncadd.s32 $0xFFFFFE00  }
0x27: {  	[tilespmem:s8], [sflag:$0x5] =	stream.linear.gather [hbm4b:s10+s3], $0x200, $0x38;
	[tilespmem:$0x12380] =	vst v63  }
0x28: {  	_ =	swait.ge [sflag:s15], $0x200  }
0x29: {  	[sflag:s15] =	ssyncset.done $0x0  }
0x2a: {  	s9 =	simm.s32 $0x600;
	s11 =	rddreg [dreg:$0x6];
	[sflag:s15] =	ssyncadd.s32 $0xFFFFFE00  }
0x2b: {  	[tilespmem:s9], [sflag:$0x5] =	stream.linear.gather [hbm4b:s11+s3], $0x200, $0x38;
	[tilespmem:$0x12380] =	vst v63  }
0x2c: {  	_ =	swait.ge [sflag:s15], $0x200  }
0x2d: {  	[sflag:s15] =	ssyncset.done $0x0  }
0x2e: {  	s10 =	simm.s32 $0x800;
	s12 =	rddreg [dreg:$0x7];
	[sflag:s15] =	ssyncadd.s32 $0xFFFFFE00  }
0x2f: {  	[tilespmem:s10], [sflag:$0x5] =	stream.linear.gather [hbm4b:s12+s3], $0x200, $0x38;
	[tilespmem:$0x12380] =	vst v63  }
0x30: {  	_ =	swait.ge [sflag:s15], $0x200  }
0x31: {  	[sflag:s15] =	ssyncset.done $0x0  }
0x32: {  	s11 =	simm.s32 $0xA00;
	s14 =	rddreg [dreg:$0x8];
	[sflag:s15] =	ssyncadd.s32 $0xFFFFFE00  }
0x33: {  	[tilespmem:s11], [sflag:$0x5] =	stream.linear.gather [hbm4b:s14+s3], $0x200, $0x38;
	[tilespmem:$0x12380] =	vst v63  }
0x34: {  	_ =	swait.ge [sflag:s15], $0x200  }
0x35: {  	[sflag:s15] =	ssyncset.done $0x0  }
0x36: {  	s12 =	simm.s32 $0xC00;
	s20 =	rddreg [dreg:$0x9];
	[sflag:s15] =	ssyncadd.s32 $0xFFFFFE00  }
0x37: {  	[tilespmem:s12], [sflag:$0x5] =	stream.linear.gather [hbm4b:s20+s3], $0x200, $0x38;
	[tilespmem:$0x12380] =	vst v63  }
0x38: {  	_ =	swait.ge [sflag:s15], $0x200  }
0x39: {  	[sflag:s15] =	ssyncset.done $0x0  }
0x3a: {  	s21 =	simm.s32 $0xE00;
	[sflag:s15] =	ssyncadd.s32 $0xFFFFFE00  }
0x3b: {  	[tilespmem:s21], [sflag:$0x1] =	stream.indirect.gather [hbm4b:s5+s22], $0x80, s3, s22, $0xb8;
	[tilespmem:$0x12380] =	vst v63  }
0x3c: {  	s14 =	simm.s32 $0x1E00  }
0x3d: {  	[tilespmem:s14], [sflag:$0x1] =	stream.indirect.gather [hbm4b:s5+s22], $0x80, s7, s22, $0xb8;
	[tilespmem:$0x12380] =	vst v63  }
0x3e: {  	s20 =	simm.s32 $0x2E00  }
0x3f: {  	[tilespmem:s20], [sflag:$0x1] =	stream.indirect.gather [hbm4b:s5+s22], $0x80, s8, s22, $0xb8;
	[tilespmem:$0x12380] =	vst v63  }
0x40: {  	s21 =	simm.s32 $0x3E00  }
0x41: {  	[tilespmem:s21], [sflag:$0x1] =	stream.indirect.gather [hbm4b:s5+s22], $0x80, s9, s22, $0xb8;
	[tilespmem:$0x12380] =	vst v63  }
0x42: {  	s7 =	simm.s32 $0x4E00  }
0x43: {  	[tilespmem:s7], [sflag:$0x1] =	stream.indirect.gather [hbm4b:s5+s22], $0x80, s10, s22, $0xb8;
	[tilespmem:$0x12380] =	vst v63  }
0x44: {  	s8 =	simm.s32 $0x5E00  }
0x45: {  	[tilespmem:s8], [sflag:$0x1] =	stream.indirect.gather [hbm4b:s5+s22], $0x80, s11, s22, $0xb8;
	[tilespmem:$0x12380] =	vst v63  }
0x46: {  	s9 =	simm.s32 $0x6E00  }
0x47: {  	[tilespmem:s9], [sflag:$0x1] =	stream.indirect.gather [hbm4b:s5+s22], $0x80, s12, s22, $0xb8;
	[tilespmem:$0x12380] =	vst v63  }
0x48: {  	_ = 	snop  }
0x49: {  	[tilespmem:s31], [sflag:$0x2] =	stream.indirect.gather [hbm4b:s5+s22], $0x80, s22, s22, $0xb8;
	[tilespmem:$0x12380] =	vst v63  }
0x4a: {  	s10 =	simm.s32 $0x220  }
0x4b: {  	[tilespmem:s1], [sflag:$0x2] =	stream.indirect.gather [hbm4b:s5+s22], $0x80, s10, s22, $0xb8;
	[tilespmem:$0x12380] =	vst v63  }
0x4c: {  	s11 =	simm.s32 $0x420  }
0x4d: {  	[tilespmem:s24], [sflag:$0x2] =	stream.indirect.gather [hbm4b:s5+s22], $0x80, s11, s22, $0xb8;
	[tilespmem:$0x12380] =	vst v63  }
0x4e: {  	s12 =	simm.s32 $0x620  }
0x4f: {  	[tilespmem:s26], [sflag:$0x2] =	stream.indirect.gather [hbm4b:s5+s22], $0x80, s12, s22, $0xb8;
	[tilespmem:$0x12380] =	vst v63  }
0x50: {  	s14 =	simm.s32 $0x820  }
0x51: {  	[tilespmem:s29], [sflag:$0x2] =	stream.indirect.gather [hbm4b:s5+s22], $0x80, s14, s22, $0xb8;
	[tilespmem:$0x12380] =	vst v63  }
0x52: {  	s20 =	simm.s32 $0xA20  }
0x53: {  	[tilespmem:s0], [sflag:$0x2] =	stream.indirect.gather [hbm4b:s5+s22], $0x80, s20, s22, $0xb8;
	[tilespmem:$0x12380] =	vst v63  }
0x54: {  	s21 =	simm.s32 $0xC20;
	s20 =	simm.s32 $0x0  }
0x55: {  	[tilespmem:s25], [sflag:$0x2] =	stream.indirect.gather [hbm4b:s5+s22], $0x80, s21, s22, $0xb8;
	[tilespmem:$0x12380] =	vst v63  }
.LBB2_2:
0x56: {  	_ =	swait.ge [sflag:s28], $0x1000  }
0x57: {  	[sflag:s28] =	ssyncset.done $0x0  }
0x58: {  	[sflag:s28] =	ssyncadd.s32 $0xFFFFF000  }
0x59: {  	_ =	swait.ge [sflag:s28], $0x1000  }
0x5a: {  	[sflag:s28] =	ssyncset.done $0x0  }
0x5b: {  	[sflag:s28] =	ssyncadd.s32 $0xFFFFF000  }
0x5c: {  	_ =	swait.ge [sflag:s28], $0x1000  }
0x5d: {  	[sflag:s28] =	ssyncset.done $0x0  }
0x5e: {  	[sflag:s28] =	ssyncadd.s32 $0xFFFFF000  }
0x5f: {  	_ =	swait.ge [sflag:s28], $0x1000  }
0x60: {  	[sflag:s28] =	ssyncset.done $0x0  }
0x61: {  	[sflag:s28] =	ssyncadd.s32 $0xFFFFF000  }
0x62: {  	_ =	swait.ge [sflag:s28], $0x1000  }
0x63: {  	[sflag:s28] =	ssyncset.done $0x0  }
0x64: {  	[sflag:s28] =	ssyncadd.s32 $0xFFFFF000  }
0x65: {  	_ =	swait.ge [sflag:s28], $0x1000  }
0x66: {  	[sflag:s28] =	ssyncset.done $0x0  }
0x67: {  	[sflag:s28] =	ssyncadd.s32 $0xFFFFF000  }
0x68: {  	_ =	swait.ge [sflag:s28], $0x1000  }
0x69: {  	p0 =	seq.s32 s20, $0x0;
	[sflag:s28] =	ssyncset.done $0x0  }
0x6a: {  	s6 =	simm.s32 @!p0 $0x3;
	[sflag:s28] =	ssyncadd.s32 $0xFFFFF000  }
0x6b: {  	_ =	swait.ge @!p0 [sflag:s6], $0x1000  }
0x6c: {  	[sflag:s6] =	ssyncset.done @!p0 $0x0  }
0x6d: {  	s21 =	sshll.u32 s20, $0x6;
	[sflag:s6] =	ssyncadd.s32 @!p0 $0xFFFFF000;
	s6 =	simm.s32 $0x0  }
.LBB2_3:
0x6e: {  	s7 =	sshll.u32 s6, $0x7  }
0x6f: {  	v36 =	vld [tilespmem:s7+$0x1E00]  }
0x70: {  	v39 =	vld [tilespmem:s7+$0x2E00]  }
0x71: {  	v37 =	vld [tilespmem:s7+$0x3E00]  }
0x72: {  	v40 =	vld [tilespmem:s7+$0x4E00]  }
0x73: {  	v34 =	vld [tilespmem:s7+$0xE00]  }
0x74: {  	v38 =	vld [tilespmem:s7+$0x5E00]  }
0x75: {  	v28 =	vld [tilespmem:s7+$0x6E00]  }
0x76: {  	v41 =	vld [tilespmem:s7+$0x1E10]  }
0x77: {  	v44 =	vld [tilespmem:s7+$0x2E10]  }
0x78: {  	v42 =	vld [tilespmem:s7+$0x3E10]  }
0x79: {  	v45 =	vld [tilespmem:s7+$0x4E10]  }
0x7a: {  	v29 =	vld [tilespmem:s7+$0xE10]  }
0x7b: {  	v31 =	vld [tilespmem:s7+$0x5E10]  }
0x7c: {  	v21 =	vld [tilespmem:s7+$0x6E10]  }
0x7d: {  	v32 =	vld [tilespmem:s7+$0x1E20]  }
0x7e: {  	v33 =	vld [tilespmem:s7+$0x2E20]  }
0x7f: {  	v24 =	vld [tilespmem:s7+$0x3E20]  }
0x80: {  	v26 =	vld [tilespmem:s7+$0x4E20]  }
0x81: {  	v27 =	vld [tilespmem:s7+$0xE20]  }
0x82: {  	v30 =	vld [tilespmem:s7+$0x5E20]  }
0x83: {  	v23 =	vld [tilespmem:s7+$0x6E20]  }
0x84: {  	v0 =	vld [tilespmem:s7+$0x1E30]  }
0x85: {  	v13 =	vld [tilespmem:s7+$0x2E30]  }
0x86: {  	v17 =	vld [tilespmem:s7+$0x3E30]  }
0x87: {  	v20 =	vld [tilespmem:s7+$0x4E30]  }
0x88: {  	v22 =	vld [tilespmem:s7+$0xE30]  }
0x89: {  	v25 =	vld [tilespmem:s7+$0x5E30]  }
0x8a: {  	v35 =	vld [tilespmem:s7+$0x6E30]  }
0x8b: {  	v43 =	vld [tilespmem:s7+$0x1E40]  }
0x8c: {  	v18 =	vld [tilespmem:s7+$0x2E40]  }
0x8d: {  	v46 =	vld [tilespmem:s7+$0x1E80]  }
0x8e: {  	v1 =	vld [tilespmem:s7+$0x2E80]  }
0x8f: {  	v2 =	vld [tilespmem:s7+$0x3E80]  }
0x90: {  	v3 =	vld [tilespmem:s7+$0x4E80]  }
0x91: {  	v4 =	vld [tilespmem:s7+$0x3E40]  }
0x92: {  	v47 =	vld [tilespmem:s7+$0xE40]  }
0x93: {  	v48 =	vld [tilespmem:s7+$0x5E40]  }
0x94: {  	v49 =	vld [tilespmem:s7+$0x6E40]  }
0x95: {  	v51 =	vld [tilespmem:s7+$0x1E50]  }
0x96: {  	v57 =	vld [tilespmem:s7+$0x1F00];
	[tilespmem:$0x1FF40] =	vst v0;
	v0 =	vadd.f32 v1, v46;
	v50 =	vadd.f32 v3, v2  }
0x97: {  	v12 =	vld [tilespmem:s7+$0x2F00]  }
0x98: {  	s8 =	sor.u32 $0x1, s6;
	v58 =	vld [tilespmem:s7+$0x4F00];
	v14 =	vadd.f32 v50, v0  }
0x99: {  	s9 =	sshll.u32 s8, $0x7;
	[tilespmem:$0x1FF70] =	vst v22;
	v22 =	vld [tilespmem:s7+$0x3F00]  }
0x9a: {  	v54 =	vld [tilespmem:s9+$0xE00];
	[tilespmem:s9+$0xFE00] =	vst v14  }
0x9b: {  	v55 =	vld [tilespmem:s7+$0x5E80]  }
0x9c: {  	v52 =	vld [tilespmem:s7+$0x2E50]  }
0x9d: {  	v56 =	vld [tilespmem:s7+$0x6E80]  }
0x9e: {  	v59 =	vld [tilespmem:s7+$0x4F80];
	[tilespmem:$0x1FF80] =	vst v25;
	v60 =	vadd.f32 v12, v57;
	v1 =	vadd.f32 v58, v22  }
0x9f: {  	[tilespmem:$0x1FF90] =	vst v35;
	v25 =	vld [tilespmem:s7+$0x1F80]  }
0xa0: {  	s10 =	sor.u32 $0x2, s6;
	[tilespmem:$0x1FF50] =	vst v43;
	v35 =	vld [tilespmem:s7+$0x2F80];
	v15 =	vadd.f32 v1, v60;
	v0 =	vadd.f32 v55, v54  }
0xa1: {  	s12 =	sshll.u32 s10, $0x7;
	[tilespmem:$0x1FFA0] =	vst v47;
	v43 =	vld [tilespmem:s7+$0x3F80]  }
0xa2: {  	v47 =	vld [tilespmem:s12+$0xE00];
	[tilespmem:s12+$0xFE00] =	vst v15;
	v0 =	vadd.f32 v56, v0  }
0xa3: {  	[tilespmem:$0x1FFB0] =	vst v48;
	v48 =	vld [tilespmem:s7+$0x5F00]  }
0xa4: {  	v9 =	vld [tilespmem:s7+$0x6F00];
	[tilespmem:s9+$0xEE00] =	vst v0  }
0xa5: {  	v46 =	vld [tilespmem:s7+$0x1E90]  }
0xa6: {  	v8 =	vadd.f32 v35, v25;
	v0 =	vadd.f32 v59, v43;
	v61 =	vld [tilespmem:s7+$0x2E90]  }
0xa7: {  	v62 =	vld [tilespmem:s7+$0x3E90]  }
0xa8: {  	s11 =	sor.u32 $0x3, s6;
	[tilespmem:$0x1FFC0] =	vst v51;
	v63 =	vld [tilespmem:s7+$0x4E90];
	v51 =	vadd.f32 v48, v47;
	v16 =	vadd.f32 v0, v8  }
0xa9: {  	v53 =	vld [tilespmem:s7+$0x3E50];
	s14 =	sshll.u32 s11, $0x7  }
0xaa: {  	v10 =	vld [tilespmem:s14+$0xE00];
	v0 =	vadd.f32 v9, v51;
	[tilespmem:s14+$0xFE00] =	vst v16  }
0xab: {  	[tilespmem:$0x1FFD0] =	vst v52;
	v11 =	vld [tilespmem:s7+$0x5F80]  }
0xac: {  	v52 =	vld [tilespmem:s7+$0x6F80];
	[tilespmem:s12+$0xEE00] =	vst v0  }
0xad: {  	v12 =	vadd.f32 v61, v46;
	v1 =	vadd.f32 v63, v62;
	v57 =	vld [tilespmem:s7+$0x1F10]  }
0xae: {  	v58 =	vld [tilespmem:s7+$0x2F10]  }
0xaf: {  	v59 =	vld [tilespmem:s7+$0x3F10];
	v25 =	vadd.f32 v1, v12  }
0xb0: {  	[tilespmem:$0x1FFE0] =	vst v53;
	v60 =	vld [tilespmem:s7+$0x4F10];
	v56 =	vadd.f32 v11, v10  }
0xb1: {  	v53 =	vld [tilespmem:s9+$0xE10];
	[tilespmem:s9+$0xFE10] =	vst v25  }
0xb2: {  	v54 =	vld [tilespmem:s7+$0x5E90];
	v0 =	vadd.f32 v52, v56  }
0xb3: {  	v19 =	vld [tilespmem:s7+$0x4E40]  }
0xb4: {  	v55 =	vld [tilespmem:s7+$0x6E90];
	[tilespmem:s14+$0xEE00] =	vst v0  }
0xb5: {  	v22 =	vadd.f32 v58, v57;
	v12 =	vadd.f32 v60, v59;
	v0 =	vld [tilespmem:s7+$0x1F90]  }
0xb6: {  	v61 =	vld [tilespmem:s7+$0x2F90]  }
0xb7: {  	[tilespmem:$0x1FFF0] =	vst v49;
	v22 =	vadd.f32 v12, v22;
	v49 =	vld [tilespmem:s7+$0x3F90];
	v1 =	vadd.f32 v54, v53  }
0xb8: {  	v62 =	vld [tilespmem:s7+$0x4F90]  }
0xb9: {  	[tilespmem:s12+$0xFE10] =	vst v22;
	v53 =	vld [tilespmem:s12+$0xE10];
	v1 =	vadd.f32 v55, v1  }
0xba: {  	v54 =	vld [tilespmem:s7+$0x5F10]  }
0xbb: {  	v5 =	vld [tilespmem:s7+$0x6F10];
	[tilespmem:s9+$0xEE10] =	vst v1  }
0xbc: {  	v51 =	vld [tilespmem:s7+$0x1EA0]  }
0xbd: {  	v63 =	vld [tilespmem:s7+$0x2EA0]  }
0xbe: {  	[tilespmem:$0x1FF60] =	vst v4;
	v0 =	vadd.f32 v61, v0;
	v1 =	vadd.f32 v62, v49;
	v4 =	vld [tilespmem:s7+$0x3EA0]  }
0xbf: {  	v17 =	vadd.f32 v20, v17;
	v52 =	vld [tilespmem:s7+$0x4EA0]  }
0xc0: {  	v20 =	vld [tilespmem:s7+$0x4E70];
	v10 =	vadd.f32 v54, v53;
	v12 =	vadd.f32 v1, v0  }
0xc1: {  	v8 =	vld [tilespmem:s14+$0xE10]  }
0xc2: {  	v56 =	vld [tilespmem:s9+$0xE20];
	v0 =	vadd.f32 v5, v10;
	[tilespmem:s14+$0xFE10] =	vst v12  }
0xc3: {  	v9 =	vld [tilespmem:s7+$0x5F90]  }
0xc4: {  	v11 =	vld [tilespmem:s7+$0x6F90];
	[tilespmem:s12+$0xEE10] =	vst v0;
	v6 =	vadd.f32 v63, v51;
	v7 =	vadd.f32 v52, v4  }
0xc5: {  	v60 =	vld [tilespmem:s7+$0x1F20]  }
0xc6: {  	v61 =	vld [tilespmem:s7+$0x2F20];
	v48 =	vadd.f32 v7, v6  }
0xc7: {  	v62 =	vld [tilespmem:s7+$0x3F20]  }
0xc8: {  	v63 =	vld [tilespmem:s7+$0x4F20];
	[tilespmem:s9+$0xFE20] =	vst v48  }
0xc9: {  	v59 =	vadd.f32 v9, v8;
	v57 =	vld [tilespmem:s7+$0x5EA0]  }
0xca: {  	v50 =	vld [tilespmem:s7+$0x5E50]  }
0xcb: {  	v58 =	vld [tilespmem:s7+$0x6EA0];
	v0 =	vadd.f32 v11, v59  }
0xcc: {  	v35 =	vld [tilespmem:s7+$0xE50]  }
0xcd: {  	v43 =	vld [tilespmem:s7+$0x4E50];
	v47 =	vadd.f32 v61, v60;
	v46 =	vadd.f32 v63, v62;
	[tilespmem:s14+$0xEE10] =	vst v0  }
0xce: {  	v0 =	vld [tilespmem:s7+$0x1FA0];
	v1 =	vadd.f32 v57, v56  }
0xcf: {  	v47 =	vadd.f32 v46, v47;
	v4 =	vld [tilespmem:s7+$0x2FA0]  }
0xd0: {  	v5 =	vld [tilespmem:s7+$0x3FA0];
	v1 =	vadd.f32 v58, v1  }
0xd1: {  	v6 =	vld [tilespmem:s7+$0x4FA0];
	[tilespmem:s12+$0xFE20] =	vst v47  }
0xd2: {  	v9 =	vld [tilespmem:s7+$0x5F20];
	[tilespmem:s9+$0xEE20] =	vst v1  }
0xd3: {  	v56 =	vld [tilespmem:s7+$0x1EB0]  }
0xd4: {  	v7 =	vld [tilespmem:s7+$0x2EB0]  }
0xd5: {  	v8 =	vld [tilespmem:s7+$0x3EB0]  }
0xd6: {  	v57 =	vld [tilespmem:s7+$0x4EB0]  }
0xd7: {  	v58 =	vld [tilespmem:s12+$0xE20];
	v0 =	vadd.f32 v4, v0;
	v1 =	vadd.f32 v6, v5  }
0xd8: {  	v55 =	vld [tilespmem:s7+$0x1E60]  }
0xd9: {  	v10 =	vld [tilespmem:s7+$0x6F20];
	v46 =	vadd.f32 v1, v0  }
0xda: {  	v49 =	vld [tilespmem:s7+$0x6E50]  }
0xdb: {  	v61 =	vld [tilespmem:s14+$0xE20];
	[tilespmem:s14+$0xFE20] =	vst v46;
	v11 =	vadd.f32 v7, v56;
	v60 =	vadd.f32 v57, v8  }
0xdc: {  	v63 =	vadd.f32 v9, v58;
	v62 =	vld [tilespmem:s7+$0x5FA0]  }
0xdd: {  	v5 =	vld [tilespmem:s9+$0xE30];
	v53 =	vadd.f32 v60, v11  }
0xde: {  	v4 =	vld [tilespmem:s7+$0x6FA0];
	v0 =	vadd.f32 v10, v63  }
0xdf: {  	v63 =	vld [tilespmem:s7+$0x4E60];
	[tilespmem:s9+$0xFE30] =	vst v53  }
0xe0: {  	[tilespmem:s12+$0xEE20] =	vst v0;
	v6 =	vld [tilespmem:s7+$0x5EB0]  }
0xe1: {  	v9 =	vld [tilespmem:s7+$0x1F30];
	v8 =	vadd.f32 v62, v61  }
0xe2: {  	v7 =	vld [tilespmem:s7+$0x6EB0]  }
0xe3: {  	v10 =	vld [tilespmem:s7+$0x2F30];
	v0 =	vadd.f32 v4, v8  }
0xe4: {  	v11 =	vld [tilespmem:s7+$0x3F30]  }
0xe5: {  	v4 =	vld [tilespmem:s7+$0x4F30];
	[tilespmem:s14+$0xEE20] =	vst v0;
	v1 =	vadd.f32 v6, v5  }
0xe6: {  	v62 =	vld [tilespmem:s7+$0x1FB0]  }
0xe7: {  	v59 =	vld [tilespmem:s7+$0x3FB0];
	v1 =	vadd.f32 v7, v1  }
0xe8: {  	v5 =	vld [tilespmem:s7+$0x2FB0]  }
0xe9: {  	v6 =	vld [tilespmem:s7+$0x4FB0];
	[tilespmem:s9+$0xEE30] =	vst v1  }
0xea: {  	v52 =	vadd.f32 v10, v9;
	v51 =	vadd.f32 v4, v11;
	v60 =	vld [tilespmem:s7+$0x1EC0]  }
0xeb: {  	v7 =	vld [tilespmem:s7+$0x2EC0]  }
0xec: {  	v52 =	vadd.f32 v51, v52;
	v8 =	vld [tilespmem:s7+$0x3EC0]  }
0xed: {  	v61 =	vld [tilespmem:s7+$0x4EC0]  }
0xee: {  	v9 =	vld [tilespmem:s12+$0xE30];
	[tilespmem:s12+$0xFE30] =	vst v52;
	v10 =	vadd.f32 v5, v62;
	v1 =	vadd.f32 v6, v59  }
0xef: {  	v11 =	vld [tilespmem:s7+$0x5F30]  }
0xf0: {  	v57 =	vld [tilespmem:s7+$0x2E60];
	v51 =	vadd.f32 v1, v10  }
0xf1: {  	v4 =	vld [tilespmem:s7+$0x6F30]  }
0xf2: {  	v5 =	vld [tilespmem:s14+$0xE30];
	[tilespmem:s14+$0xFE30] =	vst v51;
	v54 =	vadd.f32 v7, v60;
	v56 =	vadd.f32 v61, v8  }
0xf3: {  	v6 =	vld [tilespmem:s7+$0x5FB0]  }
0xf4: {  	v62 =	vld [tilespmem:s7+$0x3E60];
	v0 =	vadd.f32 v11, v9;
	v58 =	vadd.f32 v56, v54  }
0xf5: {  	v7 =	vld [tilespmem:s7+$0x6FB0]  }
0xf6: {  	v8 =	vld [tilespmem:s9+$0xE40];
	v0 =	vadd.f32 v4, v0;
	[tilespmem:s9+$0xFE40] =	vst v58  }
0xf7: {  	v9 =	vld [tilespmem:s7+$0x5EC0]  }
0xf8: {  	[tilespmem:s12+$0xEE30] =	vst v0;
	v10 =	vadd.f32 v6, v5;
	v11 =	vld [tilespmem:s7+$0x6EC0]  }
0xf9: {  	v60 =	vld [tilespmem:s7+$0x1F40]  }
0xfa: {  	v54 =	vld [tilespmem:s7+$0x2F40];
	v0 =	vadd.f32 v7, v10  }
0xfb: {  	v6 =	vld [tilespmem:s7+$0x3F40]  }
0xfc: {  	v7 =	vld [tilespmem:s7+$0x4F40];
	[tilespmem:s14+$0xEE30] =	vst v0;
	v1 =	vadd.f32 v9, v8  }
0xfd: {  	v8 =	vld [tilespmem:s7+$0x1FC0]  }
0xfe: {  	v9 =	vld [tilespmem:s7+$0x2FC0];
	v1 =	vadd.f32 v11, v1  }
0xff: {  	v10 =	vld [tilespmem:s7+$0x3FC0]  }
0x100: {  	v11 =	vld [tilespmem:s7+$0x4FC0];
	[tilespmem:s9+$0xEE40] =	vst v1  }
0x101: {  	v54 =	vadd.f32 v54, v60;
	v0 =	vadd.f32 v7, v6;
	v60 =	vld [tilespmem:s7+$0x1ED0]  }
0x102: {  	v61 =	vld [tilespmem:s7+$0x2ED0]  }
0x103: {  	v56 =	vadd.f32 v0, v54;
	v4 =	vld [tilespmem:s7+$0x3ED0]  }
0x104: {  	v7 =	vld [tilespmem:s7+$0x4ED0]  }
0x105: {  	v59 =	vld [tilespmem:s12+$0xE40];
	v3 =	vadd.f32 v9, v8;
	[tilespmem:s12+$0xFE40] =	vst v56;
	v1 =	vadd.f32 v11, v10  }
0x106: {  	v2 =	vld [tilespmem:s7+$0x5F40]  }
0x107: {  	v6 =	vld [tilespmem:s9+$0xE50];
	v11 =	vadd.f32 v1, v3  }
0x108: {  	v0 =	vld [tilespmem:s7+$0x6F40]  }
0x109: {  	v54 =	vld [tilespmem:s14+$0xE40];
	v60 =	vadd.f32 v61, v60;
	v4 =	vadd.f32 v7, v4;
	[tilespmem:s14+$0xFE40] =	vst v11  }
0x10a: {  	v1 =	vld [tilespmem:s7+$0x5FC0]  }
0x10b: {  	v9 =	vld [tilespmem:s7+$0x5E60];
	v61 =	vadd.f32 v4, v60;
	v2 =	vadd.f32 v2, v59  }
0x10c: {  	v59 =	vld [tilespmem:s7+$0x6FC0]  }
0x10d: {  	v10 =	vld [tilespmem:s7+$0xE60];
	v0 =	vadd.f32 v0, v2;
	[tilespmem:s9+$0xFE50] =	vst v61  }
0x10e: {  	v60 =	vld [tilespmem:s7+$0x5ED0]  }
0x10f: {  	v7 =	vld [tilespmem:s7+$0x6ED0];
	[tilespmem:s12+$0xEE40] =	vst v0;
	v0 =	vadd.f32 v1, v54  }
0x110: {  	v54 =	vld [tilespmem:s7+$0x1F50]  }
0x111: {  	v1 =	vld [tilespmem:s7+$0x3F50];
	v0 =	vadd.f32 v59, v0  }
0x112: {  	v8 =	vld [tilespmem:s7+$0x4F50]  }
0x113: {  	v59 =	vld [tilespmem:s7+$0x2F50];
	[tilespmem:s14+$0xEE40] =	vst v0  }
0x114: {  	v5 =	vld [tilespmem:s7+$0x1FD0]  }
0x115: {  	v4 =	vld [tilespmem:s7+$0x2FD0]  }
0x116: {  	v3 =	vld [tilespmem:s7+$0x3FD0]  }
0x117: {  	v6 =	vadd.f32 v60, v6;
	v2 =	vld [tilespmem:s7+$0x4FD0]  }
0x118: {  	v0 =	vadd.f32 v8, v1;
	v1 =	vld [tilespmem:s7+$0x6E60]  }
0x119: {  	v8 =	vld [tilespmem:s7+$0x1E70];
	v6 =	vadd.f32 v7, v6;
	v54 =	vadd.f32 v59, v54  }
0x11a: {  	v7 =	vld [tilespmem:s7+$0x3E70]  }
0x11b: {  	v37 =	vadd.f32 v40, v37;
	[tilespmem:s9+$0xEE50] =	vst v6;
	v6 =	vld [tilespmem:s14+$0xE50];
	v59 =	vadd.f32 v0, v54  }
0x11c: {  	v40 =	vld [tilespmem:s7+$0x4EE0];
	v4 =	vadd.f32 v4, v5;
	v2 =	vadd.f32 v2, v3  }
0x11d: {  	v3 =	vld [tilespmem:s12+$0xE50];
	[tilespmem:s12+$0xFE50] =	vst v59  }
0x11e: {  	v5 =	vld [tilespmem:s7+$0x5F50];
	v60 =	vadd.f32 v2, v4  }
0x11f: {  	v0 =	vld [tilespmem:s7+$0x2E70]  }
0x120: {  	v4 =	vld [tilespmem:s7+$0x6F50];
	[tilespmem:s14+$0xFE50] =	vst v60  }
0x121: {  	v54 =	vld [tilespmem:s7+$0x5FD0]  }
0x122: {  	v2 =	vld [tilespmem:s7+$0x1EE0]  }
0x123: {  	v36 =	vadd.f32 v39, v36;
	v39 =	vld [tilespmem:s7+$0x6FD0];
	v3 =	vadd.f32 v5, v3  }
0x124: {  	v34 =	vadd.f32 v38, v34;
	v5 =	vld [tilespmem:s7+$0x2EE0]  }
0x125: {  	v38 =	vadd.f32 v44, v41;
	v3 =	vadd.f32 v4, v3;
	v4 =	vld [tilespmem:s7+$0x3EE0]  }
0x126: {  	v44 =	vadd.f32 v45, v42;
	v45 =	vadd.f32 v54, v6;
	v6 =	vld [tilespmem:s9+$0xE60]  }
0x127: {  	v54 =	vadd.f32 v33, v32;
	v33 =	vadd.f32 v26, v24;
	v26 =	vld [tilespmem:s7+$0xE70];
	[tilespmem:s12+$0xEE50] =	vst v3  }
0x128: {  	v36 =	vadd.f32 v37, v36;
	v28 =	vadd.f32 v28, v34;
	v34 =	vld [tilespmem:s7+$0x1F60]  }
0x129: {  	v37 =	vadd.f32 v44, v38;
	v3 =	vadd.f32 v39, v45;
	v38 =	vld [tilespmem:s7+$0x2F60]  }
0x12a: {  	v32 =	vld [tilespmem:s7+$0x3F60]  }
0x12b: {  	[tilespmem:s14+$0xEE50] =	vst v3;
	v3 =	vld [tilespmem:s7+$0x4F60]  }
0x12c: {  	v39 =	vadd.f32 v30, v27;
	v27 =	vld [tilespmem:s7+$0x1FE0]  }
0x12d: {  	v42 =	vld [tilespmem:s7+$0x2FE0]  }
0x12e: {  	v2 =	vadd.f32 v5, v2;
	v4 =	vadd.f32 v40, v4;
	v44 =	vld [tilespmem:s7+$0x3FE0]  }
0x12f: {  	v29 =	vadd.f32 v31, v29;
	v41 =	vmul.f32 v37, v37;
	v40 =	vmul.f32 v36, v36;
	v45 =	vld [tilespmem:s7+$0x4FE0]  }
0x130: {  	v24 =	vadd.f32 v4, v2;
	v4 =	vadd.f32 v23, v39;
	v39 =	vld [tilespmem:$0x1FF40]  }
0x131: {  	v2 =	vadd.f32 v41, v40;
	v41 =	vld [tilespmem:$0x1FF50]  }
0x132: {  	v21 =	vadd.f32 v21, v29;
	v23 =	vld [tilespmem:s12+$0xE60]  }
0x133: {  	v29 =	vadd.f32 v33, v54;
	v54 =	vadd.f32 v38, v34;
	v34 =	vld [tilespmem:$0x1FF90];
	[tilespmem:s9+$0xFE60] =	vst v24  }
0x134: {  	v38 =	vld [tilespmem:s7+$0x5EE0]  }
0x135: {  	v40 =	vld [tilespmem:s7+$0x6EE0]  }
0x136: {  	v27 =	vadd.f32 v42, v27;
	v42 =	vld [tilespmem:$0x1FF60]  }
0x137: {  	v3 =	vadd.f32 v3, v32;
	v5 =	vadd.f32 v45, v44;
	v44 =	vld [tilespmem:$0x1FF70]  }
0x138: {  	v45 =	vld [tilespmem:$0x1FF80]  }
0x139: {  	v33 =	vadd.f32 v13, v39;
	v13 =	vadd.f32 v3, v54;
	v39 =	vld [tilespmem:$0x1FFB0]  }
0x13a: {  	v18 =	vadd.f32 v18, v41;
	v41 =	vld [tilespmem:$0x1FFD0]  }
0x13b: {  	v5 =	vadd.f32 v5, v27;
	v27 =	vld [tilespmem:s7+$0x5E70];
	[tilespmem:s12+$0xFE60] =	vst v13  }
0x13c: {  	v31 =	vmul.f32 v29, v29;
	v30 =	vld [tilespmem:s7+$0x5F60]  }
0x13d: {  	v35 =	vadd.f32 v50, v35;
	v6 =	vadd.f32 v38, v6;
	v38 =	vld [tilespmem:$0x1FFA0]  }
0x13e: {  	v2 =	vadd.f32 v31, v2;
	v31 =	vadd.f32 v45, v44;
	v44 =	vld [tilespmem:$0x1FFE0]  }
0x13f: {  	v16 =	vmul.f32 v16, v16;
	v12 =	vmul.f32 v12, v12;
	v17 =	vadd.f32 v17, v33;
	v45 =	vld [tilespmem:$0x1FFF0]  }
0x140: {  	v14 =	vmul.f32 v14, v14;
	v19 =	vadd.f32 v19, v42;
	v3 =	vadd.f32 v40, v6;
	v6 =	vld [tilespmem:s7+$0x6F60]  }
0x141: {  	v25 =	vmul.f32 v25, v25;
	v35 =	vadd.f32 v49, v35;
	v12 =	vadd.f32 v12, v16;
	v40 =	vld [tilespmem:$0x1FFC0]  }
0x142: {  	[tilespmem:s14+$0xFE60] =	vst v5;
	v54 =	vmul.f32 v17, v17;
	v18 =	vadd.f32 v19, v18;
	v19 =	vadd.f32 v34, v31;
	v31 =	vld [tilespmem:s14+$0xE60]  }
0x143: {  	v57 =	vadd.f32 v57, v55;
	v55 =	vadd.f32 v25, v14;
	[tilespmem:s9+$0xEE60] =	vst v3;
	v3 =	vld [tilespmem:s7+$0x5FE0]  }
0x144: {  	v2 =	vadd.f32 v54, v2;
	v54 =	vld [tilespmem:s7+$0x6FE0];
	v23 =	vadd.f32 v30, v23  }
0x145: {  	v9 =	vadd.f32 v9, v10;
	v32 =	vadd.f32 v39, v38;
	v30 =	vld [tilespmem:s7+$0x1EF0]  }
0x146: {  	v38 =	vadd.f32 v43, v44;
	v43 =	vld [tilespmem:s7+$0x4EF0];
	v6 =	vadd.f32 v6, v23  }
0x147: {  	v63 =	vadd.f32 v63, v62;
	v1 =	vadd.f32 v1, v9;
	v23 =	vld [tilespmem:s7+$0x2EF0]  }
0x148: {  	v33 =	vadd.f32 v41, v40;
	v40 =	vld [tilespmem:s7+$0x3EF0];
	[tilespmem:s12+$0xEE60] =	vst v6;
	v3 =	vadd.f32 v3, v31  }
0x149: {  	v7 =	vadd.f32 v20, v7;
	v0 =	vadd.f32 v0, v8;
	v10 =	vld [tilespmem:s7+$0x1F70]  }
0x14a: {  	v15 =	vmul.f32 v15, v15;
	[tilespmem:s7+$0xFE00] =	vst v36;
	v32 =	vadd.f32 v45, v32;
	v45 =	vld [tilespmem:s7+$0x2F70];
	v3 =	vadd.f32 v54, v3  }
0x14b: {  	[tilespmem:s7+$0xEE00] =	vst v28;
	v49 =	vadd.f32 v27, v26;
	v27 =	vmul.f32 v46, v46;
	v42 =	vmul.f32 v18, v18;
	v62 =	vld [tilespmem:s7+$0x4F70]  }
0x14c: {  	v33 =	vadd.f32 v38, v33;
	v31 =	vadd.f32 v63, v57;
	v57 =	vmul.f32 v48, v48;
	v54 =	vld [tilespmem:s7+$0x3F70];
	[tilespmem:s14+$0xEE60] =	vst v3  }
0x14d: {  	v22 =	vmul.f32 v22, v22;
	[tilespmem:s7+$0xFE10] =	vst v37;
	v0 =	vadd.f32 v7, v0;
	v12 =	vadd.f32 v27, v12;
	v63 =	vld [tilespmem:s7+$0x1FF0]  }
0x14e: {  	[tilespmem:s7+$0xEE10] =	vst v21;
	v2 =	vadd.f32 v42, v2;
	v44 =	vmul.f32 v33, v33;
	v9 =	vadd.f32 v57, v55;
	v41 =	vld [tilespmem:s7+$0x2FF0]  }
0x14f: {  	[tilespmem:s7+$0xEE50] =	vst v35;
	v38 =	vmul.f32 v53, v53;
	v23 =	vadd.f32 v23, v30;
	v6 =	vadd.f32 v43, v40;
	v42 =	vld [tilespmem:s7+$0x3FF0]  }
0x150: {  	[tilespmem:s7+$0xEE60] =	vst v1;
	v53 =	vadd.f32 v22, v15;
	v50 =	vmul.f32 v31, v31;
	v2 =	vadd.f32 v44, v2;
	v44 =	vld [tilespmem:s7+$0x4FF0]  }
0x151: {  	[tilespmem:s7+$0xFE70] =	vst v0;
	v30 =	vmul.f32 v51, v51;
	v43 =	vadd.f32 v38, v9;
	v6 =	vadd.f32 v6, v23  }
0x152: {  	[tilespmem:s7+$0xFE20] =	vst v29;
	v29 =	vld [tilespmem:s14+$0xE70];
	v10 =	vadd.f32 v45, v10;
	v3 =	vadd.f32 v62, v54  }
0x153: {  	v28 =	vmul.f32 v56, v56;
	[tilespmem:s7+$0xEE20] =	vst v4;
	v48 =	vld [tilespmem:s7+$0x6E70];
	v12 =	vadd.f32 v30, v12;
	v2 =	vadd.f32 v50, v2  }
0x154: {  	v45 =	vmul.f32 v58, v58;
	v50 =	vld [tilespmem:s9+$0xE70];
	v58 =	vmul.f32 v47, v47;
	[tilespmem:s9+$0xFE70] =	vst v6;
	v3 =	vadd.f32 v3, v10  }
0x155: {  	v11 =	vmul.f32 v11, v11;
	[tilespmem:s7+$0xFE30] =	vst v17;
	v55 =	vld [tilespmem:s7+$0x5EF0];
	v8 =	vadd.f32 v41, v63;
	v9 =	vadd.f32 v44, v42  }
0x156: {  	[tilespmem:s7+$0xEE30] =	vst v19;
	v54 =	vmul.f32 v61, v61;
	v61 =	vld [tilespmem:s12+$0xE70];
	v62 =	vmul.f32 v52, v52;
	v4 =	vadd.f32 v58, v53  }
0x157: {  	v0 =	vmul.f32 v0, v0;
	v7 =	vadd.f32 v45, v43;
	v57 =	vld [tilespmem:s7+$0x6EF0];
	[tilespmem:s12+$0xFE70] =	vst v3;
	v8 =	vadd.f32 v9, v8  }
0x158: {  	v25 =	vmul.f32 v24, v24;
	[tilespmem:s7+$0xFE40] =	vst v18;
	v21 =	vadd.f32 v48, v49;
	v4 =	vadd.f32 v62, v4;
	v63 =	vld [tilespmem:s7+$0x5F70]  }
0x159: {  	v34 =	vmul.f32 v59, v59;
	v37 =	vadd.f32 v11, v12;
	v7 =	vadd.f32 v54, v7;
	v26 =	vld [tilespmem:s7+$0x6F70];
	[tilespmem:s14+$0xFE70] =	vst v8  }
0x15a: {  	[tilespmem:s7+$0xEE40] =	vst v32;
	v40 =	vmul.f32 v13, v13;
	v4 =	vadd.f32 v28, v4;
	v10 =	vadd.f32 v55, v50;
	v32 =	vld [tilespmem:s7+$0x5FF0]  }
0x15b: {  	[tilespmem:s7+$0xFE50] =	vst v33;
	v38 =	vmul.f32 v60, v60;
	v0 =	vadd.f32 v0, v2;
	v7 =	vadd.f32 v25, v7  }
0x15c: {  	[tilespmem:s7+$0xFE60] =	vst v31;
	v6 =	vmul.f32 v6, v6;
	v36 =	vadd.f32 v34, v4;
	v35 =	vld [tilespmem:s7+$0x6FF0];
	v10 =	vadd.f32 v57, v10  }
0x15d: {  	v5 =	vmul.f32 v5, v5;
	[tilespmem:s7+$0xEE70] =	vst v21;
	v4 =	vadd.f32 v38, v37;
	v9 =	vadd.f32 v63, v61  }
0x15e: {  	v42 =	vmul.f32 v3, v3;
	v43 =	vadd.f32 v6, v7;
	v1 =	vadd.f32 v40, v36;
	[tilespmem:s9+$0xEE70] =	vst v10;
	s9 =	sshll.u32 s6, $0x4  }
0x15f: {  	s8 =	sshll.u32 s8, $0x4;
	[tilespmem:s9+$0x11E00] =	vst v0;
	v9 =	vadd.f32 v26, v9;
	v39 =	vadd.f32 v32, v29  }
0x160: {  	v44 =	vmul.f32 v8, v8;
	v4 =	vadd.f32 v5, v4;
	v1 =	vadd.f32 v42, v1;
	[tilespmem:s8+$0x11E00] =	vst v43  }
0x161: {  	s10 =	sshll.u32 s10, $0x4;
	[tilespmem:s12+$0xEE70] =	vst v9;
	v41 =	vadd.f32 v35, v39  }
0x162: {  	v4 =	vadd.f32 v44, v4;
	v45 =	vld [tilespmem:s9+$0x11E08];
	[tilespmem:s10+$0x11E00] =	vst v1  }
0x163: {  	v46 =	vld [tilespmem:s8+$0x11E08];
	s12 =	sshll.u32 s11, $0x4;
	[tilespmem:s14+$0xEE70] =	vst v41  }
0x164: {  	v47 =	vld [tilespmem:s10+$0x11E08];
	[tilespmem:s12+$0x11E00] =	vst v4  }
0x165: {  	v48 =	vld [tilespmem:s12+$0x11E08];
	_ =	sdelay $0x1  }
0x166: {  	v0 =	vadd.f32 v45, v0  }
0x167: {  	v49 =	vadd.f32 v46, v43  }
0x168: {  	[tilespmem:s9+$0x12080] =	vst v0;
	v1 =	vadd.f32 v47, v1  }
0x169: {  	[tilespmem:s8+$0x12080] =	vst v49;
	v50 =	vld [tilespmem:s9+$0x12084];
	v4 =	vadd.f32 v48, v4  }
0x16a: {  	v51 =	vld [tilespmem:s8+$0x12084];
	[tilespmem:s10+$0x12080] =	vst v1  }
0x16b: {  	v52 =	vld [tilespmem:s10+$0x12084];
	[tilespmem:s12+$0x12080] =	vst v4  }
0x16c: {  	v53 =	vld [tilespmem:s12+$0x12084];
	_ =	sdelay $0x1  }
0x16d: {  	v0 =	vadd.f32 v50, v0  }
0x16e: {  	v2 =	vadd.f32 v51, v49  }
0x16f: {  	[tilespmem:s9+$0x11E00] =	vst v0;
	v1 =	vadd.f32 v52, v1  }
0x170: {  	[tilespmem:s8+$0x11E00] =	vst v2;
	v54 =	vld [tilespmem:s9+$0x11E02];
	v4 =	vadd.f32 v53, v4  }
0x171: {  	v55 =	vld [tilespmem:s8+$0x11E02];
	[tilespmem:s10+$0x11E00] =	vst v1  }
0x172: {  	v56 =	vld [tilespmem:s10+$0x11E02];
	[tilespmem:s12+$0x11E00] =	vst v4  }
0x173: {  	v57 =	vld [tilespmem:s12+$0x11E02];
	_ =	sdelay $0x1  }
0x174: {  	v0 =	vadd.f32 v54, v0  }
0x175: {  	v2 =	vadd.f32 v55, v2  }
0x176: {  	[tilespmem:s9+$0x12080] =	vst v0;
	v1 =	vadd.f32 v56, v1  }
0x177: {  	[tilespmem:s8+$0x12080] =	vst v2;
	v58 =	vld [tilespmem:s9+$0x12081];
	v4 =	vadd.f32 v57, v4  }
0x178: {  	v59 =	vld [tilespmem:s8+$0x12081];
	[tilespmem:s10+$0x12080] =	vst v1  }
0x179: {  	v60 =	vld [tilespmem:s10+$0x12081];
	[tilespmem:s12+$0x12080] =	vst v4  }
0x17a: {  	v61 =	vld [tilespmem:s12+$0x12081];
	_ =	sdelay $0x1  }
0x17b: {  	p1 =	slt.u32 s6, $0x1C;
	v0 =	vadd.f32 v58, v0  }
.Ltmp2:
0x17c: {  	v2 =	vadd.f32 v59, v2;
	(pc) =	sbr.rel @p1 .LBB2_3-.Ltmp2, $4  }
0x17d: {  	[tilespmem:s9+$0x11E00] =	vst v0;
	v62 =	vadd.f32 v60, v1  }
0x17e: {  	[tilespmem:s8+$0x11E00] =	vst v2;
	v63 =	vadd.f32 v61, v4  }
0x17f: {  	s14 =	sadd.s32 $0x4, s6;
	[tilespmem:s10+$0x11E00] =	vst v62  }
0x180: {  	s6 =	smov.u32 s14;
	[tilespmem:s12+$0x11E00] =	vst v63  }
0x181: {  	v0 =	vld [tilespmem:$0x11E00]  }
0x182: {  	v1 =	vld.msk [tilespmem:$0x11E10 ss:$0x0], $0xffff  }
0x183: {  	v2 =	vld.msk [tilespmem:$0x11E20 ss:$0x0], $0xffff  }
0x184: {  	v3 =	vld.msk [tilespmem:$0x11E30 ss:$0x0], $0xffff  }
0x185: {  	v4 =	vld.msk [tilespmem:$0x11E40 ss:$0x0], $0xffff  }
0x186: {  	v5 =	vld.msk [tilespmem:$0x11E50 ss:$0x0], $0xffff  }
0x187: {  	v0 =	vsel vm0, v1, v0;
	v1 =	vld.msk [tilespmem:$0x11E60 ss:$0x0], $0xffff  }
0x188: {  	v0 =	vsel vm1, v0, v2;
	v2 =	vld.msk [tilespmem:$0x11E70 ss:$0x0], $0xffff  }
0x189: {  	v0 =	vsel vm2, v0, v3;
	v3 =	vld.msk [tilespmem:$0x11E80 ss:$0x0], $0xffff  }
0x18a: {  	v0 =	vsel vm3, v0, v4;
	v4 =	vld.msk [tilespmem:$0x11E90 ss:$0x0], $0xffff  }
0x18b: {  	v0 =	vsel vm4, v0, v5;
	v5 =	vld.msk [tilespmem:$0x11EA0 ss:$0x0], $0xffff  }
0x18c: {  	v0 =	vsel vm5, v0, v1;
	v1 =	vld.msk [tilespmem:$0x11EB0 ss:$0x0], $0xffff  }
0x18d: {  	v0 =	vsel vm6, v0, v2;
	v2 =	vld.msk [tilespmem:$0x11EC0 ss:$0x0], $0xffff  }
0x18e: {  	v0 =	vsel vm7, v0, v3;
	v3 =	vld.msk [tilespmem:$0x11ED0 ss:$0x0], $0xffff  }
0x18f: {  	v0 =	vsel vm8, v0, v4;
	v4 =	vld.msk [tilespmem:$0x11EE0 ss:$0x0], $0xffff  }
0x190: {  	v0 =	vsel vm9, v0, v5;
	v5 =	vld.msk [tilespmem:$0x11EF0 ss:$0x0], $0xffff  }
0x191: {  	v0 =	vsel vm10, v0, v1  }
0x192: {  	v0 =	vsel vm11, v0, v2  }
0x193: {  	v0 =	vsel vm12, v0, v3  }
0x194: {  	v0 =	vsel vm13, v0, v4  }
0x195: {  	v0 =	vsel vm14, v0, v5  }
0x196: {  	v1 =	vshra.s32 v0, $0x1;
	v0 =	vmul.f32 $5.000000000e-01, v0  }
0x197: {  	v1 =	vsub.s32 $0x5F3759DF, v1  }
0x198: {  	v2 =	vmul.f32 v1, v0;
	_ =	sdelay $0x1  }
0x199: {  	v2 =	vmul.f32 v1, v2;
	_ =	sdelay $0x1  }
0x19a: {  	v2 =	vsub.f32 $1.500000000e+00, v2;
	_ =	sdelay $0x1  }
0x19b: {  	v1 =	vmul.f32 v1, v2;
	_ =	sdelay $0x1  }
0x19c: {  	v2 =	vmul.f32 v1, v0;
	_ =	sdelay $0x1  }
0x19d: {  	v2 =	vmul.f32 v2, v1;
	_ =	sdelay $0x1  }
0x19e: {  	v2 =	vsub.f32 $1.500000000e+00, v2;
	_ =	sdelay $0x1  }
0x19f: {  	v1 =	vmul.f32 v2, v1;
	_ =	sdelay $0x1  }
0x1a0: {  	v0 =	vmul.f32 v1, v0;
	_ =	sdelay $0x1  }
0x1a1: {  	v0 =	vmul.f32 v0, v1;
	_ =	sdelay $0x1  }
0x1a2: {  	v0 =	vsub.f32 $1.500000000e+00, v0;
	_ =	sdelay $0x1  }
0x1a3: {  	v0 =	vmul.f32 v0, v1;
	_ =	sdelay $0x1  }
0x1a4: {  	v0 =	vmin.f32 v0, $9.999999950e+11  }
0x1a5: {  	[tilespmem:$0x12300] =	vst v0;
	v0 =	vld [tilespmem:$0x11F00]  }
0x1a6: {  	v1 =	vld.msk [tilespmem:$0x11F10 ss:$0x0], $0xffff  }
0x1a7: {  	v2 =	vld.msk [tilespmem:$0x11F20 ss:$0x0], $0xffff  }
0x1a8: {  	v3 =	vld.msk [tilespmem:$0x11F30 ss:$0x0], $0xffff  }
0x1a9: {  	v4 =	vld.msk [tilespmem:$0x11F40 ss:$0x0], $0xffff  }
0x1aa: {  	v5 =	vld.msk [tilespmem:$0x11F50 ss:$0x0], $0xffff  }
0x1ab: {  	v0 =	vsel vm0, v1, v0;
	v1 =	vld.msk [tilespmem:$0x11F60 ss:$0x0], $0xffff  }
0x1ac: {  	v0 =	vsel vm1, v0, v2;
	v2 =	vld.msk [tilespmem:$0x11F70 ss:$0x0], $0xffff  }
0x1ad: {  	v0 =	vsel vm2, v0, v3;
	v3 =	vld.msk [tilespmem:$0x11F80 ss:$0x0], $0xffff  }
0x1ae: {  	v0 =	vsel vm3, v0, v4;
	v4 =	vld.msk [tilespmem:$0x11F90 ss:$0x0], $0xffff  }
0x1af: {  	v0 =	vsel vm4, v0, v5;
	v5 =	vld.msk [tilespmem:$0x11FA0 ss:$0x0], $0xffff  }
0x1b0: {  	v0 =	vsel vm5, v0, v1;
	v1 =	vld.msk [tilespmem:$0x11FB0 ss:$0x0], $0xffff  }
0x1b1: {  	v0 =	vsel vm6, v0, v2;
	v2 =	vld.msk [tilespmem:$0x11FC0 ss:$0x0], $0xffff  }
0x1b2: {  	v0 =	vsel vm7, v0, v3;
	v3 =	vld.msk [tilespmem:$0x11FD0 ss:$0x0], $0xffff  }
0x1b3: {  	v0 =	vsel vm8, v0, v4;
	v4 =	vld.msk [tilespmem:$0x11FE0 ss:$0x0], $0xffff  }
0x1b4: {  	v0 =	vsel vm9, v0, v5;
	v5 =	vld.msk [tilespmem:$0x11FF0 ss:$0x0], $0xffff  }
0x1b5: {  	v0 =	vsel vm10, v0, v1  }
0x1b6: {  	v0 =	vsel vm11, v0, v2  }
0x1b7: {  	v0 =	vsel vm12, v0, v3  }
0x1b8: {  	v0 =	vsel vm13, v0, v4  }
0x1b9: {  	v0 =	vsel vm14, v0, v5  }
0x1ba: {  	v1 =	vshra.s32 v0, $0x1;
	v0 =	vmul.f32 $5.000000000e-01, v0  }
0x1bb: {  	v1 =	vsub.s32 $0x5F3759DF, v1  }
0x1bc: {  	v2 =	vmul.f32 v1, v0;
	_ =	sdelay $0x1  }
0x1bd: {  	v2 =	vmul.f32 v1, v2;
	_ =	sdelay $0x1  }
0x1be: {  	v2 =	vsub.f32 $1.500000000e+00, v2;
	_ =	sdelay $0x1  }
0x1bf: {  	v1 =	vmul.f32 v1, v2;
	_ =	sdelay $0x1  }
0x1c0: {  	v2 =	vmul.f32 v1, v0;
	_ =	sdelay $0x1  }
0x1c1: {  	v2 =	vmul.f32 v2, v1;
	_ =	sdelay $0x1  }
0x1c2: {  	v2 =	vsub.f32 $1.500000000e+00, v2;
	_ =	sdelay $0x1  }
0x1c3: {  	v1 =	vmul.f32 v2, v1;
	_ =	sdelay $0x1  }
0x1c4: {  	v0 =	vmul.f32 v1, v0;
	_ =	sdelay $0x1  }
0x1c5: {  	v0 =	vmul.f32 v0, v1;
	_ =	sdelay $0x1  }
0x1c6: {  	v0 =	vsub.f32 $1.500000000e+00, v0;
	_ =	sdelay $0x1  }
0x1c7: {  	v0 =	vmul.f32 v0, v1;
	_ =	sdelay $0x1  }
0x1c8: {  	v0 =	vmin.f32 v0, $9.999999950e+11  }
0x1c9: {  	s7 =	simm.s32 $0x12302;
	[tilespmem:$0x12310] =	vst v0  }
0x1ca: {  	s9 =	simm.s32 $0xFF00;
	v9 =	vld.msk [tilespmem:s7+$0x1 ss:$0x0], $0xffff  }
0x1cb: {  	v0 =	vld [tilespmem:s9+$0x80]  }
0x1cc: {  	s6 =	simm.s32 $0xEF00  }
0x1cd: {  	v1 =	vld [tilespmem:s6+$0x80];
	_ =	sdelay $0x1  }
0x1ce: {  	v8 =	vld.msk [tilespmem:s7+$0xFFFFFFFF ss:$0x0], $0xffff  }
0x1cf: {  	v7 =	vld.msk [tilespmem:s7+$0x0 ss:$0x0], $0xffff;
	v0 =	vmul.f32 v0, v9  }
0x1d0: {  	v10 =	vld.msk [tilespmem:s7+$0xFFFFFFFE ss:$0x0], $0xffff  }
0x1d1: {  	v2 =	vld [tilespmem:s9+$0xFFFFFF80];
	v0 =	vadd.f32 v0, v1  }
0x1d2: {  	v6 =	vld [tilespmem:s6+$0xFFFFFF80]  }
0x1d3: {  	v1 =	vld [tilespmem:s9+$0xFFFFFF00];
	[tilespmem:s6+$0x80] =	vst v0  }
0x1d4: {  	v0 =	vld [tilespmem:s9+$0x90]  }
0x1d5: {  	v3 =	vld [tilespmem:s6+$0xFFFFFF00]  }
0x1d6: {  	v5 =	vld [tilespmem:s6+$0x90]  }
0x1d7: {  	v4 =	vld [tilespmem:s9+$0x0];
	v2 =	vmul.f32 v2, v8  }
0x1d8: {  	v11 =	vld [tilespmem:s6+$0x0];
	v1 =	vmul.f32 v1, v10  }
0x1d9: {  	v12 =	vld [tilespmem:s6+$0xFFFFFF10];
	v2 =	vadd.f32 v2, v6;
	v0 =	vmul.f32 v0, v9  }
0x1da: {  	v13 =	vld [tilespmem:s6+$0x10];
	v1 =	vadd.f32 v1, v3  }
0x1db: {  	v14 =	vld [tilespmem:s6+$0x20];
	[tilespmem:s6+$0xFFFFFF80] =	vst v2;
	v0 =	vadd.f32 v0, v5  }
0x1dc: {  	v15 =	vld [tilespmem:s6+$0xFFFFFFB0];
	[tilespmem:s6+$0xFFFFFF00] =	vst v1;
	v1 =	vmul.f32 v4, v7  }
0x1dd: {  	v2 =	vld [tilespmem:s9+$0xFFFFFF90];
	[tilespmem:s6+$0x90] =	vst v0  }
0x1de: {  	v0 =	vadd.f32 v1, v11;
	v1 =	vld [tilespmem:s9+$0xA0]  }
0x1df: {  	v3 =	vld [tilespmem:s6+$0xFFFFFF90]  }
0x1e0: {  	[tilespmem:s6+$0x0] =	vst v0;
	v0 =	vld [tilespmem:s6+$0xA0]  }
0x1e1: {  	v6 =	vld [tilespmem:s9+$0x10]  }
0x1e2: {  	v16 =	vld [tilespmem:s6+$0xFFFFFF40]  }
0x1e3: {  	v5 =	vld [tilespmem:s9+$0xFFFFFF10];
	v1 =	vmul.f32 v1, v9  }
0x1e4: {  	v18 =	vld [tilespmem:s6+$0xFFFFFFC0];
	v2 =	vmul.f32 v2, v8  }
0x1e5: {  	v19 =	vld [tilespmem:s6+$0x40];
	v0 =	vadd.f32 v1, v0  }
0x1e6: {  	v17 =	vld [tilespmem:s6+$0xFFFFFFE0];
	v1 =	vadd.f32 v2, v3;
	v2 =	vmul.f32 v6, v7  }
0x1e7: {  	v11 =	vld [tilespmem:s6+$0xFFFFFFA0];
	[tilespmem:s6+$0xA0] =	vst v0  }
0x1e8: {  	v5 =	vmul.f32 v5, v10;
	[tilespmem:s6+$0xFFFFFF90] =	vst v1;
	v0 =	vadd.f32 v2, v13;
	v1 =	vld [tilespmem:s9+$0xB0]  }
0x1e9: {  	v2 =	vld [tilespmem:s9+$0xFFFFFFA0]  }
0x1ea: {  	v5 =	vadd.f32 v5, v12;
	[tilespmem:s6+$0x10] =	vst v0;
	v0 =	vld [tilespmem:s6+$0xB0]  }
0x1eb: {  	s8 =	simm.s32 $0x10100;
	v6 =	vld [tilespmem:s9+$0x20]  }
0x1ec: {  	v47 =	vld [tilespmem:s8+$0xFFFFFF00];
	[tilespmem:s6+$0xFFFFFF10] =	vst v5  }
0x1ed: {  	v5 =	vld [tilespmem:s9+$0xFFFFFF20];
	v1 =	vmul.f32 v1, v9  }
0x1ee: {  	v24 =	vld [tilespmem:s8+$0xFFFFFF80];
	v2 =	vmul.f32 v2, v8  }
0x1ef: {  	v4 =	vld [tilespmem:s6+$0xFFFFFF20];
	v0 =	vadd.f32 v1, v0  }
0x1f0: {  	s7 =	simm.s32 $0xF100;
	v26 =	vld [tilespmem:s8+$0x0];
	v1 =	vadd.f32 v2, v11;
	v2 =	vmul.f32 v6, v7  }
0x1f1: {  	v25 =	vld [tilespmem:s7+$0xFFFFFF00];
	[tilespmem:s6+$0xB0] =	vst v0  }
0x1f2: {  	v5 =	vmul.f32 v5, v10;
	[tilespmem:s6+$0xFFFFFFA0] =	vst v1;
	v0 =	vadd.f32 v2, v14;
	v1 =	vld [tilespmem:s9+$0xC0]  }
0x1f3: {  	v2 =	vld [tilespmem:s9+$0xFFFFFFB0]  }
0x1f4: {  	v5 =	vadd.f32 v5, v4;
	[tilespmem:s6+$0x20] =	vst v0;
	v0 =	vld [tilespmem:s6+$0xC0]  }
0x1f5: {  	v11 =	vld [tilespmem:s9+$0x30]  }
0x1f6: {  	v3 =	vld [tilespmem:s6+$0x30];
	[tilespmem:s6+$0xFFFFFF20] =	vst v5  }
0x1f7: {  	v6 =	vld [tilespmem:s9+$0xFFFFFF30];
	v1 =	vmul.f32 v1, v9  }
0x1f8: {  	v27 =	vld [tilespmem:s7+$0x90];
	v2 =	vmul.f32 v2, v8  }
0x1f9: {  	v12 =	vld [tilespmem:s6+$0xFFFFFF30];
	v0 =	vadd.f32 v1, v0  }
0x1fa: {  	v28 =	vld [tilespmem:s7+$0xFFFFFF80];
	v1 =	vadd.f32 v2, v15;
	v2 =	vmul.f32 v11, v7  }
0x1fb: {  	v29 =	vld [tilespmem:s7+$0x0];
	[tilespmem:s6+$0xC0] =	vst v0  }
0x1fc: {  	v6 =	vmul.f32 v6, v10;
	[tilespmem:s6+$0xFFFFFFB0] =	vst v1;
	v0 =	vadd.f32 v2, v3;
	v1 =	vld [tilespmem:s9+$0xD0]  }
0x1fd: {  	v2 =	vld [tilespmem:s9+$0xFFFFFFC0]  }
0x1fe: {  	v6 =	vadd.f32 v6, v12;
	[tilespmem:s6+$0x30] =	vst v0;
	v0 =	vld [tilespmem:s6+$0xD0]  }
0x1ff: {  	v3 =	vld [tilespmem:s9+$0x40]  }
0x200: {  	v30 =	vld [tilespmem:s7+$0xFFFFFF10];
	[tilespmem:s6+$0xFFFFFF30] =	vst v6  }
0x201: {  	v6 =	vld [tilespmem:s9+$0xFFFFFF40]  }
0x202: {  	v48 =	vld [tilespmem:s7+$0xFFFFFF90];
	v1 =	vmul.f32 v1, v9;
	v2 =	vmul.f32 v2, v8  }
0x203: {  	v31 =	vld [tilespmem:s7+$0x10]  }
0x204: {  	v51 =	vld [tilespmem:s7+$0xFFFFFF20];
	v0 =	vadd.f32 v1, v0;
	v1 =	vadd.f32 v2, v18;
	v2 =	vmul.f32 v3, v7  }
0x205: {  	v54 =	vld [tilespmem:s7+$0xFFFFFFA0]  }
0x206: {  	v32 =	vld [tilespmem:s7+$0x20];
	v11 =	vmul.f32 v6, v10;
	[tilespmem:s6+$0xD0] =	vst v0;
	v0 =	vadd.f32 v2, v19  }
0x207: {  	s10 =	simm.s32 $0x12306;
	v3 =	vld [tilespmem:s8+$0x80]  }
0x208: {  	v11 =	vadd.f32 v11, v16;
	[tilespmem:s6+$0x40] =	vst v0;
	v0 =	vld.msk [tilespmem:s10+$0x1 ss:$0x0], $0xffff  }
0x209: {  	v55 =	vld [tilespmem:s7+$0xFFFFFF30]  }
0x20a: {  	[tilespmem:s6+$0xFFFFFF40] =	vst v11;
	v11 =	vld [tilespmem:s7+$0x80]  }
0x20b: {  	v33 =	vld [tilespmem:s7+$0xFFFFFFB0]  }
0x20c: {  	[tilespmem:s6+$0xFFFFFFC0] =	vst v1;
	v1 =	vld [tilespmem:s9+$0xE0]  }
0x20d: {  	v59 =	vld [tilespmem:s7+$0x30];
	v23 =	vmul.f32 v3, v0  }
0x20e: {  	v2 =	vld [tilespmem:s6+$0xE0]  }
0x20f: {  	v63 =	vld [tilespmem:s7+$0xFFFFFF40];
	v11 =	vadd.f32 v23, v11  }
0x210: {  	v34 =	vld [tilespmem:s7+$0xFFFFFFC0]  }
0x211: {  	v1 =	vmul.f32 v1, v9;
	v3 =	vld.msk [tilespmem:s10+$0xFFFFFFFE ss:$0x0], $0xffff;
	[tilespmem:s7+$0x80] =	vst v11  }
0x212: {  	v11 =	vld [tilespmem:s8+$0x90]  }
0x213: {  	v1 =	vadd.f32 v1, v2;
	v2 =	vld.msk [tilespmem:s10+$0xFFFFFFFF ss:$0x0], $0xffff  }
0x214: {  	v35 =	vld [tilespmem:s7+$0x40]  }
0x215: {  	[tilespmem:s6+$0xE0] =	vst v1;
	v1 =	vld.msk [tilespmem:s10+$0x0 ss:$0x0], $0xffff  }
0x216: {  	v42 =	vld [tilespmem:s7+$0xC0];
	v23 =	vmul.f32 v47, v3  }
0x217: {  	v13 =	vld [tilespmem:s6+$0x50];
	v11 =	vmul.f32 v11, v0  }
0x218: {  	v4 =	vld [tilespmem:s6+$0xFFFFFF50];
	v24 =	vmul.f32 v24, v2;
	v23 =	vadd.f32 v23, v25  }
0x219: {  	v5 =	vld [tilespmem:s6+$0xFFFFFFD0];
	v11 =	vadd.f32 v11, v27  }
0x21a: {  	v14 =	vld [tilespmem:s6+$0x70];
	v49 =	vmul.f32 v26, v1;
	v24 =	vadd.f32 v24, v28;
	[tilespmem:s7+$0xFFFFFF00] =	vst v23  }
0x21b: {  	v50 =	vld [tilespmem:s8+$0xFFFFFF10];
	[tilespmem:s7+$0x90] =	vst v11  }
0x21c: {  	[tilespmem:s7+$0xFFFFFF80] =	vst v24;
	v11 =	vadd.f32 v49, v29;
	v52 =	vld [tilespmem:s8+$0xA0]  }
0x21d: {  	v24 =	vld [tilespmem:s8+$0xFFFFFF90]  }
0x21e: {  	[tilespmem:s7+$0x0] =	vst v11;
	v11 =	vld [tilespmem:s7+$0xA0]  }
0x21f: {  	v53 =	vld [tilespmem:s8+$0x10]  }
0x220: {  	v12 =	vld [tilespmem:s6+$0xFFFFFFF0];
	v26 =	vmul.f32 v50, v3  }
0x221: {  	v15 =	vld [tilespmem:s6+$0xFFFFFF70];
	v23 =	vmul.f32 v52, v0  }
0x222: {  	v20 =	vld [tilespmem:s9+$0xFFFFFF50];
	v24 =	vmul.f32 v24, v2;
	v26 =	vadd.f32 v26, v30  }
0x223: {  	v21 =	vld [tilespmem:s9+$0xFFFFFFD0];
	v11 =	vadd.f32 v23, v11  }
0x224: {  	v22 =	vld [tilespmem:s9+$0x50];
	v56 =	vadd.f32 v24, v48;
	[tilespmem:s7+$0xFFFFFF10] =	vst v26;
	v57 =	vmul.f32 v53, v1  }
0x225: {  	v58 =	vld [tilespmem:s8+$0xFFFFFF20];
	[tilespmem:s7+$0xA0] =	vst v11  }
0x226: {  	[tilespmem:s7+$0xFFFFFF90] =	vst v56;
	v11 =	vadd.f32 v57, v31;
	v60 =	vld [tilespmem:s8+$0xB0]  }
0x227: {  	v61 =	vld [tilespmem:s8+$0xFFFFFFA0]  }
0x228: {  	v20 =	vmul.f32 v20, v10;
	[tilespmem:s7+$0x10] =	vst v11;
	v11 =	vld [tilespmem:s7+$0xB0]  }
0x229: {  	v62 =	vld [tilespmem:s8+$0x20]  }
0x22a: {  	v6 =	vld [tilespmem:s6+$0xFFFFFF60];
	v4 =	vadd.f32 v20, v4;
	v25 =	vmul.f32 v58, v3  }
0x22b: {  	v16 =	vld [tilespmem:s6+$0x60];
	v23 =	vmul.f32 v60, v0  }
0x22c: {  	v18 =	vld [tilespmem:s6+$0xF0];
	[tilespmem:s6+$0xFFFFFF50] =	vst v4;
	v41 =	vmul.f32 v22, v7;
	v24 =	vmul.f32 v61, v2;
	v25 =	vadd.f32 v25, v51  }
0x22d: {  	v21 =	vmul.f32 v21, v8;
	v46 =	vld [tilespmem:s9+$0xFFFFFF60];
	v11 =	vadd.f32 v23, v11  }
0x22e: {  	v4 =	vadd.f32 v41, v13;
	v13 =	vld [tilespmem:s7+$0x50];
	v24 =	vadd.f32 v24, v54;
	[tilespmem:s7+$0xFFFFFF20] =	vst v25;
	v36 =	vmul.f32 v62, v1  }
0x22f: {  	v5 =	vadd.f32 v21, v5;
	v37 =	vld [tilespmem:s8+$0xFFFFFF30];
	[tilespmem:s7+$0xB0] =	vst v11  }
0x230: {  	[tilespmem:s7+$0xFFFFFFA0] =	vst v24;
	v38 =	vadd.f32 v36, v32;
	v39 =	vld [tilespmem:s8+$0xC0]  }
0x231: {  	[tilespmem:s6+$0xFFFFFFD0] =	vst v5;
	v40 =	vld [tilespmem:s8+$0xFFFFFFB0]  }
0x232: {  	v47 =	vld [tilespmem:s9+$0xFFFFFFE0];
	[tilespmem:s7+$0x20] =	vst v38  }
0x233: {  	v43 =	vld [tilespmem:s8+$0x30]  }
0x234: {  	v19 =	vld [tilespmem:s9+$0xF0];
	v44 =	vmul.f32 v37, v3  }
0x235: {  	[tilespmem:s6+$0x50] =	vst v4;
	v27 =	vld [tilespmem:s7+$0xFFFFFF50];
	v5 =	vmul.f32 v39, v0  }
0x236: {  	v48 =	vld [tilespmem:s9+$0x60];
	v24 =	vmul.f32 v46, v10;
	v4 =	vmul.f32 v40, v2;
	v45 =	vadd.f32 v44, v55  }
0x237: {  	v52 =	vld [tilespmem:s7+$0xD0];
	v25 =	vmul.f32 v47, v8;
	v5 =	vadd.f32 v5, v42  }
0x238: {  	v24 =	vadd.f32 v24, v6;
	v6 =	vld [tilespmem:s7+$0xFFFFFFE0];
	v49 =	vadd.f32 v4, v33;
	[tilespmem:s7+$0xFFFFFF30] =	vst v45;
	v21 =	vmul.f32 v43, v1  }
0x239: {  	v17 =	vadd.f32 v25, v17;
	[tilespmem:s7+$0xC0] =	vst v5;
	v5 =	vld [tilespmem:s8+$0xFFFFFF40]  }
0x23a: {  	[tilespmem:s7+$0xFFFFFFB0] =	vst v49;
	v21 =	vadd.f32 v21, v59;
	v50 =	vld [tilespmem:s8+$0xD0]  }
0x23b: {  	[tilespmem:s6+$0xFFFFFFE0] =	vst v17;
	v51 =	vld [tilespmem:s8+$0xFFFFFFC0]  }
0x23c: {  	v57 =	vld [tilespmem:s9+$0xFFFFFFF0];
	[tilespmem:s7+$0x30] =	vst v21  }
0x23d: {  	v20 =	vmul.f32 v48, v7;
	v53 =	vld [tilespmem:s8+$0x40]  }
0x23e: {  	v11 =	vld [tilespmem:s7+$0xFFFFFFD0];
	[tilespmem:s6+$0xFFFFFF60] =	vst v24;
	v54 =	vmul.f32 v5, v3  }
0x23f: {  	v9 =	vmul.f32 v19, v9;
	v16 =	vadd.f32 v20, v16;
	v24 =	vld [tilespmem:s9+$0xFFFFFF70];
	v55 =	vmul.f32 v50, v0  }
0x240: {  	v4 =	vld [tilespmem:s7+$0xFFFFFF60];
	v56 =	vmul.f32 v51, v2;
	v17 =	vadd.f32 v54, v63  }
0x241: {  	v9 =	vadd.f32 v9, v18;
	[tilespmem:s6+$0x60] =	vst v16;
	v18 =	vmul.f32 v57, v8;
	v8 =	vld [tilespmem:s7+$0xFFFFFF70];
	v16 =	vadd.f32 v55, v52  }
0x242: {  	v59 =	vld [tilespmem:s9+$0x70];
	v58 =	vmul.f32 v53, v1;
	[tilespmem:s7+$0xFFFFFF40] =	vst v17;
	v17 =	vadd.f32 v56, v34  }
0x243: {  	v60 =	vld [tilespmem:s8+$0xFFFFFF50];
	[tilespmem:s7+$0xD0] =	vst v16  }
0x244: {  	v16 =	vadd.f32 v58, v35;
	[tilespmem:s7+$0xFFFFFFC0] =	vst v17;
	v17 =	vld [tilespmem:s8+$0xE0]  }
0x245: {  	v19 =	vld [tilespmem:s8+$0xFFFFFFD0]  }
0x246: {  	v61 =	vmul.f32 v24, v10;
	[tilespmem:s7+$0x40] =	vst v16;
	v16 =	vld [tilespmem:s7+$0xE0]  }
0x247: {  	[tilespmem:s6+$0xF0] =	vst v9;
	v18 =	vadd.f32 v18, v12;
	v9 =	vmul.f32 v59, v7;
	v10 =	vld [tilespmem:s8+$0x50]  }
0x248: {  	v62 =	vadd.f32 v61, v15;
	v5 =	vld [tilespmem:s7+$0x60];
	v63 =	vmul.f32 v60, v3  }
0x249: {  	[tilespmem:s6+$0xFFFFFFF0] =	vst v18;
	v7 =	vld [tilespmem:s7+$0xFFFFFFF0];
	v12 =	vadd.f32 v9, v14;
	v15 =	vmul.f32 v17, v0  }
0x24a: {  	s11 =	simm.s32 $0x1230A;
	s10 =	simm.s32 $0x4;
	[tilespmem:s6+$0xFFFFFF70] =	vst v62;
	s9 =	simm.s32 $0x10100;
	v9 =	vld [tilespmem:s7+$0x70];
	v14 =	vadd.f32 v63, v27;
	v17 =	vmul.f32 v19, v2  }
.LBB2_5:
0x24b: {  	v18 =	vld.msk [tilespmem:s11+$0x1 ss:$0x0], $0xffff;
	s10 =	sadd.s32 $0x4, s10;
	v15 =	vadd.f32 v15, v16;
	s8 =	sadd.s32 $0x200, s8;
	[tilespmem:s6+$0x70] =	vst v12;
	s6 =	smov.u32 s7  }
0x24c: {  	s7 =	sadd.s32 $0x200, s7;
	v16 =	vld [tilespmem:s8+$0x80];
	p1 =	slt.u32 s10, $0x1C;
	[tilespmem:s6+$0xFFFFFF50] =	vst v14;
	v11 =	vadd.f32 v17, v11;
	v10 =	vmul.f32 v10, v1  }
0x24d: {  	v17 =	vld [tilespmem:s7+$0x80];
	[tilespmem:s6+$0xE0] =	vst v15  }
0x24e: {  	[tilespmem:s6+$0xFFFFFFD0] =	vst v11;
	v11 =	vadd.f32 v10, v13;
	v13 =	vld [tilespmem:s9+$0xF0]  }
0x24f: {  	v10 =	vld.msk [tilespmem:s11+$0xFFFFFFFF ss:$0x0], $0xffff  }
0x250: {  	[tilespmem:s6+$0x50] =	vst v11;
	v11 =	vld [tilespmem:s6+$0xF0]  }
0x251: {  	v12 =	vld.msk [tilespmem:s11+$0x0 ss:$0x0], $0xffff;
	v15 =	vmul.f32 v16, v18  }
0x252: {  	v14 =	vld.msk [tilespmem:s11+$0xFFFFFFFE ss:$0x0], $0xffff  }
0x253: {  	v16 =	vld [tilespmem:s8+$0xFFFFFF00];
	v15 =	vadd.f32 v15, v17;
	v13 =	vmul.f32 v13, v0;
	v0 =	vmov v18  }
0x254: {  	v17 =	vld [tilespmem:s8+$0xFFFFFF80]  }
0x255: {  	v18 =	vld [tilespmem:s8+$0x0];
	[tilespmem:s7+$0x80] =	vst v15;
	v11 =	vadd.f32 v13, v11  }
0x256: {  	v13 =	vld [tilespmem:s8+$0x90]  }
0x257: {  	v15 =	vld [tilespmem:s7+$0xFFFFFF00];
	[tilespmem:s6+$0xF0] =	vst v11  }
0x258: {  	v11 =	vmul.f32 v16, v14;
	v16 =	vld [tilespmem:s7+$0x90]  }
0x259: {  	v19 =	vld [tilespmem:s7+$0xFFFFFF80];
	v17 =	vmul.f32 v17, v10  }
0x25a: {  	v20 =	vld [tilespmem:s7+$0x0];
	v18 =	vmul.f32 v18, v12  }
0x25b: {  	v21 =	vld [tilespmem:s7+$0xFFFFFF10];
	v13 =	vmul.f32 v13, v0  }
0x25c: {  	v11 =	vadd.f32 v11, v15;
	v15 =	vld [tilespmem:s7+$0xFFFFFF90]  }
0x25d: {  	v22 =	vld [tilespmem:s7+$0x10];
	v13 =	vadd.f32 v13, v16  }
0x25e: {  	[tilespmem:s7+$0xFFFFFF00] =	vst v11;
	v11 =	vld [tilespmem:s7+$0xFFFFFF20];
	v16 =	vadd.f32 v17, v19  }
0x25f: {  	v17 =	vld [tilespmem:s8+$0xFFFFFF10];
	v18 =	vadd.f32 v18, v20;
	[tilespmem:s7+$0x90] =	vst v13  }
0x260: {  	[tilespmem:s7+$0xFFFFFF80] =	vst v16;
	v13 =	vld [tilespmem:s8+$0xA0]  }
0x261: {  	v16 =	vld [tilespmem:s8+$0xFFFFFF90];
	[tilespmem:s7+$0x0] =	vst v18  }
0x262: {  	v18 =	vld [tilespmem:s7+$0xA0]  }
0x263: {  	v19 =	vld [tilespmem:s8+$0x10]  }
0x264: {  	v17 =	vmul.f32 v17, v14;
	v20 =	vld [tilespmem:s7+$0xFFFFFFA0]  }
0x265: {  	v23 =	vld [tilespmem:s7+$0x20];
	v13 =	vmul.f32 v13, v0  }
0x266: {  	v17 =	vadd.f32 v17, v21;
	v21 =	vld [tilespmem:s7+$0xFFFFFF30];
	v16 =	vmul.f32 v16, v10  }
0x267: {  	v24 =	vld [tilespmem:s7+$0xFFFFFFB0];
	v13 =	vadd.f32 v13, v18  }
0x268: {  	[tilespmem:s7+$0xFFFFFF10] =	vst v17;
	v15 =	vadd.f32 v16, v15;
	v16 =	vmul.f32 v19, v12;
	v17 =	vld [tilespmem:s7+$0x30]  }
0x269: {  	v18 =	vld [tilespmem:s8+$0xFFFFFF20];
	[tilespmem:s7+$0xA0] =	vst v13  }
0x26a: {  	[tilespmem:s7+$0xFFFFFF90] =	vst v15;
	v13 =	vadd.f32 v16, v22;
	v15 =	vld [tilespmem:s8+$0xB0]  }
0x26b: {  	v16 =	vld [tilespmem:s8+$0xFFFFFFA0]  }
0x26c: {  	[tilespmem:s7+$0x10] =	vst v13;
	v13 =	vld [tilespmem:s7+$0xB0]  }
0x26d: {  	v19 =	vld [tilespmem:s8+$0x20]  }
0x26e: {  	v18 =	vmul.f32 v18, v14;
	v22 =	vld [tilespmem:s7+$0xFFFFFF40]  }
0x26f: {  	v25 =	vld [tilespmem:s7+$0xFFFFFFC0];
	v15 =	vmul.f32 v15, v0  }
0x270: {  	v11 =	vadd.f32 v18, v11;
	v16 =	vmul.f32 v16, v10;
	v18 =	vld [tilespmem:s7+$0x40]  }
0x271: {  	v26 =	vld [tilespmem:s7+$0xFFFFFF50];
	v13 =	vadd.f32 v15, v13  }
0x272: {  	[tilespmem:s7+$0xFFFFFF20] =	vst v11;
	v15 =	vadd.f32 v16, v20;
	v11 =	vld [tilespmem:s7+$0xFFFFFFD0];
	v16 =	vmul.f32 v19, v12  }
0x273: {  	v19 =	vld [tilespmem:s8+$0xFFFFFF30];
	[tilespmem:s7+$0xB0] =	vst v13  }
0x274: {  	[tilespmem:s7+$0xFFFFFFA0] =	vst v15;
	v13 =	vadd.f32 v16, v23;
	v15 =	vld [tilespmem:s8+$0xC0]  }
0x275: {  	v16 =	vld [tilespmem:s8+$0xFFFFFFB0]  }
0x276: {  	[tilespmem:s7+$0x20] =	vst v13;
	v20 =	vld [tilespmem:s7+$0xC0]  }
0x277: {  	v23 =	vld [tilespmem:s8+$0x30]  }
0x278: {  	v19 =	vmul.f32 v19, v14;
	v13 =	vld [tilespmem:s7+$0x50]  }
0x279: {  	v15 =	vmul.f32 v15, v0;
	v27 =	vld [tilespmem:s9+$0xFFFFFF60]  }
0x27a: {  	v19 =	vadd.f32 v19, v21;
	v16 =	vmul.f32 v16, v10;
	v21 =	vld [tilespmem:s9+$0xFFFFFFE0]  }
0x27b: {  	v15 =	vadd.f32 v15, v20;
	v20 =	vld [tilespmem:s9+$0x60]  }
0x27c: {  	[tilespmem:s7+$0xFFFFFF30] =	vst v19;
	v19 =	vld [tilespmem:s7+$0xFFFFFF60];
	v16 =	vadd.f32 v16, v24;
	v23 =	vmul.f32 v23, v12  }
0x27d: {  	v24 =	vld [tilespmem:s8+$0xFFFFFF40];
	[tilespmem:s7+$0xC0] =	vst v15  }
0x27e: {  	[tilespmem:s7+$0xFFFFFFB0] =	vst v16;
	v15 =	vadd.f32 v23, v17;
	v16 =	vld [tilespmem:s8+$0xD0];
	v17 =	vmul.f32 v27, v3  }
0x27f: {  	v23 =	vld [tilespmem:s8+$0xFFFFFFC0];
	v21 =	vmul.f32 v21, v2  }
0x280: {  	[tilespmem:s7+$0x30] =	vst v15;
	v15 =	vld [tilespmem:s7+$0xD0];
	v17 =	vadd.f32 v17, v4;
	v20 =	vmul.f32 v20, v1  }
0x281: {  	v27 =	vld [tilespmem:s8+$0x40];
	v21 =	vadd.f32 v21, v6;
	v4 =	vmov v19  }
0x282: {  	v19 =	vmul.f32 v24, v14;
	v6 =	vld [tilespmem:s7+$0xFFFFFFE0];
	[tilespmem:s6+$0xFFFFFF60] =	vst v17;
	v17 =	vadd.f32 v20, v5  }
0x283: {  	v5 =	vld [tilespmem:s7+$0x60];
	v16 =	vmul.f32 v16, v0;
	[tilespmem:s6+$0xFFFFFFE0] =	vst v21  }
0x284: {  	v19 =	vadd.f32 v19, v22;
	v20 =	vmul.f32 v23, v10;
	v21 =	vld [tilespmem:s9+$0xFFFFFF70];
	[tilespmem:s6+$0x60] =	vst v17  }
0x285: {  	v15 =	vadd.f32 v16, v15;
	v17 =	vld [tilespmem:s9+$0xFFFFFFF0]  }
0x286: {  	[tilespmem:s7+$0xFFFFFF40] =	vst v19;
	v16 =	vadd.f32 v20, v25;
	v19 =	vmul.f32 v27, v12;
	v20 =	vld [tilespmem:s9+$0x70];
	s9 =	smov.u32 s8  }
0x287: {  	v22 =	vld [tilespmem:s8+$0xFFFFFF50];
	[tilespmem:s7+$0xD0] =	vst v15  }
0x288: {  	[tilespmem:s7+$0xFFFFFFC0] =	vst v16;
	v15 =	vadd.f32 v19, v18;
	v18 =	vld [tilespmem:s8+$0xE0]  }
0x289: {  	v19 =	vld [tilespmem:s8+$0xFFFFFFD0];
	v21 =	vmul.f32 v21, v3;
	v3 =	vmov v14  }
.Ltmp3:
0x28a: {  	[tilespmem:s7+$0x40] =	vst v15;
	v16 =	vld [tilespmem:s7+$0xE0];
	v14 =	vmul.f32 v17, v2;
	v2 =	vmov v10;
	(pc) =	sbr.rel @p1 .LBB2_5-.Ltmp3, $4  }
0x28b: {  	v10 =	vld [tilespmem:s8+$0x50];
	v17 =	vadd.f32 v21, v8;
	v20 =	vmul.f32 v20, v1;
	v1 =	vmov v12  }
0x28c: {  	v21 =	vmul.f32 v22, v3;
	v8 =	vld [tilespmem:s7+$0xFFFFFF70];
	v22 =	vadd.f32 v14, v7  }
0x28d: {  	v7 =	vld [tilespmem:s7+$0xFFFFFFF0];
	v15 =	vmul.f32 v18, v0;
	[tilespmem:s6+$0xFFFFFF70] =	vst v17;
	v12 =	vadd.f32 v20, v9  }
0x28e: {  	s11 =	sadd.s32 $0x4, s11;
	v14 =	vadd.f32 v21, v26;
	v17 =	vmul.f32 v19, v2;
	v9 =	vld [tilespmem:s7+$0x70];
	[tilespmem:s6+$0xFFFFFFF0] =	vst v22  }
0x28f: {  	_ = 	snop  }
0x290: {  	v10 =	vmul.f32 v10, v1  }
0x291: {  	v11 =	vadd.f32 v17, v11  }
0x292: {  	[tilespmem:s7+$0xFFFFFF50] =	vst v14;
	v10 =	vadd.f32 v10, v13  }
0x293: {  	v49 =	vld [tilespmem:s9+$0xFFFFFF60];
	[tilespmem:s7+$0xFFFFFFD0] =	vst v11  }
0x294: {  	v50 =	vld [tilespmem:s9+$0xFFFFFFE0];
	[tilespmem:s7+$0x50] =	vst v10  }
0x295: {  	v51 =	vld [tilespmem:s9+$0x60];
	_ =	sdelay $0x2  }
0x296: {  	v11 =	vmul.f32 v49, v3  }
0x297: {  	v52 =	vadd.f32 v15, v16;
	v10 =	vmul.f32 v50, v2  }
0x298: {  	v4 =	vadd.f32 v11, v4;
	v53 =	vmul.f32 v51, v1  }
0x299: {  	v55 =	vld [tilespmem:s7+$0xF0];
	[tilespmem:s7+$0xE0] =	vst v52;
	v6 =	vadd.f32 v10, v6  }
0x29a: {  	v54 =	vld [tilespmem:s9+$0xF0];
	[tilespmem:s7+$0xFFFFFF60] =	vst v4;
	v56 =	vadd.f32 v53, v5  }
0x29b: {  	v57 =	vld [tilespmem:s9+$0xFFFFFF70];
	[tilespmem:s7+$0xFFFFFFE0] =	vst v6  }
0x29c: {  	v58 =	vld [tilespmem:s9+$0xFFFFFFF0];
	[tilespmem:s7+$0x60] =	vst v56  }
0x29d: {  	v59 =	vld [tilespmem:s9+$0x70];
	_ =	sdelay $0x1  }
0x29e: {  	v0 =	vmul.f32 v54, v0  }
0x29f: {  	v60 =	vmul.f32 v57, v3  }
0x2a0: {  	v0 =	vadd.f32 v0, v55;
	v61 =	vmul.f32 v58, v2  }
0x2a1: {  	[tilespmem:s6+$0x70] =	vst v12;
	v3 =	vadd.f32 v60, v8;
	v62 =	vmul.f32 v59, v1  }
0x2a2: {  	[tilespmem:s7+$0xF0] =	vst v0;
	v63 =	vadd.f32 v61, v7  }
0x2a3: {  	[tilespmem:s7+$0xFFFFFF70] =	vst v3;
	v1 =	vadd.f32 v62, v9  }
0x2a4: {  	s14 =	sshll.u32 s20, $0xA;
	[tilespmem:s7+$0xFFFFFFF0] =	vst v63  }
0x2a5: {  	p1 =	seq.s32 s20, $0x7;
	s6 =	sadd.s32 s14, s13;
	[tilespmem:s7+$0x70] =	vst v1  }
0x2a6: {  	[hbm4b:s6+s3] =	stream.linear.scatter [tilespmem:s30], [sflag:$0x3], $0x1000, $0x38;
	[tilespmem:$0x12380] =	vst v63  }
0x2a7: {  	s8 =	simm.s32 @!p1 $0xE00;
	s7 =	simm.s32 @!p1 $0x20;
	s6 =	sadd.s32 @!p1 $0x40, s21  }
0x2a8: {  	[tilespmem:s8], [sflag:$0x1] =	stream.indirect.gather @!p1 [hbm4b:s5+s7], $0x80, s6, s7, $0xb8;
	[tilespmem:$0x12380] =	vst v63  }
0x2a9: {  	s6 =	sadd.s32 @!p1 $0x240, s21;
	s8 =	simm.s32 @!p1 $0x1E00  }
0x2aa: {  	[tilespmem:s8], [sflag:$0x1] =	stream.indirect.gather @!p1 [hbm4b:s5+s7], $0x80, s6, s7, $0xb8;
	[tilespmem:$0x12380] =	vst v63  }
0x2ab: {  	s6 =	sadd.s32 @!p1 $0x440, s21;
	s8 =	simm.s32 @!p1 $0x2E00  }
0x2ac: {  	[tilespmem:s8], [sflag:$0x1] =	stream.indirect.gather @!p1 [hbm4b:s5+s7], $0x80, s6, s7, $0xb8;
	[tilespmem:$0x12380] =	vst v63  }
0x2ad: {  	s6 =	sadd.s32 @!p1 $0x640, s21;
	s8 =	simm.s32 @!p1 $0x3E00  }
0x2ae: {  	[tilespmem:s8], [sflag:$0x1] =	stream.indirect.gather @!p1 [hbm4b:s5+s7], $0x80, s6, s7, $0xb8;
	[tilespmem:$0x12380] =	vst v63  }
0x2af: {  	s6 =	sadd.s32 @!p1 $0x840, s21;
	s8 =	simm.s32 @!p1 $0x4E00  }
0x2b0: {  	[tilespmem:s8], [sflag:$0x1] =	stream.indirect.gather @!p1 [hbm4b:s5+s7], $0x80, s6, s7, $0xb8;
	[tilespmem:$0x12380] =	vst v63  }
0x2b1: {  	s6 =	sadd.s32 @!p1 $0xA40, s21;
	s8 =	simm.s32 @!p1 $0x5E00  }
0x2b2: {  	[tilespmem:s8], [sflag:$0x1] =	stream.indirect.gather @!p1 [hbm4b:s5+s7], $0x80, s6, s7, $0xb8;
	[tilespmem:$0x12380] =	vst v63  }
0x2b3: {  	s6 =	sadd.s32 @!p1 $0xC40, s21;
	s8 =	simm.s32 @!p1 $0x6E00  }
0x2b4: {  	[tilespmem:s8], [sflag:$0x1] =	stream.indirect.gather @!p1 [hbm4b:s5+s7], $0x80, s6, s7, $0xb8;
	[tilespmem:$0x12380] =	vst v63  }
0x2b5: {  	_ =	swait.ge [sflag:s23], $0x1000  }
0x2b6: {  	[sflag:s23] =	ssyncset.done $0x0  }
0x2b7: {  	[sflag:s23] =	ssyncadd.s32 $0xFFFFF000  }
0x2b8: {  	_ =	swait.ge [sflag:s23], $0x1000  }
0x2b9: {  	[sflag:s23] =	ssyncset.done $0x0  }
0x2ba: {  	[sflag:s23] =	ssyncadd.s32 $0xFFFFF000  }
0x2bb: {  	_ =	swait.ge [sflag:s23], $0x1000  }
0x2bc: {  	[sflag:s23] =	ssyncset.done $0x0  }
0x2bd: {  	[sflag:s23] =	ssyncadd.s32 $0xFFFFF000  }
0x2be: {  	_ =	swait.ge [sflag:s23], $0x1000  }
0x2bf: {  	[sflag:s23] =	ssyncset.done $0x0  }
0x2c0: {  	[sflag:s23] =	ssyncadd.s32 $0xFFFFF000  }
0x2c1: {  	_ =	swait.ge [sflag:s23], $0x1000  }
0x2c2: {  	[sflag:s23] =	ssyncset.done $0x0  }
0x2c3: {  	[sflag:s23] =	ssyncadd.s32 $0xFFFFF000  }
0x2c4: {  	_ =	swait.ge [sflag:s23], $0x1000  }
0x2c5: {  	[sflag:s23] =	ssyncset.done $0x0  }
0x2c6: {  	[sflag:s23] =	ssyncadd.s32 $0xFFFFF000  }
0x2c7: {  	_ =	swait.ge [sflag:s23], $0x1000  }
0x2c8: {  	[sflag:s23] =	ssyncset.done $0x0  }
0x2c9: {  	s6 =	simm.s32 @!p0 $0x4;
	[sflag:s23] =	ssyncadd.s32 $0xFFFFF000  }
0x2ca: {  	_ =	swait.ge @!p0 [sflag:s6], $0x1000  }
0x2cb: {  	[sflag:s6] =	ssyncset.done @!p0 $0x0  }
0x2cc: {  	[sflag:s6] =	ssyncadd.s32 @!p0 $0xFFFFF000;
	s6 =	simm.s32 $0x0  }
.LBB2_7:
0x2cd: {  	s7 =	sshll.u32 s6, $0x7  }
0x2ce: {  	v36 =	vld [tilespmem:s7+$0x8E00]  }
0x2cf: {  	v39 =	vld [tilespmem:s7+$0x9E00]  }
0x2d0: {  	v37 =	vld [tilespmem:s7+$0xAE00]  }
0x2d1: {  	v40 =	vld [tilespmem:s7+$0xBE00]  }
0x2d2: {  	v34 =	vld [tilespmem:s7+$0x7E00]  }
0x2d3: {  	v38 =	vld [tilespmem:s7+$0xCE00]  }
0x2d4: {  	v28 =	vld [tilespmem:s7+$0xDE00]  }
0x2d5: {  	v41 =	vld [tilespmem:s7+$0x8E10]  }
0x2d6: {  	v44 =	vld [tilespmem:s7+$0x9E10]  }
0x2d7: {  	v42 =	vld [tilespmem:s7+$0xAE10]  }
0x2d8: {  	v45 =	vld [tilespmem:s7+$0xBE10]  }
0x2d9: {  	v29 =	vld [tilespmem:s7+$0x7E10]  }
0x2da: {  	v31 =	vld [tilespmem:s7+$0xCE10]  }
0x2db: {  	v21 =	vld [tilespmem:s7+$0xDE10]  }
0x2dc: {  	v32 =	vld [tilespmem:s7+$0x8E20]  }
0x2dd: {  	v33 =	vld [tilespmem:s7+$0x9E20]  }
0x2de: {  	v24 =	vld [tilespmem:s7+$0xAE20]  }
0x2df: {  	v26 =	vld [tilespmem:s7+$0xBE20]  }
0x2e0: {  	v27 =	vld [tilespmem:s7+$0x7E20]  }
0x2e1: {  	v30 =	vld [tilespmem:s7+$0xCE20]  }
0x2e2: {  	v23 =	vld [tilespmem:s7+$0xDE20]  }
0x2e3: {  	v0 =	vld [tilespmem:s7+$0x8E30]  }
0x2e4: {  	v13 =	vld [tilespmem:s7+$0x9E30]  }
0x2e5: {  	v17 =	vld [tilespmem:s7+$0xAE30]  }
0x2e6: {  	v20 =	vld [tilespmem:s7+$0xBE30]  }
0x2e7: {  	v22 =	vld [tilespmem:s7+$0x7E30]  }
0x2e8: {  	v25 =	vld [tilespmem:s7+$0xCE30]  }
0x2e9: {  	v35 =	vld [tilespmem:s7+$0xDE30]  }
0x2ea: {  	v43 =	vld [tilespmem:s7+$0x8E40]  }
0x2eb: {  	v18 =	vld [tilespmem:s7+$0x9E40]  }
0x2ec: {  	v46 =	vld [tilespmem:s7+$0x8E80]  }
0x2ed: {  	v1 =	vld [tilespmem:s7+$0x9E80]  }
0x2ee: {  	v2 =	vld [tilespmem:s7+$0xAE80]  }
0x2ef: {  	v3 =	vld [tilespmem:s7+$0xBE80]  }
0x2f0: {  	v4 =	vld [tilespmem:s7+$0xAE40]  }
0x2f1: {  	v47 =	vld [tilespmem:s7+$0x7E40]  }
0x2f2: {  	v48 =	vld [tilespmem:s7+$0xCE40]  }
0x2f3: {  	v49 =	vld [tilespmem:s7+$0xDE40]  }
0x2f4: {  	v51 =	vld [tilespmem:s7+$0x8E50]  }
0x2f5: {  	v57 =	vld [tilespmem:s7+$0x8F00];
	[tilespmem:$0x1FE80] =	vst v0;
	v0 =	vadd.f32 v1, v46;
	v50 =	vadd.f32 v3, v2  }
0x2f6: {  	v12 =	vld [tilespmem:s7+$0x9F00]  }
0x2f7: {  	s8 =	sor.u32 $0x1, s6;
	v58 =	vld [tilespmem:s7+$0xBF00];
	v14 =	vadd.f32 v50, v0  }
0x2f8: {  	s9 =	sshll.u32 s8, $0x7;
	[tilespmem:$0x1FEB0] =	vst v22;
	v22 =	vld [tilespmem:s7+$0xAF00]  }
0x2f9: {  	v54 =	vld [tilespmem:s9+$0x7E00];
	[tilespmem:s9+$0xFE00] =	vst v14  }
0x2fa: {  	v55 =	vld [tilespmem:s7+$0xCE80]  }
0x2fb: {  	v52 =	vld [tilespmem:s7+$0x9E50]  }
0x2fc: {  	v56 =	vld [tilespmem:s7+$0xDE80]  }
0x2fd: {  	v59 =	vld [tilespmem:s7+$0xBF80];
	[tilespmem:$0x1FEC0] =	vst v25;
	v60 =	vadd.f32 v12, v57;
	v1 =	vadd.f32 v58, v22  }
0x2fe: {  	[tilespmem:$0x1FED0] =	vst v35;
	v25 =	vld [tilespmem:s7+$0x8F80]  }
0x2ff: {  	s10 =	sor.u32 $0x2, s6;
	[tilespmem:$0x1FE90] =	vst v43;
	v35 =	vld [tilespmem:s7+$0x9F80];
	v15 =	vadd.f32 v1, v60;
	v0 =	vadd.f32 v55, v54  }
0x300: {  	s12 =	sshll.u32 s10, $0x7;
	[tilespmem:$0x1FEE0] =	vst v47;
	v43 =	vld [tilespmem:s7+$0xAF80]  }
0x301: {  	v47 =	vld [tilespmem:s12+$0x7E00];
	[tilespmem:s12+$0xFE00] =	vst v15;
	v0 =	vadd.f32 v56, v0  }
0x302: {  	[tilespmem:$0x1FEF0] =	vst v48;
	v48 =	vld [tilespmem:s7+$0xCF00]  }
0x303: {  	v9 =	vld [tilespmem:s7+$0xDF00];
	[tilespmem:s9+$0x10E00] =	vst v0  }
0x304: {  	v46 =	vld [tilespmem:s7+$0x8E90]  }
0x305: {  	v8 =	vadd.f32 v35, v25;
	v0 =	vadd.f32 v59, v43;
	v61 =	vld [tilespmem:s7+$0x9E90]  }
0x306: {  	v62 =	vld [tilespmem:s7+$0xAE90]  }
0x307: {  	s11 =	sor.u32 $0x3, s6;
	[tilespmem:$0x1FF00] =	vst v51;
	v63 =	vld [tilespmem:s7+$0xBE90];
	v51 =	vadd.f32 v48, v47;
	v16 =	vadd.f32 v0, v8  }
0x308: {  	v53 =	vld [tilespmem:s7+$0xAE50];
	s14 =	sshll.u32 s11, $0x7  }
0x309: {  	v10 =	vld [tilespmem:s14+$0x7E00];
	v0 =	vadd.f32 v9, v51;
	[tilespmem:s14+$0xFE00] =	vst v16  }
0x30a: {  	[tilespmem:$0x1FF10] =	vst v52;
	v11 =	vld [tilespmem:s7+$0xCF80]  }
0x30b: {  	v52 =	vld [tilespmem:s7+$0xDF80];
	[tilespmem:s12+$0x10E00] =	vst v0  }
0x30c: {  	v12 =	vadd.f32 v61, v46;
	v1 =	vadd.f32 v63, v62;
	v57 =	vld [tilespmem:s7+$0x8F10]  }
0x30d: {  	v58 =	vld [tilespmem:s7+$0x9F10]  }
0x30e: {  	v59 =	vld [tilespmem:s7+$0xAF10];
	v25 =	vadd.f32 v1, v12  }
0x30f: {  	[tilespmem:$0x1FF20] =	vst v53;
	v60 =	vld [tilespmem:s7+$0xBF10];
	v56 =	vadd.f32 v11, v10  }
0x310: {  	v53 =	vld [tilespmem:s9+$0x7E10];
	[tilespmem:s9+$0xFE10] =	vst v25  }
0x311: {  	v54 =	vld [tilespmem:s7+$0xCE90];
	v0 =	vadd.f32 v52, v56  }
0x312: {  	v19 =	vld [tilespmem:s7+$0xBE40]  }
0x313: {  	v55 =	vld [tilespmem:s7+$0xDE90];
	[tilespmem:s14+$0x10E00] =	vst v0  }
0x314: {  	v22 =	vadd.f32 v58, v57;
	v12 =	vadd.f32 v60, v59;
	v0 =	vld [tilespmem:s7+$0x8F90]  }
0x315: {  	v61 =	vld [tilespmem:s7+$0x9F90]  }
0x316: {  	[tilespmem:$0x1FF30] =	vst v49;
	v22 =	vadd.f32 v12, v22;
	v49 =	vld [tilespmem:s7+$0xAF90];
	v1 =	vadd.f32 v54, v53  }
0x317: {  	v62 =	vld [tilespmem:s7+$0xBF90]  }
0x318: {  	[tilespmem:s12+$0xFE10] =	vst v22;
	v53 =	vld [tilespmem:s12+$0x7E10];
	v1 =	vadd.f32 v55, v1  }
0x319: {  	v54 =	vld [tilespmem:s7+$0xCF10]  }
0x31a: {  	v5 =	vld [tilespmem:s7+$0xDF10];
	[tilespmem:s9+$0x10E10] =	vst v1  }
0x31b: {  	v51 =	vld [tilespmem:s7+$0x8EA0]  }
0x31c: {  	v63 =	vld [tilespmem:s7+$0x9EA0]  }
0x31d: {  	[tilespmem:$0x1FEA0] =	vst v4;
	v0 =	vadd.f32 v61, v0;
	v1 =	vadd.f32 v62, v49;
	v4 =	vld [tilespmem:s7+$0xAEA0]  }
0x31e: {  	v17 =	vadd.f32 v20, v17;
	v52 =	vld [tilespmem:s7+$0xBEA0]  }
0x31f: {  	v20 =	vld [tilespmem:s7+$0xBE70];
	v10 =	vadd.f32 v54, v53;
	v12 =	vadd.f32 v1, v0  }
0x320: {  	v8 =	vld [tilespmem:s14+$0x7E10]  }
0x321: {  	v56 =	vld [tilespmem:s9+$0x7E20];
	v0 =	vadd.f32 v5, v10;
	[tilespmem:s14+$0xFE10] =	vst v12  }
0x322: {  	v9 =	vld [tilespmem:s7+$0xCF90]  }
0x323: {  	v11 =	vld [tilespmem:s7+$0xDF90];
	[tilespmem:s12+$0x10E10] =	vst v0;
	v6 =	vadd.f32 v63, v51;
	v7 =	vadd.f32 v52, v4  }
0x324: {  	v60 =	vld [tilespmem:s7+$0x8F20]  }
0x325: {  	v61 =	vld [tilespmem:s7+$0x9F20];
	v48 =	vadd.f32 v7, v6  }
0x326: {  	v62 =	vld [tilespmem:s7+$0xAF20]  }
0x327: {  	v63 =	vld [tilespmem:s7+$0xBF20];
	[tilespmem:s9+$0xFE20] =	vst v48  }
0x328: {  	v59 =	vadd.f32 v9, v8;
	v57 =	vld [tilespmem:s7+$0xCEA0]  }
0x329: {  	v50 =	vld [tilespmem:s7+$0xCE50]  }
0x32a: {  	v58 =	vld [tilespmem:s7+$0xDEA0];
	v0 =	vadd.f32 v11, v59  }
0x32b: {  	v35 =	vld [tilespmem:s7+$0x7E50]  }
0x32c: {  	v43 =	vld [tilespmem:s7+$0xBE50];
	v47 =	vadd.f32 v61, v60;
	v46 =	vadd.f32 v63, v62;
	[tilespmem:s14+$0x10E10] =	vst v0  }
0x32d: {  	v0 =	vld [tilespmem:s7+$0x8FA0];
	v1 =	vadd.f32 v57, v56  }
0x32e: {  	v47 =	vadd.f32 v46, v47;
	v4 =	vld [tilespmem:s7+$0x9FA0]  }
0x32f: {  	v5 =	vld [tilespmem:s7+$0xAFA0];
	v1 =	vadd.f32 v58, v1  }
0x330: {  	v6 =	vld [tilespmem:s7+$0xBFA0];
	[tilespmem:s12+$0xFE20] =	vst v47  }
0x331: {  	v9 =	vld [tilespmem:s7+$0xCF20];
	[tilespmem:s9+$0x10E20] =	vst v1  }
0x332: {  	v56 =	vld [tilespmem:s7+$0x8EB0]  }
0x333: {  	v7 =	vld [tilespmem:s7+$0x9EB0]  }
0x334: {  	v8 =	vld [tilespmem:s7+$0xAEB0]  }
0x335: {  	v57 =	vld [tilespmem:s7+$0xBEB0]  }
0x336: {  	v58 =	vld [tilespmem:s12+$0x7E20];
	v0 =	vadd.f32 v4, v0;
	v1 =	vadd.f32 v6, v5  }
0x337: {  	v55 =	vld [tilespmem:s7+$0x8E60]  }
0x338: {  	v10 =	vld [tilespmem:s7+$0xDF20];
	v46 =	vadd.f32 v1, v0  }
0x339: {  	v49 =	vld [tilespmem:s7+$0xDE50]  }
0x33a: {  	v61 =	vld [tilespmem:s14+$0x7E20];
	[tilespmem:s14+$0xFE20] =	vst v46;
	v11 =	vadd.f32 v7, v56;
	v60 =	vadd.f32 v57, v8  }
0x33b: {  	v63 =	vadd.f32 v9, v58;
	v62 =	vld [tilespmem:s7+$0xCFA0]  }
0x33c: {  	v5 =	vld [tilespmem:s9+$0x7E30];
	v53 =	vadd.f32 v60, v11  }
0x33d: {  	v4 =	vld [tilespmem:s7+$0xDFA0];
	v0 =	vadd.f32 v10, v63  }
0x33e: {  	v63 =	vld [tilespmem:s7+$0xBE60];
	[tilespmem:s9+$0xFE30] =	vst v53  }
0x33f: {  	[tilespmem:s12+$0x10E20] =	vst v0;
	v6 =	vld [tilespmem:s7+$0xCEB0]  }
0x340: {  	v9 =	vld [tilespmem:s7+$0x8F30];
	v8 =	vadd.f32 v62, v61  }
0x341: {  	v7 =	vld [tilespmem:s7+$0xDEB0]  }
0x342: {  	v10 =	vld [tilespmem:s7+$0x9F30];
	v0 =	vadd.f32 v4, v8  }
0x343: {  	v11 =	vld [tilespmem:s7+$0xAF30]  }
0x344: {  	v4 =	vld [tilespmem:s7+$0xBF30];
	[tilespmem:s14+$0x10E20] =	vst v0;
	v1 =	vadd.f32 v6, v5  }
0x345: {  	v62 =	vld [tilespmem:s7+$0x8FB0]  }
0x346: {  	v59 =	vld [tilespmem:s7+$0xAFB0];
	v1 =	vadd.f32 v7, v1  }
0x347: {  	v5 =	vld [tilespmem:s7+$0x9FB0]  }
0x348: {  	v6 =	vld [tilespmem:s7+$0xBFB0];
	[tilespmem:s9+$0x10E30] =	vst v1  }
0x349: {  	v52 =	vadd.f32 v10, v9;
	v51 =	vadd.f32 v4, v11;
	v60 =	vld [tilespmem:s7+$0x8EC0]  }
0x34a: {  	v7 =	vld [tilespmem:s7+$0x9EC0]  }
0x34b: {  	v52 =	vadd.f32 v51, v52;
	v8 =	vld [tilespmem:s7+$0xAEC0]  }
0x34c: {  	v61 =	vld [tilespmem:s7+$0xBEC0]  }
0x34d: {  	v9 =	vld [tilespmem:s12+$0x7E30];
	[tilespmem:s12+$0xFE30] =	vst v52;
	v10 =	vadd.f32 v5, v62;
	v1 =	vadd.f32 v6, v59  }
0x34e: {  	v11 =	vld [tilespmem:s7+$0xCF30]  }
0x34f: {  	v57 =	vld [tilespmem:s7+$0x9E60];
	v51 =	vadd.f32 v1, v10  }
0x350: {  	v4 =	vld [tilespmem:s7+$0xDF30]  }
0x351: {  	v5 =	vld [tilespmem:s14+$0x7E30];
	[tilespmem:s14+$0xFE30] =	vst v51;
	v54 =	vadd.f32 v7, v60;
	v56 =	vadd.f32 v61, v8  }
0x352: {  	v6 =	vld [tilespmem:s7+$0xCFB0]  }
0x353: {  	v62 =	vld [tilespmem:s7+$0xAE60];
	v0 =	vadd.f32 v11, v9;
	v58 =	vadd.f32 v56, v54  }
0x354: {  	v7 =	vld [tilespmem:s7+$0xDFB0]  }
0x355: {  	v8 =	vld [tilespmem:s9+$0x7E40];
	v0 =	vadd.f32 v4, v0;
	[tilespmem:s9+$0xFE40] =	vst v58  }
0x356: {  	v9 =	vld [tilespmem:s7+$0xCEC0]  }
0x357: {  	[tilespmem:s12+$0x10E30] =	vst v0;
	v10 =	vadd.f32 v6, v5;
	v11 =	vld [tilespmem:s7+$0xDEC0]  }
0x358: {  	v60 =	vld [tilespmem:s7+$0x8F40]  }
0x359: {  	v54 =	vld [tilespmem:s7+$0x9F40];
	v0 =	vadd.f32 v7, v10  }
0x35a: {  	v6 =	vld [tilespmem:s7+$0xAF40]  }
0x35b: {  	v7 =	vld [tilespmem:s7+$0xBF40];
	[tilespmem:s14+$0x10E30] =	vst v0;
	v1 =	vadd.f32 v9, v8  }
0x35c: {  	v8 =	vld [tilespmem:s7+$0x8FC0]  }
0x35d: {  	v9 =	vld [tilespmem:s7+$0x9FC0];
	v1 =	vadd.f32 v11, v1  }
0x35e: {  	v10 =	vld [tilespmem:s7+$0xAFC0]  }
0x35f: {  	v11 =	vld [tilespmem:s7+$0xBFC0];
	[tilespmem:s9+$0x10E40] =	vst v1  }
0x360: {  	v54 =	vadd.f32 v54, v60;
	v0 =	vadd.f32 v7, v6;
	v60 =	vld [tilespmem:s7+$0x8ED0]  }
0x361: {  	v61 =	vld [tilespmem:s7+$0x9ED0]  }
0x362: {  	v56 =	vadd.f32 v0, v54;
	v4 =	vld [tilespmem:s7+$0xAED0]  }
0x363: {  	v7 =	vld [tilespmem:s7+$0xBED0]  }
0x364: {  	v59 =	vld [tilespmem:s12+$0x7E40];
	v3 =	vadd.f32 v9, v8;
	[tilespmem:s12+$0xFE40] =	vst v56;
	v1 =	vadd.f32 v11, v10  }
0x365: {  	v2 =	vld [tilespmem:s7+$0xCF40]  }
0x366: {  	v6 =	vld [tilespmem:s9+$0x7E50];
	v11 =	vadd.f32 v1, v3  }
0x367: {  	v0 =	vld [tilespmem:s7+$0xDF40]  }
0x368: {  	v54 =	vld [tilespmem:s14+$0x7E40];
	v60 =	vadd.f32 v61, v60;
	v4 =	vadd.f32 v7, v4;
	[tilespmem:s14+$0xFE40] =	vst v11  }
0x369: {  	v1 =	vld [tilespmem:s7+$0xCFC0]  }
0x36a: {  	v9 =	vld [tilespmem:s7+$0xCE60];
	v61 =	vadd.f32 v4, v60;
	v2 =	vadd.f32 v2, v59  }
0x36b: {  	v59 =	vld [tilespmem:s7+$0xDFC0]  }
0x36c: {  	v10 =	vld [tilespmem:s7+$0x7E60];
	v0 =	vadd.f32 v0, v2;
	[tilespmem:s9+$0xFE50] =	vst v61  }
0x36d: {  	v60 =	vld [tilespmem:s7+$0xCED0]  }
0x36e: {  	v7 =	vld [tilespmem:s7+$0xDED0];
	[tilespmem:s12+$0x10E40] =	vst v0;
	v0 =	vadd.f32 v1, v54  }
0x36f: {  	v54 =	vld [tilespmem:s7+$0x8F50]  }
0x370: {  	v1 =	vld [tilespmem:s7+$0xAF50];
	v0 =	vadd.f32 v59, v0  }
0x371: {  	v8 =	vld [tilespmem:s7+$0xBF50]  }
0x372: {  	v59 =	vld [tilespmem:s7+$0x9F50];
	[tilespmem:s14+$0x10E40] =	vst v0  }
0x373: {  	v5 =	vld [tilespmem:s7+$0x8FD0]  }
0x374: {  	v4 =	vld [tilespmem:s7+$0x9FD0]  }
0x375: {  	v3 =	vld [tilespmem:s7+$0xAFD0]  }
0x376: {  	v6 =	vadd.f32 v60, v6;
	v2 =	vld [tilespmem:s7+$0xBFD0]  }
0x377: {  	v0 =	vadd.f32 v8, v1;
	v1 =	vld [tilespmem:s7+$0xDE60]  }
0x378: {  	v8 =	vld [tilespmem:s7+$0x8E70];
	v6 =	vadd.f32 v7, v6;
	v54 =	vadd.f32 v59, v54  }
0x379: {  	v7 =	vld [tilespmem:s7+$0xAE70]  }
0x37a: {  	v37 =	vadd.f32 v40, v37;
	[tilespmem:s9+$0x10E50] =	vst v6;
	v6 =	vld [tilespmem:s14+$0x7E50];
	v59 =	vadd.f32 v0, v54  }
0x37b: {  	v40 =	vld [tilespmem:s7+$0xBEE0];
	v4 =	vadd.f32 v4, v5;
	v2 =	vadd.f32 v2, v3  }
0x37c: {  	v3 =	vld [tilespmem:s12+$0x7E50];
	[tilespmem:s12+$0xFE50] =	vst v59  }
0x37d: {  	v5 =	vld [tilespmem:s7+$0xCF50];
	v60 =	vadd.f32 v2, v4  }
0x37e: {  	v0 =	vld [tilespmem:s7+$0x9E70]  }
0x37f: {  	v4 =	vld [tilespmem:s7+$0xDF50];
	[tilespmem:s14+$0xFE50] =	vst v60  }
0x380: {  	v54 =	vld [tilespmem:s7+$0xCFD0]  }
0x381: {  	v2 =	vld [tilespmem:s7+$0x8EE0]  }
0x382: {  	v36 =	vadd.f32 v39, v36;
	v39 =	vld [tilespmem:s7+$0xDFD0];
	v3 =	vadd.f32 v5, v3  }
0x383: {  	v34 =	vadd.f32 v38, v34;
	v5 =	vld [tilespmem:s7+$0x9EE0]  }
0x384: {  	v38 =	vadd.f32 v44, v41;
	v3 =	vadd.f32 v4, v3;
	v4 =	vld [tilespmem:s7+$0xAEE0]  }
0x385: {  	v44 =	vadd.f32 v45, v42;
	v45 =	vadd.f32 v54, v6;
	v6 =	vld [tilespmem:s9+$0x7E60]  }
0x386: {  	v54 =	vadd.f32 v33, v32;
	v33 =	vadd.f32 v26, v24;
	v26 =	vld [tilespmem:s7+$0x7E70];
	[tilespmem:s12+$0x10E50] =	vst v3  }
0x387: {  	v36 =	vadd.f32 v37, v36;
	v28 =	vadd.f32 v28, v34;
	v34 =	vld [tilespmem:s7+$0x8F60]  }
0x388: {  	v37 =	vadd.f32 v44, v38;
	v3 =	vadd.f32 v39, v45;
	v38 =	vld [tilespmem:s7+$0x9F60]  }
0x389: {  	v32 =	vld [tilespmem:s7+$0xAF60]  }
0x38a: {  	[tilespmem:s14+$0x10E50] =	vst v3;
	v3 =	vld [tilespmem:s7+$0xBF60]  }
0x38b: {  	v39 =	vadd.f32 v30, v27;
	v27 =	vld [tilespmem:s7+$0x8FE0]  }
0x38c: {  	v42 =	vld [tilespmem:s7+$0x9FE0]  }
0x38d: {  	v2 =	vadd.f32 v5, v2;
	v4 =	vadd.f32 v40, v4;
	v44 =	vld [tilespmem:s7+$0xAFE0]  }
0x38e: {  	v29 =	vadd.f32 v31, v29;
	v41 =	vmul.f32 v37, v37;
	v40 =	vmul.f32 v36, v36;
	v45 =	vld [tilespmem:s7+$0xBFE0]  }
0x38f: {  	v24 =	vadd.f32 v4, v2;
	v4 =	vadd.f32 v23, v39;
	v39 =	vld [tilespmem:$0x1FE80]  }
0x390: {  	v2 =	vadd.f32 v41, v40;
	v41 =	vld [tilespmem:$0x1FE90]  }
0x391: {  	v21 =	vadd.f32 v21, v29;
	v23 =	vld [tilespmem:s12+$0x7E60]  }
0x392: {  	v29 =	vadd.f32 v33, v54;
	v54 =	vadd.f32 v38, v34;
	v34 =	vld [tilespmem:$0x1FED0];
	[tilespmem:s9+$0xFE60] =	vst v24  }
0x393: {  	v38 =	vld [tilespmem:s7+$0xCEE0]  }
0x394: {  	v40 =	vld [tilespmem:s7+$0xDEE0]  }
0x395: {  	v27 =	vadd.f32 v42, v27;
	v42 =	vld [tilespmem:$0x1FEA0]  }
0x396: {  	v3 =	vadd.f32 v3, v32;
	v5 =	vadd.f32 v45, v44;
	v44 =	vld [tilespmem:$0x1FEB0]  }
0x397: {  	v45 =	vld [tilespmem:$0x1FEC0]  }
0x398: {  	v33 =	vadd.f32 v13, v39;
	v13 =	vadd.f32 v3, v54;
	v39 =	vld [tilespmem:$0x1FEF0]  }
0x399: {  	v18 =	vadd.f32 v18, v41;
	v41 =	vld [tilespmem:$0x1FF10]  }
0x39a: {  	v5 =	vadd.f32 v5, v27;
	v27 =	vld [tilespmem:s7+$0xCE70];
	[tilespmem:s12+$0xFE60] =	vst v13  }
0x39b: {  	v31 =	vmul.f32 v29, v29;
	v30 =	vld [tilespmem:s7+$0xCF60]  }
0x39c: {  	v35 =	vadd.f32 v50, v35;
	v6 =	vadd.f32 v38, v6;
	v38 =	vld [tilespmem:$0x1FEE0]  }
0x39d: {  	v2 =	vadd.f32 v31, v2;
	v31 =	vadd.f32 v45, v44;
	v44 =	vld [tilespmem:$0x1FF20]  }
0x39e: {  	v16 =	vmul.f32 v16, v16;
	v12 =	vmul.f32 v12, v12;
	v17 =	vadd.f32 v17, v33;
	v45 =	vld [tilespmem:$0x1FF30]  }
0x39f: {  	v14 =	vmul.f32 v14, v14;
	v19 =	vadd.f32 v19, v42;
	v3 =	vadd.f32 v40, v6;
	v6 =	vld [tilespmem:s7+$0xDF60]  }
0x3a0: {  	v25 =	vmul.f32 v25, v25;
	v35 =	vadd.f32 v49, v35;
	v12 =	vadd.f32 v12, v16;
	v40 =	vld [tilespmem:$0x1FF00]  }
0x3a1: {  	[tilespmem:s14+$0xFE60] =	vst v5;
	v54 =	vmul.f32 v17, v17;
	v18 =	vadd.f32 v19, v18;
	v19 =	vadd.f32 v34, v31;
	v31 =	vld [tilespmem:s14+$0x7E60]  }
0x3a2: {  	v57 =	vadd.f32 v57, v55;
	v55 =	vadd.f32 v25, v14;
	[tilespmem:s9+$0x10E60] =	vst v3;
	v3 =	vld [tilespmem:s7+$0xCFE0]  }
0x3a3: {  	v2 =	vadd.f32 v54, v2;
	v54 =	vld [tilespmem:s7+$0xDFE0];
	v23 =	vadd.f32 v30, v23  }
0x3a4: {  	v9 =	vadd.f32 v9, v10;
	v32 =	vadd.f32 v39, v38;
	v30 =	vld [tilespmem:s7+$0x8EF0]  }
0x3a5: {  	v38 =	vadd.f32 v43, v44;
	v43 =	vld [tilespmem:s7+$0xBEF0];
	v6 =	vadd.f32 v6, v23  }
0x3a6: {  	v63 =	vadd.f32 v63, v62;
	v1 =	vadd.f32 v1, v9;
	v23 =	vld [tilespmem:s7+$0x9EF0]  }
0x3a7: {  	v33 =	vadd.f32 v41, v40;
	v40 =	vld [tilespmem:s7+$0xAEF0];
	[tilespmem:s12+$0x10E60] =	vst v6;
	v3 =	vadd.f32 v3, v31  }
0x3a8: {  	v7 =	vadd.f32 v20, v7;
	v0 =	vadd.f32 v0, v8;
	v10 =	vld [tilespmem:s7+$0x8F70]  }
0x3a9: {  	v15 =	vmul.f32 v15, v15;
	[tilespmem:s7+$0xFE00] =	vst v36;
	v32 =	vadd.f32 v45, v32;
	v45 =	vld [tilespmem:s7+$0x9F70];
	v3 =	vadd.f32 v54, v3  }
0x3aa: {  	[tilespmem:s7+$0x10E00] =	vst v28;
	v49 =	vadd.f32 v27, v26;
	v27 =	vmul.f32 v46, v46;
	v42 =	vmul.f32 v18, v18;
	v62 =	vld [tilespmem:s7+$0xBF70]  }
0x3ab: {  	v33 =	vadd.f32 v38, v33;
	v31 =	vadd.f32 v63, v57;
	v57 =	vmul.f32 v48, v48;
	v54 =	vld [tilespmem:s7+$0xAF70];
	[tilespmem:s14+$0x10E60] =	vst v3  }
0x3ac: {  	v22 =	vmul.f32 v22, v22;
	[tilespmem:s7+$0xFE10] =	vst v37;
	v0 =	vadd.f32 v7, v0;
	v12 =	vadd.f32 v27, v12;
	v63 =	vld [tilespmem:s7+$0x8FF0]  }
0x3ad: {  	[tilespmem:s7+$0x10E10] =	vst v21;
	v2 =	vadd.f32 v42, v2;
	v44 =	vmul.f32 v33, v33;
	v9 =	vadd.f32 v57, v55;
	v41 =	vld [tilespmem:s7+$0x9FF0]  }
0x3ae: {  	[tilespmem:s7+$0x10E50] =	vst v35;
	v38 =	vmul.f32 v53, v53;
	v23 =	vadd.f32 v23, v30;
	v6 =	vadd.f32 v43, v40;
	v42 =	vld [tilespmem:s7+$0xAFF0]  }
0x3af: {  	[tilespmem:s7+$0x10E60] =	vst v1;
	v53 =	vadd.f32 v22, v15;
	v50 =	vmul.f32 v31, v31;
	v2 =	vadd.f32 v44, v2;
	v44 =	vld [tilespmem:s7+$0xBFF0]  }
0x3b0: {  	[tilespmem:s7+$0xFE70] =	vst v0;
	v30 =	vmul.f32 v51, v51;
	v43 =	vadd.f32 v38, v9;
	v6 =	vadd.f32 v6, v23  }
0x3b1: {  	[tilespmem:s7+$0xFE20] =	vst v29;
	v29 =	vld [tilespmem:s14+$0x7E70];
	v10 =	vadd.f32 v45, v10;
	v3 =	vadd.f32 v62, v54  }
0x3b2: {  	v28 =	vmul.f32 v56, v56;
	[tilespmem:s7+$0x10E20] =	vst v4;
	v48 =	vld [tilespmem:s7+$0xDE70];
	v12 =	vadd.f32 v30, v12;
	v2 =	vadd.f32 v50, v2  }
0x3b3: {  	v45 =	vmul.f32 v58, v58;
	v50 =	vld [tilespmem:s9+$0x7E70];
	v58 =	vmul.f32 v47, v47;
	[tilespmem:s9+$0xFE70] =	vst v6;
	v3 =	vadd.f32 v3, v10  }
0x3b4: {  	v11 =	vmul.f32 v11, v11;
	[tilespmem:s7+$0xFE30] =	vst v17;
	v55 =	vld [tilespmem:s7+$0xCEF0];
	v8 =	vadd.f32 v41, v63;
	v9 =	vadd.f32 v44, v42  }
0x3b5: {  	[tilespmem:s7+$0x10E30] =	vst v19;
	v54 =	vmul.f32 v61, v61;
	v61 =	vld [tilespmem:s12+$0x7E70];
	v62 =	vmul.f32 v52, v52;
	v4 =	vadd.f32 v58, v53  }
0x3b6: {  	v0 =	vmul.f32 v0, v0;
	v7 =	vadd.f32 v45, v43;
	v57 =	vld [tilespmem:s7+$0xDEF0];
	[tilespmem:s12+$0xFE70] =	vst v3;
	v8 =	vadd.f32 v9, v8  }
0x3b7: {  	v25 =	vmul.f32 v24, v24;
	[tilespmem:s7+$0xFE40] =	vst v18;
	v21 =	vadd.f32 v48, v49;
	v4 =	vadd.f32 v62, v4;
	v63 =	vld [tilespmem:s7+$0xCF70]  }
0x3b8: {  	v34 =	vmul.f32 v59, v59;
	v37 =	vadd.f32 v11, v12;
	v7 =	vadd.f32 v54, v7;
	v26 =	vld [tilespmem:s7+$0xDF70];
	[tilespmem:s14+$0xFE70] =	vst v8  }
0x3b9: {  	[tilespmem:s7+$0x10E40] =	vst v32;
	v40 =	vmul.f32 v13, v13;
	v4 =	vadd.f32 v28, v4;
	v10 =	vadd.f32 v55, v50;
	v32 =	vld [tilespmem:s7+$0xCFF0]  }
0x3ba: {  	[tilespmem:s7+$0xFE50] =	vst v33;
	v38 =	vmul.f32 v60, v60;
	v0 =	vadd.f32 v0, v2;
	v7 =	vadd.f32 v25, v7  }
0x3bb: {  	[tilespmem:s7+$0xFE60] =	vst v31;
	v6 =	vmul.f32 v6, v6;
	v36 =	vadd.f32 v34, v4;
	v35 =	vld [tilespmem:s7+$0xDFF0];
	v10 =	vadd.f32 v57, v10  }
0x3bc: {  	v5 =	vmul.f32 v5, v5;
	[tilespmem:s7+$0x10E70] =	vst v21;
	v4 =	vadd.f32 v38, v37;
	v9 =	vadd.f32 v63, v61  }
0x3bd: {  	v42 =	vmul.f32 v3, v3;
	v43 =	vadd.f32 v6, v7;
	v1 =	vadd.f32 v40, v36;
	[tilespmem:s9+$0x10E70] =	vst v10;
	s9 =	sshll.u32 s6, $0x4  }
0x3be: {  	s8 =	sshll.u32 s8, $0x4;
	[tilespmem:s9+$0x11E00] =	vst v0;
	v9 =	vadd.f32 v26, v9;
	v39 =	vadd.f32 v32, v29  }
0x3bf: {  	v44 =	vmul.f32 v8, v8;
	v4 =	vadd.f32 v5, v4;
	v1 =	vadd.f32 v42, v1;
	[tilespmem:s8+$0x11E00] =	vst v43  }
0x3c0: {  	s10 =	sshll.u32 s10, $0x4;
	[tilespmem:s12+$0x10E70] =	vst v9;
	v41 =	vadd.f32 v35, v39  }
0x3c1: {  	v4 =	vadd.f32 v44, v4;
	v45 =	vld [tilespmem:s9+$0x11E08];
	[tilespmem:s10+$0x11E00] =	vst v1  }
0x3c2: {  	v46 =	vld [tilespmem:s8+$0x11E08];
	s12 =	sshll.u32 s11, $0x4;
	[tilespmem:s14+$0x10E70] =	vst v41  }
0x3c3: {  	v47 =	vld [tilespmem:s10+$0x11E08];
	[tilespmem:s12+$0x11E00] =	vst v4  }
0x3c4: {  	v48 =	vld [tilespmem:s12+$0x11E08];
	_ =	sdelay $0x1  }
0x3c5: {  	v0 =	vadd.f32 v45, v0  }
0x3c6: {  	v49 =	vadd.f32 v46, v43  }
0x3c7: {  	[tilespmem:s9+$0x12080] =	vst v0;
	v1 =	vadd.f32 v47, v1  }
0x3c8: {  	[tilespmem:s8+$0x12080] =	vst v49;
	v50 =	vld [tilespmem:s9+$0x12084];
	v4 =	vadd.f32 v48, v4  }
0x3c9: {  	v51 =	vld [tilespmem:s8+$0x12084];
	[tilespmem:s10+$0x12080] =	vst v1  }
0x3ca: {  	v52 =	vld [tilespmem:s10+$0x12084];
	[tilespmem:s12+$0x12080] =	vst v4  }
0x3cb: {  	v53 =	vld [tilespmem:s12+$0x12084];
	_ =	sdelay $0x1  }
0x3cc: {  	v0 =	vadd.f32 v50, v0  }
0x3cd: {  	v2 =	vadd.f32 v51, v49  }
0x3ce: {  	[tilespmem:s9+$0x11E00] =	vst v0;
	v1 =	vadd.f32 v52, v1  }
0x3cf: {  	[tilespmem:s8+$0x11E00] =	vst v2;
	v54 =	vld [tilespmem:s9+$0x11E02];
	v4 =	vadd.f32 v53, v4  }
0x3d0: {  	v55 =	vld [tilespmem:s8+$0x11E02];
	[tilespmem:s10+$0x11E00] =	vst v1  }
0x3d1: {  	v56 =	vld [tilespmem:s10+$0x11E02];
	[tilespmem:s12+$0x11E00] =	vst v4  }
0x3d2: {  	v57 =	vld [tilespmem:s12+$0x11E02];
	_ =	sdelay $0x1  }
0x3d3: {  	v0 =	vadd.f32 v54, v0  }
0x3d4: {  	v2 =	vadd.f32 v55, v2  }
0x3d5: {  	[tilespmem:s9+$0x12080] =	vst v0;
	v1 =	vadd.f32 v56, v1  }
0x3d6: {  	[tilespmem:s8+$0x12080] =	vst v2;
	v58 =	vld [tilespmem:s9+$0x12081];
	v4 =	vadd.f32 v57, v4  }
0x3d7: {  	v59 =	vld [tilespmem:s8+$0x12081];
	[tilespmem:s10+$0x12080] =	vst v1  }
0x3d8: {  	v60 =	vld [tilespmem:s10+$0x12081];
	[tilespmem:s12+$0x12080] =	vst v4  }
0x3d9: {  	v61 =	vld [tilespmem:s12+$0x12081];
	_ =	sdelay $0x1  }
0x3da: {  	p0 =	slt.u32 s6, $0x1C;
	v0 =	vadd.f32 v58, v0  }
.Ltmp4:
0x3db: {  	v2 =	vadd.f32 v59, v2;
	(pc) =	sbr.rel @p0 .LBB2_7-.Ltmp4, $4  }
0x3dc: {  	[tilespmem:s9+$0x11E00] =	vst v0;
	v62 =	vadd.f32 v60, v1  }
0x3dd: {  	[tilespmem:s8+$0x11E00] =	vst v2;
	v63 =	vadd.f32 v61, v4  }
0x3de: {  	s14 =	sadd.s32 $0x4, s6;
	[tilespmem:s10+$0x11E00] =	vst v62  }
0x3df: {  	s6 =	smov.u32 s14;
	[tilespmem:s12+$0x11E00] =	vst v63  }
0x3e0: {  	v0 =	vld [tilespmem:$0x11E00]  }
0x3e1: {  	v1 =	vld.msk [tilespmem:$0x11E10 ss:$0x0], $0xffff  }
0x3e2: {  	v2 =	vld.msk [tilespmem:$0x11E20 ss:$0x0], $0xffff  }
0x3e3: {  	v3 =	vld.msk [tilespmem:$0x11E30 ss:$0x0], $0xffff  }
0x3e4: {  	v4 =	vld.msk [tilespmem:$0x11E40 ss:$0x0], $0xffff  }
0x3e5: {  	v5 =	vld.msk [tilespmem:$0x11E50 ss:$0x0], $0xffff  }
0x3e6: {  	v0 =	vsel vm0, v1, v0;
	v1 =	vld.msk [tilespmem:$0x11E60 ss:$0x0], $0xffff  }
0x3e7: {  	v0 =	vsel vm1, v0, v2;
	v2 =	vld.msk [tilespmem:$0x11E70 ss:$0x0], $0xffff  }
0x3e8: {  	v0 =	vsel vm2, v0, v3;
	v3 =	vld.msk [tilespmem:$0x11E80 ss:$0x0], $0xffff  }
0x3e9: {  	v0 =	vsel vm3, v0, v4;
	v4 =	vld.msk [tilespmem:$0x11E90 ss:$0x0], $0xffff  }
0x3ea: {  	v0 =	vsel vm4, v0, v5;
	v5 =	vld.msk [tilespmem:$0x11EA0 ss:$0x0], $0xffff  }
0x3eb: {  	v0 =	vsel vm5, v0, v1;
	v1 =	vld.msk [tilespmem:$0x11EB0 ss:$0x0], $0xffff  }
0x3ec: {  	v0 =	vsel vm6, v0, v2;
	v2 =	vld.msk [tilespmem:$0x11EC0 ss:$0x0], $0xffff  }
0x3ed: {  	v0 =	vsel vm7, v0, v3;
	v3 =	vld.msk [tilespmem:$0x11ED0 ss:$0x0], $0xffff  }
0x3ee: {  	v0 =	vsel vm8, v0, v4;
	v4 =	vld.msk [tilespmem:$0x11EE0 ss:$0x0], $0xffff  }
0x3ef: {  	v0 =	vsel vm9, v0, v5;
	v5 =	vld.msk [tilespmem:$0x11EF0 ss:$0x0], $0xffff  }
0x3f0: {  	v0 =	vsel vm10, v0, v1  }
0x3f1: {  	v0 =	vsel vm11, v0, v2  }
0x3f2: {  	v0 =	vsel vm12, v0, v3  }
0x3f3: {  	v0 =	vsel vm13, v0, v4  }
0x3f4: {  	v0 =	vsel vm14, v0, v5  }
0x3f5: {  	v1 =	vshra.s32 v0, $0x1;
	v0 =	vmul.f32 $5.000000000e-01, v0  }
0x3f6: {  	v1 =	vsub.s32 $0x5F3759DF, v1  }
0x3f7: {  	v2 =	vmul.f32 v1, v0;
	_ =	sdelay $0x1  }
0x3f8: {  	v2 =	vmul.f32 v1, v2;
	_ =	sdelay $0x1  }
0x3f9: {  	v2 =	vsub.f32 $1.500000000e+00, v2;
	_ =	sdelay $0x1  }
0x3fa: {  	v1 =	vmul.f32 v1, v2;
	_ =	sdelay $0x1  }
0x3fb: {  	v2 =	vmul.f32 v1, v0;
	_ =	sdelay $0x1  }
0x3fc: {  	v2 =	vmul.f32 v2, v1;
	_ =	sdelay $0x1  }
0x3fd: {  	v2 =	vsub.f32 $1.500000000e+00, v2;
	_ =	sdelay $0x1  }
0x3fe: {  	v1 =	vmul.f32 v2, v1;
	_ =	sdelay $0x1  }
0x3ff: {  	v0 =	vmul.f32 v1, v0;
	_ =	sdelay $0x1  }
0x400: {  	v0 =	vmul.f32 v0, v1;
	_ =	sdelay $0x1  }
0x401: {  	v0 =	vsub.f32 $1.500000000e+00, v0;
	_ =	sdelay $0x1  }
0x402: {  	v0 =	vmul.f32 v0, v1;
	_ =	sdelay $0x1  }
0x403: {  	v0 =	vmin.f32 v0, $9.999999950e+11  }
0x404: {  	[tilespmem:$0x12300] =	vst v0;
	v0 =	vld [tilespmem:$0x11F00]  }
0x405: {  	v1 =	vld.msk [tilespmem:$0x11F10 ss:$0x0], $0xffff  }
0x406: {  	v2 =	vld.msk [tilespmem:$0x11F20 ss:$0x0], $0xffff  }
0x407: {  	v3 =	vld.msk [tilespmem:$0x11F30 ss:$0x0], $0xffff  }
0x408: {  	v4 =	vld.msk [tilespmem:$0x11F40 ss:$0x0], $0xffff  }
0x409: {  	v5 =	vld.msk [tilespmem:$0x11F50 ss:$0x0], $0xffff  }
0x40a: {  	v0 =	vsel vm0, v1, v0;
	v1 =	vld.msk [tilespmem:$0x11F60 ss:$0x0], $0xffff  }
0x40b: {  	v0 =	vsel vm1, v0, v2;
	v2 =	vld.msk [tilespmem:$0x11F70 ss:$0x0], $0xffff  }
0x40c: {  	v0 =	vsel vm2, v0, v3;
	v3 =	vld.msk [tilespmem:$0x11F80 ss:$0x0], $0xffff  }
0x40d: {  	v0 =	vsel vm3, v0, v4;
	v4 =	vld.msk [tilespmem:$0x11F90 ss:$0x0], $0xffff  }
0x40e: {  	v0 =	vsel vm4, v0, v5;
	v5 =	vld.msk [tilespmem:$0x11FA0 ss:$0x0], $0xffff  }
0x40f: {  	v0 =	vsel vm5, v0, v1;
	v1 =	vld.msk [tilespmem:$0x11FB0 ss:$0x0], $0xffff  }
0x410: {  	v0 =	vsel vm6, v0, v2;
	v2 =	vld.msk [tilespmem:$0x11FC0 ss:$0x0], $0xffff  }
0x411: {  	v0 =	vsel vm7, v0, v3;
	v3 =	vld.msk [tilespmem:$0x11FD0 ss:$0x0], $0xffff  }
0x412: {  	v0 =	vsel vm8, v0, v4;
	v4 =	vld.msk [tilespmem:$0x11FE0 ss:$0x0], $0xffff  }
0x413: {  	v0 =	vsel vm9, v0, v5;
	v5 =	vld.msk [tilespmem:$0x11FF0 ss:$0x0], $0xffff  }
0x414: {  	v0 =	vsel vm10, v0, v1  }
0x415: {  	v0 =	vsel vm11, v0, v2  }
0x416: {  	v0 =	vsel vm12, v0, v3  }
0x417: {  	v0 =	vsel vm13, v0, v4  }
0x418: {  	v0 =	vsel vm14, v0, v5  }
0x419: {  	v1 =	vshra.s32 v0, $0x1;
	v0 =	vmul.f32 $5.000000000e-01, v0  }
0x41a: {  	v1 =	vsub.s32 $0x5F3759DF, v1  }
0x41b: {  	v2 =	vmul.f32 v1, v0;
	_ =	sdelay $0x1  }
0x41c: {  	v2 =	vmul.f32 v1, v2;
	_ =	sdelay $0x1  }
0x41d: {  	v2 =	vsub.f32 $1.500000000e+00, v2;
	_ =	sdelay $0x1  }
0x41e: {  	v1 =	vmul.f32 v1, v2;
	_ =	sdelay $0x1  }
0x41f: {  	v2 =	vmul.f32 v1, v0;
	_ =	sdelay $0x1  }
0x420: {  	v2 =	vmul.f32 v2, v1;
	_ =	sdelay $0x1  }
0x421: {  	v2 =	vsub.f32 $1.500000000e+00, v2;
	_ =	sdelay $0x1  }
0x422: {  	v1 =	vmul.f32 v2, v1;
	_ =	sdelay $0x1  }
0x423: {  	v0 =	vmul.f32 v1, v0;
	_ =	sdelay $0x1  }
0x424: {  	v0 =	vmul.f32 v0, v1;
	_ =	sdelay $0x1  }
0x425: {  	v0 =	vsub.f32 $1.500000000e+00, v0;
	_ =	sdelay $0x1  }
0x426: {  	v0 =	vmul.f32 v0, v1;
	_ =	sdelay $0x1  }
0x427: {  	v0 =	vmin.f32 v0, $9.999999950e+11  }
0x428: {  	s7 =	simm.s32 $0x12302;
	[tilespmem:$0x12310] =	vst v0  }
0x429: {  	s9 =	simm.s32 $0xFF00;
	v9 =	vld.msk [tilespmem:s7+$0x1 ss:$0x0], $0xffff  }
0x42a: {  	v0 =	vld [tilespmem:s9+$0x80]  }
0x42b: {  	s6 =	simm.s32 $0x10F00  }
0x42c: {  	v1 =	vld [tilespmem:s6+$0x80];
	_ =	sdelay $0x1  }
0x42d: {  	v8 =	vld.msk [tilespmem:s7+$0xFFFFFFFF ss:$0x0], $0xffff  }
0x42e: {  	v7 =	vld.msk [tilespmem:s7+$0x0 ss:$0x0], $0xffff;
	v0 =	vmul.f32 v0, v9  }
0x42f: {  	v10 =	vld.msk [tilespmem:s7+$0xFFFFFFFE ss:$0x0], $0xffff  }
0x430: {  	v2 =	vld [tilespmem:s9+$0xFFFFFF80];
	v0 =	vadd.f32 v0, v1  }
0x431: {  	v6 =	vld [tilespmem:s6+$0xFFFFFF80]  }
0x432: {  	v1 =	vld [tilespmem:s9+$0xFFFFFF00];
	[tilespmem:s6+$0x80] =	vst v0  }
0x433: {  	v0 =	vld [tilespmem:s9+$0x90]  }
0x434: {  	v3 =	vld [tilespmem:s6+$0xFFFFFF00]  }
0x435: {  	v5 =	vld [tilespmem:s6+$0x90]  }
0x436: {  	v4 =	vld [tilespmem:s9+$0x0];
	v2 =	vmul.f32 v2, v8  }
0x437: {  	v11 =	vld [tilespmem:s6+$0x0];
	v1 =	vmul.f32 v1, v10  }
0x438: {  	v12 =	vld [tilespmem:s6+$0xFFFFFF10];
	v2 =	vadd.f32 v2, v6;
	v0 =	vmul.f32 v0, v9  }
0x439: {  	v13 =	vld [tilespmem:s6+$0x10];
	v1 =	vadd.f32 v1, v3  }
0x43a: {  	v14 =	vld [tilespmem:s6+$0x20];
	[tilespmem:s6+$0xFFFFFF80] =	vst v2;
	v0 =	vadd.f32 v0, v5  }
0x43b: {  	v15 =	vld [tilespmem:s6+$0xFFFFFFB0];
	[tilespmem:s6+$0xFFFFFF00] =	vst v1;
	v1 =	vmul.f32 v4, v7  }
0x43c: {  	v2 =	vld [tilespmem:s9+$0xFFFFFF90];
	[tilespmem:s6+$0x90] =	vst v0  }
0x43d: {  	v0 =	vadd.f32 v1, v11;
	v1 =	vld [tilespmem:s9+$0xA0]  }
0x43e: {  	v3 =	vld [tilespmem:s6+$0xFFFFFF90]  }
0x43f: {  	[tilespmem:s6+$0x0] =	vst v0;
	v0 =	vld [tilespmem:s6+$0xA0]  }
0x440: {  	v6 =	vld [tilespmem:s9+$0x10]  }
0x441: {  	v16 =	vld [tilespmem:s6+$0xFFFFFF40]  }
0x442: {  	v5 =	vld [tilespmem:s9+$0xFFFFFF10];
	v1 =	vmul.f32 v1, v9  }
0x443: {  	v18 =	vld [tilespmem:s6+$0xFFFFFFC0];
	v2 =	vmul.f32 v2, v8  }
0x444: {  	v19 =	vld [tilespmem:s6+$0x40];
	v0 =	vadd.f32 v1, v0  }
0x445: {  	v17 =	vld [tilespmem:s6+$0xFFFFFFE0];
	v1 =	vadd.f32 v2, v3;
	v2 =	vmul.f32 v6, v7  }
0x446: {  	v11 =	vld [tilespmem:s6+$0xFFFFFFA0];
	[tilespmem:s6+$0xA0] =	vst v0  }
0x447: {  	v5 =	vmul.f32 v5, v10;
	[tilespmem:s6+$0xFFFFFF90] =	vst v1;
	v0 =	vadd.f32 v2, v13;
	v1 =	vld [tilespmem:s9+$0xB0]  }
0x448: {  	v2 =	vld [tilespmem:s9+$0xFFFFFFA0]  }
0x449: {  	v5 =	vadd.f32 v5, v12;
	[tilespmem:s6+$0x10] =	vst v0;
	v0 =	vld [tilespmem:s6+$0xB0]  }
0x44a: {  	s8 =	simm.s32 $0x10100;
	v6 =	vld [tilespmem:s9+$0x20]  }
0x44b: {  	v47 =	vld [tilespmem:s8+$0xFFFFFF00];
	[tilespmem:s6+$0xFFFFFF10] =	vst v5  }
0x44c: {  	v5 =	vld [tilespmem:s9+$0xFFFFFF20];
	v1 =	vmul.f32 v1, v9  }
0x44d: {  	v24 =	vld [tilespmem:s8+$0xFFFFFF80];
	v2 =	vmul.f32 v2, v8  }
0x44e: {  	v4 =	vld [tilespmem:s6+$0xFFFFFF20];
	v0 =	vadd.f32 v1, v0  }
0x44f: {  	s7 =	simm.s32 $0x11100;
	v26 =	vld [tilespmem:s8+$0x0];
	v1 =	vadd.f32 v2, v11;
	v2 =	vmul.f32 v6, v7  }
0x450: {  	v25 =	vld [tilespmem:s7+$0xFFFFFF00];
	[tilespmem:s6+$0xB0] =	vst v0  }
0x451: {  	v5 =	vmul.f32 v5, v10;
	[tilespmem:s6+$0xFFFFFFA0] =	vst v1;
	v0 =	vadd.f32 v2, v14;
	v1 =	vld [tilespmem:s9+$0xC0]  }
0x452: {  	v2 =	vld [tilespmem:s9+$0xFFFFFFB0]  }
0x453: {  	v5 =	vadd.f32 v5, v4;
	[tilespmem:s6+$0x20] =	vst v0;
	v0 =	vld [tilespmem:s6+$0xC0]  }
0x454: {  	v11 =	vld [tilespmem:s9+$0x30]  }
0x455: {  	v3 =	vld [tilespmem:s6+$0x30];
	[tilespmem:s6+$0xFFFFFF20] =	vst v5  }
0x456: {  	v6 =	vld [tilespmem:s9+$0xFFFFFF30];
	v1 =	vmul.f32 v1, v9  }
0x457: {  	v27 =	vld [tilespmem:s7+$0x90];
	v2 =	vmul.f32 v2, v8  }
0x458: {  	v12 =	vld [tilespmem:s6+$0xFFFFFF30];
	v0 =	vadd.f32 v1, v0  }
0x459: {  	v28 =	vld [tilespmem:s7+$0xFFFFFF80];
	v1 =	vadd.f32 v2, v15;
	v2 =	vmul.f32 v11, v7  }
0x45a: {  	v29 =	vld [tilespmem:s7+$0x0];
	[tilespmem:s6+$0xC0] =	vst v0  }
0x45b: {  	v6 =	vmul.f32 v6, v10;
	[tilespmem:s6+$0xFFFFFFB0] =	vst v1;
	v0 =	vadd.f32 v2, v3;
	v1 =	vld [tilespmem:s9+$0xD0]  }
0x45c: {  	v2 =	vld [tilespmem:s9+$0xFFFFFFC0]  }
0x45d: {  	v6 =	vadd.f32 v6, v12;
	[tilespmem:s6+$0x30] =	vst v0;
	v0 =	vld [tilespmem:s6+$0xD0]  }
0x45e: {  	v3 =	vld [tilespmem:s9+$0x40]  }
0x45f: {  	v30 =	vld [tilespmem:s7+$0xFFFFFF10];
	[tilespmem:s6+$0xFFFFFF30] =	vst v6  }
0x460: {  	v6 =	vld [tilespmem:s9+$0xFFFFFF40]  }
0x461: {  	v48 =	vld [tilespmem:s7+$0xFFFFFF90];
	v1 =	vmul.f32 v1, v9;
	v2 =	vmul.f32 v2, v8  }
0x462: {  	v31 =	vld [tilespmem:s7+$0x10]  }
0x463: {  	v51 =	vld [tilespmem:s7+$0xFFFFFF20];
	v0 =	vadd.f32 v1, v0;
	v1 =	vadd.f32 v2, v18;
	v2 =	vmul.f32 v3, v7  }
0x464: {  	v54 =	vld [tilespmem:s7+$0xFFFFFFA0]  }
0x465: {  	v32 =	vld [tilespmem:s7+$0x20];
	v11 =	vmul.f32 v6, v10;
	[tilespmem:s6+$0xD0] =	vst v0;
	v0 =	vadd.f32 v2, v19  }
0x466: {  	s10 =	simm.s32 $0x12306;
	v3 =	vld [tilespmem:s8+$0x80]  }
0x467: {  	v11 =	vadd.f32 v11, v16;
	[tilespmem:s6+$0x40] =	vst v0;
	v0 =	vld.msk [tilespmem:s10+$0x1 ss:$0x0], $0xffff  }
0x468: {  	v55 =	vld [tilespmem:s7+$0xFFFFFF30]  }
0x469: {  	[tilespmem:s6+$0xFFFFFF40] =	vst v11;
	v11 =	vld [tilespmem:s7+$0x80]  }
0x46a: {  	v33 =	vld [tilespmem:s7+$0xFFFFFFB0]  }
0x46b: {  	[tilespmem:s6+$0xFFFFFFC0] =	vst v1;
	v1 =	vld [tilespmem:s9+$0xE0]  }
0x46c: {  	v59 =	vld [tilespmem:s7+$0x30];
	v23 =	vmul.f32 v3, v0  }
0x46d: {  	v2 =	vld [tilespmem:s6+$0xE0]  }
0x46e: {  	v63 =	vld [tilespmem:s7+$0xFFFFFF40];
	v11 =	vadd.f32 v23, v11  }
0x46f: {  	v34 =	vld [tilespmem:s7+$0xFFFFFFC0]  }
0x470: {  	v1 =	vmul.f32 v1, v9;
	v3 =	vld.msk [tilespmem:s10+$0xFFFFFFFE ss:$0x0], $0xffff;
	[tilespmem:s7+$0x80] =	vst v11  }
0x471: {  	v11 =	vld [tilespmem:s8+$0x90]  }
0x472: {  	v1 =	vadd.f32 v1, v2;
	v2 =	vld.msk [tilespmem:s10+$0xFFFFFFFF ss:$0x0], $0xffff  }
0x473: {  	v35 =	vld [tilespmem:s7+$0x40]  }
0x474: {  	[tilespmem:s6+$0xE0] =	vst v1;
	v1 =	vld.msk [tilespmem:s10+$0x0 ss:$0x0], $0xffff  }
0x475: {  	v42 =	vld [tilespmem:s7+$0xC0];
	v23 =	vmul.f32 v47, v3  }
0x476: {  	v13 =	vld [tilespmem:s6+$0x50];
	v11 =	vmul.f32 v11, v0  }
0x477: {  	v4 =	vld [tilespmem:s6+$0xFFFFFF50];
	v24 =	vmul.f32 v24, v2;
	v23 =	vadd.f32 v23, v25  }
0x478: {  	v5 =	vld [tilespmem:s6+$0xFFFFFFD0];
	v11 =	vadd.f32 v11, v27  }
0x479: {  	v14 =	vld [tilespmem:s6+$0x70];
	v49 =	vmul.f32 v26, v1;
	v24 =	vadd.f32 v24, v28;
	[tilespmem:s7+$0xFFFFFF00] =	vst v23  }
0x47a: {  	v50 =	vld [tilespmem:s8+$0xFFFFFF10];
	[tilespmem:s7+$0x90] =	vst v11  }
0x47b: {  	[tilespmem:s7+$0xFFFFFF80] =	vst v24;
	v11 =	vadd.f32 v49, v29;
	v52 =	vld [tilespmem:s8+$0xA0]  }
0x47c: {  	v24 =	vld [tilespmem:s8+$0xFFFFFF90]  }
0x47d: {  	[tilespmem:s7+$0x0] =	vst v11;
	v11 =	vld [tilespmem:s7+$0xA0]  }
0x47e: {  	v53 =	vld [tilespmem:s8+$0x10]  }
0x47f: {  	v12 =	vld [tilespmem:s6+$0xFFFFFFF0];
	v26 =	vmul.f32 v50, v3  }
0x480: {  	v15 =	vld [tilespmem:s6+$0xFFFFFF70];
	v23 =	vmul.f32 v52, v0  }
0x481: {  	v20 =	vld [tilespmem:s9+$0xFFFFFF50];
	v24 =	vmul.f32 v24, v2;
	v26 =	vadd.f32 v26, v30  }
0x482: {  	v21 =	vld [tilespmem:s9+$0xFFFFFFD0];
	v11 =	vadd.f32 v23, v11  }
0x483: {  	v22 =	vld [tilespmem:s9+$0x50];
	v56 =	vadd.f32 v24, v48;
	[tilespmem:s7+$0xFFFFFF10] =	vst v26;
	v57 =	vmul.f32 v53, v1  }
0x484: {  	v58 =	vld [tilespmem:s8+$0xFFFFFF20];
	[tilespmem:s7+$0xA0] =	vst v11  }
0x485: {  	[tilespmem:s7+$0xFFFFFF90] =	vst v56;
	v11 =	vadd.f32 v57, v31;
	v60 =	vld [tilespmem:s8+$0xB0]  }
0x486: {  	v61 =	vld [tilespmem:s8+$0xFFFFFFA0]  }
0x487: {  	v20 =	vmul.f32 v20, v10;
	[tilespmem:s7+$0x10] =	vst v11;
	v11 =	vld [tilespmem:s7+$0xB0]  }
0x488: {  	v62 =	vld [tilespmem:s8+$0x20]  }
0x489: {  	v6 =	vld [tilespmem:s6+$0xFFFFFF60];
	v4 =	vadd.f32 v20, v4;
	v25 =	vmul.f32 v58, v3  }
0x48a: {  	v16 =	vld [tilespmem:s6+$0x60];
	v23 =	vmul.f32 v60, v0  }
0x48b: {  	v18 =	vld [tilespmem:s6+$0xF0];
	[tilespmem:s6+$0xFFFFFF50] =	vst v4;
	v41 =	vmul.f32 v22, v7;
	v24 =	vmul.f32 v61, v2;
	v25 =	vadd.f32 v25, v51  }
0x48c: {  	v21 =	vmul.f32 v21, v8;
	v46 =	vld [tilespmem:s9+$0xFFFFFF60];
	v11 =	vadd.f32 v23, v11  }
0x48d: {  	v4 =	vadd.f32 v41, v13;
	v13 =	vld [tilespmem:s7+$0x50];
	v24 =	vadd.f32 v24, v54;
	[tilespmem:s7+$0xFFFFFF20] =	vst v25;
	v36 =	vmul.f32 v62, v1  }
0x48e: {  	v5 =	vadd.f32 v21, v5;
	v37 =	vld [tilespmem:s8+$0xFFFFFF30];
	[tilespmem:s7+$0xB0] =	vst v11  }
0x48f: {  	[tilespmem:s7+$0xFFFFFFA0] =	vst v24;
	v38 =	vadd.f32 v36, v32;
	v39 =	vld [tilespmem:s8+$0xC0]  }
0x490: {  	[tilespmem:s6+$0xFFFFFFD0] =	vst v5;
	v40 =	vld [tilespmem:s8+$0xFFFFFFB0]  }
0x491: {  	v47 =	vld [tilespmem:s9+$0xFFFFFFE0];
	[tilespmem:s7+$0x20] =	vst v38  }
0x492: {  	v43 =	vld [tilespmem:s8+$0x30]  }
0x493: {  	v19 =	vld [tilespmem:s9+$0xF0];
	v44 =	vmul.f32 v37, v3  }
0x494: {  	[tilespmem:s6+$0x50] =	vst v4;
	v27 =	vld [tilespmem:s7+$0xFFFFFF50];
	v5 =	vmul.f32 v39, v0  }
0x495: {  	v48 =	vld [tilespmem:s9+$0x60];
	v24 =	vmul.f32 v46, v10;
	v4 =	vmul.f32 v40, v2;
	v45 =	vadd.f32 v44, v55  }
0x496: {  	v52 =	vld [tilespmem:s7+$0xD0];
	v25 =	vmul.f32 v47, v8;
	v5 =	vadd.f32 v5, v42  }
0x497: {  	v24 =	vadd.f32 v24, v6;
	v6 =	vld [tilespmem:s7+$0xFFFFFFE0];
	v49 =	vadd.f32 v4, v33;
	[tilespmem:s7+$0xFFFFFF30] =	vst v45;
	v21 =	vmul.f32 v43, v1  }
0x498: {  	v17 =	vadd.f32 v25, v17;
	[tilespmem:s7+$0xC0] =	vst v5;
	v5 =	vld [tilespmem:s8+$0xFFFFFF40]  }
0x499: {  	[tilespmem:s7+$0xFFFFFFB0] =	vst v49;
	v21 =	vadd.f32 v21, v59;
	v50 =	vld [tilespmem:s8+$0xD0]  }
0x49a: {  	[tilespmem:s6+$0xFFFFFFE0] =	vst v17;
	v51 =	vld [tilespmem:s8+$0xFFFFFFC0]  }
0x49b: {  	v57 =	vld [tilespmem:s9+$0xFFFFFFF0];
	[tilespmem:s7+$0x30] =	vst v21  }
0x49c: {  	v20 =	vmul.f32 v48, v7;
	v53 =	vld [tilespmem:s8+$0x40]  }
0x49d: {  	v11 =	vld [tilespmem:s7+$0xFFFFFFD0];
	[tilespmem:s6+$0xFFFFFF60] =	vst v24;
	v54 =	vmul.f32 v5, v3  }
0x49e: {  	v9 =	vmul.f32 v19, v9;
	v16 =	vadd.f32 v20, v16;
	v24 =	vld [tilespmem:s9+$0xFFFFFF70];
	v55 =	vmul.f32 v50, v0  }
0x49f: {  	v4 =	vld [tilespmem:s7+$0xFFFFFF60];
	v56 =	vmul.f32 v51, v2;
	v17 =	vadd.f32 v54, v63  }
0x4a0: {  	v9 =	vadd.f32 v9, v18;
	[tilespmem:s6+$0x60] =	vst v16;
	v18 =	vmul.f32 v57, v8;
	v8 =	vld [tilespmem:s7+$0xFFFFFF70];
	v16 =	vadd.f32 v55, v52  }
0x4a1: {  	v59 =	vld [tilespmem:s9+$0x70];
	v58 =	vmul.f32 v53, v1;
	[tilespmem:s7+$0xFFFFFF40] =	vst v17;
	v17 =	vadd.f32 v56, v34  }
0x4a2: {  	v60 =	vld [tilespmem:s8+$0xFFFFFF50];
	[tilespmem:s7+$0xD0] =	vst v16  }
0x4a3: {  	v16 =	vadd.f32 v58, v35;
	[tilespmem:s7+$0xFFFFFFC0] =	vst v17;
	v17 =	vld [tilespmem:s8+$0xE0]  }
0x4a4: {  	v19 =	vld [tilespmem:s8+$0xFFFFFFD0]  }
0x4a5: {  	v61 =	vmul.f32 v24, v10;
	[tilespmem:s7+$0x40] =	vst v16;
	v16 =	vld [tilespmem:s7+$0xE0]  }
0x4a6: {  	[tilespmem:s6+$0xF0] =	vst v9;
	v18 =	vadd.f32 v18, v12;
	v9 =	vmul.f32 v59, v7;
	v10 =	vld [tilespmem:s8+$0x50]  }
0x4a7: {  	v62 =	vadd.f32 v61, v15;
	v5 =	vld [tilespmem:s7+$0x60];
	v63 =	vmul.f32 v60, v3  }
0x4a8: {  	[tilespmem:s6+$0xFFFFFFF0] =	vst v18;
	v7 =	vld [tilespmem:s7+$0xFFFFFFF0];
	v12 =	vadd.f32 v9, v14;
	v15 =	vmul.f32 v17, v0  }
0x4a9: {  	s11 =	simm.s32 $0x1230A;
	s10 =	simm.s32 $0x4;
	[tilespmem:s6+$0xFFFFFF70] =	vst v62;
	s9 =	simm.s32 $0x10100;
	v9 =	vld [tilespmem:s7+$0x70];
	v14 =	vadd.f32 v63, v27;
	v17 =	vmul.f32 v19, v2  }
.LBB2_9:
0x4aa: {  	v18 =	vld.msk [tilespmem:s11+$0x1 ss:$0x0], $0xffff;
	s10 =	sadd.s32 $0x4, s10;
	v15 =	vadd.f32 v15, v16;
	s8 =	sadd.s32 $0x200, s8;
	[tilespmem:s6+$0x70] =	vst v12;
	s6 =	smov.u32 s7  }
0x4ab: {  	s7 =	sadd.s32 $0x200, s7;
	v16 =	vld [tilespmem:s8+$0x80];
	p0 =	slt.u32 s10, $0x1C;
	[tilespmem:s6+$0xFFFFFF50] =	vst v14;
	v11 =	vadd.f32 v17, v11;
	v10 =	vmul.f32 v10, v1  }
0x4ac: {  	v17 =	vld [tilespmem:s7+$0x80];
	[tilespmem:s6+$0xE0] =	vst v15  }
0x4ad: {  	[tilespmem:s6+$0xFFFFFFD0] =	vst v11;
	v11 =	vadd.f32 v10, v13;
	v13 =	vld [tilespmem:s9+$0xF0]  }
0x4ae: {  	v10 =	vld.msk [tilespmem:s11+$0xFFFFFFFF ss:$0x0], $0xffff  }
0x4af: {  	[tilespmem:s6+$0x50] =	vst v11;
	v11 =	vld [tilespmem:s6+$0xF0]  }
0x4b0: {  	v12 =	vld.msk [tilespmem:s11+$0x0 ss:$0x0], $0xffff;
	v15 =	vmul.f32 v16, v18  }
0x4b1: {  	v14 =	vld.msk [tilespmem:s11+$0xFFFFFFFE ss:$0x0], $0xffff  }
0x4b2: {  	v16 =	vld [tilespmem:s8+$0xFFFFFF00];
	v15 =	vadd.f32 v15, v17;
	v13 =	vmul.f32 v13, v0;
	v0 =	vmov v18  }
0x4b3: {  	v17 =	vld [tilespmem:s8+$0xFFFFFF80]  }
0x4b4: {  	v18 =	vld [tilespmem:s8+$0x0];
	[tilespmem:s7+$0x80] =	vst v15;
	v11 =	vadd.f32 v13, v11  }
0x4b5: {  	v13 =	vld [tilespmem:s8+$0x90]  }
0x4b6: {  	v15 =	vld [tilespmem:s7+$0xFFFFFF00];
	[tilespmem:s6+$0xF0] =	vst v11  }
0x4b7: {  	v11 =	vmul.f32 v16, v14;
	v16 =	vld [tilespmem:s7+$0x90]  }
0x4b8: {  	v19 =	vld [tilespmem:s7+$0xFFFFFF80];
	v17 =	vmul.f32 v17, v10  }
0x4b9: {  	v20 =	vld [tilespmem:s7+$0x0];
	v18 =	vmul.f32 v18, v12  }
0x4ba: {  	v21 =	vld [tilespmem:s7+$0xFFFFFF10];
	v13 =	vmul.f32 v13, v0  }
0x4bb: {  	v11 =	vadd.f32 v11, v15;
	v15 =	vld [tilespmem:s7+$0xFFFFFF90]  }
0x4bc: {  	v22 =	vld [tilespmem:s7+$0x10];
	v13 =	vadd.f32 v13, v16  }
0x4bd: {  	[tilespmem:s7+$0xFFFFFF00] =	vst v11;
	v11 =	vld [tilespmem:s7+$0xFFFFFF20];
	v16 =	vadd.f32 v17, v19  }
0x4be: {  	v17 =	vld [tilespmem:s8+$0xFFFFFF10];
	v18 =	vadd.f32 v18, v20;
	[tilespmem:s7+$0x90] =	vst v13  }
0x4bf: {  	[tilespmem:s7+$0xFFFFFF80] =	vst v16;
	v13 =	vld [tilespmem:s8+$0xA0]  }
0x4c0: {  	v16 =	vld [tilespmem:s8+$0xFFFFFF90];
	[tilespmem:s7+$0x0] =	vst v18  }
0x4c1: {  	v18 =	vld [tilespmem:s7+$0xA0]  }
0x4c2: {  	v19 =	vld [tilespmem:s8+$0x10]  }
0x4c3: {  	v17 =	vmul.f32 v17, v14;
	v20 =	vld [tilespmem:s7+$0xFFFFFFA0]  }
0x4c4: {  	v23 =	vld [tilespmem:s7+$0x20];
	v13 =	vmul.f32 v13, v0  }
0x4c5: {  	v17 =	vadd.f32 v17, v21;
	v21 =	vld [tilespmem:s7+$0xFFFFFF30];
	v16 =	vmul.f32 v16, v10  }
0x4c6: {  	v24 =	vld [tilespmem:s7+$0xFFFFFFB0];
	v13 =	vadd.f32 v13, v18  }
0x4c7: {  	[tilespmem:s7+$0xFFFFFF10] =	vst v17;
	v15 =	vadd.f32 v16, v15;
	v16 =	vmul.f32 v19, v12;
	v17 =	vld [tilespmem:s7+$0x30]  }
0x4c8: {  	v18 =	vld [tilespmem:s8+$0xFFFFFF20];
	[tilespmem:s7+$0xA0] =	vst v13  }
0x4c9: {  	[tilespmem:s7+$0xFFFFFF90] =	vst v15;
	v13 =	vadd.f32 v16, v22;
	v15 =	vld [tilespmem:s8+$0xB0]  }
0x4ca: {  	v16 =	vld [tilespmem:s8+$0xFFFFFFA0]  }
0x4cb: {  	[tilespmem:s7+$0x10] =	vst v13;
	v13 =	vld [tilespmem:s7+$0xB0]  }
0x4cc: {  	v19 =	vld [tilespmem:s8+$0x20]  }
0x4cd: {  	v18 =	vmul.f32 v18, v14;
	v22 =	vld [tilespmem:s7+$0xFFFFFF40]  }
0x4ce: {  	v25 =	vld [tilespmem:s7+$0xFFFFFFC0];
	v15 =	vmul.f32 v15, v0  }
0x4cf: {  	v11 =	vadd.f32 v18, v11;
	v16 =	vmul.f32 v16, v10;
	v18 =	vld [tilespmem:s7+$0x40]  }
0x4d0: {  	v26 =	vld [tilespmem:s7+$0xFFFFFF50];
	v13 =	vadd.f32 v15, v13  }
0x4d1: {  	[tilespmem:s7+$0xFFFFFF20] =	vst v11;
	v15 =	vadd.f32 v16, v20;
	v11 =	vld [tilespmem:s7+$0xFFFFFFD0];
	v16 =	vmul.f32 v19, v12  }
0x4d2: {  	v19 =	vld [tilespmem:s8+$0xFFFFFF30];
	[tilespmem:s7+$0xB0] =	vst v13  }
0x4d3: {  	[tilespmem:s7+$0xFFFFFFA0] =	vst v15;
	v13 =	vadd.f32 v16, v23;
	v15 =	vld [tilespmem:s8+$0xC0]  }
0x4d4: {  	v16 =	vld [tilespmem:s8+$0xFFFFFFB0]  }
0x4d5: {  	[tilespmem:s7+$0x20] =	vst v13;
	v20 =	vld [tilespmem:s7+$0xC0]  }
0x4d6: {  	v23 =	vld [tilespmem:s8+$0x30]  }
0x4d7: {  	v19 =	vmul.f32 v19, v14;
	v13 =	vld [tilespmem:s7+$0x50]  }
0x4d8: {  	v15 =	vmul.f32 v15, v0;
	v27 =	vld [tilespmem:s9+$0xFFFFFF60]  }
0x4d9: {  	v19 =	vadd.f32 v19, v21;
	v16 =	vmul.f32 v16, v10;
	v21 =	vld [tilespmem:s9+$0xFFFFFFE0]  }
0x4da: {  	v15 =	vadd.f32 v15, v20;
	v20 =	vld [tilespmem:s9+$0x60]  }
0x4db: {  	[tilespmem:s7+$0xFFFFFF30] =	vst v19;
	v19 =	vld [tilespmem:s7+$0xFFFFFF60];
	v16 =	vadd.f32 v16, v24;
	v23 =	vmul.f32 v23, v12  }
0x4dc: {  	v24 =	vld [tilespmem:s8+$0xFFFFFF40];
	[tilespmem:s7+$0xC0] =	vst v15  }
0x4dd: {  	[tilespmem:s7+$0xFFFFFFB0] =	vst v16;
	v15 =	vadd.f32 v23, v17;
	v16 =	vld [tilespmem:s8+$0xD0];
	v17 =	vmul.f32 v27, v3  }
0x4de: {  	v23 =	vld [tilespmem:s8+$0xFFFFFFC0];
	v21 =	vmul.f32 v21, v2  }
0x4df: {  	[tilespmem:s7+$0x30] =	vst v15;
	v15 =	vld [tilespmem:s7+$0xD0];
	v17 =	vadd.f32 v17, v4;
	v20 =	vmul.f32 v20, v1  }
0x4e0: {  	v27 =	vld [tilespmem:s8+$0x40];
	v21 =	vadd.f32 v21, v6;
	v4 =	vmov v19  }
0x4e1: {  	v19 =	vmul.f32 v24, v14;
	v6 =	vld [tilespmem:s7+$0xFFFFFFE0];
	[tilespmem:s6+$0xFFFFFF60] =	vst v17;
	v17 =	vadd.f32 v20, v5  }
0x4e2: {  	v5 =	vld [tilespmem:s7+$0x60];
	v16 =	vmul.f32 v16, v0;
	[tilespmem:s6+$0xFFFFFFE0] =	vst v21  }
0x4e3: {  	v19 =	vadd.f32 v19, v22;
	v20 =	vmul.f32 v23, v10;
	v21 =	vld [tilespmem:s9+$0xFFFFFF70];
	[tilespmem:s6+$0x60] =	vst v17  }
0x4e4: {  	v15 =	vadd.f32 v16, v15;
	v17 =	vld [tilespmem:s9+$0xFFFFFFF0]  }
0x4e5: {  	[tilespmem:s7+$0xFFFFFF40] =	vst v19;
	v16 =	vadd.f32 v20, v25;
	v19 =	vmul.f32 v27, v12;
	v20 =	vld [tilespmem:s9+$0x70];
	s9 =	smov.u32 s8  }
0x4e6: {  	v22 =	vld [tilespmem:s8+$0xFFFFFF50];
	[tilespmem:s7+$0xD0] =	vst v15  }
0x4e7: {  	[tilespmem:s7+$0xFFFFFFC0] =	vst v16;
	v15 =	vadd.f32 v19, v18;
	v18 =	vld [tilespmem:s8+$0xE0]  }
0x4e8: {  	v19 =	vld [tilespmem:s8+$0xFFFFFFD0];
	v21 =	vmul.f32 v21, v3;
	v3 =	vmov v14  }
.Ltmp5:
0x4e9: {  	[tilespmem:s7+$0x40] =	vst v15;
	v16 =	vld [tilespmem:s7+$0xE0];
	v14 =	vmul.f32 v17, v2;
	v2 =	vmov v10;
	(pc) =	sbr.rel @p0 .LBB2_9-.Ltmp5, $4  }
0x4ea: {  	v10 =	vld [tilespmem:s8+$0x50];
	v17 =	vadd.f32 v21, v8;
	v20 =	vmul.f32 v20, v1;
	v1 =	vmov v12  }
0x4eb: {  	v21 =	vmul.f32 v22, v3;
	v8 =	vld [tilespmem:s7+$0xFFFFFF70];
	v22 =	vadd.f32 v14, v7  }
0x4ec: {  	v7 =	vld [tilespmem:s7+$0xFFFFFFF0];
	v15 =	vmul.f32 v18, v0;
	[tilespmem:s6+$0xFFFFFF70] =	vst v17;
	v12 =	vadd.f32 v20, v9  }
0x4ed: {  	s11 =	sadd.s32 $0x4, s11;
	v14 =	vadd.f32 v21, v26;
	v17 =	vmul.f32 v19, v2;
	v9 =	vld [tilespmem:s7+$0x70];
	[tilespmem:s6+$0xFFFFFFF0] =	vst v22  }
0x4ee: {  	_ = 	snop  }
0x4ef: {  	v10 =	vmul.f32 v10, v1  }
0x4f0: {  	v11 =	vadd.f32 v17, v11  }
0x4f1: {  	[tilespmem:s7+$0xFFFFFF50] =	vst v14;
	v10 =	vadd.f32 v10, v13  }
0x4f2: {  	v49 =	vld [tilespmem:s9+$0xFFFFFF60];
	[tilespmem:s7+$0xFFFFFFD0] =	vst v11  }
0x4f3: {  	v50 =	vld [tilespmem:s9+$0xFFFFFFE0];
	[tilespmem:s7+$0x50] =	vst v10  }
0x4f4: {  	v51 =	vld [tilespmem:s9+$0x60];
	_ =	sdelay $0x2  }
0x4f5: {  	v11 =	vmul.f32 v49, v3  }
0x4f6: {  	v52 =	vadd.f32 v15, v16;
	v10 =	vmul.f32 v50, v2  }
0x4f7: {  	v4 =	vadd.f32 v11, v4;
	v53 =	vmul.f32 v51, v1  }
0x4f8: {  	v55 =	vld [tilespmem:s7+$0xF0];
	[tilespmem:s7+$0xE0] =	vst v52;
	v6 =	vadd.f32 v10, v6  }
0x4f9: {  	v54 =	vld [tilespmem:s9+$0xF0];
	[tilespmem:s7+$0xFFFFFF60] =	vst v4;
	v56 =	vadd.f32 v53, v5  }
0x4fa: {  	v57 =	vld [tilespmem:s9+$0xFFFFFF70];
	[tilespmem:s7+$0xFFFFFFE0] =	vst v6  }
0x4fb: {  	v58 =	vld [tilespmem:s9+$0xFFFFFFF0];
	[tilespmem:s7+$0x60] =	vst v56  }
0x4fc: {  	v59 =	vld [tilespmem:s9+$0x70];
	_ =	sdelay $0x1  }
0x4fd: {  	v0 =	vmul.f32 v54, v0  }
0x4fe: {  	v60 =	vmul.f32 v57, v3  }
0x4ff: {  	v0 =	vadd.f32 v0, v55;
	v61 =	vmul.f32 v58, v2  }
0x500: {  	[tilespmem:s6+$0x70] =	vst v12;
	v3 =	vadd.f32 v60, v8;
	v62 =	vmul.f32 v59, v1  }
.Ltmp6:
0x501: {  	s14 =	sadd.s32 s21, s4;
	[tilespmem:s7+$0xF0] =	vst v0;
	v63 =	vadd.f32 v61, v7;
	(pc) =	sbr.rel @p1 .LBB2_12-.Ltmp6, $4  }
0x502: {  	s6 =	sshll.u32 s14, $0x4;
	[tilespmem:s7+$0xFFFFFF70] =	vst v3;
	v1 =	vadd.f32 v62, v9  }
0x503: {  	s6 =	sadd.s32 s2, s6;
	[tilespmem:s7+$0xFFFFFFF0] =	vst v63  }
0x504: {  	s6 =	sadd.s32 $0x200, s6;
	[tilespmem:s7+$0x70] =	vst v1  }
0x505: {  	[hbm4b:s6+s3] =	stream.linear.scatter [tilespmem:s16], [sflag:$0x4], $0x1000, $0x38;
	[tilespmem:$0x12380] =	vst v63  }
0x506: {  	s6 =	sadd.s32 $0x60, s21  }
0x507: {  	[tilespmem:s31], [sflag:$0x2] =	stream.indirect.gather [hbm4b:s5+s22], $0x80, s6, s22, $0xb8;
	[tilespmem:$0x12380] =	vst v63  }
0x508: {  	s9 =	sadd.s32 $0x260, s21  }
0x509: {  	[tilespmem:s1], [sflag:$0x2] =	stream.indirect.gather [hbm4b:s5+s22], $0x80, s9, s22, $0xb8;
	[tilespmem:$0x12380] =	vst v63  }
0x50a: {  	s10 =	sadd.s32 $0x460, s21  }
0x50b: {  	[tilespmem:s24], [sflag:$0x2] =	stream.indirect.gather [hbm4b:s5+s22], $0x80, s10, s22, $0xb8;
	[tilespmem:$0x12380] =	vst v63  }
0x50c: {  	s11 =	sadd.s32 $0x660, s21  }
0x50d: {  	[tilespmem:s26], [sflag:$0x2] =	stream.indirect.gather [hbm4b:s5+s22], $0x80, s11, s22, $0xb8;
	[tilespmem:$0x12380] =	vst v63  }
0x50e: {  	s12 =	sadd.s32 $0x860, s21  }
0x50f: {  	[tilespmem:s29], [sflag:$0x2] =	stream.indirect.gather [hbm4b:s5+s22], $0x80, s12, s22, $0xb8;
	[tilespmem:$0x12380] =	vst v63  }
.Ltmp7:
0x510: {  	_ = 	snop;
	(pc) =	sbr.rel .LBB2_2-.Ltmp7, $4  }
0x511: {  	s14 =	sadd.s32 $0xA60, s21  }
0x512: {  	[tilespmem:s0], [sflag:$0x2] =	stream.indirect.gather [hbm4b:s5+s22], $0x80, s14, s22, $0xb8;
	[tilespmem:$0x12380] =	vst v63  }
0x513: {  	s21 =	sadd.s32 $0xC60, s21;
	s20 =	sadd.s32 $0x1, s20  }
0x514: {  	[tilespmem:s25], [sflag:$0x2] =	stream.indirect.gather [hbm4b:s5+s22], $0x80, s21, s22, $0xb8;
	[tilespmem:$0x12380] =	vst v63  }
.LBB2_13:
0x515: {  	_ =	sfence.sel $0x180000  }
0x516: {  	[bflag:$0x0] =	sbarrier.arrive $0xFFFF  }
0x517: {  	_ =	strace $0x90000047  }
0x518: {  	s0 =	stileid.u32;
	[bflag:$0x2] =	sbarrier.arrive $0xFFFF  }
0x519: {  	p0 =	sne.s32 s0, $0x0;
	s0 =	rddreg [dreg:$0x2]  }
0x51a: {  	s0 =	sadd.s32 @!p0 $0x100000, s0  }
0x51b: {  	[sflag:s0] =	ssyncadd.tile.s32 @!p0 $0x1;
	_ =	shalt  }
.Lfunc_end2:
_tile_overlayer_lowered:
.L_overlay_start_2:
0x51c: {  	(tag) =	ssettag $0x2  }
0x51d: {  	s0 =	rddreg [dreg:$0x0];
	s2 =	stileid.u32  }
0x51e: {  	s1 =	rddreg [dreg:$0x1];
	p0 =	sne.s32 s2, $0x0  }
0x51f: {  	s3 =	rddreg [dreg:$0x2];
	[bflag:$0x3] =	sbarrier.arrive $0xFFFF;
	s2 =	simm.s32 @!p0 $0x1C05  }
0x520: {  	[timem:s3], [sflag:s2] =	dma.local @!p0 [hbm:s0], s1  }
0x521: {  	s0 =	simm.s32 @!p0 $0x5  }
0x522: {  	_ =	swait.ge @!p0 [sflag:s0], s1  }
0x523: {  	s1 =	ssub.s32 @!p0 $0x0, s1;
	[sflag:s0] =	ssyncset.done @!p0 $0x0  }
0x524: {  	[sflag:s0] =	ssyncadd.s32 @!p0 s1  }
0x525: {  	[bflag:$0x3] =	sbarrier.arrive $0xFFFF  }
0x526: {  	_ =	shalt  }

</sc_bundles>
